<compile_context>
chip_gen: v7x
topology: tpu7x:2x2x1
jax: 0.10.2.dev20260603
libtpu: 0.0.44.dev20260713+nightly
codegen_flags: <defaults>
</compile_context>

<pallas_src>
import functools

import jax
import jax.numpy as jnp
import numpy as np
from jax import lax
from jax.experimental import pallas as pl
from jax.experimental.pallas import tpu as pltpu
from jax.experimental.pallas import tpu_sc as plsc

NUM_USERS = 25000
NUM_ITEMS = 25000
N = NUM_USERS + NUM_ITEMS
D = 32
HD = D // 2
E = 1600000
NUM_LAYERS = 3
DROPOUT_P = 0.2

NC, NS, L = 2, 16, 16
N_PAD = 50176
CH = 128
GROUP = 4
R_TOT = 12544
R_PER_TILE = R_TOT // NS
NGROUPS = R_PER_TILE // GROUP
NPAIRS = NGROUPS // 2
E_PAD = R_TOT * CH
ROWS_PER_TILE = N_PAD // NS
ZCH = 112
NZ = ROWS_PER_TILE // ZCH

_mesh = plsc.VectorSubcoreMesh(core_axis_name="c", subcore_axis_name="s")


def _dropout_bernoulli():
    key = jax.random.key(12345)
    return jax.random.bernoulli(key, 1.0 - DROPOUT_P, (N, D))


def _keep_mask():
    try:
        with jax.default_device(jax.local_devices(backend="cpu")[0]):
            return np.asarray(jax.jit(_dropout_bernoulli)())
    except Exception:
        pass
    try:
        return np.asarray(_dropout_bernoulli())
    except Exception:
        return None


_KEEP = _keep_mask()


@functools.partial(
    pl.kernel,
    out_type=jax.ShapeDtypeStruct((NC, N_PAD, HD), jnp.float32),
    mesh=_mesh,
    compiler_params=pltpu.CompilerParams(use_tc_tiling_on_sc=False),
    scratch_types=dict(
        xsp=pltpu.VMEM_SHARED((N_PAD, HD), jnp.float32),
        acc=pltpu.VMEM_SHARED((N_PAD, HD), jnp.float32),
        src0=pltpu.VMEM((GROUP, CH), jnp.int32),
        src1=pltpu.VMEM((GROUP, CH), jnp.int32),
        dst0=pltpu.VMEM((GROUP, CH), jnp.int32),
        dst1=pltpu.VMEM((GROUP, CH), jnp.int32),
        val0=pltpu.VMEM((GROUP, CH), jnp.float32),
        val1=pltpu.VMEM((GROUP, CH), jnp.float32),
        rows0=pltpu.VMEM((GROUP * CH, HD), jnp.float32),
        rows1=pltpu.VMEM((GROUP * CH, HD), jnp.float32),
        stage_v=pltpu.VMEM((ZCH, HD), jnp.float32),
        gsem0=pltpu.SemaphoreType.DMA,
        gsem1=pltpu.SemaphoreType.DMA,
        ssem0=pltpu.SemaphoreType.DMA,
        ssem1=pltpu.SemaphoreType.DMA,
        isem0=pltpu.SemaphoreType.DMA,
        isem1=pltpu.SemaphoreType.DMA,
    ),
)
def _propagate(x_hbm, src_hbm, dst_hbm, val_hbm, y_hbm,
               xsp, acc, src0, src1, dst0, dst1, val0, val1, rows0, rows1,
               stage_v, gsem0, gsem1, ssem0, ssem1, isem0, isem1):
    c = lax.axis_index("c")
    s = lax.axis_index("s")
    base_out = s * ROWS_PER_TILE
    row0 = s * R_PER_TILE

    idx_sets = ((src0, dst0, val0, gsem0, ssem0, isem0, rows0),
                (src1, dst1, val1, gsem1, ssem1, isem1, rows1))

    pltpu.sync_copy(x_hbm.at[c, pl.ds(base_out, ROWS_PER_TILE)],
                    xsp.at[pl.ds(base_out, ROWS_PER_TILE)])

    def _zrow(i, carry):
        stage_v[i, pl.ds(0, L)] = jnp.zeros((L,), jnp.float32)
        return carry

    lax.fori_loop(0, ZCH, _zrow, 0)

    def _zchunk(k, carry):
        pltpu.sync_copy(stage_v, acc.at[pl.ds(base_out + k * ZCH, ZCH)])
        return carry

    lax.fori_loop(0, NZ, _zchunk, 0)
    plsc.subcore_barrier()

    def _issue_idx(g, S):
        src_v, dst_v, val_v, _, _, isem, _ = idx_sets[S]
        gr = row0 + g * GROUP
        pltpu.async_copy(src_hbm.at[pl.ds(gr, GROUP)], src_v, isem)
        pltpu.async_copy(dst_hbm.at[pl.ds(gr, GROUP)], dst_v, isem)
        pltpu.async_copy(val_hbm.at[pl.ds(gr, GROUP)], val_v, isem)

    def _wait_idx(g, S):
        src_v, dst_v, val_v, _, _, isem, _ = idx_sets[S]
        gr = row0 + g * GROUP
        pltpu.make_async_copy(src_hbm.at[pl.ds(gr, GROUP)], src_v, isem).wait()
        pltpu.make_async_copy(dst_hbm.at[pl.ds(gr, GROUP)], dst_v, isem).wait()
        pltpu.make_async_copy(val_hbm.at[pl.ds(gr, GROUP)], val_v, isem).wait()

    def _issue_gathers(S):
        src_v, _, _, gsem, _, _, rows_v = idx_sets[S]

        def _g(j, carry):
            pltpu.async_copy(xsp.at[src_v.at[j]],
                             rows_v.at[pl.ds(j * CH, CH)], gsem)
            return carry

        lax.fori_loop(0, GROUP, _g, 0)

    def _drain_scatters(S):
        _, dst_v, _, _, ssem, _, rows_v = idx_sets[S]

        def _d(j, carry):
            pltpu.make_async_copy(
                rows_v.at[pl.ds(j * CH, CH)], acc.at[dst_v.at[j]], ssem).wait()
            return carry

        lax.fori_loop(0, GROUP, _d, 0)

    def _process_group(S):
        src_v, dst_v, val_v, gsem, ssem, _, rows_v = idx_sets[S]

        def _chunk(j, carry):
            pltpu.make_async_copy(
                xsp.at[src_v.at[j]], rows_v.at[pl.ds(j * CH, CH)],
                gsem).wait()

            def _scale_blk(b, carry3):
                vals16 = val_v[j, pl.ds(b * L, L)]
                for l in range(L):
                    i = j * CH + b * L + l
                    v = vals16[l]
                    rows_v[i, pl.ds(0, L)] = rows_v[i, pl.ds(0, L)] * v
                return carry3

            lax.fori_loop(0, CH // L, _scale_blk, 0)
            pltpu.async_copy(rows_v.at[pl.ds(j * CH, CH)],
                             acc.at[dst_v.at[j]], ssem, add=True)
            return carry

        lax.fori_loop(0, GROUP, _chunk, 0)

    _issue_idx(0, 0)
    _wait_idx(0, 0)
    _issue_gathers(0)

    def _pair(t, carry):
        @pl.when(t >= 1)
        def _():
            _drain_scatters(1)
        _issue_idx(2 * t + 1, 1)
        _process_group(0)
        _wait_idx(2 * t + 1, 1)
        _issue_gathers(1)

        _drain_scatters(0)
        @pl.when(t < NPAIRS - 1)
        def _():
            _issue_idx(2 * t + 2, 0)
        _process_group(1)
        @pl.when(t < NPAIRS - 1)
        def _():
            _wait_idx(2 * t + 2, 0)
            _issue_gathers(0)
        return carry

    lax.fori_loop(0, NPAIRS, _pair, 0)
    _drain_scatters(1)
    plsc.subcore_barrier()

    def _dchunk(k, carry):
        off = base_out + k * ZCH
        pltpu.sync_copy(acc.at[pl.ds(off, ZCH)], stage_v)
        pltpu.sync_copy(stage_v, y_hbm.at[c, pl.ds(off, ZCH)])
        return carry

    lax.fori_loop(0, NZ, _dchunk, 0)


RCH = 784
NRZ = ROWS_PER_TILE // RCH


@functools.partial(
    pl.kernel,
    out_type=jax.ShapeDtypeStruct((NC, N_PAD, HD), jnp.float32),
    mesh=_mesh,
    compiler_params=pltpu.CompilerParams(use_tc_tiling_on_sc=False),
    scratch_types=dict(
        b0=pltpu.VMEM((RCH, HD), jnp.float32),
        b1=pltpu.VMEM((RCH, HD), jnp.float32),
        b2=pltpu.VMEM((RCH, HD), jnp.float32),
        b3=pltpu.VMEM((RCH, HD), jnp.float32),
        rsem=pltpu.SemaphoreType.DMA,
    ),
)
def _mean4(x0_hbm, y1_hbm, y2_hbm, y3_hbm, f_hbm, b0, b1, b2, b3, rsem):
    c = lax.axis_index("c")
    s = lax.axis_index("s")
    base = s * ROWS_PER_TILE

    def _chunk(k, carry):
        off = base + k * RCH
        pltpu.async_copy(x0_hbm.at[c, pl.ds(off, RCH)], b0, rsem)
        pltpu.async_copy(y1_hbm.at[c, pl.ds(off, RCH)], b1, rsem)
        pltpu.async_copy(y2_hbm.at[c, pl.ds(off, RCH)], b2, rsem)
        pltpu.async_copy(y3_hbm.at[c, pl.ds(off, RCH)], b3, rsem)
        pltpu.make_async_copy(x0_hbm.at[c, pl.ds(off, RCH)], b0, rsem).wait()
        pltpu.make_async_copy(y1_hbm.at[c, pl.ds(off, RCH)], b1, rsem).wait()
        pltpu.make_async_copy(y2_hbm.at[c, pl.ds(off, RCH)], b2, rsem).wait()
        pltpu.make_async_copy(y3_hbm.at[c, pl.ds(off, RCH)], b3, rsem).wait()

        def _row(i, carry2):
            acc16 = ((b0[i, pl.ds(0, L)] + b1[i, pl.ds(0, L)])
                     + (b2[i, pl.ds(0, L)] + b3[i, pl.ds(0, L)]))
            b0[i, pl.ds(0, L)] = acc16 * 0.25
            return carry2

        lax.fori_loop(0, RCH, _row, 0)
        pltpu.sync_copy(b0, f_hbm.at[c, pl.ds(off, RCH)])
        return carry

    lax.fori_loop(0, NRZ, _chunk, 0)


def kernel(user_emb, item_emb, adj_indices, adj_values):
    all_emb = jnp.concatenate([user_emb, item_emb], axis=0)
    keep = jnp.asarray(_KEEP) if _KEEP is not None else _dropout_bernoulli()
    x0 = jnp.where(keep, all_emb / (1.0 - DROPOUT_P), 0.0)
    x0 = jnp.pad(x0, ((0, N_PAD - N), (0, 0)))

    idx = adj_indices.astype(jnp.int32)
    pad = E_PAD - E
    src_p = jnp.pad(idx[1], (0, pad)).reshape(-1, CH)
    dst_p = jnp.pad(idx[0], (0, pad)).reshape(-1, CH)
    val_p = jnp.pad(adj_values, (0, pad)).reshape(-1, CH)

    x2 = jnp.stack([x0[:, :HD], x0[:, HD:]])
    ys = []
    y = x2
    for _ in range(NUM_LAYERS):
        y = _propagate(y, src_p, dst_p, val_p)
        ys.append(y)

    f2 = _mean4(x2, ys[0], ys[1], ys[2])
    final = jnp.concatenate([f2[0], f2[1]], axis=1)[:N]
    return final[:NUM_USERS], final[NUM_USERS:]

# --- scband reference (transcript-rebuilt; emitter-appended) ---
"""Pipeline reference for scband-light-gcn-28286654611587 (READ-ONLY COPY).

The authoritative reference and input builder live on the scoring server;
editing this copy changes nothing except your own understanding.
"""

import jax, jax.numpy as jnp
import numpy as np

NUM_USERS = 25000
NUM_ITEMS = 25000
N = NUM_USERS + NUM_ITEMS
D = 32
E = 1600000
NUM_LAYERS = 3
DROPOUT_P = 0.2


def setup_inputs(seed: int = 0) -> dict:
    key = jax.random.key(seed)
    k1, k2, k3, k4 = jax.random.split(key, 4)
    # xavier_uniform bound for (num_emb, dim) weight
    bound_u = float(np.sqrt(6.0 / (NUM_USERS + D)))
    bound_i = float(np.sqrt(6.0 / (NUM_ITEMS + D)))
    user_emb = jax.random.uniform(k1, (NUM_USERS, D), jnp.float32, -bound_u, bound_u)
    item_emb = jax.random.uniform(k2, (NUM_ITEMS, D), jnp.float32, -bound_i, bound_i)
    # sparse normalized adjacency in COO form: row 0 = dst (output row), row 1 = src (input col)
    adj_indices = jax.random.randint(k3, (2, E), 0, N, dtype=jnp.int64)
    adj_values = jax.random.uniform(k4, (E,), jnp.float32) * 0.05
    return {"user_emb": user_emb, "item_emb": item_emb,
            "adj_indices": adj_indices, "adj_values": adj_values}


def reference(user_emb, item_emb, adj_indices, adj_values):
    all_emb = jnp.concatenate([user_emb, item_emb], axis=0)
    # F.dropout with training=True, p=0.2 (deterministic key for reproducibility)
    dkey = jax.random.key(12345)
    keep = jax.random.bernoulli(dkey, 1.0 - DROPOUT_P, all_emb.shape)
    all_emb = jnp.where(keep, all_emb / (1.0 - DROPOUT_P), 0.0)

    dst = adj_indices[0]
    src = adj_indices[1]

    embeddings_list = [all_emb]
    x = all_emb
    for _ in range(NUM_LAYERS):
        # torch.sparse.mm(A, x): out[i] = sum_j A[i, j] * x[j]
        gathered = jnp.take(x, src, axis=0) * adj_values[:, None]
        x = jax.ops.segment_sum(gathered, dst, num_segments=N)
        embeddings_list.append(x)

    final = jnp.mean(jnp.stack(embeddings_list, axis=1), axis=1)
    return final[:NUM_USERS], final[NUM_USERS:]

if __name__ == "__main__":
    import jax
    _d = setup_inputs()
    print(jax.jit(kernel)(*tuple(_d.values())))

</pallas_src>

<mosaic_0001>
#map = affine_map<(d0, d1) -> (0, 0, 0)>
module attributes {stable_mosaic.version = 14 : i64} {
  func.func @_mean4(%arg0: i32, %arg1: i32, %arg2: memref<2x50176x16xf32, #tpu.memory_space<hbm>>, %arg3: memref<2x50176x16xf32, #tpu.memory_space<hbm>>, %arg4: memref<2x50176x16xf32, #tpu.memory_space<hbm>>, %arg5: memref<2x50176x16xf32, #tpu.memory_space<hbm>>, %arg6: memref<2x50176x16xf32, #tpu.memory_space<hbm>>, %arg7: memref<784x16xf32, #tpu.memory_space<vmem>>, %arg8: memref<784x16xf32, #tpu.memory_space<vmem>>, %arg9: memref<784x16xf32, #tpu.memory_space<vmem>>, %arg10: memref<784x16xf32, #tpu.memory_space<vmem>>, %arg11: memref<!tpu.dma_semaphore, #tpu.memory_space<semaphore_mem>>) attributes {dimension_semantics = [#tpu.dimension_semantics<core_parallel>, #tpu.dimension_semantics<subcore_parallel>], iteration_bounds = array<i64: 2, 16>, scalar_prefetch = 0 : i64, scratch_operands = 5 : i64, tpu.core_type = #tpu.core_type<sc_vector_subcore>, window_params = [{transform_indices = #map}, {transform_indices = #map}, {transform_indices = #map}, {transform_indices = #map}, {transform_indices = #map}]} {
    %mul3A = arith.constant 3136 : i32
    %mul3A_0 = arith.muli %arg1, %mul3A : i32
    %scan3A = arith.constant 0 : i32
    %scan3A_1 = arith.constant 0 : i32
    %scan3A_2 = arith.constant 4 : i32
    %scan3A_3 = arith.addi %scan3A_1, %scan3A_2 : i32
    %scan3A_4 = arith.constant 1 : i32
    scf.for %scan3A_6 = %scan3A_1 to %scan3A_3 step %scan3A_4  : i32 {
      %mul3A_7 = arith.constant 784 : i32
      %mul3A_8 = arith.muli %scan3A_6, %mul3A_7 : i32
      %add3A = arith.addi %mul3A_0, %mul3A_8 : i32
      %dma_start3A = arith.constant 0 : i32
      %dma_start3A_9 = tpu.memref_slice %arg2[%arg0, %add3A, %dma_start3A] : memref<2x50176x16xf32, #tpu.memory_space<hbm>> -> memref<1x784x16xf32, #tpu.memory_space<hbm>>
      %dma_start3A_10 = tpu.memref_squeeze %dma_start3A_9 : memref<1x784x16xf32, #tpu.memory_space<hbm>> -> memref<784x16xf32, #tpu.memory_space<hbm>>
      %dma_start3A_11 = arith.constant 0 : i32
      %dma_start3A_12 = tpu.memref_slice %arg2[%arg0, %add3A, %dma_start3A_11] : memref<2x50176x16xf32, #tpu.memory_space<hbm>> -> memref<1x784x16xf32, #tpu.memory_space<hbm>>
      %dma_start3A_13 = tpu.memref_squeeze %dma_start3A_12 : memref<1x784x16xf32, #tpu.memory_space<hbm>> -> memref<784x16xf32, #tpu.memory_space<hbm>>
      tpu.enqueue_dma source(%dma_start3A_13 : memref<784x16xf32, #tpu.memory_space<hbm>>) target(%arg7 : memref<784x16xf32, #tpu.memory_space<vmem>>) target_semaphore(%arg11 : memref<!tpu.dma_semaphore, #tpu.memory_space<semaphore_mem>>)
      %dma_start3A_14 = arith.constant 0 : i32
      %dma_start3A_15 = tpu.memref_slice %arg3[%arg0, %add3A, %dma_start3A_14] : memref<2x50176x16xf32, #tpu.memory_space<hbm>> -> memref<1x784x16xf32, #tpu.memory_space<hbm>>
      %dma_start3A_16 = tpu.memref_squeeze %dma_start3A_15 : memref<1x784x16xf32, #tpu.memory_space<hbm>> -> memref<784x16xf32, #tpu.memory_space<hbm>>
      %dma_start3A_17 = arith.constant 0 : i32
      %dma_start3A_18 = tpu.memref_slice %arg3[%arg0, %add3A, %dma_start3A_17] : memref<2x50176x16xf32, #tpu.memory_space<hbm>> -> memref<1x784x16xf32, #tpu.memory_space<hbm>>
      %dma_start3A_19 = tpu.memref_squeeze %dma_start3A_18 : memref<1x784x16xf32, #tpu.memory_space<hbm>> -> memref<784x16xf32, #tpu.memory_space<hbm>>
      tpu.enqueue_dma source(%dma_start3A_19 : memref<784x16xf32, #tpu.memory_space<hbm>>) target(%arg8 : memref<784x16xf32, #tpu.memory_space<vmem>>) target_semaphore(%arg11 : memref<!tpu.dma_semaphore, #tpu.memory_space<semaphore_mem>>)
      %dma_start3A_20 = arith.constant 0 : i32
      %dma_start3A_21 = tpu.memref_slice %arg4[%arg0, %add3A, %dma_start3A_20] : memref<2x50176x16xf32, #tpu.memory_space<hbm>> -> memref<1x784x16xf32, #tpu.memory_space<hbm>>
      %dma_start3A_22 = tpu.memref_squeeze %dma_start3A_21 : memref<1x784x16xf32, #tpu.memory_space<hbm>> -> memref<784x16xf32, #tpu.memory_space<hbm>>
      %dma_start3A_23 = arith.constant 0 : i32
      %dma_start3A_24 = tpu.memref_slice %arg4[%arg0, %add3A, %dma_start3A_23] : memref<2x50176x16xf32, #tpu.memory_space<hbm>> -> memref<1x784x16xf32, #tpu.memory_space<hbm>>
      %dma_start3A_25 = tpu.memref_squeeze %dma_start3A_24 : memref<1x784x16xf32, #tpu.memory_space<hbm>> -> memref<784x16xf32, #tpu.memory_space<hbm>>
      tpu.enqueue_dma source(%dma_start3A_25 : memref<784x16xf32, #tpu.memory_space<hbm>>) target(%arg9 : memref<784x16xf32, #tpu.memory_space<vmem>>) target_semaphore(%arg11 : memref<!tpu.dma_semaphore, #tpu.memory_space<semaphore_mem>>)
      %dma_start3A_26 = arith.constant 0 : i32
      %dma_start3A_27 = tpu.memref_slice %arg5[%arg0, %add3A, %dma_start3A_26] : memref<2x50176x16xf32, #tpu.memory_space<hbm>> -> memref<1x784x16xf32, #tpu.memory_space<hbm>>
      %dma_start3A_28 = tpu.memref_squeeze %dma_start3A_27 : memref<1x784x16xf32, #tpu.memory_space<hbm>> -> memref<784x16xf32, #tpu.memory_space<hbm>>
      %dma_start3A_29 = arith.constant 0 : i32
      %dma_start3A_30 = tpu.memref_slice %arg5[%arg0, %add3A, %dma_start3A_29] : memref<2x50176x16xf32, #tpu.memory_space<hbm>> -> memref<1x784x16xf32, #tpu.memory_space<hbm>>
      %dma_start3A_31 = tpu.memref_squeeze %dma_start3A_30 : memref<1x784x16xf32, #tpu.memory_space<hbm>> -> memref<784x16xf32, #tpu.memory_space<hbm>>
      tpu.enqueue_dma source(%dma_start3A_31 : memref<784x16xf32, #tpu.memory_space<hbm>>) target(%arg10 : memref<784x16xf32, #tpu.memory_space<vmem>>) target_semaphore(%arg11 : memref<!tpu.dma_semaphore, #tpu.memory_space<semaphore_mem>>)
      %dma_wait3A = arith.constant 0 : i32
      %dma_wait3A_32 = tpu.memref_slice %arg2[%arg0, %add3A, %dma_wait3A] : memref<2x50176x16xf32, #tpu.memory_space<hbm>> -> memref<1x784x16xf32, #tpu.memory_space<hbm>>
      %dma_wait3A_33 = tpu.memref_squeeze %dma_wait3A_32 : memref<1x784x16xf32, #tpu.memory_space<hbm>> -> memref<784x16xf32, #tpu.memory_space<hbm>>
      %dma_wait3A_34 = arith.constant 0 : i32
      %dma_wait3A_35 = tpu.memref_slice %arg2[%arg0, %add3A, %dma_wait3A_34] : memref<2x50176x16xf32, #tpu.memory_space<hbm>> -> memref<1x784x16xf32, #tpu.memory_space<hbm>>
      %dma_wait3A_36 = tpu.memref_squeeze %dma_wait3A_35 : memref<1x784x16xf32, #tpu.memory_space<hbm>> -> memref<784x16xf32, #tpu.memory_space<hbm>>
      tpu.wait_dma2 semaphore(%arg11 : memref<!tpu.dma_semaphore, #tpu.memory_space<semaphore_mem>>) src(%dma_wait3A_36 : memref<784x16xf32, #tpu.memory_space<hbm>>) dst(%arg7 : memref<784x16xf32, #tpu.memory_space<vmem>>)
      %dma_wait3A_37 = arith.constant 0 : i32
      %dma_wait3A_38 = tpu.memref_slice %arg3[%arg0, %add3A, %dma_wait3A_37] : memref<2x50176x16xf32, #tpu.memory_space<hbm>> -> memref<1x784x16xf32, #tpu.memory_space<hbm>>
      %dma_wait3A_39 = tpu.memref_squeeze %dma_wait3A_38 : memref<1x784x16xf32, #tpu.memory_space<hbm>> -> memref<784x16xf32, #tpu.memory_space<hbm>>
      %dma_wait3A_40 = arith.constant 0 : i32
      %dma_wait3A_41 = tpu.memref_slice %arg3[%arg0, %add3A, %dma_wait3A_40] : memref<2x50176x16xf32, #tpu.memory_space<hbm>> -> memref<1x784x16xf32, #tpu.memory_space<hbm>>
      %dma_wait3A_42 = tpu.memref_squeeze %dma_wait3A_41 : memref<1x784x16xf32, #tpu.memory_space<hbm>> -> memref<784x16xf32, #tpu.memory_space<hbm>>
      tpu.wait_dma2 semaphore(%arg11 : memref<!tpu.dma_semaphore, #tpu.memory_space<semaphore_mem>>) src(%dma_wait3A_42 : memref<784x16xf32, #tpu.memory_space<hbm>>) dst(%arg8 : memref<784x16xf32, #tpu.memory_space<vmem>>)
      %dma_wait3A_43 = arith.constant 0 : i32
      %dma_wait3A_44 = tpu.memref_slice %arg4[%arg0, %add3A, %dma_wait3A_43] : memref<2x50176x16xf32, #tpu.memory_space<hbm>> -> memref<1x784x16xf32, #tpu.memory_space<hbm>>
      %dma_wait3A_45 = tpu.memref_squeeze %dma_wait3A_44 : memref<1x784x16xf32, #tpu.memory_space<hbm>> -> memref<784x16xf32, #tpu.memory_space<hbm>>
      %dma_wait3A_46 = arith.constant 0 : i32
      %dma_wait3A_47 = tpu.memref_slice %arg4[%arg0, %add3A, %dma_wait3A_46] : memref<2x50176x16xf32, #tpu.memory_space<hbm>> -> memref<1x784x16xf32, #tpu.memory_space<hbm>>
      %dma_wait3A_48 = tpu.memref_squeeze %dma_wait3A_47 : memref<1x784x16xf32, #tpu.memory_space<hbm>> -> memref<784x16xf32, #tpu.memory_space<hbm>>
      tpu.wait_dma2 semaphore(%arg11 : memref<!tpu.dma_semaphore, #tpu.memory_space<semaphore_mem>>) src(%dma_wait3A_48 : memref<784x16xf32, #tpu.memory_space<hbm>>) dst(%arg9 : memref<784x16xf32, #tpu.memory_space<vmem>>)
      %dma_wait3A_49 = arith.constant 0 : i32
      %dma_wait3A_50 = tpu.memref_slice %arg5[%arg0, %add3A, %dma_wait3A_49] : memref<2x50176x16xf32, #tpu.memory_space<hbm>> -> memref<1x784x16xf32, #tpu.memory_space<hbm>>
      %dma_wait3A_51 = tpu.memref_squeeze %dma_wait3A_50 : memref<1x784x16xf32, #tpu.memory_space<hbm>> -> memref<784x16xf32, #tpu.memory_space<hbm>>
      %dma_wait3A_52 = arith.constant 0 : i32
      %dma_wait3A_53 = tpu.memref_slice %arg5[%arg0, %add3A, %dma_wait3A_52] : memref<2x50176x16xf32, #tpu.memory_space<hbm>> -> memref<1x784x16xf32, #tpu.memory_space<hbm>>
      %dma_wait3A_54 = tpu.memref_squeeze %dma_wait3A_53 : memref<1x784x16xf32, #tpu.memory_space<hbm>> -> memref<784x16xf32, #tpu.memory_space<hbm>>
      tpu.wait_dma2 semaphore(%arg11 : memref<!tpu.dma_semaphore, #tpu.memory_space<semaphore_mem>>) src(%dma_wait3A_54 : memref<784x16xf32, #tpu.memory_space<hbm>>) dst(%arg10 : memref<784x16xf32, #tpu.memory_space<vmem>>)
      %scan3A_55 = arith.constant 0 : i32
      %scan3A_56 = arith.constant 0 : i32
      %scan3A_57 = arith.constant 784 : i32
      %scan3A_58 = arith.addi %scan3A_56, %scan3A_57 : i32
      %scan3A_59 = arith.constant 1 : i32
      scf.for %scan3A_61 = %scan3A_56 to %scan3A_58 step %scan3A_59  : i32 {
        %get3A = arith.index_cast %scan3A_61 : i32 to index
        %get3A_62 = arith.constant 0 : index
        %get3A_63 = tpu.vector_load %arg7[%get3A, %get3A_62] {strides = array<i32>} : memref<784x16xf32, #tpu.memory_space<vmem>>, vector<1x16xf32>,
        %get3A_64 = vector.shape_cast %get3A_63 : vector<1x16xf32> to vector<16xf32>
        %get3A_65 = arith.index_cast %scan3A_61 : i32 to index
        %get3A_66 = arith.constant 0 : index
        %get3A_67 = tpu.vector_load %arg8[%get3A_65, %get3A_66] {strides = array<i32>} : memref<784x16xf32, #tpu.memory_space<vmem>>, vector<1x16xf32>,
        %get3A_68 = vector.shape_cast %get3A_67 : vector<1x16xf32> to vector<16xf32>
        %add3A_69 = arith.addf %get3A_64, %get3A_68 : vector<16xf32>
        %get3A_70 = arith.index_cast %scan3A_61 : i32 to index
        %get3A_71 = arith.constant 0 : index
        %get3A_72 = tpu.vector_load %arg9[%get3A_70, %get3A_71] {strides = array<i32>} : memref<784x16xf32, #tpu.memory_space<vmem>>, vector<1x16xf32>,
        %get3A_73 = vector.shape_cast %get3A_72 : vector<1x16xf32> to vector<16xf32>
        %get3A_74 = arith.index_cast %scan3A_61 : i32 to index
        %get3A_75 = arith.constant 0 : index
        %get3A_76 = tpu.vector_load %arg10[%get3A_74, %get3A_75] {strides = array<i32>} : memref<784x16xf32, #tpu.memory_space<vmem>>, vector<1x16xf32>,
        %get3A_77 = vector.shape_cast %get3A_76 : vector<1x16xf32> to vector<16xf32>
        %add3A_78 = arith.addf %get3A_73, %get3A_77 : vector<16xf32>
        %add3A_79 = arith.addf %add3A_69, %add3A_78 : vector<16xf32>
        %mul3A_80 = arith.constant 2.500000e-01 : f32
        %mul3A_81 = vector.broadcast %mul3A_80 : f32 to vector<16xf32>
        %mul3A_82 = arith.mulf %add3A_79, %mul3A_81 : vector<16xf32>
        %swap3A = arith.index_cast %scan3A_61 : i32 to index
        %swap3A_83 = arith.constant 0 : index
        %swap3A_84 = tpu.vector_load %arg7[%swap3A, %swap3A_83] {strides = array<i32>} : memref<784x16xf32, #tpu.memory_space<vmem>>, vector<1x16xf32>,
        %swap3A_85 = vector.shape_cast %swap3A_84 : vector<1x16xf32> to vector<16xf32>
        %swap3A_86 = vector.shape_cast %mul3A_82 : vector<16xf32> to vector<1x16xf32>
        tpu.vector_store %arg7[%swap3A, %swap3A_83], %swap3A_86 {strides = array<i32>} : memref<784x16xf32, #tpu.memory_space<vmem>>, vector<1x16xf32>,
      }
      %scan3A_60 = arith.constant 784 : i32
      "tpu.region"() ({
        %run_scoped3A = tpu.sem_alloc : memref<!tpu.dma_semaphore, #tpu.memory_space<semaphore_mem>>
        %dma_start3A_61 = arith.constant 0 : i32
        %dma_start3A_62 = tpu.memref_slice %arg6[%arg0, %add3A, %dma_start3A_61] : memref<2x50176x16xf32, #tpu.memory_space<hbm>> -> memref<1x784x16xf32, #tpu.memory_space<hbm>>
        %dma_start3A_63 = tpu.memref_squeeze %dma_start3A_62 : memref<1x784x16xf32, #tpu.memory_space<hbm>> -> memref<784x16xf32, #tpu.memory_space<hbm>>
        %dma_start3A_64 = arith.constant 0 : i32
        %dma_start3A_65 = tpu.memref_slice %arg6[%arg0, %add3A, %dma_start3A_64] : memref<2x50176x16xf32, #tpu.memory_space<hbm>> -> memref<1x784x16xf32, #tpu.memory_space<hbm>>
        %dma_start3A_66 = tpu.memref_squeeze %dma_start3A_65 : memref<1x784x16xf32, #tpu.memory_space<hbm>> -> memref<784x16xf32, #tpu.memory_space<hbm>>
        tpu.enqueue_dma source(%arg7 : memref<784x16xf32, #tpu.memory_space<vmem>>) target(%dma_start3A_66 : memref<784x16xf32, #tpu.memory_space<hbm>>) target_semaphore(%run_scoped3A : memref<!tpu.dma_semaphore, #tpu.memory_space<semaphore_mem>>)
        %dma_wait3A_67 = arith.constant 0 : i32
        %dma_wait3A_68 = tpu.memref_slice %arg6[%arg0, %add3A, %dma_wait3A_67] : memref<2x50176x16xf32, #tpu.memory_space<hbm>> -> memref<1x784x16xf32, #tpu.memory_space<hbm>>
        %dma_wait3A_69 = tpu.memref_squeeze %dma_wait3A_68 : memref<1x784x16xf32, #tpu.memory_space<hbm>> -> memref<784x16xf32, #tpu.memory_space<hbm>>
        %dma_wait3A_70 = arith.constant 0 : i32
        %dma_wait3A_71 = tpu.memref_slice %arg6[%arg0, %add3A, %dma_wait3A_70] : memref<2x50176x16xf32, #tpu.memory_space<hbm>> -> memref<1x784x16xf32, #tpu.memory_space<hbm>>
        %dma_wait3A_72 = tpu.memref_squeeze %dma_wait3A_71 : memref<1x784x16xf32, #tpu.memory_space<hbm>> -> memref<784x16xf32, #tpu.memory_space<hbm>>
        tpu.wait_dma2 semaphore(%run_scoped3A : memref<!tpu.dma_semaphore, #tpu.memory_space<semaphore_mem>>) src(%arg7 : memref<784x16xf32, #tpu.memory_space<vmem>>) dst(%dma_wait3A_72 : memref<784x16xf32, #tpu.memory_space<hbm>>)
        tpu.yield
      }) : () -> ()
    }
    %scan3A_5 = arith.constant 4 : i32
    return
  }
}

#map = affine_map<(d0, d1) -> (0, 0, 0)>
#map1 = affine_map<(d0, d1) -> (0, 0)>
module attributes {stable_mosaic.version = 14 : i64} {
  func.func @_propagate(%arg0: i32, %arg1: i32, %arg2: memref<2x50176x16xf32, #tpu.memory_space<hbm>>, %arg3: memref<12544x128xi32, #tpu.memory_space<hbm>>, %arg4: memref<12544x128xi32, #tpu.memory_space<hbm>>, %arg5: memref<12544x128xf32, #tpu.memory_space<hbm>>, %arg6: memref<2x50176x16xf32, #tpu.memory_space<hbm>>, %arg7: memref<50176x16xf32, #tpu.memory_space<vmem_shared>>, %arg8: memref<4x128xi32, #tpu.memory_space<vmem>>, %arg9: memref<4x128xi32, #tpu.memory_space<vmem>>, %arg10: memref<!tpu.dma_semaphore, #tpu.memory_space<semaphore_mem>>, %arg11: memref<!tpu.dma_semaphore, #tpu.memory_space<semaphore_mem>>, %arg12: memref<!tpu.dma_semaphore, #tpu.memory_space<semaphore_mem>>, %arg13: memref<!tpu.dma_semaphore, #tpu.memory_space<semaphore_mem>>, %arg14: memref<512x16xf32, #tpu.memory_space<vmem>>, %arg15: memref<512x16xf32, #tpu.memory_space<vmem>>, %arg16: memref<4x128xi32, #tpu.memory_space<vmem>>, %arg17: memref<4x128xi32, #tpu.memory_space<vmem>>, %arg18: memref<!tpu.dma_semaphore, #tpu.memory_space<semaphore_mem>>, %arg19: memref<!tpu.dma_semaphore, #tpu.memory_space<semaphore_mem>>, %arg20: memref<112x16xf32, #tpu.memory_space<vmem>>, %arg21: memref<4x128xf32, #tpu.memory_space<vmem>>, %arg22: memref<4x128xf32, #tpu.memory_space<vmem>>, %arg23: memref<50176x16xf32, #tpu.memory_space<vmem_shared>>) attributes {dimension_semantics = [#tpu.dimension_semantics<core_parallel>, #tpu.dimension_semantics<subcore_parallel>], iteration_bounds = array<i64: 2, 16>, scalar_prefetch = 0 : i64, scratch_operands = 17 : i64, tpu.core_type = #tpu.core_type<sc_vector_subcore>, window_params = [{transform_indices = #map}, {transform_indices = #map1}, {transform_indices = #map1}, {transform_indices = #map1}, {transform_indices = #map}]} {
    %mul3A = arith.constant 3136 : i32
    %mul3A_0 = arith.muli %arg1, %mul3A : i32
    %mul3A_1 = arith.constant 784 : i32
    %mul3A_2 = arith.muli %arg1, %mul3A_1 : i32
    "tpu.region"() ({
      %run_scoped3A = tpu.sem_alloc : memref<!tpu.dma_semaphore, #tpu.memory_space<semaphore_mem>>
      %dma_start3A_64 = arith.constant 0 : i32
      %dma_start3A_65 = tpu.memref_slice %arg23[%mul3A_0, %dma_start3A_64] : memref<50176x16xf32, #tpu.memory_space<vmem_shared>> -> memref<3136x16xf32, #tpu.memory_space<vmem_shared>>
      %dma_start3A_66 = arith.constant 0 : i32
      %dma_start3A_67 = tpu.memref_slice %arg2[%arg0, %mul3A_0, %dma_start3A_66] : memref<2x50176x16xf32, #tpu.memory_space<hbm>> -> memref<1x3136x16xf32, #tpu.memory_space<hbm>>
      %dma_start3A_68 = tpu.memref_squeeze %dma_start3A_67 : memref<1x3136x16xf32, #tpu.memory_space<hbm>> -> memref<3136x16xf32, #tpu.memory_space<hbm>>
      tpu.enqueue_dma source(%dma_start3A_68 : memref<3136x16xf32, #tpu.memory_space<hbm>>) target(%dma_start3A_65 : memref<3136x16xf32, #tpu.memory_space<vmem_shared>>) target_semaphore(%run_scoped3A : memref<!tpu.dma_semaphore, #tpu.memory_space<semaphore_mem>>)
      %dma_wait3A_69 = arith.constant 0 : i32
      %dma_wait3A_70 = tpu.memref_slice %arg23[%mul3A_0, %dma_wait3A_69] : memref<50176x16xf32, #tpu.memory_space<vmem_shared>> -> memref<3136x16xf32, #tpu.memory_space<vmem_shared>>
      %dma_wait3A_71 = arith.constant 0 : i32
      %dma_wait3A_72 = tpu.memref_slice %arg2[%arg0, %mul3A_0, %dma_wait3A_71] : memref<2x50176x16xf32, #tpu.memory_space<hbm>> -> memref<1x3136x16xf32, #tpu.memory_space<hbm>>
      %dma_wait3A_73 = tpu.memref_squeeze %dma_wait3A_72 : memref<1x3136x16xf32, #tpu.memory_space<hbm>> -> memref<3136x16xf32, #tpu.memory_space<hbm>>
      tpu.wait_dma2 semaphore(%run_scoped3A : memref<!tpu.dma_semaphore, #tpu.memory_space<semaphore_mem>>) src(%dma_wait3A_73 : memref<3136x16xf32, #tpu.memory_space<hbm>>) dst(%dma_wait3A_70 : memref<3136x16xf32, #tpu.memory_space<vmem_shared>>)
      tpu.yield
    }) : () -> ()
    %scan3A = arith.constant 0 : i32
    %scan3A_3 = arith.constant 0 : i32
    %scan3A_4 = arith.constant 112 : i32
    %scan3A_5 = arith.addi %scan3A_3, %scan3A_4 : i32
    %scan3A_6 = arith.constant 1 : i32
    scf.for %scan3A_64 = %scan3A_3 to %scan3A_5 step %scan3A_6  : i32 {
      %broadcast_in_dim3A = arith.constant 0.000000e+00 : f32
      %broadcast_in_dim3A_65 = vector.broadcast %broadcast_in_dim3A : f32 to vector<16xf32>
      %swap3A = arith.index_cast %scan3A_64 : i32 to index
      %swap3A_66 = arith.constant 0 : index
      %swap3A_67 = tpu.vector_load %arg20[%swap3A, %swap3A_66] {strides = array<i32>} : memref<112x16xf32, #tpu.memory_space<vmem>>, vector<1x16xf32>,
      %swap3A_68 = vector.shape_cast %swap3A_67 : vector<1x16xf32> to vector<16xf32>
      %swap3A_69 = vector.shape_cast %broadcast_in_dim3A_65 : vector<16xf32> to vector<1x16xf32>
      tpu.vector_store %arg20[%swap3A, %swap3A_66], %swap3A_69 {strides = array<i32>} : memref<112x16xf32, #tpu.memory_space<vmem>>, vector<1x16xf32>,
    }
    %scan3A_7 = arith.constant 112 : i32
    %scan3A_8 = arith.constant 0 : i32
    %scan3A_9 = arith.constant 0 : i32
    %scan3A_10 = arith.constant 28 : i32
    %scan3A_11 = arith.addi %scan3A_9, %scan3A_10 : i32
    %scan3A_12 = arith.constant 1 : i32
    scf.for %scan3A_64 = %scan3A_9 to %scan3A_11 step %scan3A_12  : i32 {
      %mul3A_65 = arith.constant 112 : i32
      %mul3A_66 = arith.muli %scan3A_64, %mul3A_65 : i32
      %add3A_67 = arith.addi %mul3A_0, %mul3A_66 : i32
      "tpu.region"() ({
        %run_scoped3A = tpu.sem_alloc : memref<!tpu.dma_semaphore, #tpu.memory_space<semaphore_mem>>
        %dma_start3A_68 = arith.constant 0 : i32
        %dma_start3A_69 = tpu.memref_slice %arg7[%add3A_67, %dma_start3A_68] : memref<50176x16xf32, #tpu.memory_space<vmem_shared>> -> memref<112x16xf32, #tpu.memory_space<vmem_shared>>
        %dma_start3A_70 = arith.constant 0 : i32
        %dma_start3A_71 = tpu.memref_slice %arg7[%add3A_67, %dma_start3A_70] : memref<50176x16xf32, #tpu.memory_space<vmem_shared>> -> memref<112x16xf32, #tpu.memory_space<vmem_shared>>
        tpu.enqueue_dma source(%arg20 : memref<112x16xf32, #tpu.memory_space<vmem>>) target(%dma_start3A_71 : memref<112x16xf32, #tpu.memory_space<vmem_shared>>) target_semaphore(%run_scoped3A : memref<!tpu.dma_semaphore, #tpu.memory_space<semaphore_mem>>)
        %dma_wait3A_72 = arith.constant 0 : i32
        %dma_wait3A_73 = tpu.memref_slice %arg7[%add3A_67, %dma_wait3A_72] : memref<50176x16xf32, #tpu.memory_space<vmem_shared>> -> memref<112x16xf32, #tpu.memory_space<vmem_shared>>
        %dma_wait3A_74 = arith.constant 0 : i32
        %dma_wait3A_75 = tpu.memref_slice %arg7[%add3A_67, %dma_wait3A_74] : memref<50176x16xf32, #tpu.memory_space<vmem_shared>> -> memref<112x16xf32, #tpu.memory_space<vmem_shared>>
        tpu.wait_dma2 semaphore(%run_scoped3A : memref<!tpu.dma_semaphore, #tpu.memory_space<semaphore_mem>>) src(%arg20 : memref<112x16xf32, #tpu.memory_space<vmem>>) dst(%dma_wait3A_75 : memref<112x16xf32, #tpu.memory_space<vmem_shared>>)
        tpu.yield
      }) : () -> ()
    }
    %scan3A_13 = arith.constant 28 : i32
    %barrier3A = arith.constant 0 : index
    tpu.barrier barrier_id(%barrier3A)
    %add3A = arith.constant 0 : i32
    %add3A_14 = arith.addi %mul3A_2, %add3A : i32
    %dma_start3A = arith.constant 0 : i32
    %dma_start3A_15 = tpu.memref_slice %arg3[%add3A_14, %dma_start3A] : memref<12544x128xi32, #tpu.memory_space<hbm>> -> memref<4x128xi32, #tpu.memory_space<hbm>>
    %dma_start3A_16 = arith.constant 0 : i32
    %dma_start3A_17 = tpu.memref_slice %arg3[%add3A_14, %dma_start3A_16] : memref<12544x128xi32, #tpu.memory_space<hbm>> -> memref<4x128xi32, #tpu.memory_space<hbm>>
    tpu.enqueue_dma source(%dma_start3A_17 : memref<4x128xi32, #tpu.memory_space<hbm>>) target(%arg16 : memref<4x128xi32, #tpu.memory_space<vmem>>) target_semaphore(%arg12 : memref<!tpu.dma_semaphore, #tpu.memory_space<semaphore_mem>>)
    %dma_start3A_18 = arith.constant 0 : i32
    %dma_start3A_19 = tpu.memref_slice %arg4[%add3A_14, %dma_start3A_18] : memref<12544x128xi32, #tpu.memory_space<hbm>> -> memref<4x128xi32, #tpu.memory_space<hbm>>
    %dma_start3A_20 = arith.constant 0 : i32
    %dma_start3A_21 = tpu.memref_slice %arg4[%add3A_14, %dma_start3A_20] : memref<12544x128xi32, #tpu.memory_space<hbm>> -> memref<4x128xi32, #tpu.memory_space<hbm>>
    tpu.enqueue_dma source(%dma_start3A_21 : memref<4x128xi32, #tpu.memory_space<hbm>>) target(%arg8 : memref<4x128xi32, #tpu.memory_space<vmem>>) target_semaphore(%arg12 : memref<!tpu.dma_semaphore, #tpu.memory_space<semaphore_mem>>)
    %dma_start3A_22 = arith.constant 0 : i32
    %dma_start3A_23 = tpu.memref_slice %arg5[%add3A_14, %dma_start3A_22] : memref<12544x128xf32, #tpu.memory_space<hbm>> -> memref<4x128xf32, #tpu.memory_space<hbm>>
    %dma_start3A_24 = arith.constant 0 : i32
    %dma_start3A_25 = tpu.memref_slice %arg5[%add3A_14, %dma_start3A_24] : memref<12544x128xf32, #tpu.memory_space<hbm>> -> memref<4x128xf32, #tpu.memory_space<hbm>>
    tpu.enqueue_dma source(%dma_start3A_25 : memref<4x128xf32, #tpu.memory_space<hbm>>) target(%arg21 : memref<4x128xf32, #tpu.memory_space<vmem>>) target_semaphore(%arg12 : memref<!tpu.dma_semaphore, #tpu.memory_space<semaphore_mem>>)
    %add3A_26 = arith.constant 0 : i32
    %add3A_27 = arith.addi %mul3A_2, %add3A_26 : i32
    %dma_wait3A = arith.constant 0 : i32
    %dma_wait3A_28 = tpu.memref_slice %arg3[%add3A_27, %dma_wait3A] : memref<12544x128xi32, #tpu.memory_space<hbm>> -> memref<4x128xi32, #tpu.memory_space<hbm>>
    %dma_wait3A_29 = arith.constant 0 : i32
    %dma_wait3A_30 = tpu.memref_slice %arg3[%add3A_27, %dma_wait3A_29] : memref<12544x128xi32, #tpu.memory_space<hbm>> -> memref<4x128xi32, #tpu.memory_space<hbm>>
    tpu.wait_dma2 semaphore(%arg12 : memref<!tpu.dma_semaphore, #tpu.memory_space<semaphore_mem>>) src(%dma_wait3A_30 : memref<4x128xi32, #tpu.memory_space<hbm>>) dst(%arg16 : memref<4x128xi32, #tpu.memory_space<vmem>>)
    %dma_wait3A_31 = arith.constant 0 : i32
    %dma_wait3A_32 = tpu.memref_slice %arg4[%add3A_27, %dma_wait3A_31] : memref<12544x128xi32, #tpu.memory_space<hbm>> -> memref<4x128xi32, #tpu.memory_space<hbm>>
    %dma_wait3A_33 = arith.constant 0 : i32
    %dma_wait3A_34 = tpu.memref_slice %arg4[%add3A_27, %dma_wait3A_33] : memref<12544x128xi32, #tpu.memory_space<hbm>> -> memref<4x128xi32, #tpu.memory_space<hbm>>
    tpu.wait_dma2 semaphore(%arg12 : memref<!tpu.dma_semaphore, #tpu.memory_space<semaphore_mem>>) src(%dma_wait3A_34 : memref<4x128xi32, #tpu.memory_space<hbm>>) dst(%arg8 : memref<4x128xi32, #tpu.memory_space<vmem>>)
    %dma_wait3A_35 = arith.constant 0 : i32
    %dma_wait3A_36 = tpu.memref_slice %arg5[%add3A_27, %dma_wait3A_35] : memref<12544x128xf32, #tpu.memory_space<hbm>> -> memref<4x128xf32, #tpu.memory_space<hbm>>
    %dma_wait3A_37 = arith.constant 0 : i32
    %dma_wait3A_38 = tpu.memref_slice %arg5[%add3A_27, %dma_wait3A_37] : memref<12544x128xf32, #tpu.memory_space<hbm>> -> memref<4x128xf32, #tpu.memory_space<hbm>>
    tpu.wait_dma2 semaphore(%arg12 : memref<!tpu.dma_semaphore, #tpu.memory_space<semaphore_mem>>) src(%dma_wait3A_38 : memref<4x128xf32, #tpu.memory_space<hbm>>) dst(%arg21 : memref<4x128xf32, #tpu.memory_space<vmem>>)
    %scan3A_39 = arith.constant 0 : i32
    %scan3A_40 = arith.constant 0 : i32
    %scan3A_41 = arith.constant 4 : i32
    %scan3A_42 = arith.addi %scan3A_40, %scan3A_41 : i32
    %scan3A_43 = arith.constant 1 : i32
    scf.for %scan3A_64 = %scan3A_40 to %scan3A_42 step %scan3A_43  : i32 {
      %mul3A_65 = arith.constant 128 : i32
      %mul3A_66 = arith.muli %scan3A_64, %mul3A_65 : i32
      %dma_start3A_67 = arith.constant 0 : i32
      %dma_start3A_68 = tpu.memref_slice %arg14[%mul3A_66, %dma_start3A_67] : memref<512x16xf32, #tpu.memory_space<vmem>> -> memref<128x16xf32, #tpu.memory_space<vmem>>
      %dma_start3A_69 = arith.constant 0 : i32
      %dma_start3A_70 = tpu.memref_slice %arg16[%scan3A_64, %dma_start3A_69] : memref<4x128xi32, #tpu.memory_space<vmem>> -> memref<1x128xi32, #tpu.memory_space<vmem>>
      %dma_start3A_71 = tpu.memref_squeeze %dma_start3A_70 : memref<1x128xi32, #tpu.memory_space<vmem>> -> memref<128xi32, #tpu.memory_space<vmem>>
      %dma_start3A_72 = arith.constant 0 : i32
      %dma_start3A_73 = arith.constant 0 : i32
      %dma_start3A_74 = tpu.memref_slice %arg23[%dma_start3A_72, %dma_start3A_73] : memref<50176x16xf32, #tpu.memory_space<vmem_shared>> -> memref<50176x16xf32, #tpu.memory_space<vmem_shared>>
      tpu.enqueue_indirect_dma source(%dma_start3A_74 : memref<50176x16xf32, #tpu.memory_space<vmem_shared>>) target(%dma_start3A_68 : memref<128x16xf32, #tpu.memory_space<vmem>>) offsets(%dma_start3A_71 : memref<128xi32, #tpu.memory_space<vmem>>) semaphore(%arg10 : memref<!tpu.dma_semaphore, #tpu.memory_space<semaphore_mem>>)
    }
    %scan3A_44 = arith.constant 4 : i32
    %scan3A_45 = arith.constant 0 : i32
    %scan3A_46 = arith.constant 0 : i32
    %scan3A_47 = arith.constant 98 : i32
    %scan3A_48 = arith.addi %scan3A_46, %scan3A_47 : i32
    %scan3A_49 = arith.constant 1 : i32
    scf.for %scan3A_64 = %scan3A_46 to %scan3A_48 step %scan3A_49  : i32 {
      %ge3A = arith.constant 1 : i32
      %ge3A_65 = arith.cmpi sge, %scan3A_64, %ge3A : i32
      %convert_element_type3A = arith.extui %ge3A_65 : i1 to i32
      %cond3A = arith.constant 0 : i32
      %cond3A_66 = arith.cmpi ne, %convert_element_type3A, %cond3A : i32
      scf.if %cond3A_66 {
        %scan3A_138 = arith.constant 0 : i32
        %scan3A_139 = arith.constant 0 : i32
        %scan3A_140 = arith.constant 4 : i32
        %scan3A_141 = arith.addi %scan3A_139, %scan3A_140 : i32
        %scan3A_142 = arith.constant 1 : i32
        scf.for %scan3A_144 = %scan3A_139 to %scan3A_141 step %scan3A_142  : i32 {
          %mul3A_145 = arith.constant 128 : i32
          %mul3A_146 = arith.muli %scan3A_144, %mul3A_145 : i32
          %dma_wait3A_147 = arith.constant 0 : i32
          %dma_wait3A_148 = tpu.memref_slice %arg15[%mul3A_146, %dma_wait3A_147] : memref<512x16xf32, #tpu.memory_space<vmem>> -> memref<128x16xf32, #tpu.memory_space<vmem>>
          %dma_wait3A_149 = arith.constant 0 : i32
          %dma_wait3A_150 = tpu.memref_slice %arg9[%scan3A_144, %dma_wait3A_149] : memref<4x128xi32, #tpu.memory_space<vmem>> -> memref<1x128xi32, #tpu.memory_space<vmem>>
          %dma_wait3A_151 = tpu.memref_squeeze %dma_wait3A_150 : memref<1x128xi32, #tpu.memory_space<vmem>> -> memref<128xi32, #tpu.memory_space<vmem>>
          %dma_wait3A_152 = arith.constant 0 : i32
          %dma_wait3A_153 = arith.constant 0 : i32
          %dma_wait3A_154 = tpu.memref_slice %arg7[%dma_wait3A_152, %dma_wait3A_153] : memref<50176x16xf32, #tpu.memory_space<vmem_shared>> -> memref<50176x16xf32, #tpu.memory_space<vmem_shared>>
          tpu.wait_indirect_dma semaphore(%arg19 : memref<!tpu.dma_semaphore, #tpu.memory_space<semaphore_mem>>) src(%dma_wait3A_148 : memref<128x16xf32, #tpu.memory_space<vmem>>) dst(%dma_wait3A_154 : memref<50176x16xf32, #tpu.memory_space<vmem_shared>>)
        }
        %scan3A_143 = arith.constant 4 : i32
      } else {
      }
      %mul3A_67 = arith.constant 2 : i32
      %mul3A_68 = arith.muli %mul3A_67, %scan3A_64 : i32
      %add3A_69 = arith.constant 1 : i32
      %add3A_70 = arith.addi %mul3A_68, %add3A_69 : i32
      %mul3A_71 = arith.constant 4 : i32
      %mul3A_72 = arith.muli %add3A_70, %mul3A_71 : i32
      %add3A_73 = arith.addi %mul3A_2, %mul3A_72 : i32
      %dma_start3A_74 = arith.constant 0 : i32
      %dma_start3A_75 = tpu.memref_slice %arg3[%add3A_73, %dma_start3A_74] : memref<12544x128xi32, #tpu.memory_space<hbm>> -> memref<4x128xi32, #tpu.memory_space<hbm>>
      %dma_start3A_76 = arith.constant 0 : i32
      %dma_start3A_77 = tpu.memref_slice %arg3[%add3A_73, %dma_start3A_76] : memref<12544x128xi32, #tpu.memory_space<hbm>> -> memref<4x128xi32, #tpu.memory_space<hbm>>
      tpu.enqueue_dma source(%dma_start3A_77 : memref<4x128xi32, #tpu.memory_space<hbm>>) target(%arg17 : memref<4x128xi32, #tpu.memory_space<vmem>>) target_semaphore(%arg13 : memref<!tpu.dma_semaphore, #tpu.memory_space<semaphore_mem>>)
      %dma_start3A_78 = arith.constant 0 : i32
      %dma_start3A_79 = tpu.memref_slice %arg4[%add3A_73, %dma_start3A_78] : memref<12544x128xi32, #tpu.memory_space<hbm>> -> memref<4x128xi32, #tpu.memory_space<hbm>>
      %dma_start3A_80 = arith.constant 0 : i32
      %dma_start3A_81 = tpu.memref_slice %arg4[%add3A_73, %dma_start3A_80] : memref<12544x128xi32, #tpu.memory_space<hbm>> -> memref<4x128xi32, #tpu.memory_space<hbm>>
      tpu.enqueue_dma source(%dma_start3A_81 : memref<4x128xi32, #tpu.memory_space<hbm>>) target(%arg9 : memref<4x128xi32, #tpu.memory_space<vmem>>) target_semaphore(%arg13 : memref<!tpu.dma_semaphore, #tpu.memory_space<semaphore_mem>>)
      %dma_start3A_82 = arith.constant 0 : i32
      %dma_start3A_83 = tpu.memref_slice %arg5[%add3A_73, %dma_start3A_82] : memref<12544x128xf32, #tpu.memory_space<hbm>> -> memref<4x128xf32, #tpu.memory_space<hbm>>
      %dma_start3A_84 = arith.constant 0 : i32
      %dma_start3A_85 = tpu.memref_slice %arg5[%add3A_73, %dma_start3A_84] : memref<12544x128xf32, #tpu.memory_space<hbm>> -> memref<4x128xf32, #tpu.memory_space<hbm>>
      tpu.enqueue_dma source(%dma_start3A_85 : memref<4x128xf32, #tpu.memory_space<hbm>>) target(%arg22 : memref<4x128xf32, #tpu.memory_space<vmem>>) target_semaphore(%arg13 : memref<!tpu.dma_semaphore, #tpu.memory_space<semaphore_mem>>)
      %scan3A_86 = arith.constant 0 : i32
      %scan3A_87 = arith.constant 0 : i32
      %scan3A_88 = arith.constant 4 : i32
      %scan3A_89 = arith.addi %scan3A_87, %scan3A_88 : i32
      %scan3A_90 = arith.constant 1 : i32
      scf.for %scan3A_138 = %scan3A_87 to %scan3A_89 step %scan3A_90  : i32 {
        %mul3A_139 = arith.constant 128 : i32
        %mul3A_140 = arith.muli %scan3A_138, %mul3A_139 : i32
        %dma_wait3A_141 = arith.constant 0 : i32
        %dma_wait3A_142 = tpu.memref_slice %arg14[%mul3A_140, %dma_wait3A_141] : memref<512x16xf32, #tpu.memory_space<vmem>> -> memref<128x16xf32, #tpu.memory_space<vmem>>
        %dma_wait3A_143 = arith.constant 0 : i32
        %dma_wait3A_144 = tpu.memref_slice %arg16[%scan3A_138, %dma_wait3A_143] : memref<4x128xi32, #tpu.memory_space<vmem>> -> memref<1x128xi32, #tpu.memory_space<vmem>>
        %dma_wait3A_145 = tpu.memref_squeeze %dma_wait3A_144 : memref<1x128xi32, #tpu.memory_space<vmem>> -> memref<128xi32, #tpu.memory_space<vmem>>
        %dma_wait3A_146 = arith.constant 0 : i32
        %dma_wait3A_147 = arith.constant 0 : i32
        %dma_wait3A_148 = tpu.memref_slice %arg23[%dma_wait3A_146, %dma_wait3A_147] : memref<50176x16xf32, #tpu.memory_space<vmem_shared>> -> memref<50176x16xf32, #tpu.memory_space<vmem_shared>>
        tpu.wait_indirect_dma semaphore(%arg10 : memref<!tpu.dma_semaphore, #tpu.memory_space<semaphore_mem>>) src(%dma_wait3A_148 : memref<50176x16xf32, #tpu.memory_space<vmem_shared>>) dst(%dma_wait3A_142 : memref<128x16xf32, #tpu.memory_space<vmem>>)
        %scan3A_149 = arith.constant 0 : i32
        %scan3A_150 = arith.constant 0 : i32
        %scan3A_151 = arith.constant 8 : i32
        %scan3A_152 = arith.addi %scan3A_150, %scan3A_151 : i32
        %scan3A_153 = arith.constant 1 : i32
        scf.for %scan3A_165 = %scan3A_150 to %scan3A_152 step %scan3A_153  : i32 {
          %mul3A_166 = arith.constant 16 : i32
          %mul3A_167 = arith.muli %scan3A_165, %mul3A_166 : i32
          %get3A = arith.index_cast %scan3A_138 : i32 to index
          %get3A_168 = arith.index_cast %mul3A_167 : i32 to index
          %get3A_169 = tpu.vector_load %arg21[%get3A, %get3A_168] {strides = array<i32>} : memref<4x128xf32, #tpu.memory_space<vmem>>, vector<1x16xf32>,
          %get3A_170 = vector.shape_cast %get3A_169 : vector<1x16xf32> to vector<16xf32>
          %mul3A_171 = arith.constant 128 : i32
          %mul3A_172 = arith.muli %scan3A_138, %mul3A_171 : i32
          %mul3A_173 = arith.constant 16 : i32
          %mul3A_174 = arith.muli %scan3A_165, %mul3A_173 : i32
          %add3A_175 = arith.addi %mul3A_172, %mul3A_174 : i32
          %add3A_176 = arith.constant 0 : i32
          %add3A_177 = arith.addi %add3A_175, %add3A_176 : i32
          %slice3A = vector.extract_strided_slice %get3A_170 {offsets = [0], sizes = [1], strides = [1]} : vector<16xf32> to vector<1xf32>
          %squeeze3A = vector.extract %slice3A[0] : f32 from vector<1xf32>
          %get3A_178 = arith.index_cast %add3A_177 : i32 to index
          %get3A_179 = arith.constant 0 : index
          %get3A_180 = tpu.vector_load %arg14[%get3A_178, %get3A_179] {strides = array<i32>} : memref<512x16xf32, #tpu.memory_space<vmem>>, vector<1x16xf32>,
          %get3A_181 = vector.shape_cast %get3A_180 : vector<1x16xf32> to vector<16xf32>
          %mul3A_182 = vector.broadcast %squeeze3A : f32 to vector<16xf32>
          %mul3A_183 = arith.mulf %get3A_181, %mul3A_182 : vector<16xf32>
          %swap3A = arith.index_cast %add3A_177 : i32 to index
          %swap3A_184 = arith.constant 0 : index
          %swap3A_185 = tpu.vector_load %arg14[%swap3A, %swap3A_184] {strides = array<i32>} : memref<512x16xf32, #tpu.memory_space<vmem>>, vector<1x16xf32>,
          %swap3A_186 = vector.shape_cast %swap3A_185 : vector<1x16xf32> to vector<16xf32>
          %swap3A_187 = vector.shape_cast %mul3A_183 : vector<16xf32> to vector<1x16xf32>
          tpu.vector_store %arg14[%swap3A, %swap3A_184], %swap3A_187 {strides = array<i32>} : memref<512x16xf32, #tpu.memory_space<vmem>>, vector<1x16xf32>,
          %mul3A_188 = arith.constant 128 : i32
          %mul3A_189 = arith.muli %scan3A_138, %mul3A_188 : i32
          %mul3A_190 = arith.constant 16 : i32
          %mul3A_191 = arith.muli %scan3A_165, %mul3A_190 : i32
          %add3A_192 = arith.addi %mul3A_189, %mul3A_191 : i32
          %add3A_193 = arith.constant 1 : i32
          %add3A_194 = arith.addi %add3A_192, %add3A_193 : i32
          %slice3A_195 = vector.extract_strided_slice %get3A_170 {offsets = [1], sizes = [1], strides = [1]} : vector<16xf32> to vector<1xf32>
          %squeeze3A_196 = vector.extract %slice3A_195[0] : f32 from vector<1xf32>
          %get3A_197 = arith.index_cast %add3A_194 : i32 to index
          %get3A_198 = arith.constant 0 : index
          %get3A_199 = tpu.vector_load %arg14[%get3A_197, %get3A_198] {strides = array<i32>} : memref<512x16xf32, #tpu.memory_space<vmem>>, vector<1x16xf32>,
          %get3A_200 = vector.shape_cast %get3A_199 : vector<1x16xf32> to vector<16xf32>
          %mul3A_201 = vector.broadcast %squeeze3A_196 : f32 to vector<16xf32>
          %mul3A_202 = arith.mulf %get3A_200, %mul3A_201 : vector<16xf32>
          %swap3A_203 = arith.index_cast %add3A_194 : i32 to index
          %swap3A_204 = arith.constant 0 : index
          %swap3A_205 = tpu.vector_load %arg14[%swap3A_203, %swap3A_204] {strides = array<i32>} : memref<512x16xf32, #tpu.memory_space<vmem>>, vector<1x16xf32>,
          %swap3A_206 = vector.shape_cast %swap3A_205 : vector<1x16xf32> to vector<16xf32>
          %swap3A_207 = vector.shape_cast %mul3A_202 : vector<16xf32> to vector<1x16xf32>
          tpu.vector_store %arg14[%swap3A_203, %swap3A_204], %swap3A_207 {strides = array<i32>} : memref<512x16xf32, #tpu.memory_space<vmem>>, vector<1x16xf32>,
          %mul3A_208 = arith.constant 128 : i32
          %mul3A_209 = arith.muli %scan3A_138, %mul3A_208 : i32
          %mul3A_210 = arith.constant 16 : i32
          %mul3A_211 = arith.muli %scan3A_165, %mul3A_210 : i32
          %add3A_212 = arith.addi %mul3A_209, %mul3A_211 : i32
          %add3A_213 = arith.constant 2 : i32
          %add3A_214 = arith.addi %add3A_212, %add3A_213 : i32
          %slice3A_215 = vector.extract_strided_slice %get3A_170 {offsets = [2], sizes = [1], strides = [1]} : vector<16xf32> to vector<1xf32>
          %squeeze3A_216 = vector.extract %slice3A_215[0] : f32 from vector<1xf32>
          %get3A_217 = arith.index_cast %add3A_214 : i32 to index
          %get3A_218 = arith.constant 0 : index
          %get3A_219 = tpu.vector_load %arg14[%get3A_217, %get3A_218] {strides = array<i32>} : memref<512x16xf32, #tpu.memory_space<vmem>>, vector<1x16xf32>,
          %get3A_220 = vector.shape_cast %get3A_219 : vector<1x16xf32> to vector<16xf32>
          %mul3A_221 = vector.broadcast %squeeze3A_216 : f32 to vector<16xf32>
          %mul3A_222 = arith.mulf %get3A_220, %mul3A_221 : vector<16xf32>
          %swap3A_223 = arith.index_cast %add3A_214 : i32 to index
          %swap3A_224 = arith.constant 0 : index
          %swap3A_225 = tpu.vector_load %arg14[%swap3A_223, %swap3A_224] {strides = array<i32>} : memref<512x16xf32, #tpu.memory_space<vmem>>, vector<1x16xf32>,
          %swap3A_226 = vector.shape_cast %swap3A_225 : vector<1x16xf32> to vector<16xf32>
          %swap3A_227 = vector.shape_cast %mul3A_222 : vector<16xf32> to vector<1x16xf32>
          tpu.vector_store %arg14[%swap3A_223, %swap3A_224], %swap3A_227 {strides = array<i32>} : memref<512x16xf32, #tpu.memory_space<vmem>>, vector<1x16xf32>,
          %mul3A_228 = arith.constant 128 : i32
          %mul3A_229 = arith.muli %scan3A_138, %mul3A_228 : i32
          %mul3A_230 = arith.constant 16 : i32
          %mul3A_231 = arith.muli %scan3A_165, %mul3A_230 : i32
          %add3A_232 = arith.addi %mul3A_229, %mul3A_231 : i32
          %add3A_233 = arith.constant 3 : i32
          %add3A_234 = arith.addi %add3A_232, %add3A_233 : i32
          %slice3A_235 = vector.extract_strided_slice %get3A_170 {offsets = [3], sizes = [1], strides = [1]} : vector<16xf32> to vector<1xf32>
          %squeeze3A_236 = vector.extract %slice3A_235[0] : f32 from vector<1xf32>
          %get3A_237 = arith.index_cast %add3A_234 : i32 to index
          %get3A_238 = arith.constant 0 : index
          %get3A_239 = tpu.vector_load %arg14[%get3A_237, %get3A_238] {strides = array<i32>} : memref<512x16xf32, #tpu.memory_space<vmem>>, vector<1x16xf32>,
          %get3A_240 = vector.shape_cast %get3A_239 : vector<1x16xf32> to vector<16xf32>
          %mul3A_241 = vector.broadcast %squeeze3A_236 : f32 to vector<16xf32>
          %mul3A_242 = arith.mulf %get3A_240, %mul3A_241 : vector<16xf32>
          %swap3A_243 = arith.index_cast %add3A_234 : i32 to index
          %swap3A_244 = arith.constant 0 : index
          %swap3A_245 = tpu.vector_load %arg14[%swap3A_243, %swap3A_244] {strides = array<i32>} : memref<512x16xf32, #tpu.memory_space<vmem>>, vector<1x16xf32>,
          %swap3A_246 = vector.shape_cast %swap3A_245 : vector<1x16xf32> to vector<16xf32>
          %swap3A_247 = vector.shape_cast %mul3A_242 : vector<16xf32> to vector<1x16xf32>
          tpu.vector_store %arg14[%swap3A_243, %swap3A_244], %swap3A_247 {strides = array<i32>} : memref<512x16xf32, #tpu.memory_space<vmem>>, vector<1x16xf32>,
          %mul3A_248 = arith.constant 128 : i32
          %mul3A_249 = arith.muli %scan3A_138, %mul3A_248 : i32
          %mul3A_250 = arith.constant 16 : i32
          %mul3A_251 = arith.muli %scan3A_165, %mul3A_250 : i32
          %add3A_252 = arith.addi %mul3A_249, %mul3A_251 : i32
          %add3A_253 = arith.constant 4 : i32
          %add3A_254 = arith.addi %add3A_252, %add3A_253 : i32
          %slice3A_255 = vector.extract_strided_slice %get3A_170 {offsets = [4], sizes = [1], strides = [1]} : vector<16xf32> to vector<1xf32>
          %squeeze3A_256 = vector.extract %slice3A_255[0] : f32 from vector<1xf32>
          %get3A_257 = arith.index_cast %add3A_254 : i32 to index
          %get3A_258 = arith.constant 0 : index
          %get3A_259 = tpu.vector_load %arg14[%get3A_257, %get3A_258] {strides = array<i32>} : memref<512x16xf32, #tpu.memory_space<vmem>>, vector<1x16xf32>,
          %get3A_260 = vector.shape_cast %get3A_259 : vector<1x16xf32> to vector<16xf32>
          %mul3A_261 = vector.broadcast %squeeze3A_256 : f32 to vector<16xf32>
          %mul3A_262 = arith.mulf %get3A_260, %mul3A_261 : vector<16xf32>
          %swap3A_263 = arith.index_cast %add3A_254 : i32 to index
          %swap3A_264 = arith.constant 0 : index
          %swap3A_265 = tpu.vector_load %arg14[%swap3A_263, %swap3A_264] {strides = array<i32>} : memref<512x16xf32, #tpu.memory_space<vmem>>, vector<1x16xf32>,
          %swap3A_266 = vector.shape_cast %swap3A_265 : vector<1x16xf32> to vector<16xf32>
          %swap3A_267 = vector.shape_cast %mul3A_262 : vector<16xf32> to vector<1x16xf32>
          tpu.vector_store %arg14[%swap3A_263, %swap3A_264], %swap3A_267 {strides = array<i32>} : memref<512x16xf32, #tpu.memory_space<vmem>>, vector<1x16xf32>,
          %mul3A_268 = arith.constant 128 : i32
          %mul3A_269 = arith.muli %scan3A_138, %mul3A_268 : i32
          %mul3A_270 = arith.constant 16 : i32
          %mul3A_271 = arith.muli %scan3A_165, %mul3A_270 : i32
          %add3A_272 = arith.addi %mul3A_269, %mul3A_271 : i32
          %add3A_273 = arith.constant 5 : i32
          %add3A_274 = arith.addi %add3A_272, %add3A_273 : i32
          %slice3A_275 = vector.extract_strided_slice %get3A_170 {offsets = [5], sizes = [1], strides = [1]} : vector<16xf32> to vector<1xf32>
          %squeeze3A_276 = vector.extract %slice3A_275[0] : f32 from vector<1xf32>
          %get3A_277 = arith.index_cast %add3A_274 : i32 to index
          %get3A_278 = arith.constant 0 : index
          %get3A_279 = tpu.vector_load %arg14[%get3A_277, %get3A_278] {strides = array<i32>} : memref<512x16xf32, #tpu.memory_space<vmem>>, vector<1x16xf32>,
          %get3A_280 = vector.shape_cast %get3A_279 : vector<1x16xf32> to vector<16xf32>
          %mul3A_281 = vector.broadcast %squeeze3A_276 : f32 to vector<16xf32>
          %mul3A_282 = arith.mulf %get3A_280, %mul3A_281 : vector<16xf32>
          %swap3A_283 = arith.index_cast %add3A_274 : i32 to index
          %swap3A_284 = arith.constant 0 : index
          %swap3A_285 = tpu.vector_load %arg14[%swap3A_283, %swap3A_284] {strides = array<i32>} : memref<512x16xf32, #tpu.memory_space<vmem>>, vector<1x16xf32>,
          %swap3A_286 = vector.shape_cast %swap3A_285 : vector<1x16xf32> to vector<16xf32>
          %swap3A_287 = vector.shape_cast %mul3A_282 : vector<16xf32> to vector<1x16xf32>
          tpu.vector_store %arg14[%swap3A_283, %swap3A_284], %swap3A_287 {strides = array<i32>} : memref<512x16xf32, #tpu.memory_space<vmem>>, vector<1x16xf32>,
          %mul3A_288 = arith.constant 128 : i32
          %mul3A_289 = arith.muli %scan3A_138, %mul3A_288 : i32
          %mul3A_290 = arith.constant 16 : i32
          %mul3A_291 = arith.muli %scan3A_165, %mul3A_290 : i32
          %add3A_292 = arith.addi %mul3A_289, %mul3A_291 : i32
          %add3A_293 = arith.constant 6 : i32
          %add3A_294 = arith.addi %add3A_292, %add3A_293 : i32
          %slice3A_295 = vector.extract_strided_slice %get3A_170 {offsets = [6], sizes = [1], strides = [1]} : vector<16xf32> to vector<1xf32>
          %squeeze3A_296 = vector.extract %slice3A_295[0] : f32 from vector<1xf32>
          %get3A_297 = arith.index_cast %add3A_294 : i32 to index
          %get3A_298 = arith.constant 0 : index
          %get3A_299 = tpu.vector_load %arg14[%get3A_297, %get3A_298] {strides = array<i32>} : memref<512x16xf32, #tpu.memory_space<vmem>>, vector<1x16xf32>,
          %get3A_300 = vector.shape_cast %get3A_299 : vector<1x16xf32> to vector<16xf32>
          %mul3A_301 = vector.broadcast %squeeze3A_296 : f32 to vector<16xf32>
          %mul3A_302 = arith.mulf %get3A_300, %mul3A_301 : vector<16xf32>
          %swap3A_303 = arith.index_cast %add3A_294 : i32 to index
          %swap3A_304 = arith.constant 0 : index
          %swap3A_305 = tpu.vector_load %arg14[%swap3A_303, %swap3A_304] {strides = array<i32>} : memref<512x16xf32, #tpu.memory_space<vmem>>, vector<1x16xf32>,
          %swap3A_306 = vector.shape_cast %swap3A_305 : vector<1x16xf32> to vector<16xf32>
          %swap3A_307 = vector.shape_cast %mul3A_302 : vector<16xf32> to vector<1x16xf32>
          tpu.vector_store %arg14[%swap3A_303, %swap3A_304], %swap3A_307 {strides = array<i32>} : memref<512x16xf32, #tpu.memory_space<vmem>>, vector<1x16xf32>,
          %mul3A_308 = arith.constant 128 : i32
          %mul3A_309 = arith.muli %scan3A_138, %mul3A_308 : i32
          %mul3A_310 = arith.constant 16 : i32
          %mul3A_311 = arith.muli %scan3A_165, %mul3A_310 : i32
          %add3A_312 = arith.addi %mul3A_309, %mul3A_311 : i32
          %add3A_313 = arith.constant 7 : i32
          %add3A_314 = arith.addi %add3A_312, %add3A_313 : i32
          %slice3A_315 = vector.extract_strided_slice %get3A_170 {offsets = [7], sizes = [1], strides = [1]} : vector<16xf32> to vector<1xf32>
          %squeeze3A_316 = vector.extract %slice3A_315[0] : f32 from vector<1xf32>
          %get3A_317 = arith.index_cast %add3A_314 : i32 to index
          %get3A_318 = arith.constant 0 : index
          %get3A_319 = tpu.vector_load %arg14[%get3A_317, %get3A_318] {strides = array<i32>} : memref<512x16xf32, #tpu.memory_space<vmem>>, vector<1x16xf32>,
          %get3A_320 = vector.shape_cast %get3A_319 : vector<1x16xf32> to vector<16xf32>
          %mul3A_321 = vector.broadcast %squeeze3A_316 : f32 to vector<16xf32>
          %mul3A_322 = arith.mulf %get3A_320, %mul3A_321 : vector<16xf32>
          %swap3A_323 = arith.index_cast %add3A_314 : i32 to index
          %swap3A_324 = arith.constant 0 : index
          %swap3A_325 = tpu.vector_load %arg14[%swap3A_323, %swap3A_324] {strides = array<i32>} : memref<512x16xf32, #tpu.memory_space<vmem>>, vector<1x16xf32>,
          %swap3A_326 = vector.shape_cast %swap3A_325 : vector<1x16xf32> to vector<16xf32>
          %swap3A_327 = vector.shape_cast %mul3A_322 : vector<16xf32> to vector<1x16xf32>
          tpu.vector_store %arg14[%swap3A_323, %swap3A_324], %swap3A_327 {strides = array<i32>} : memref<512x16xf32, #tpu.memory_space<vmem>>, vector<1x16xf32>,
          %mul3A_328 = arith.constant 128 : i32
          %mul3A_329 = arith.muli %scan3A_138, %mul3A_328 : i32
          %mul3A_330 = arith.constant 16 : i32
          %mul3A_331 = arith.muli %scan3A_165, %mul3A_330 : i32
          %add3A_332 = arith.addi %mul3A_329, %mul3A_331 : i32
          %add3A_333 = arith.constant 8 : i32
          %add3A_334 = arith.addi %add3A_332, %add3A_333 : i32
          %slice3A_335 = vector.extract_strided_slice %get3A_170 {offsets = [8], sizes = [1], strides = [1]} : vector<16xf32> to vector<1xf32>
          %squeeze3A_336 = vector.extract %slice3A_335[0] : f32 from vector<1xf32>
          %get3A_337 = arith.index_cast %add3A_334 : i32 to index
          %get3A_338 = arith.constant 0 : index
          %get3A_339 = tpu.vector_load %arg14[%get3A_337, %get3A_338] {strides = array<i32>} : memref<512x16xf32, #tpu.memory_space<vmem>>, vector<1x16xf32>,
          %get3A_340 = vector.shape_cast %get3A_339 : vector<1x16xf32> to vector<16xf32>
          %mul3A_341 = vector.broadcast %squeeze3A_336 : f32 to vector<16xf32>
          %mul3A_342 = arith.mulf %get3A_340, %mul3A_341 : vector<16xf32>
          %swap3A_343 = arith.index_cast %add3A_334 : i32 to index
          %swap3A_344 = arith.constant 0 : index
          %swap3A_345 = tpu.vector_load %arg14[%swap3A_343, %swap3A_344] {strides = array<i32>} : memref<512x16xf32, #tpu.memory_space<vmem>>, vector<1x16xf32>,
          %swap3A_346 = vector.shape_cast %swap3A_345 : vector<1x16xf32> to vector<16xf32>
          %swap3A_347 = vector.shape_cast %mul3A_342 : vector<16xf32> to vector<1x16xf32>
          tpu.vector_store %arg14[%swap3A_343, %swap3A_344], %swap3A_347 {strides = array<i32>} : memref<512x16xf32, #tpu.memory_space<vmem>>, vector<1x16xf32>,
          %mul3A_348 = arith.constant 128 : i32
          %mul3A_349 = arith.muli %scan3A_138, %mul3A_348 : i32
          %mul3A_350 = arith.constant 16 : i32
          %mul3A_351 = arith.muli %scan3A_165, %mul3A_350 : i32
          %add3A_352 = arith.addi %mul3A_349, %mul3A_351 : i32
          %add3A_353 = arith.constant 9 : i32
          %add3A_354 = arith.addi %add3A_352, %add3A_353 : i32
          %slice3A_355 = vector.extract_strided_slice %get3A_170 {offsets = [9], sizes = [1], strides = [1]} : vector<16xf32> to vector<1xf32>
          %squeeze3A_356 = vector.extract %slice3A_355[0] : f32 from vector<1xf32>
          %get3A_357 = arith.index_cast %add3A_354 : i32 to index
          %get3A_358 = arith.constant 0 : index
          %get3A_359 = tpu.vector_load %arg14[%get3A_357, %get3A_358] {strides = array<i32>} : memref<512x16xf32, #tpu.memory_space<vmem>>, vector<1x16xf32>,
          %get3A_360 = vector.shape_cast %get3A_359 : vector<1x16xf32> to vector<16xf32>
          %mul3A_361 = vector.broadcast %squeeze3A_356 : f32 to vector<16xf32>
          %mul3A_362 = arith.mulf %get3A_360, %mul3A_361 : vector<16xf32>
          %swap3A_363 = arith.index_cast %add3A_354 : i32 to index
          %swap3A_364 = arith.constant 0 : index
          %swap3A_365 = tpu.vector_load %arg14[%swap3A_363, %swap3A_364] {strides = array<i32>} : memref<512x16xf32, #tpu.memory_space<vmem>>, vector<1x16xf32>,
          %swap3A_366 = vector.shape_cast %swap3A_365 : vector<1x16xf32> to vector<16xf32>
          %swap3A_367 = vector.shape_cast %mul3A_362 : vector<16xf32> to vector<1x16xf32>
          tpu.vector_store %arg14[%swap3A_363, %swap3A_364], %swap3A_367 {strides = array<i32>} : memref<512x16xf32, #tpu.memory_space<vmem>>, vector<1x16xf32>,
          %mul3A_368 = arith.constant 128 : i32
          %mul3A_369 = arith.muli %scan3A_138, %mul3A_368 : i32
          %mul3A_370 = arith.constant 16 : i32
          %mul3A_371 = arith.muli %scan3A_165, %mul3A_370 : i32
          %add3A_372 = arith.addi %mul3A_369, %mul3A_371 : i32
          %add3A_373 = arith.constant 10 : i32
          %add3A_374 = arith.addi %add3A_372, %add3A_373 : i32
          %slice3A_375 = vector.extract_strided_slice %get3A_170 {offsets = [10], sizes = [1], strides = [1]} : vector<16xf32> to vector<1xf32>
          %squeeze3A_376 = vector.extract %slice3A_375[0] : f32 from vector<1xf32>
          %get3A_377 = arith.index_cast %add3A_374 : i32 to index
          %get3A_378 = arith.constant 0 : index
          %get3A_379 = tpu.vector_load %arg14[%get3A_377, %get3A_378] {strides = array<i32>} : memref<512x16xf32, #tpu.memory_space<vmem>>, vector<1x16xf32>,
          %get3A_380 = vector.shape_cast %get3A_379 : vector<1x16xf32> to vector<16xf32>
          %mul3A_381 = vector.broadcast %squeeze3A_376 : f32 to vector<16xf32>
          %mul3A_382 = arith.mulf %get3A_380, %mul3A_381 : vector<16xf32>
          %swap3A_383 = arith.index_cast %add3A_374 : i32 to index
          %swap3A_384 = arith.constant 0 : index
          %swap3A_385 = tpu.vector_load %arg14[%swap3A_383, %swap3A_384] {strides = array<i32>} : memref<512x16xf32, #tpu.memory_space<vmem>>, vector<1x16xf32>,
          %swap3A_386 = vector.shape_cast %swap3A_385 : vector<1x16xf32> to vector<16xf32>
          %swap3A_387 = vector.shape_cast %mul3A_382 : vector<16xf32> to vector<1x16xf32>
          tpu.vector_store %arg14[%swap3A_383, %swap3A_384], %swap3A_387 {strides = array<i32>} : memref<512x16xf32, #tpu.memory_space<vmem>>, vector<1x16xf32>,
          %mul3A_388 = arith.constant 128 : i32
          %mul3A_389 = arith.muli %scan3A_138, %mul3A_388 : i32
          %mul3A_390 = arith.constant 16 : i32
          %mul3A_391 = arith.muli %scan3A_165, %mul3A_390 : i32
          %add3A_392 = arith.addi %mul3A_389, %mul3A_391 : i32
          %add3A_393 = arith.constant 11 : i32
          %add3A_394 = arith.addi %add3A_392, %add3A_393 : i32
          %slice3A_395 = vector.extract_strided_slice %get3A_170 {offsets = [11], sizes = [1], strides = [1]} : vector<16xf32> to vector<1xf32>
          %squeeze3A_396 = vector.extract %slice3A_395[0] : f32 from vector<1xf32>
          %get3A_397 = arith.index_cast %add3A_394 : i32 to index
          %get3A_398 = arith.constant 0 : index
          %get3A_399 = tpu.vector_load %arg14[%get3A_397, %get3A_398] {strides = array<i32>} : memref<512x16xf32, #tpu.memory_space<vmem>>, vector<1x16xf32>,
          %get3A_400 = vector.shape_cast %get3A_399 : vector<1x16xf32> to vector<16xf32>
          %mul3A_401 = vector.broadcast %squeeze3A_396 : f32 to vector<16xf32>
          %mul3A_402 = arith.mulf %get3A_400, %mul3A_401 : vector<16xf32>
          %swap3A_403 = arith.index_cast %add3A_394 : i32 to index
          %swap3A_404 = arith.constant 0 : index
          %swap3A_405 = tpu.vector_load %arg14[%swap3A_403, %swap3A_404] {strides = array<i32>} : memref<512x16xf32, #tpu.memory_space<vmem>>, vector<1x16xf32>,
          %swap3A_406 = vector.shape_cast %swap3A_405 : vector<1x16xf32> to vector<16xf32>
          %swap3A_407 = vector.shape_cast %mul3A_402 : vector<16xf32> to vector<1x16xf32>
          tpu.vector_store %arg14[%swap3A_403, %swap3A_404], %swap3A_407 {strides = array<i32>} : memref<512x16xf32, #tpu.memory_space<vmem>>, vector<1x16xf32>,
          %mul3A_408 = arith.constant 128 : i32
          %mul3A_409 = arith.muli %scan3A_138, %mul3A_408 : i32
          %mul3A_410 = arith.constant 16 : i32
          %mul3A_411 = arith.muli %scan3A_165, %mul3A_410 : i32
          %add3A_412 = arith.addi %mul3A_409, %mul3A_411 : i32
          %add3A_413 = arith.constant 12 : i32
          %add3A_414 = arith.addi %add3A_412, %add3A_413 : i32
          %slice3A_415 = vector.extract_strided_slice %get3A_170 {offsets = [12], sizes = [1], strides = [1]} : vector<16xf32> to vector<1xf32>
          %squeeze3A_416 = vector.extract %slice3A_415[0] : f32 from vector<1xf32>
          %get3A_417 = arith.index_cast %add3A_414 : i32 to index
          %get3A_418 = arith.constant 0 : index
          %get3A_419 = tpu.vector_load %arg14[%get3A_417, %get3A_418] {strides = array<i32>} : memref<512x16xf32, #tpu.memory_space<vmem>>, vector<1x16xf32>,
          %get3A_420 = vector.shape_cast %get3A_419 : vector<1x16xf32> to vector<16xf32>
          %mul3A_421 = vector.broadcast %squeeze3A_416 : f32 to vector<16xf32>
          %mul3A_422 = arith.mulf %get3A_420, %mul3A_421 : vector<16xf32>
          %swap3A_423 = arith.index_cast %add3A_414 : i32 to index
          %swap3A_424 = arith.constant 0 : index
          %swap3A_425 = tpu.vector_load %arg14[%swap3A_423, %swap3A_424] {strides = array<i32>} : memref<512x16xf32, #tpu.memory_space<vmem>>, vector<1x16xf32>,
          %swap3A_426 = vector.shape_cast %swap3A_425 : vector<1x16xf32> to vector<16xf32>
          %swap3A_427 = vector.shape_cast %mul3A_422 : vector<16xf32> to vector<1x16xf32>
          tpu.vector_store %arg14[%swap3A_423, %swap3A_424], %swap3A_427 {strides = array<i32>} : memref<512x16xf32, #tpu.memory_space<vmem>>, vector<1x16xf32>,
          %mul3A_428 = arith.constant 128 : i32
          %mul3A_429 = arith.muli %scan3A_138, %mul3A_428 : i32
          %mul3A_430 = arith.constant 16 : i32
          %mul3A_431 = arith.muli %scan3A_165, %mul3A_430 : i32
          %add3A_432 = arith.addi %mul3A_429, %mul3A_431 : i32
          %add3A_433 = arith.constant 13 : i32
          %add3A_434 = arith.addi %add3A_432, %add3A_433 : i32
          %slice3A_435 = vector.extract_strided_slice %get3A_170 {offsets = [13], sizes = [1], strides = [1]} : vector<16xf32> to vector<1xf32>
          %squeeze3A_436 = vector.extract %slice3A_435[0] : f32 from vector<1xf32>
          %get3A_437 = arith.index_cast %add3A_434 : i32 to index
          %get3A_438 = arith.constant 0 : index
          %get3A_439 = tpu.vector_load %arg14[%get3A_437, %get3A_438] {strides = array<i32>} : memref<512x16xf32, #tpu.memory_space<vmem>>, vector<1x16xf32>,
          %get3A_440 = vector.shape_cast %get3A_439 : vector<1x16xf32> to vector<16xf32>
          %mul3A_441 = vector.broadcast %squeeze3A_436 : f32 to vector<16xf32>
          %mul3A_442 = arith.mulf %get3A_440, %mul3A_441 : vector<16xf32>
          %swap3A_443 = arith.index_cast %add3A_434 : i32 to index
          %swap3A_444 = arith.constant 0 : index
          %swap3A_445 = tpu.vector_load %arg14[%swap3A_443, %swap3A_444] {strides = array<i32>} : memref<512x16xf32, #tpu.memory_space<vmem>>, vector<1x16xf32>,
          %swap3A_446 = vector.shape_cast %swap3A_445 : vector<1x16xf32> to vector<16xf32>
          %swap3A_447 = vector.shape_cast %mul3A_442 : vector<16xf32> to vector<1x16xf32>
          tpu.vector_store %arg14[%swap3A_443, %swap3A_444], %swap3A_447 {strides = array<i32>} : memref<512x16xf32, #tpu.memory_space<vmem>>, vector<1x16xf32>,
          %mul3A_448 = arith.constant 128 : i32
          %mul3A_449 = arith.muli %scan3A_138, %mul3A_448 : i32
          %mul3A_450 = arith.constant 16 : i32
          %mul3A_451 = arith.muli %scan3A_165, %mul3A_450 : i32
          %add3A_452 = arith.addi %mul3A_449, %mul3A_451 : i32
          %add3A_453 = arith.constant 14 : i32
          %add3A_454 = arith.addi %add3A_452, %add3A_453 : i32
          %slice3A_455 = vector.extract_strided_slice %get3A_170 {offsets = [14], sizes = [1], strides = [1]} : vector<16xf32> to vector<1xf32>
          %squeeze3A_456 = vector.extract %slice3A_455[0] : f32 from vector<1xf32>
          %get3A_457 = arith.index_cast %add3A_454 : i32 to index
          %get3A_458 = arith.constant 0 : index
          %get3A_459 = tpu.vector_load %arg14[%get3A_457, %get3A_458] {strides = array<i32>} : memref<512x16xf32, #tpu.memory_space<vmem>>, vector<1x16xf32>,
          %get3A_460 = vector.shape_cast %get3A_459 : vector<1x16xf32> to vector<16xf32>
          %mul3A_461 = vector.broadcast %squeeze3A_456 : f32 to vector<16xf32>
          %mul3A_462 = arith.mulf %get3A_460, %mul3A_461 : vector<16xf32>
          %swap3A_463 = arith.index_cast %add3A_454 : i32 to index
          %swap3A_464 = arith.constant 0 : index
          %swap3A_465 = tpu.vector_load %arg14[%swap3A_463, %swap3A_464] {strides = array<i32>} : memref<512x16xf32, #tpu.memory_space<vmem>>, vector<1x16xf32>,
          %swap3A_466 = vector.shape_cast %swap3A_465 : vector<1x16xf32> to vector<16xf32>
          %swap3A_467 = vector.shape_cast %mul3A_462 : vector<16xf32> to vector<1x16xf32>
          tpu.vector_store %arg14[%swap3A_463, %swap3A_464], %swap3A_467 {strides = array<i32>} : memref<512x16xf32, #tpu.memory_space<vmem>>, vector<1x16xf32>,
          %mul3A_468 = arith.constant 128 : i32
          %mul3A_469 = arith.muli %scan3A_138, %mul3A_468 : i32
          %mul3A_470 = arith.constant 16 : i32
          %mul3A_471 = arith.muli %scan3A_165, %mul3A_470 : i32
          %add3A_472 = arith.addi %mul3A_469, %mul3A_471 : i32
          %add3A_473 = arith.constant 15 : i32
          %add3A_474 = arith.addi %add3A_472, %add3A_473 : i32
          %slice3A_475 = vector.extract_strided_slice %get3A_170 {offsets = [15], sizes = [1], strides = [1]} : vector<16xf32> to vector<1xf32>
          %squeeze3A_476 = vector.extract %slice3A_475[0] : f32 from vector<1xf32>
          %get3A_477 = arith.index_cast %add3A_474 : i32 to index
          %get3A_478 = arith.constant 0 : index
          %get3A_479 = tpu.vector_load %arg14[%get3A_477, %get3A_478] {strides = array<i32>} : memref<512x16xf32, #tpu.memory_space<vmem>>, vector<1x16xf32>,
          %get3A_480 = vector.shape_cast %get3A_479 : vector<1x16xf32> to vector<16xf32>
          %mul3A_481 = vector.broadcast %squeeze3A_476 : f32 to vector<16xf32>
          %mul3A_482 = arith.mulf %get3A_480, %mul3A_481 : vector<16xf32>
          %swap3A_483 = arith.index_cast %add3A_474 : i32 to index
          %swap3A_484 = arith.constant 0 : index
          %swap3A_485 = tpu.vector_load %arg14[%swap3A_483, %swap3A_484] {strides = array<i32>} : memref<512x16xf32, #tpu.memory_space<vmem>>, vector<1x16xf32>,
          %swap3A_486 = vector.shape_cast %swap3A_485 : vector<1x16xf32> to vector<16xf32>
          %swap3A_487 = vector.shape_cast %mul3A_482 : vector<16xf32> to vector<1x16xf32>
          tpu.vector_store %arg14[%swap3A_483, %swap3A_484], %swap3A_487 {strides = array<i32>} : memref<512x16xf32, #tpu.memory_space<vmem>>, vector<1x16xf32>,
        }
        %scan3A_154 = arith.constant 8 : i32
        %mul3A_155 = arith.constant 128 : i32
        %mul3A_156 = arith.muli %scan3A_138, %mul3A_155 : i32
        %dma_start3A_157 = arith.constant 0 : i32
        %dma_start3A_158 = tpu.memref_slice %arg14[%mul3A_156, %dma_start3A_157] : memref<512x16xf32, #tpu.memory_space<vmem>> -> memref<128x16xf32, #tpu.memory_space<vmem>>
        %dma_start3A_159 = arith.constant 0 : i32
        %dma_start3A_160 = tpu.memref_slice %arg8[%scan3A_138, %dma_start3A_159] : memref<4x128xi32, #tpu.memory_space<vmem>> -> memref<1x128xi32, #tpu.memory_space<vmem>>
        %dma_start3A_161 = tpu.memref_squeeze %dma_start3A_160 : memref<1x128xi32, #tpu.memory_space<vmem>> -> memref<128xi32, #tpu.memory_space<vmem>>
        %dma_start3A_162 = arith.constant 0 : i32
        %dma_start3A_163 = arith.constant 0 : i32
        %dma_start3A_164 = tpu.memref_slice %arg7[%dma_start3A_162, %dma_start3A_163] : memref<50176x16xf32, #tpu.memory_space<vmem_shared>> -> memref<50176x16xf32, #tpu.memory_space<vmem_shared>>
        tpu.enqueue_indirect_dma source(%dma_start3A_158 : memref<128x16xf32, #tpu.memory_space<vmem>>) target(%dma_start3A_164 : memref<50176x16xf32, #tpu.memory_space<vmem_shared>>) offsets(%dma_start3A_161 : memref<128xi32, #tpu.memory_space<vmem>>) semaphore(%arg18 : memref<!tpu.dma_semaphore, #tpu.memory_space<semaphore_mem>>) {add = true}
      }
      %scan3A_91 = arith.constant 4 : i32
      %mul3A_92 = arith.constant 2 : i32
      %mul3A_93 = arith.muli %mul3A_92, %scan3A_64 : i32
      %add3A_94 = arith.constant 1 : i32
      %add3A_95 = arith.addi %mul3A_93, %add3A_94 : i32
      %mul3A_96 = arith.constant 4 : i32
      %mul3A_97 = arith.muli %add3A_95, %mul3A_96 : i32
      %add3A_98 = arith.addi %mul3A_2, %mul3A_97 : i32
      %dma_wait3A_99 = arith.constant 0 : i32
      %dma_wait3A_100 = tpu.memref_slice %arg3[%add3A_98, %dma_wait3A_99] : memref<12544x128xi32, #tpu.memory_space<hbm>> -> memref<4x128xi32, #tpu.memory_space<hbm>>
      %dma_wait3A_101 = arith.constant 0 : i32
      %dma_wait3A_102 = tpu.memref_slice %arg3[%add3A_98, %dma_wait3A_101] : memref<12544x128xi32, #tpu.memory_space<hbm>> -> memref<4x128xi32, #tpu.memory_space<hbm>>
      tpu.wait_dma2 semaphore(%arg13 : memref<!tpu.dma_semaphore, #tpu.memory_space<semaphore_mem>>) src(%dma_wait3A_102 : memref<4x128xi32, #tpu.memory_space<hbm>>) dst(%arg17 : memref<4x128xi32, #tpu.memory_space<vmem>>)
      %dma_wait3A_103 = arith.constant 0 : i32
      %dma_wait3A_104 = tpu.memref_slice %arg4[%add3A_98, %dma_wait3A_103] : memref<12544x128xi32, #tpu.memory_space<hbm>> -> memref<4x128xi32, #tpu.memory_space<hbm>>
      %dma_wait3A_105 = arith.constant 0 : i32
      %dma_wait3A_106 = tpu.memref_slice %arg4[%add3A_98, %dma_wait3A_105] : memref<12544x128xi32, #tpu.memory_space<hbm>> -> memref<4x128xi32, #tpu.memory_space<hbm>>
      tpu.wait_dma2 semaphore(%arg13 : memref<!tpu.dma_semaphore, #tpu.memory_space<semaphore_mem>>) src(%dma_wait3A_106 : memref<4x128xi32, #tpu.memory_space<hbm>>) dst(%arg9 : memref<4x128xi32, #tpu.memory_space<vmem>>)
      %dma_wait3A_107 = arith.constant 0 : i32
      %dma_wait3A_108 = tpu.memref_slice %arg5[%add3A_98, %dma_wait3A_107] : memref<12544x128xf32, #tpu.memory_space<hbm>> -> memref<4x128xf32, #tpu.memory_space<hbm>>
      %dma_wait3A_109 = arith.constant 0 : i32
      %dma_wait3A_110 = tpu.memref_slice %arg5[%add3A_98, %dma_wait3A_109] : memref<12544x128xf32, #tpu.memory_space<hbm>> -> memref<4x128xf32, #tpu.memory_space<hbm>>
      tpu.wait_dma2 semaphore(%arg13 : memref<!tpu.dma_semaphore, #tpu.memory_space<semaphore_mem>>) src(%dma_wait3A_110 : memref<4x128xf32, #tpu.memory_space<hbm>>) dst(%arg22 : memref<4x128xf32, #tpu.memory_space<vmem>>)
      %scan3A_111 = arith.constant 0 : i32
      %scan3A_112 = arith.constant 0 : i32
      %scan3A_113 = arith.constant 4 : i32
      %scan3A_114 = arith.addi %scan3A_112, %scan3A_113 : i32
      %scan3A_115 = arith.constant 1 : i32
      scf.for %scan3A_138 = %scan3A_112 to %scan3A_114 step %scan3A_115  : i32 {
        %mul3A_139 = arith.constant 128 : i32
        %mul3A_140 = arith.muli %scan3A_138, %mul3A_139 : i32
        %dma_start3A_141 = arith.constant 0 : i32
        %dma_start3A_142 = tpu.memref_slice %arg15[%mul3A_140, %dma_start3A_141] : memref<512x16xf32, #tpu.memory_space<vmem>> -> memref<128x16xf32, #tpu.memory_space<vmem>>
        %dma_start3A_143 = arith.constant 0 : i32
        %dma_start3A_144 = tpu.memref_slice %arg17[%scan3A_138, %dma_start3A_143] : memref<4x128xi32, #tpu.memory_space<vmem>> -> memref<1x128xi32, #tpu.memory_space<vmem>>
        %dma_start3A_145 = tpu.memref_squeeze %dma_start3A_144 : memref<1x128xi32, #tpu.memory_space<vmem>> -> memref<128xi32, #tpu.memory_space<vmem>>
        %dma_start3A_146 = arith.constant 0 : i32
        %dma_start3A_147 = arith.constant 0 : i32
        %dma_start3A_148 = tpu.memref_slice %arg23[%dma_start3A_146, %dma_start3A_147] : memref<50176x16xf32, #tpu.memory_space<vmem_shared>> -> memref<50176x16xf32, #tpu.memory_space<vmem_shared>>
        tpu.enqueue_indirect_dma source(%dma_start3A_148 : memref<50176x16xf32, #tpu.memory_space<vmem_shared>>) target(%dma_start3A_142 : memref<128x16xf32, #tpu.memory_space<vmem>>) offsets(%dma_start3A_145 : memref<128xi32, #tpu.memory_space<vmem>>) semaphore(%arg11 : memref<!tpu.dma_semaphore, #tpu.memory_space<semaphore_mem>>)
      }
      %scan3A_116 = arith.constant 4 : i32
      %scan3A_117 = arith.constant 0 : i32
      %scan3A_118 = arith.constant 0 : i32
      %scan3A_119 = arith.constant 4 : i32
      %scan3A_120 = arith.addi %scan3A_118, %scan3A_119 : i32
      %scan3A_121 = arith.constant 1 : i32
      scf.for %scan3A_138 = %scan3A_118 to %scan3A_120 step %scan3A_121  : i32 {
        %mul3A_139 = arith.constant 128 : i32
        %mul3A_140 = arith.muli %scan3A_138, %mul3A_139 : i32
        %dma_wait3A_141 = arith.constant 0 : i32
        %dma_wait3A_142 = tpu.memref_slice %arg14[%mul3A_140, %dma_wait3A_141] : memref<512x16xf32, #tpu.memory_space<vmem>> -> memref<128x16xf32, #tpu.memory_space<vmem>>
        %dma_wait3A_143 = arith.constant 0 : i32
        %dma_wait3A_144 = tpu.memref_slice %arg8[%scan3A_138, %dma_wait3A_143] : memref<4x128xi32, #tpu.memory_space<vmem>> -> memref<1x128xi32, #tpu.memory_space<vmem>>
        %dma_wait3A_145 = tpu.memref_squeeze %dma_wait3A_144 : memref<1x128xi32, #tpu.memory_space<vmem>> -> memref<128xi32, #tpu.memory_space<vmem>>
        %dma_wait3A_146 = arith.constant 0 : i32
        %dma_wait3A_147 = arith.constant 0 : i32
        %dma_wait3A_148 = tpu.memref_slice %arg7[%dma_wait3A_146, %dma_wait3A_147] : memref<50176x16xf32, #tpu.memory_space<vmem_shared>> -> memref<50176x16xf32, #tpu.memory_space<vmem_shared>>
        tpu.wait_indirect_dma semaphore(%arg18 : memref<!tpu.dma_semaphore, #tpu.memory_space<semaphore_mem>>) src(%dma_wait3A_142 : memref<128x16xf32, #tpu.memory_space<vmem>>) dst(%dma_wait3A_148 : memref<50176x16xf32, #tpu.memory_space<vmem_shared>>)
      }
      %scan3A_122 = arith.constant 4 : i32
      %lt3A = arith.constant 97 : i32
      %lt3A_123 = arith.cmpi slt, %scan3A_64, %lt3A : i32
      %convert_element_type3A_124 = arith.extui %lt3A_123 : i1 to i32
      %cond3A_125 = arith.constant 0 : i32
      %cond3A_126 = arith.cmpi ne, %convert_element_type3A_124, %cond3A_125 : i32
      scf.if %cond3A_126 {
        %mul3A_138 = arith.constant 2 : i32
        %mul3A_139 = arith.muli %mul3A_138, %scan3A_64 : i32
        %add3A_140 = arith.constant 2 : i32
        %add3A_141 = arith.addi %mul3A_139, %add3A_140 : i32
        %mul3A_142 = arith.constant 4 : i32
        %mul3A_143 = arith.muli %add3A_141, %mul3A_142 : i32
        %add3A_144 = arith.addi %mul3A_2, %mul3A_143 : i32
        %dma_start3A_145 = arith.constant 0 : i32
        %dma_start3A_146 = tpu.memref_slice %arg3[%add3A_144, %dma_start3A_145] : memref<12544x128xi32, #tpu.memory_space<hbm>> -> memref<4x128xi32, #tpu.memory_space<hbm>>
        %dma_start3A_147 = arith.constant 0 : i32
        %dma_start3A_148 = tpu.memref_slice %arg3[%add3A_144, %dma_start3A_147] : memref<12544x128xi32, #tpu.memory_space<hbm>> -> memref<4x128xi32, #tpu.memory_space<hbm>>
        tpu.enqueue_dma source(%dma_start3A_148 : memref<4x128xi32, #tpu.memory_space<hbm>>) target(%arg16 : memref<4x128xi32, #tpu.memory_space<vmem>>) target_semaphore(%arg12 : memref<!tpu.dma_semaphore, #tpu.memory_space<semaphore_mem>>)
        %dma_start3A_149 = arith.constant 0 : i32
        %dma_start3A_150 = tpu.memref_slice %arg4[%add3A_144, %dma_start3A_149] : memref<12544x128xi32, #tpu.memory_space<hbm>> -> memref<4x128xi32, #tpu.memory_space<hbm>>
        %dma_start3A_151 = arith.constant 0 : i32
        %dma_start3A_152 = tpu.memref_slice %arg4[%add3A_144, %dma_start3A_151] : memref<12544x128xi32, #tpu.memory_space<hbm>> -> memref<4x128xi32, #tpu.memory_space<hbm>>
        tpu.enqueue_dma source(%dma_start3A_152 : memref<4x128xi32, #tpu.memory_space<hbm>>) target(%arg8 : memref<4x128xi32, #tpu.memory_space<vmem>>) target_semaphore(%arg12 : memref<!tpu.dma_semaphore, #tpu.memory_space<semaphore_mem>>)
        %dma_start3A_153 = arith.constant 0 : i32
        %dma_start3A_154 = tpu.memref_slice %arg5[%add3A_144, %dma_start3A_153] : memref<12544x128xf32, #tpu.memory_space<hbm>> -> memref<4x128xf32, #tpu.memory_space<hbm>>
        %dma_start3A_155 = arith.constant 0 : i32
        %dma_start3A_156 = tpu.memref_slice %arg5[%add3A_144, %dma_start3A_155] : memref<12544x128xf32, #tpu.memory_space<hbm>> -> memref<4x128xf32, #tpu.memory_space<hbm>>
        tpu.enqueue_dma source(%dma_start3A_156 : memref<4x128xf32, #tpu.memory_space<hbm>>) target(%arg21 : memref<4x128xf32, #tpu.memory_space<vmem>>) target_semaphore(%arg12 : memref<!tpu.dma_semaphore, #tpu.memory_space<semaphore_mem>>)
      } else {
      }
      %scan3A_127 = arith.constant 0 : i32
      %scan3A_128 = arith.constant 0 : i32
      %scan3A_129 = arith.constant 4 : i32
      %scan3A_130 = arith.addi %scan3A_128, %scan3A_129 : i32
      %scan3A_131 = arith.constant 1 : i32
      scf.for %scan3A_138 = %scan3A_128 to %scan3A_130 step %scan3A_131  : i32 {
        %mul3A_139 = arith.constant 128 : i32
        %mul3A_140 = arith.muli %scan3A_138, %mul3A_139 : i32
        %dma_wait3A_141 = arith.constant 0 : i32
        %dma_wait3A_142 = tpu.memref_slice %arg15[%mul3A_140, %dma_wait3A_141] : memref<512x16xf32, #tpu.memory_space<vmem>> -> memref<128x16xf32, #tpu.memory_space<vmem>>
        %dma_wait3A_143 = arith.constant 0 : i32
        %dma_wait3A_144 = tpu.memref_slice %arg17[%scan3A_138, %dma_wait3A_143] : memref<4x128xi32, #tpu.memory_space<vmem>> -> memref<1x128xi32, #tpu.memory_space<vmem>>
        %dma_wait3A_145 = tpu.memref_squeeze %dma_wait3A_144 : memref<1x128xi32, #tpu.memory_space<vmem>> -> memref<128xi32, #tpu.memory_space<vmem>>
        %dma_wait3A_146 = arith.constant 0 : i32
        %dma_wait3A_147 = arith.constant 0 : i32
        %dma_wait3A_148 = tpu.memref_slice %arg23[%dma_wait3A_146, %dma_wait3A_147] : memref<50176x16xf32, #tpu.memory_space<vmem_shared>> -> memref<50176x16xf32, #tpu.memory_space<vmem_shared>>
        tpu.wait_indirect_dma semaphore(%arg11 : memref<!tpu.dma_semaphore, #tpu.memory_space<semaphore_mem>>) src(%dma_wait3A_148 : memref<50176x16xf32, #tpu.memory_space<vmem_shared>>) dst(%dma_wait3A_142 : memref<128x16xf32, #tpu.memory_space<vmem>>)
        %scan3A_149 = arith.constant 0 : i32
        %scan3A_150 = arith.constant 0 : i32
        %scan3A_151 = arith.constant 8 : i32
        %scan3A_152 = arith.addi %scan3A_150, %scan3A_151 : i32
        %scan3A_153 = arith.constant 1 : i32
        scf.for %scan3A_165 = %scan3A_150 to %scan3A_152 step %scan3A_153  : i32 {
          %mul3A_166 = arith.constant 16 : i32
          %mul3A_167 = arith.muli %scan3A_165, %mul3A_166 : i32
          %get3A = arith.index_cast %scan3A_138 : i32 to index
          %get3A_168 = arith.index_cast %mul3A_167 : i32 to index
          %get3A_169 = tpu.vector_load %arg22[%get3A, %get3A_168] {strides = array<i32>} : memref<4x128xf32, #tpu.memory_space<vmem>>, vector<1x16xf32>,
          %get3A_170 = vector.shape_cast %get3A_169 : vector<1x16xf32> to vector<16xf32>
          %mul3A_171 = arith.constant 128 : i32
          %mul3A_172 = arith.muli %scan3A_138, %mul3A_171 : i32
          %mul3A_173 = arith.constant 16 : i32
          %mul3A_174 = arith.muli %scan3A_165, %mul3A_173 : i32
          %add3A_175 = arith.addi %mul3A_172, %mul3A_174 : i32
          %add3A_176 = arith.constant 0 : i32
          %add3A_177 = arith.addi %add3A_175, %add3A_176 : i32
          %slice3A = vector.extract_strided_slice %get3A_170 {offsets = [0], sizes = [1], strides = [1]} : vector<16xf32> to vector<1xf32>
          %squeeze3A = vector.extract %slice3A[0] : f32 from vector<1xf32>
          %get3A_178 = arith.index_cast %add3A_177 : i32 to index
          %get3A_179 = arith.constant 0 : index
          %get3A_180 = tpu.vector_load %arg15[%get3A_178, %get3A_179] {strides = array<i32>} : memref<512x16xf32, #tpu.memory_space<vmem>>, vector<1x16xf32>,
          %get3A_181 = vector.shape_cast %get3A_180 : vector<1x16xf32> to vector<16xf32>
          %mul3A_182 = vector.broadcast %squeeze3A : f32 to vector<16xf32>
          %mul3A_183 = arith.mulf %get3A_181, %mul3A_182 : vector<16xf32>
          %swap3A = arith.index_cast %add3A_177 : i32 to index
          %swap3A_184 = arith.constant 0 : index
          %swap3A_185 = tpu.vector_load %arg15[%swap3A, %swap3A_184] {strides = array<i32>} : memref<512x16xf32, #tpu.memory_space<vmem>>, vector<1x16xf32>,
          %swap3A_186 = vector.shape_cast %swap3A_185 : vector<1x16xf32> to vector<16xf32>
          %swap3A_187 = vector.shape_cast %mul3A_183 : vector<16xf32> to vector<1x16xf32>
          tpu.vector_store %arg15[%swap3A, %swap3A_184], %swap3A_187 {strides = array<i32>} : memref<512x16xf32, #tpu.memory_space<vmem>>, vector<1x16xf32>,
          %mul3A_188 = arith.constant 128 : i32
          %mul3A_189 = arith.muli %scan3A_138, %mul3A_188 : i32
          %mul3A_190 = arith.constant 16 : i32
          %mul3A_191 = arith.muli %scan3A_165, %mul3A_190 : i32
          %add3A_192 = arith.addi %mul3A_189, %mul3A_191 : i32
          %add3A_193 = arith.constant 1 : i32
          %add3A_194 = arith.addi %add3A_192, %add3A_193 : i32
          %slice3A_195 = vector.extract_strided_slice %get3A_170 {offsets = [1], sizes = [1], strides = [1]} : vector<16xf32> to vector<1xf32>
          %squeeze3A_196 = vector.extract %slice3A_195[0] : f32 from vector<1xf32>
          %get3A_197 = arith.index_cast %add3A_194 : i32 to index
          %get3A_198 = arith.constant 0 : index
          %get3A_199 = tpu.vector_load %arg15[%get3A_197, %get3A_198] {strides = array<i32>} : memref<512x16xf32, #tpu.memory_space<vmem>>, vector<1x16xf32>,
          %get3A_200 = vector.shape_cast %get3A_199 : vector<1x16xf32> to vector<16xf32>
          %mul3A_201 = vector.broadcast %squeeze3A_196 : f32 to vector<16xf32>
          %mul3A_202 = arith.mulf %get3A_200, %mul3A_201 : vector<16xf32>
          %swap3A_203 = arith.index_cast %add3A_194 : i32 to index
          %swap3A_204 = arith.constant 0 : index
          %swap3A_205 = tpu.vector_load %arg15[%swap3A_203, %swap3A_204] {strides = array<i32>} : memref<512x16xf32, #tpu.memory_space<vmem>>, vector<1x16xf32>,
          %swap3A_206 = vector.shape_cast %swap3A_205 : vector<1x16xf32> to vector<16xf32>
          %swap3A_207 = vector.shape_cast %mul3A_202 : vector<16xf32> to vector<1x16xf32>
          tpu.vector_store %arg15[%swap3A_203, %swap3A_204], %swap3A_207 {strides = array<i32>} : memref<512x16xf32, #tpu.memory_space<vmem>>, vector<1x16xf32>,
          %mul3A_208 = arith.constant 128 : i32
          %mul3A_209 = arith.muli %scan3A_138, %mul3A_208 : i32
          %mul3A_210 = arith.constant 16 : i32
          %mul3A_211 = arith.muli %scan3A_165, %mul3A_210 : i32
          %add3A_212 = arith.addi %mul3A_209, %mul3A_211 : i32
          %add3A_213 = arith.constant 2 : i32
          %add3A_214 = arith.addi %add3A_212, %add3A_213 : i32
          %slice3A_215 = vector.extract_strided_slice %get3A_170 {offsets = [2], sizes = [1], strides = [1]} : vector<16xf32> to vector<1xf32>
          %squeeze3A_216 = vector.extract %slice3A_215[0] : f32 from vector<1xf32>
          %get3A_217 = arith.index_cast %add3A_214 : i32 to index
          %get3A_218 = arith.constant 0 : index
          %get3A_219 = tpu.vector_load %arg15[%get3A_217, %get3A_218] {strides = array<i32>} : memref<512x16xf32, #tpu.memory_space<vmem>>, vector<1x16xf32>,
          %get3A_220 = vector.shape_cast %get3A_219 : vector<1x16xf32> to vector<16xf32>
          %mul3A_221 = vector.broadcast %squeeze3A_216 : f32 to vector<16xf32>
          %mul3A_222 = arith.mulf %get3A_220, %mul3A_221 : vector<16xf32>
          %swap3A_223 = arith.index_cast %add3A_214 : i32 to index
          %swap3A_224 = arith.constant 0 : index
          %swap3A_225 = tpu.vector_load %arg15[%swap3A_223, %swap3A_224] {strides = array<i32>} : memref<512x16xf32, #tpu.memory_space<vmem>>, vector<1x16xf32>,
          %swap3A_226 = vector.shape_cast %swap3A_225 : vector<1x16xf32> to vector<16xf32>
          %swap3A_227 = vector.shape_cast %mul3A_222 : vector<16xf32> to vector<1x16xf32>
          tpu.vector_store %arg15[%swap3A_223, %swap3A_224], %swap3A_227 {strides = array<i32>} : memref<512x16xf32, #tpu.memory_space<vmem>>, vector<1x16xf32>,
          %mul3A_228 = arith.constant 128 : i32
          %mul3A_229 = arith.muli %scan3A_138, %mul3A_228 : i32
          %mul3A_230 = arith.constant 16 : i32
          %mul3A_231 = arith.muli %scan3A_165, %mul3A_230 : i32
          %add3A_232 = arith.addi %mul3A_229, %mul3A_231 : i32
          %add3A_233 = arith.constant 3 : i32
          %add3A_234 = arith.addi %add3A_232, %add3A_233 : i32
          %slice3A_235 = vector.extract_strided_slice %get3A_170 {offsets = [3], sizes = [1], strides = [1]} : vector<16xf32> to vector<1xf32>
          %squeeze3A_236 = vector.extract %slice3A_235[0] : f32 from vector<1xf32>
          %get3A_237 = arith.index_cast %add3A_234 : i32 to index
          %get3A_238 = arith.constant 0 : index
          %get3A_239 = tpu.vector_load %arg15[%get3A_237, %get3A_238] {strides = array<i32>} : memref<512x16xf32, #tpu.memory_space<vmem>>, vector<1x16xf32>,
          %get3A_240 = vector.shape_cast %get3A_239 : vector<1x16xf32> to vector<16xf32>
          %mul3A_241 = vector.broadcast %squeeze3A_236 : f32 to vector<16xf32>
          %mul3A_242 = arith.mulf %get3A_240, %mul3A_241 : vector<16xf32>
          %swap3A_243 = arith.index_cast %add3A_234 : i32 to index
          %swap3A_244 = arith.constant 0 : index
          %swap3A_245 = tpu.vector_load %arg15[%swap3A_243, %swap3A_244] {strides = array<i32>} : memref<512x16xf32, #tpu.memory_space<vmem>>, vector<1x16xf32>,
          %swap3A_246 = vector.shape_cast %swap3A_245 : vector<1x16xf32> to vector<16xf32>
          %swap3A_247 = vector.shape_cast %mul3A_242 : vector<16xf32> to vector<1x16xf32>
          tpu.vector_store %arg15[%swap3A_243, %swap3A_244], %swap3A_247 {strides = array<i32>} : memref<512x16xf32, #tpu.memory_space<vmem>>, vector<1x16xf32>,
          %mul3A_248 = arith.constant 128 : i32
          %mul3A_249 = arith.muli %scan3A_138, %mul3A_248 : i32
          %mul3A_250 = arith.constant 16 : i32
          %mul3A_251 = arith.muli %scan3A_165, %mul3A_250 : i32
          %add3A_252 = arith.addi %mul3A_249, %mul3A_251 : i32
          %add3A_253 = arith.constant 4 : i32
          %add3A_254 = arith.addi %add3A_252, %add3A_253 : i32
          %slice3A_255 = vector.extract_strided_slice %get3A_170 {offsets = [4], sizes = [1], strides = [1]} : vector<16xf32> to vector<1xf32>
          %squeeze3A_256 = vector.extract %slice3A_255[0] : f32 from vector<1xf32>
          %get3A_257 = arith.index_cast %add3A_254 : i32 to index
          %get3A_258 = arith.constant 0 : index
          %get3A_259 = tpu.vector_load %arg15[%get3A_257, %get3A_258] {strides = array<i32>} : memref<512x16xf32, #tpu.memory_space<vmem>>, vector<1x16xf32>,
          %get3A_260 = vector.shape_cast %get3A_259 : vector<1x16xf32> to vector<16xf32>
          %mul3A_261 = vector.broadcast %squeeze3A_256 : f32 to vector<16xf32>
          %mul3A_262 = arith.mulf %get3A_260, %mul3A_261 : vector<16xf32>
          %swap3A_263 = arith.index_cast %add3A_254 : i32 to index
          %swap3A_264 = arith.constant 0 : index
          %swap3A_265 = tpu.vector_load %arg15[%swap3A_263, %swap3A_264] {strides = array<i32>} : memref<512x16xf32, #tpu.memory_space<vmem>>, vector<1x16xf32>,
          %swap3A_266 = vector.shape_cast %swap3A_265 : vector<1x16xf32> to vector<16xf32>
          %swap3A_267 = vector.shape_cast %mul3A_262 : vector<16xf32> to vector<1x16xf32>
          tpu.vector_store %arg15[%swap3A_263, %swap3A_264], %swap3A_267 {strides = array<i32>} : memref<512x16xf32, #tpu.memory_space<vmem>>, vector<1x16xf32>,
          %mul3A_268 = arith.constant 128 : i32
          %mul3A_269 = arith.muli %scan3A_138, %mul3A_268 : i32
          %mul3A_270 = arith.constant 16 : i32
          %mul3A_271 = arith.muli %scan3A_165, %mul3A_270 : i32
          %add3A_272 = arith.addi %mul3A_269, %mul3A_271 : i32
          %add3A_273 = arith.constant 5 : i32
          %add3A_274 = arith.addi %add3A_272, %add3A_273 : i32
          %slice3A_275 = vector.extract_strided_slice %get3A_170 {offsets = [5], sizes = [1], strides = [1]} : vector<16xf32> to vector<1xf32>
          %squeeze3A_276 = vector.extract %slice3A_275[0] : f32 from vector<1xf32>
          %get3A_277 = arith.index_cast %add3A_274 : i32 to index
          %get3A_278 = arith.constant 0 : index
          %get3A_279 = tpu.vector_load %arg15[%get3A_277, %get3A_278] {strides = array<i32>} : memref<512x16xf32, #tpu.memory_space<vmem>>, vector<1x16xf32>,
          %get3A_280 = vector.shape_cast %get3A_279 : vector<1x16xf32> to vector<16xf32>
          %mul3A_281 = vector.broadcast %squeeze3A_276 : f32 to vector<16xf32>
          %mul3A_282 = arith.mulf %get3A_280, %mul3A_281 : vector<16xf32>
          %swap3A_283 = arith.index_cast %add3A_274 : i32 to index
          %swap3A_284 = arith.constant 0 : index
          %swap3A_285 = tpu.vector_load %arg15[%swap3A_283, %swap3A_284] {strides = array<i32>} : memref<512x16xf32, #tpu.memory_space<vmem>>, vector<1x16xf32>,
          %swap3A_286 = vector.shape_cast %swap3A_285 : vector<1x16xf32> to vector<16xf32>
          %swap3A_287 = vector.shape_cast %mul3A_282 : vector<16xf32> to vector<1x16xf32>
          tpu.vector_store %arg15[%swap3A_283, %swap3A_284], %swap3A_287 {strides = array<i32>} : memref<512x16xf32, #tpu.memory_space<vmem>>, vector<1x16xf32>,
          %mul3A_288 = arith.constant 128 : i32
          %mul3A_289 = arith.muli %scan3A_138, %mul3A_288 : i32
          %mul3A_290 = arith.constant 16 : i32
          %mul3A_291 = arith.muli %scan3A_165, %mul3A_290 : i32
          %add3A_292 = arith.addi %mul3A_289, %mul3A_291 : i32
          %add3A_293 = arith.constant 6 : i32
          %add3A_294 = arith.addi %add3A_292, %add3A_293 : i32
          %slice3A_295 = vector.extract_strided_slice %get3A_170 {offsets = [6], sizes = [1], strides = [1]} : vector<16xf32> to vector<1xf32>
          %squeeze3A_296 = vector.extract %slice3A_295[0] : f32 from vector<1xf32>
          %get3A_297 = arith.index_cast %add3A_294 : i32 to index
          %get3A_298 = arith.constant 0 : index
          %get3A_299 = tpu.vector_load %arg15[%get3A_297, %get3A_298] {strides = array<i32>} : memref<512x16xf32, #tpu.memory_space<vmem>>, vector<1x16xf32>,
          %get3A_300 = vector.shape_cast %get3A_299 : vector<1x16xf32> to vector<16xf32>
          %mul3A_301 = vector.broadcast %squeeze3A_296 : f32 to vector<16xf32>
          %mul3A_302 = arith.mulf %get3A_300, %mul3A_301 : vector<16xf32>
          %swap3A_303 = arith.index_cast %add3A_294 : i32 to index
          %swap3A_304 = arith.constant 0 : index
          %swap3A_305 = tpu.vector_load %arg15[%swap3A_303, %swap3A_304] {strides = array<i32>} : memref<512x16xf32, #tpu.memory_space<vmem>>, vector<1x16xf32>,
          %swap3A_306 = vector.shape_cast %swap3A_305 : vector<1x16xf32> to vector<16xf32>
          %swap3A_307 = vector.shape_cast %mul3A_302 : vector<16xf32> to vector<1x16xf32>
          tpu.vector_store %arg15[%swap3A_303, %swap3A_304], %swap3A_307 {strides = array<i32>} : memref<512x16xf32, #tpu.memory_space<vmem>>, vector<1x16xf32>,
          %mul3A_308 = arith.constant 128 : i32
          %mul3A_309 = arith.muli %scan3A_138, %mul3A_308 : i32
          %mul3A_310 = arith.constant 16 : i32
          %mul3A_311 = arith.muli %scan3A_165, %mul3A_310 : i32
          %add3A_312 = arith.addi %mul3A_309, %mul3A_311 : i32
          %add3A_313 = arith.constant 7 : i32
          %add3A_314 = arith.addi %add3A_312, %add3A_313 : i32
          %slice3A_315 = vector.extract_strided_slice %get3A_170 {offsets = [7], sizes = [1], strides = [1]} : vector<16xf32> to vector<1xf32>
          %squeeze3A_316 = vector.extract %slice3A_315[0] : f32 from vector<1xf32>
          %get3A_317 = arith.index_cast %add3A_314 : i32 to index
          %get3A_318 = arith.constant 0 : index
          %get3A_319 = tpu.vector_load %arg15[%get3A_317, %get3A_318] {strides = array<i32>} : memref<512x16xf32, #tpu.memory_space<vmem>>, vector<1x16xf32>,
          %get3A_320 = vector.shape_cast %get3A_319 : vector<1x16xf32> to vector<16xf32>
          %mul3A_321 = vector.broadcast %squeeze3A_316 : f32 to vector<16xf32>
          %mul3A_322 = arith.mulf %get3A_320, %mul3A_321 : vector<16xf32>
          %swap3A_323 = arith.index_cast %add3A_314 : i32 to index
          %swap3A_324 = arith.constant 0 : index
          %swap3A_325 = tpu.vector_load %arg15[%swap3A_323, %swap3A_324] {strides = array<i32>} : memref<512x16xf32, #tpu.memory_space<vmem>>, vector<1x16xf32>,
          %swap3A_326 = vector.shape_cast %swap3A_325 : vector<1x16xf32> to vector<16xf32>
          %swap3A_327 = vector.shape_cast %mul3A_322 : vector<16xf32> to vector<1x16xf32>
          tpu.vector_store %arg15[%swap3A_323, %swap3A_324], %swap3A_327 {strides = array<i32>} : memref<512x16xf32, #tpu.memory_space<vmem>>, vector<1x16xf32>,
          %mul3A_328 = arith.constant 128 : i32
          %mul3A_329 = arith.muli %scan3A_138, %mul3A_328 : i32
          %mul3A_330 = arith.constant 16 : i32
          %mul3A_331 = arith.muli %scan3A_165, %mul3A_330 : i32
          %add3A_332 = arith.addi %mul3A_329, %mul3A_331 : i32
          %add3A_333 = arith.constant 8 : i32
          %add3A_334 = arith.addi %add3A_332, %add3A_333 : i32
          %slice3A_335 = vector.extract_strided_slice %get3A_170 {offsets = [8], sizes = [1], strides = [1]} : vector<16xf32> to vector<1xf32>
          %squeeze3A_336 = vector.extract %slice3A_335[0] : f32 from vector<1xf32>
          %get3A_337 = arith.index_cast %add3A_334 : i32 to index
          %get3A_338 = arith.constant 0 : index
          %get3A_339 = tpu.vector_load %arg15[%get3A_337, %get3A_338] {strides = array<i32>} : memref<512x16xf32, #tpu.memory_space<vmem>>, vector<1x16xf32>,
          %get3A_340 = vector.shape_cast %get3A_339 : vector<1x16xf32> to vector<16xf32>
          %mul3A_341 = vector.broadcast %squeeze3A_336 : f32 to vector<16xf32>
          %mul3A_342 = arith.mulf %get3A_340, %mul3A_341 : vector<16xf32>
          %swap3A_343 = arith.index_cast %add3A_334 : i32 to index
          %swap3A_344 = arith.constant 0 : index
          %swap3A_345 = tpu.vector_load %arg15[%swap3A_343, %swap3A_344] {strides = array<i32>} : memref<512x16xf32, #tpu.memory_space<vmem>>, vector<1x16xf32>,
          %swap3A_346 = vector.shape_cast %swap3A_345 : vector<1x16xf32> to vector<16xf32>
          %swap3A_347 = vector.shape_cast %mul3A_342 : vector<16xf32> to vector<1x16xf32>
          tpu.vector_store %arg15[%swap3A_343, %swap3A_344], %swap3A_347 {strides = array<i32>} : memref<512x16xf32, #tpu.memory_space<vmem>>, vector<1x16xf32>,
          %mul3A_348 = arith.constant 128 : i32
          %mul3A_349 = arith.muli %scan3A_138, %mul3A_348 : i32
          %mul3A_350 = arith.constant 16 : i32
          %mul3A_351 = arith.muli %scan3A_165, %mul3A_350 : i32
          %add3A_352 = arith.addi %mul3A_349, %mul3A_351 : i32
          %add3A_353 = arith.constant 9 : i32
          %add3A_354 = arith.addi %add3A_352, %add3A_353 : i32
          %slice3A_355 = vector.extract_strided_slice %get3A_170 {offsets = [9], sizes = [1], strides = [1]} : vector<16xf32> to vector<1xf32>
          %squeeze3A_356 = vector.extract %slice3A_355[0] : f32 from vector<1xf32>
          %get3A_357 = arith.index_cast %add3A_354 : i32 to index
          %get3A_358 = arith.constant 0 : index
          %get3A_359 = tpu.vector_load %arg15[%get3A_357, %get3A_358] {strides = array<i32>} : memref<512x16xf32, #tpu.memory_space<vmem>>, vector<1x16xf32>,
          %get3A_360 = vector.shape_cast %get3A_359 : vector<1x16xf32> to vector<16xf32>
          %mul3A_361 = vector.broadcast %squeeze3A_356 : f32 to vector<16xf32>
          %mul3A_362 = arith.mulf %get3A_360, %mul3A_361 : vector<16xf32>
          %swap3A_363 = arith.index_cast %add3A_354 : i32 to index
          %swap3A_364 = arith.constant 0 : index
          %swap3A_365 = tpu.vector_load %arg15[%swap3A_363, %swap3A_364] {strides = array<i32>} : memref<512x16xf32, #tpu.memory_space<vmem>>, vector<1x16xf32>,
          %swap3A_366 = vector.shape_cast %swap3A_365 : vector<1x16xf32> to vector<16xf32>
          %swap3A_367 = vector.shape_cast %mul3A_362 : vector<16xf32> to vector<1x16xf32>
          tpu.vector_store %arg15[%swap3A_363, %swap3A_364], %swap3A_367 {strides = array<i32>} : memref<512x16xf32, #tpu.memory_space<vmem>>, vector<1x16xf32>,
          %mul3A_368 = arith.constant 128 : i32
          %mul3A_369 = arith.muli %scan3A_138, %mul3A_368 : i32
          %mul3A_370 = arith.constant 16 : i32
          %mul3A_371 = arith.muli %scan3A_165, %mul3A_370 : i32
          %add3A_372 = arith.addi %mul3A_369, %mul3A_371 : i32
          %add3A_373 = arith.constant 10 : i32
          %add3A_374 = arith.addi %add3A_372, %add3A_373 : i32
          %slice3A_375 = vector.extract_strided_slice %get3A_170 {offsets = [10], sizes = [1], strides = [1]} : vector<16xf32> to vector<1xf32>
          %squeeze3A_376 = vector.extract %slice3A_375[0] : f32 from vector<1xf32>
          %get3A_377 = arith.index_cast %add3A_374 : i32 to index
          %get3A_378 = arith.constant 0 : index
          %get3A_379 = tpu.vector_load %arg15[%get3A_377, %get3A_378] {strides = array<i32>} : memref<512x16xf32, #tpu.memory_space<vmem>>, vector<1x16xf32>,
          %get3A_380 = vector.shape_cast %get3A_379 : vector<1x16xf32> to vector<16xf32>
          %mul3A_381 = vector.broadcast %squeeze3A_376 : f32 to vector<16xf32>
          %mul3A_382 = arith.mulf %get3A_380, %mul3A_381 : vector<16xf32>
          %swap3A_383 = arith.index_cast %add3A_374 : i32 to index
          %swap3A_384 = arith.constant 0 : index
          %swap3A_385 = tpu.vector_load %arg15[%swap3A_383, %swap3A_384] {strides = array<i32>} : memref<512x16xf32, #tpu.memory_space<vmem>>, vector<1x16xf32>,
          %swap3A_386 = vector.shape_cast %swap3A_385 : vector<1x16xf32> to vector<16xf32>
          %swap3A_387 = vector.shape_cast %mul3A_382 : vector<16xf32> to vector<1x16xf32>
          tpu.vector_store %arg15[%swap3A_383, %swap3A_384], %swap3A_387 {strides = array<i32>} : memref<512x16xf32, #tpu.memory_space<vmem>>, vector<1x16xf32>,
          %mul3A_388 = arith.constant 128 : i32
          %mul3A_389 = arith.muli %scan3A_138, %mul3A_388 : i32
          %mul3A_390 = arith.constant 16 : i32
          %mul3A_391 = arith.muli %scan3A_165, %mul3A_390 : i32
          %add3A_392 = arith.addi %mul3A_389, %mul3A_391 : i32
          %add3A_393 = arith.constant 11 : i32
          %add3A_394 = arith.addi %add3A_392, %add3A_393 : i32
          %slice3A_395 = vector.extract_strided_slice %get3A_170 {offsets = [11], sizes = [1], strides = [1]} : vector<16xf32> to vector<1xf32>
          %squeeze3A_396 = vector.extract %slice3A_395[0] : f32 from vector<1xf32>
          %get3A_397 = arith.index_cast %add3A_394 : i32 to index
          %get3A_398 = arith.constant 0 : index
          %get3A_399 = tpu.vector_load %arg15[%get3A_397, %get3A_398] {strides = array<i32>} : memref<512x16xf32, #tpu.memory_space<vmem>>, vector<1x16xf32>,
          %get3A_400 = vector.shape_cast %get3A_399 : vector<1x16xf32> to vector<16xf32>
          %mul3A_401 = vector.broadcast %squeeze3A_396 : f32 to vector<16xf32>
          %mul3A_402 = arith.mulf %get3A_400, %mul3A_401 : vector<16xf32>
          %swap3A_403 = arith.index_cast %add3A_394 : i32 to index
          %swap3A_404 = arith.constant 0 : index
          %swap3A_405 = tpu.vector_load %arg15[%swap3A_403, %swap3A_404] {strides = array<i32>} : memref<512x16xf32, #tpu.memory_space<vmem>>, vector<1x16xf32>,
          %swap3A_406 = vector.shape_cast %swap3A_405 : vector<1x16xf32> to vector<16xf32>
          %swap3A_407 = vector.shape_cast %mul3A_402 : vector<16xf32> to vector<1x16xf32>
          tpu.vector_store %arg15[%swap3A_403, %swap3A_404], %swap3A_407 {strides = array<i32>} : memref<512x16xf32, #tpu.memory_space<vmem>>, vector<1x16xf32>,
          %mul3A_408 = arith.constant 128 : i32
          %mul3A_409 = arith.muli %scan3A_138, %mul3A_408 : i32
          %mul3A_410 = arith.constant 16 : i32
          %mul3A_411 = arith.muli %scan3A_165, %mul3A_410 : i32
          %add3A_412 = arith.addi %mul3A_409, %mul3A_411 : i32
          %add3A_413 = arith.constant 12 : i32
          %add3A_414 = arith.addi %add3A_412, %add3A_413 : i32
          %slice3A_415 = vector.extract_strided_slice %get3A_170 {offsets = [12], sizes = [1], strides = [1]} : vector<16xf32> to vector<1xf32>
          %squeeze3A_416 = vector.extract %slice3A_415[0] : f32 from vector<1xf32>
          %get3A_417 = arith.index_cast %add3A_414 : i32 to index
          %get3A_418 = arith.constant 0 : index
          %get3A_419 = tpu.vector_load %arg15[%get3A_417, %get3A_418] {strides = array<i32>} : memref<512x16xf32, #tpu.memory_space<vmem>>, vector<1x16xf32>,
          %get3A_420 = vector.shape_cast %get3A_419 : vector<1x16xf32> to vector<16xf32>
          %mul3A_421 = vector.broadcast %squeeze3A_416 : f32 to vector<16xf32>
          %mul3A_422 = arith.mulf %get3A_420, %mul3A_421 : vector<16xf32>
          %swap3A_423 = arith.index_cast %add3A_414 : i32 to index
          %swap3A_424 = arith.constant 0 : index
          %swap3A_425 = tpu.vector_load %arg15[%swap3A_423, %swap3A_424] {strides = array<i32>} : memref<512x16xf32, #tpu.memory_space<vmem>>, vector<1x16xf32>,
          %swap3A_426 = vector.shape_cast %swap3A_425 : vector<1x16xf32> to vector<16xf32>
          %swap3A_427 = vector.shape_cast %mul3A_422 : vector<16xf32> to vector<1x16xf32>
          tpu.vector_store %arg15[%swap3A_423, %swap3A_424], %swap3A_427 {strides = array<i32>} : memref<512x16xf32, #tpu.memory_space<vmem>>, vector<1x16xf32>,
          %mul3A_428 = arith.constant 128 : i32
          %mul3A_429 = arith.muli %scan3A_138, %mul3A_428 : i32
          %mul3A_430 = arith.constant 16 : i32
          %mul3A_431 = arith.muli %scan3A_165, %mul3A_430 : i32
          %add3A_432 = arith.addi %mul3A_429, %mul3A_431 : i32
          %add3A_433 = arith.constant 13 : i32
          %add3A_434 = arith.addi %add3A_432, %add3A_433 : i32
          %slice3A_435 = vector.extract_strided_slice %get3A_170 {offsets = [13], sizes = [1], strides = [1]} : vector<16xf32> to vector<1xf32>
          %squeeze3A_436 = vector.extract %slice3A_435[0] : f32 from vector<1xf32>
          %get3A_437 = arith.index_cast %add3A_434 : i32 to index
          %get3A_438 = arith.constant 0 : index
          %get3A_439 = tpu.vector_load %arg15[%get3A_437, %get3A_438] {strides = array<i32>} : memref<512x16xf32, #tpu.memory_space<vmem>>, vector<1x16xf32>,
          %get3A_440 = vector.shape_cast %get3A_439 : vector<1x16xf32> to vector<16xf32>
          %mul3A_441 = vector.broadcast %squeeze3A_436 : f32 to vector<16xf32>
          %mul3A_442 = arith.mulf %get3A_440, %mul3A_441 : vector<16xf32>
          %swap3A_443 = arith.index_cast %add3A_434 : i32 to index
          %swap3A_444 = arith.constant 0 : index
          %swap3A_445 = tpu.vector_load %arg15[%swap3A_443, %swap3A_444] {strides = array<i32>} : memref<512x16xf32, #tpu.memory_space<vmem>>, vector<1x16xf32>,
          %swap3A_446 = vector.shape_cast %swap3A_445 : vector<1x16xf32> to vector<16xf32>
          %swap3A_447 = vector.shape_cast %mul3A_442 : vector<16xf32> to vector<1x16xf32>
          tpu.vector_store %arg15[%swap3A_443, %swap3A_444], %swap3A_447 {strides = array<i32>} : memref<512x16xf32, #tpu.memory_space<vmem>>, vector<1x16xf32>,
          %mul3A_448 = arith.constant 128 : i32
          %mul3A_449 = arith.muli %scan3A_138, %mul3A_448 : i32
          %mul3A_450 = arith.constant 16 : i32
          %mul3A_451 = arith.muli %scan3A_165, %mul3A_450 : i32
          %add3A_452 = arith.addi %mul3A_449, %mul3A_451 : i32
          %add3A_453 = arith.constant 14 : i32
          %add3A_454 = arith.addi %add3A_452, %add3A_453 : i32
          %slice3A_455 = vector.extract_strided_slice %get3A_170 {offsets = [14], sizes = [1], strides = [1]} : vector<16xf32> to vector<1xf32>
          %squeeze3A_456 = vector.extract %slice3A_455[0] : f32 from vector<1xf32>
          %get3A_457 = arith.index_cast %add3A_454 : i32 to index
          %get3A_458 = arith.constant 0 : index
          %get3A_459 = tpu.vector_load %arg15[%get3A_457, %get3A_458] {strides = array<i32>} : memref<512x16xf32, #tpu.memory_space<vmem>>, vector<1x16xf32>,
          %get3A_460 = vector.shape_cast %get3A_459 : vector<1x16xf32> to vector<16xf32>
          %mul3A_461 = vector.broadcast %squeeze3A_456 : f32 to vector<16xf32>
          %mul3A_462 = arith.mulf %get3A_460, %mul3A_461 : vector<16xf32>
          %swap3A_463 = arith.index_cast %add3A_454 : i32 to index
          %swap3A_464 = arith.constant 0 : index
          %swap3A_465 = tpu.vector_load %arg15[%swap3A_463, %swap3A_464] {strides = array<i32>} : memref<512x16xf32, #tpu.memory_space<vmem>>, vector<1x16xf32>,
          %swap3A_466 = vector.shape_cast %swap3A_465 : vector<1x16xf32> to vector<16xf32>
          %swap3A_467 = vector.shape_cast %mul3A_462 : vector<16xf32> to vector<1x16xf32>
          tpu.vector_store %arg15[%swap3A_463, %swap3A_464], %swap3A_467 {strides = array<i32>} : memref<512x16xf32, #tpu.memory_space<vmem>>, vector<1x16xf32>,
          %mul3A_468 = arith.constant 128 : i32
          %mul3A_469 = arith.muli %scan3A_138, %mul3A_468 : i32
          %mul3A_470 = arith.constant 16 : i32
          %mul3A_471 = arith.muli %scan3A_165, %mul3A_470 : i32
          %add3A_472 = arith.addi %mul3A_469, %mul3A_471 : i32
          %add3A_473 = arith.constant 15 : i32
          %add3A_474 = arith.addi %add3A_472, %add3A_473 : i32
          %slice3A_475 = vector.extract_strided_slice %get3A_170 {offsets = [15], sizes = [1], strides = [1]} : vector<16xf32> to vector<1xf32>
          %squeeze3A_476 = vector.extract %slice3A_475[0] : f32 from vector<1xf32>
          %get3A_477 = arith.index_cast %add3A_474 : i32 to index
          %get3A_478 = arith.constant 0 : index
          %get3A_479 = tpu.vector_load %arg15[%get3A_477, %get3A_478] {strides = array<i32>} : memref<512x16xf32, #tpu.memory_space<vmem>>, vector<1x16xf32>,
          %get3A_480 = vector.shape_cast %get3A_479 : vector<1x16xf32> to vector<16xf32>
          %mul3A_481 = vector.broadcast %squeeze3A_476 : f32 to vector<16xf32>
          %mul3A_482 = arith.mulf %get3A_480, %mul3A_481 : vector<16xf32>
          %swap3A_483 = arith.index_cast %add3A_474 : i32 to index
          %swap3A_484 = arith.constant 0 : index
          %swap3A_485 = tpu.vector_load %arg15[%swap3A_483, %swap3A_484] {strides = array<i32>} : memref<512x16xf32, #tpu.memory_space<vmem>>, vector<1x16xf32>,
          %swap3A_486 = vector.shape_cast %swap3A_485 : vector<1x16xf32> to vector<16xf32>
          %swap3A_487 = vector.shape_cast %mul3A_482 : vector<16xf32> to vector<1x16xf32>
          tpu.vector_store %arg15[%swap3A_483, %swap3A_484], %swap3A_487 {strides = array<i32>} : memref<512x16xf32, #tpu.memory_space<vmem>>, vector<1x16xf32>,
        }
        %scan3A_154 = arith.constant 8 : i32
        %mul3A_155 = arith.constant 128 : i32
        %mul3A_156 = arith.muli %scan3A_138, %mul3A_155 : i32
        %dma_start3A_157 = arith.constant 0 : i32
        %dma_start3A_158 = tpu.memref_slice %arg15[%mul3A_156, %dma_start3A_157] : memref<512x16xf32, #tpu.memory_space<vmem>> -> memref<128x16xf32, #tpu.memory_space<vmem>>
        %dma_start3A_159 = arith.constant 0 : i32
        %dma_start3A_160 = tpu.memref_slice %arg9[%scan3A_138, %dma_start3A_159] : memref<4x128xi32, #tpu.memory_space<vmem>> -> memref<1x128xi32, #tpu.memory_space<vmem>>
        %dma_start3A_161 = tpu.memref_squeeze %dma_start3A_160 : memref<1x128xi32, #tpu.memory_space<vmem>> -> memref<128xi32, #tpu.memory_space<vmem>>
        %dma_start3A_162 = arith.constant 0 : i32
        %dma_start3A_163 = arith.constant 0 : i32
        %dma_start3A_164 = tpu.memref_slice %arg7[%dma_start3A_162, %dma_start3A_163] : memref<50176x16xf32, #tpu.memory_space<vmem_shared>> -> memref<50176x16xf32, #tpu.memory_space<vmem_shared>>
        tpu.enqueue_indirect_dma source(%dma_start3A_158 : memref<128x16xf32, #tpu.memory_space<vmem>>) target(%dma_start3A_164 : memref<50176x16xf32, #tpu.memory_space<vmem_shared>>) offsets(%dma_start3A_161 : memref<128xi32, #tpu.memory_space<vmem>>) semaphore(%arg19 : memref<!tpu.dma_semaphore, #tpu.memory_space<semaphore_mem>>) {add = true}
      }
      %scan3A_132 = arith.constant 4 : i32
      %lt3A_133 = arith.constant 97 : i32
      %lt3A_134 = arith.cmpi slt, %scan3A_64, %lt3A_133 : i32
      %convert_element_type3A_135 = arith.extui %lt3A_134 : i1 to i32
      %cond3A_136 = arith.constant 0 : i32
      %cond3A_137 = arith.cmpi ne, %convert_element_type3A_135, %cond3A_136 : i32
      scf.if %cond3A_137 {
        %mul3A_138 = arith.constant 2 : i32
        %mul3A_139 = arith.muli %mul3A_138, %scan3A_64 : i32
        %add3A_140 = arith.constant 2 : i32
        %add3A_141 = arith.addi %mul3A_139, %add3A_140 : i32
        %mul3A_142 = arith.constant 4 : i32
        %mul3A_143 = arith.muli %add3A_141, %mul3A_142 : i32
        %add3A_144 = arith.addi %mul3A_2, %mul3A_143 : i32
        %dma_wait3A_145 = arith.constant 0 : i32
        %dma_wait3A_146 = tpu.memref_slice %arg3[%add3A_144, %dma_wait3A_145] : memref<12544x128xi32, #tpu.memory_space<hbm>> -> memref<4x128xi32, #tpu.memory_space<hbm>>
        %dma_wait3A_147 = arith.constant 0 : i32
        %dma_wait3A_148 = tpu.memref_slice %arg3[%add3A_144, %dma_wait3A_147] : memref<12544x128xi32, #tpu.memory_space<hbm>> -> memref<4x128xi32, #tpu.memory_space<hbm>>
        tpu.wait_dma2 semaphore(%arg12 : memref<!tpu.dma_semaphore, #tpu.memory_space<semaphore_mem>>) src(%dma_wait3A_148 : memref<4x128xi32, #tpu.memory_space<hbm>>) dst(%arg16 : memref<4x128xi32, #tpu.memory_space<vmem>>)
        %dma_wait3A_149 = arith.constant 0 : i32
        %dma_wait3A_150 = tpu.memref_slice %arg4[%add3A_144, %dma_wait3A_149] : memref<12544x128xi32, #tpu.memory_space<hbm>> -> memref<4x128xi32, #tpu.memory_space<hbm>>
        %dma_wait3A_151 = arith.constant 0 : i32
        %dma_wait3A_152 = tpu.memref_slice %arg4[%add3A_144, %dma_wait3A_151] : memref<12544x128xi32, #tpu.memory_space<hbm>> -> memref<4x128xi32, #tpu.memory_space<hbm>>
        tpu.wait_dma2 semaphore(%arg12 : memref<!tpu.dma_semaphore, #tpu.memory_space<semaphore_mem>>) src(%dma_wait3A_152 : memref<4x128xi32, #tpu.memory_space<hbm>>) dst(%arg8 : memref<4x128xi32, #tpu.memory_space<vmem>>)
        %dma_wait3A_153 = arith.constant 0 : i32
        %dma_wait3A_154 = tpu.memref_slice %arg5[%add3A_144, %dma_wait3A_153] : memref<12544x128xf32, #tpu.memory_space<hbm>> -> memref<4x128xf32, #tpu.memory_space<hbm>>
        %dma_wait3A_155 = arith.constant 0 : i32
        %dma_wait3A_156 = tpu.memref_slice %arg5[%add3A_144, %dma_wait3A_155] : memref<12544x128xf32, #tpu.memory_space<hbm>> -> memref<4x128xf32, #tpu.memory_space<hbm>>
        tpu.wait_dma2 semaphore(%arg12 : memref<!tpu.dma_semaphore, #tpu.memory_space<semaphore_mem>>) src(%dma_wait3A_156 : memref<4x128xf32, #tpu.memory_space<hbm>>) dst(%arg21 : memref<4x128xf32, #tpu.memory_space<vmem>>)
        %scan3A_157 = arith.constant 0 : i32
        %scan3A_158 = arith.constant 0 : i32
        %scan3A_159 = arith.constant 4 : i32
        %scan3A_160 = arith.addi %scan3A_158, %scan3A_159 : i32
        %scan3A_161 = arith.constant 1 : i32
        scf.for %scan3A_163 = %scan3A_158 to %scan3A_160 step %scan3A_161  : i32 {
          %mul3A_164 = arith.constant 128 : i32
          %mul3A_165 = arith.muli %scan3A_163, %mul3A_164 : i32
          %dma_start3A_166 = arith.constant 0 : i32
          %dma_start3A_167 = tpu.memref_slice %arg14[%mul3A_165, %dma_start3A_166] : memref<512x16xf32, #tpu.memory_space<vmem>> -> memref<128x16xf32, #tpu.memory_space<vmem>>
          %dma_start3A_168 = arith.constant 0 : i32
          %dma_start3A_169 = tpu.memref_slice %arg16[%scan3A_163, %dma_start3A_168] : memref<4x128xi32, #tpu.memory_space<vmem>> -> memref<1x128xi32, #tpu.memory_space<vmem>>
          %dma_start3A_170 = tpu.memref_squeeze %dma_start3A_169 : memref<1x128xi32, #tpu.memory_space<vmem>> -> memref<128xi32, #tpu.memory_space<vmem>>
          %dma_start3A_171 = arith.constant 0 : i32
          %dma_start3A_172 = arith.constant 0 : i32
          %dma_start3A_173 = tpu.memref_slice %arg23[%dma_start3A_171, %dma_start3A_172] : memref<50176x16xf32, #tpu.memory_space<vmem_shared>> -> memref<50176x16xf32, #tpu.memory_space<vmem_shared>>
          tpu.enqueue_indirect_dma source(%dma_start3A_173 : memref<50176x16xf32, #tpu.memory_space<vmem_shared>>) target(%dma_start3A_167 : memref<128x16xf32, #tpu.memory_space<vmem>>) offsets(%dma_start3A_170 : memref<128xi32, #tpu.memory_space<vmem>>) semaphore(%arg10 : memref<!tpu.dma_semaphore, #tpu.memory_space<semaphore_mem>>)
        }
        %scan3A_162 = arith.constant 4 : i32
      } else {
      }
    }
    %scan3A_50 = arith.constant 98 : i32
    %scan3A_51 = arith.constant 0 : i32
    %scan3A_52 = arith.constant 0 : i32
    %scan3A_53 = arith.constant 4 : i32
    %scan3A_54 = arith.addi %scan3A_52, %scan3A_53 : i32
    %scan3A_55 = arith.constant 1 : i32
    scf.for %scan3A_64 = %scan3A_52 to %scan3A_54 step %scan3A_55  : i32 {
      %mul3A_65 = arith.constant 128 : i32
      %mul3A_66 = arith.muli %scan3A_64, %mul3A_65 : i32
      %dma_wait3A_67 = arith.constant 0 : i32
      %dma_wait3A_68 = tpu.memref_slice %arg15[%mul3A_66, %dma_wait3A_67] : memref<512x16xf32, #tpu.memory_space<vmem>> -> memref<128x16xf32, #tpu.memory_space<vmem>>
      %dma_wait3A_69 = arith.constant 0 : i32
      %dma_wait3A_70 = tpu.memref_slice %arg9[%scan3A_64, %dma_wait3A_69] : memref<4x128xi32, #tpu.memory_space<vmem>> -> memref<1x128xi32, #tpu.memory_space<vmem>>
      %dma_wait3A_71 = tpu.memref_squeeze %dma_wait3A_70 : memref<1x128xi32, #tpu.memory_space<vmem>> -> memref<128xi32, #tpu.memory_space<vmem>>
      %dma_wait3A_72 = arith.constant 0 : i32
      %dma_wait3A_73 = arith.constant 0 : i32
      %dma_wait3A_74 = tpu.memref_slice %arg7[%dma_wait3A_72, %dma_wait3A_73] : memref<50176x16xf32, #tpu.memory_space<vmem_shared>> -> memref<50176x16xf32, #tpu.memory_space<vmem_shared>>
      tpu.wait_indirect_dma semaphore(%arg19 : memref<!tpu.dma_semaphore, #tpu.memory_space<semaphore_mem>>) src(%dma_wait3A_68 : memref<128x16xf32, #tpu.memory_space<vmem>>) dst(%dma_wait3A_74 : memref<50176x16xf32, #tpu.memory_space<vmem_shared>>)
    }
    %scan3A_56 = arith.constant 4 : i32
    %barrier3A_57 = arith.constant 0 : index
    tpu.barrier barrier_id(%barrier3A_57)
    %scan3A_58 = arith.constant 0 : i32
    %scan3A_59 = arith.constant 0 : i32
    %scan3A_60 = arith.constant 28 : i32
    %scan3A_61 = arith.addi %scan3A_59, %scan3A_60 : i32
    %scan3A_62 = arith.constant 1 : i32
    scf.for %scan3A_64 = %scan3A_59 to %scan3A_61 step %scan3A_62  : i32 {
      %mul3A_65 = arith.constant 112 : i32
      %mul3A_66 = arith.muli %scan3A_64, %mul3A_65 : i32
      %add3A_67 = arith.addi %mul3A_0, %mul3A_66 : i32
      "tpu.region"() ({
        %run_scoped3A = tpu.sem_alloc : memref<!tpu.dma_semaphore, #tpu.memory_space<semaphore_mem>>
        %dma_start3A_68 = arith.constant 0 : i32
        %dma_start3A_69 = tpu.memref_slice %arg7[%add3A_67, %dma_start3A_68] : memref<50176x16xf32, #tpu.memory_space<vmem_shared>> -> memref<112x16xf32, #tpu.memory_space<vmem_shared>>
        %dma_start3A_70 = arith.constant 0 : i32
        %dma_start3A_71 = tpu.memref_slice %arg7[%add3A_67, %dma_start3A_70] : memref<50176x16xf32, #tpu.memory_space<vmem_shared>> -> memref<112x16xf32, #tpu.memory_space<vmem_shared>>
        tpu.enqueue_dma source(%dma_start3A_71 : memref<112x16xf32, #tpu.memory_space<vmem_shared>>) target(%arg20 : memref<112x16xf32, #tpu.memory_space<vmem>>) target_semaphore(%run_scoped3A : memref<!tpu.dma_semaphore, #tpu.memory_space<semaphore_mem>>)
        %dma_wait3A_72 = arith.constant 0 : i32
        %dma_wait3A_73 = tpu.memref_slice %arg7[%add3A_67, %dma_wait3A_72] : memref<50176x16xf32, #tpu.memory_space<vmem_shared>> -> memref<112x16xf32, #tpu.memory_space<vmem_shared>>
        %dma_wait3A_74 = arith.constant 0 : i32
        %dma_wait3A_75 = tpu.memref_slice %arg7[%add3A_67, %dma_wait3A_74] : memref<50176x16xf32, #tpu.memory_space<vmem_shared>> -> memref<112x16xf32, #tpu.memory_space<vmem_shared>>
        tpu.wait_dma2 semaphore(%run_scoped3A : memref<!tpu.dma_semaphore, #tpu.memory_space<semaphore_mem>>) src(%dma_wait3A_75 : memref<112x16xf32, #tpu.memory_space<vmem_shared>>) dst(%arg20 : memref<112x16xf32, #tpu.memory_space<vmem>>)
        tpu.yield
      }) : () -> ()
      "tpu.region"() ({
        %run_scoped3A = tpu.sem_alloc : memref<!tpu.dma_semaphore, #tpu.memory_space<semaphore_mem>>
        %dma_start3A_68 = arith.constant 0 : i32
        %dma_start3A_69 = tpu.memref_slice %arg6[%arg0, %add3A_67, %dma_start3A_68] : memref<2x50176x16xf32, #tpu.memory_space<hbm>> -> memref<1x112x16xf32, #tpu.memory_space<hbm>>
        %dma_start3A_70 = tpu.memref_squeeze %dma_start3A_69 : memref<1x112x16xf32, #tpu.memory_space<hbm>> -> memref<112x16xf32, #tpu.memory_space<hbm>>
        %dma_start3A_71 = arith.constant 0 : i32
        %dma_start3A_72 = tpu.memref_slice %arg6[%arg0, %add3A_67, %dma_start3A_71] : memref<2x50176x16xf32, #tpu.memory_space<hbm>> -> memref<1x112x16xf32, #tpu.memory_space<hbm>>
        %dma_start3A_73 = tpu.memref_squeeze %dma_start3A_72 : memref<1x112x16xf32, #tpu.memory_space<hbm>> -> memref<112x16xf32, #tpu.memory_space<hbm>>
        tpu.enqueue_dma source(%arg20 : memref<112x16xf32, #tpu.memory_space<vmem>>) target(%dma_start3A_73 : memref<112x16xf32, #tpu.memory_space<hbm>>) target_semaphore(%run_scoped3A : memref<!tpu.dma_semaphore, #tpu.memory_space<semaphore_mem>>)
        %dma_wait3A_74 = arith.constant 0 : i32
        %dma_wait3A_75 = tpu.memref_slice %arg6[%arg0, %add3A_67, %dma_wait3A_74] : memref<2x50176x16xf32, #tpu.memory_space<hbm>> -> memref<1x112x16xf32, #tpu.memory_space<hbm>>
        %dma_wait3A_76 = tpu.memref_squeeze %dma_wait3A_75 : memref<1x112x16xf32, #tpu.memory_space<hbm>> -> memref<112x16xf32, #tpu.memory_space<hbm>>
        %dma_wait3A_77 = arith.constant 0 : i32
        %dma_wait3A_78 = tpu.memref_slice %arg6[%arg0, %add3A_67, %dma_wait3A_77] : memref<2x50176x16xf32, #tpu.memory_space<hbm>> -> memref<1x112x16xf32, #tpu.memory_space<hbm>>
        %dma_wait3A_79 = tpu.memref_squeeze %dma_wait3A_78 : memref<1x112x16xf32, #tpu.memory_space<hbm>> -> memref<112x16xf32, #tpu.memory_space<hbm>>
        tpu.wait_dma2 semaphore(%run_scoped3A : memref<!tpu.dma_semaphore, #tpu.memory_space<semaphore_mem>>) src(%arg20 : memref<112x16xf32, #tpu.memory_space<vmem>>) dst(%dma_wait3A_79 : memref<112x16xf32, #tpu.memory_space<hbm>>)
        tpu.yield
      }) : () -> ()
    }
    %scan3A_63 = arith.constant 28 : i32
    return
  }
}

#map = affine_map<(d0, d1) -> (0, 0, 0)>
#map1 = affine_map<(d0, d1) -> (0, 0)>
module attributes {stable_mosaic.version = 14 : i64} {
  func.func @_propagate(%arg0: i32, %arg1: i32, %arg2: memref<2x50176x16xf32, #tpu.memory_space<hbm>>, %arg3: memref<12544x128xi32, #tpu.memory_space<hbm>>, %arg4: memref<12544x128xi32, #tpu.memory_space<hbm>>, %arg5: memref<12544x128xf32, #tpu.memory_space<hbm>>, %arg6: memref<2x50176x16xf32, #tpu.memory_space<hbm>>, %arg7: memref<50176x16xf32, #tpu.memory_space<vmem_shared>>, %arg8: memref<4x128xi32, #tpu.memory_space<vmem>>, %arg9: memref<4x128xi32, #tpu.memory_space<vmem>>, %arg10: memref<!tpu.dma_semaphore, #tpu.memory_space<semaphore_mem>>, %arg11: memref<!tpu.dma_semaphore, #tpu.memory_space<semaphore_mem>>, %arg12: memref<!tpu.dma_semaphore, #tpu.memory_space<semaphore_mem>>, %arg13: memref<!tpu.dma_semaphore, #tpu.memory_space<semaphore_mem>>, %arg14: memref<512x16xf32, #tpu.memory_space<vmem>>, %arg15: memref<512x16xf32, #tpu.memory_space<vmem>>, %arg16: memref<4x128xi32, #tpu.memory_space<vmem>>, %arg17: memref<4x128xi32, #tpu.memory_space<vmem>>, %arg18: memref<!tpu.dma_semaphore, #tpu.memory_space<semaphore_mem>>, %arg19: memref<!tpu.dma_semaphore, #tpu.memory_space<semaphore_mem>>, %arg20: memref<112x16xf32, #tpu.memory_space<vmem>>, %arg21: memref<4x128xf32, #tpu.memory_space<vmem>>, %arg22: memref<4x128xf32, #tpu.memory_space<vmem>>, %arg23: memref<50176x16xf32, #tpu.memory_space<vmem_shared>>) attributes {dimension_semantics = [#tpu.dimension_semantics<core_parallel>, #tpu.dimension_semantics<subcore_parallel>], iteration_bounds = array<i64: 2, 16>, scalar_prefetch = 0 : i64, scratch_operands = 17 : i64, tpu.core_type = #tpu.core_type<sc_vector_subcore>, window_params = [{transform_indices = #map}, {transform_indices = #map1}, {transform_indices = #map1}, {transform_indices = #map1}, {transform_indices = #map}]} {
    %mul3A = arith.constant 3136 : i32
    %mul3A_0 = arith.muli %arg1, %mul3A : i32
    %mul3A_1 = arith.constant 784 : i32
    %mul3A_2 = arith.muli %arg1, %mul3A_1 : i32
    "tpu.region"() ({
      %run_scoped3A = tpu.sem_alloc : memref<!tpu.dma_semaphore, #tpu.memory_space<semaphore_mem>>
      %dma_start3A_64 = arith.constant 0 : i32
      %dma_start3A_65 = tpu.memref_slice %arg23[%mul3A_0, %dma_start3A_64] : memref<50176x16xf32, #tpu.memory_space<vmem_shared>> -> memref<3136x16xf32, #tpu.memory_space<vmem_shared>>
      %dma_start3A_66 = arith.constant 0 : i32
      %dma_start3A_67 = tpu.memref_slice %arg2[%arg0, %mul3A_0, %dma_start3A_66] : memref<2x50176x16xf32, #tpu.memory_space<hbm>> -> memref<1x3136x16xf32, #tpu.memory_space<hbm>>
      %dma_start3A_68 = tpu.memref_squeeze %dma_start3A_67 : memref<1x3136x16xf32, #tpu.memory_space<hbm>> -> memref<3136x16xf32, #tpu.memory_space<hbm>>
      tpu.enqueue_dma source(%dma_start3A_68 : memref<3136x16xf32, #tpu.memory_space<hbm>>) target(%dma_start3A_65 : memref<3136x16xf32, #tpu.memory_space<vmem_shared>>) target_semaphore(%run_scoped3A : memref<!tpu.dma_semaphore, #tpu.memory_space<semaphore_mem>>)
      %dma_wait3A_69 = arith.constant 0 : i32
      %dma_wait3A_70 = tpu.memref_slice %arg23[%mul3A_0, %dma_wait3A_69] : memref<50176x16xf32, #tpu.memory_space<vmem_shared>> -> memref<3136x16xf32, #tpu.memory_space<vmem_shared>>
      %dma_wait3A_71 = arith.constant 0 : i32
      %dma_wait3A_72 = tpu.memref_slice %arg2[%arg0, %mul3A_0, %dma_wait3A_71] : memref<2x50176x16xf32, #tpu.memory_space<hbm>> -> memref<1x3136x16xf32, #tpu.memory_space<hbm>>
      %dma_wait3A_73 = tpu.memref_squeeze %dma_wait3A_72 : memref<1x3136x16xf32, #tpu.memory_space<hbm>> -> memref<3136x16xf32, #tpu.memory_space<hbm>>
      tpu.wait_dma2 semaphore(%run_scoped3A : memref<!tpu.dma_semaphore, #tpu.memory_space<semaphore_mem>>) src(%dma_wait3A_73 : memref<3136x16xf32, #tpu.memory_space<hbm>>) dst(%dma_wait3A_70 : memref<3136x16xf32, #tpu.memory_space<vmem_shared>>)
      tpu.yield
    }) : () -> ()
    %scan3A = arith.constant 0 : i32
    %scan3A_3 = arith.constant 0 : i32
    %scan3A_4 = arith.constant 112 : i32
    %scan3A_5 = arith.addi %scan3A_3, %scan3A_4 : i32
    %scan3A_6 = arith.constant 1 : i32
    scf.for %scan3A_64 = %scan3A_3 to %scan3A_5 step %scan3A_6  : i32 {
      %broadcast_in_dim3A = arith.constant 0.000000e+00 : f32
      %broadcast_in_dim3A_65 = vector.broadcast %broadcast_in_dim3A : f32 to vector<16xf32>
      %swap3A = arith.index_cast %scan3A_64 : i32 to index
      %swap3A_66 = arith.constant 0 : index
      %swap3A_67 = tpu.vector_load %arg20[%swap3A, %swap3A_66] {strides = array<i32>} : memref<112x16xf32, #tpu.memory_space<vmem>>, vector<1x16xf32>,
      %swap3A_68 = vector.shape_cast %swap3A_67 : vector<1x16xf32> to vector<16xf32>
      %swap3A_69 = vector.shape_cast %broadcast_in_dim3A_65 : vector<16xf32> to vector<1x16xf32>
      tpu.vector_store %arg20[%swap3A, %swap3A_66], %swap3A_69 {strides = array<i32>} : memref<112x16xf32, #tpu.memory_space<vmem>>, vector<1x16xf32>,
    }
    %scan3A_7 = arith.constant 112 : i32
    %scan3A_8 = arith.constant 0 : i32
    %scan3A_9 = arith.constant 0 : i32
    %scan3A_10 = arith.constant 28 : i32
    %scan3A_11 = arith.addi %scan3A_9, %scan3A_10 : i32
    %scan3A_12 = arith.constant 1 : i32
    scf.for %scan3A_64 = %scan3A_9 to %scan3A_11 step %scan3A_12  : i32 {
      %mul3A_65 = arith.constant 112 : i32
      %mul3A_66 = arith.muli %scan3A_64, %mul3A_65 : i32
      %add3A_67 = arith.addi %mul3A_0, %mul3A_66 : i32
      "tpu.region"() ({
        %run_scoped3A = tpu.sem_alloc : memref<!tpu.dma_semaphore, #tpu.memory_space<semaphore_mem>>
        %dma_start3A_68 = arith.constant 0 : i32
        %dma_start3A_69 = tpu.memref_slice %arg7[%add3A_67, %dma_start3A_68] : memref<50176x16xf32, #tpu.memory_space<vmem_shared>> -> memref<112x16xf32, #tpu.memory_space<vmem_shared>>
        %dma_start3A_70 = arith.constant 0 : i32
        %dma_start3A_71 = tpu.memref_slice %arg7[%add3A_67, %dma_start3A_70] : memref<50176x16xf32, #tpu.memory_space<vmem_shared>> -> memref<112x16xf32, #tpu.memory_space<vmem_shared>>
        tpu.enqueue_dma source(%arg20 : memref<112x16xf32, #tpu.memory_space<vmem>>) target(%dma_start3A_71 : memref<112x16xf32, #tpu.memory_space<vmem_shared>>) target_semaphore(%run_scoped3A : memref<!tpu.dma_semaphore, #tpu.memory_space<semaphore_mem>>)
        %dma_wait3A_72 = arith.constant 0 : i32
        %dma_wait3A_73 = tpu.memref_slice %arg7[%add3A_67, %dma_wait3A_72] : memref<50176x16xf32, #tpu.memory_space<vmem_shared>> -> memref<112x16xf32, #tpu.memory_space<vmem_shared>>
        %dma_wait3A_74 = arith.constant 0 : i32
        %dma_wait3A_75 = tpu.memref_slice %arg7[%add3A_67, %dma_wait3A_74] : memref<50176x16xf32, #tpu.memory_space<vmem_shared>> -> memref<112x16xf32, #tpu.memory_space<vmem_shared>>
        tpu.wait_dma2 semaphore(%run_scoped3A : memref<!tpu.dma_semaphore, #tpu.memory_space<semaphore_mem>>) src(%arg20 : memref<112x16xf32, #tpu.memory_space<vmem>>) dst(%dma_wait3A_75 : memref<112x16xf32, #tpu.memory_space<vmem_shared>>)
        tpu.yield
      }) : () -> ()
    }
    %scan3A_13 = arith.constant 28 : i32
    %barrier3A = arith.constant 0 : index
    tpu.barrier barrier_id(%barrier3A)
    %add3A = arith.constant 0 : i32
    %add3A_14 = arith.addi %mul3A_2, %add3A : i32
    %dma_start3A = arith.constant 0 : i32
    %dma_start3A_15 = tpu.memref_slice %arg3[%add3A_14, %dma_start3A] : memref<12544x128xi32, #tpu.memory_space<hbm>> -> memref<4x128xi32, #tpu.memory_space<hbm>>
    %dma_start3A_16 = arith.constant 0 : i32
    %dma_start3A_17 = tpu.memref_slice %arg3[%add3A_14, %dma_start3A_16] : memref<12544x128xi32, #tpu.memory_space<hbm>> -> memref<4x128xi32, #tpu.memory_space<hbm>>
    tpu.enqueue_dma source(%dma_start3A_17 : memref<4x128xi32, #tpu.memory_space<hbm>>) target(%arg16 : memref<4x128xi32, #tpu.memory_space<vmem>>) target_semaphore(%arg12 : memref<!tpu.dma_semaphore, #tpu.memory_space<semaphore_mem>>)
    %dma_start3A_18 = arith.constant 0 : i32
    %dma_start3A_19 = tpu.memref_slice %arg4[%add3A_14, %dma_start3A_18] : memref<12544x128xi32, #tpu.memory_space<hbm>> -> memref<4x128xi32, #tpu.memory_space<hbm>>
    %dma_start3A_20 = arith.constant 0 : i32
    %dma_start3A_21 = tpu.memref_slice %arg4[%add3A_14, %dma_start3A_20] : memref<12544x128xi32, #tpu.memory_space<hbm>> -> memref<4x128xi32, #tpu.memory_space<hbm>>
    tpu.enqueue_dma source(%dma_start3A_21 : memref<4x128xi32, #tpu.memory_space<hbm>>) target(%arg8 : memref<4x128xi32, #tpu.memory_space<vmem>>) target_semaphore(%arg12 : memref<!tpu.dma_semaphore, #tpu.memory_space<semaphore_mem>>)
    %dma_start3A_22 = arith.constant 0 : i32
    %dma_start3A_23 = tpu.memref_slice %arg5[%add3A_14, %dma_start3A_22] : memref<12544x128xf32, #tpu.memory_space<hbm>> -> memref<4x128xf32, #tpu.memory_space<hbm>>
    %dma_start3A_24 = arith.constant 0 : i32
    %dma_start3A_25 = tpu.memref_slice %arg5[%add3A_14, %dma_start3A_24] : memref<12544x128xf32, #tpu.memory_space<hbm>> -> memref<4x128xf32, #tpu.memory_space<hbm>>
    tpu.enqueue_dma source(%dma_start3A_25 : memref<4x128xf32, #tpu.memory_space<hbm>>) target(%arg21 : memref<4x128xf32, #tpu.memory_space<vmem>>) target_semaphore(%arg12 : memref<!tpu.dma_semaphore, #tpu.memory_space<semaphore_mem>>)
    %add3A_26 = arith.constant 0 : i32
    %add3A_27 = arith.addi %mul3A_2, %add3A_26 : i32
    %dma_wait3A = arith.constant 0 : i32
    %dma_wait3A_28 = tpu.memref_slice %arg3[%add3A_27, %dma_wait3A] : memref<12544x128xi32, #tpu.memory_space<hbm>> -> memref<4x128xi32, #tpu.memory_space<hbm>>
    %dma_wait3A_29 = arith.constant 0 : i32
    %dma_wait3A_30 = tpu.memref_slice %arg3[%add3A_27, %dma_wait3A_29] : memref<12544x128xi32, #tpu.memory_space<hbm>> -> memref<4x128xi32, #tpu.memory_space<hbm>>
    tpu.wait_dma2 semaphore(%arg12 : memref<!tpu.dma_semaphore, #tpu.memory_space<semaphore_mem>>) src(%dma_wait3A_30 : memref<4x128xi32, #tpu.memory_space<hbm>>) dst(%arg16 : memref<4x128xi32, #tpu.memory_space<vmem>>)
    %dma_wait3A_31 = arith.constant 0 : i32
    %dma_wait3A_32 = tpu.memref_slice %arg4[%add3A_27, %dma_wait3A_31] : memref<12544x128xi32, #tpu.memory_space<hbm>> -> memref<4x128xi32, #tpu.memory_space<hbm>>
    %dma_wait3A_33 = arith.constant 0 : i32
    %dma_wait3A_34 = tpu.memref_slice %arg4[%add3A_27, %dma_wait3A_33] : memref<12544x128xi32, #tpu.memory_space<hbm>> -> memref<4x128xi32, #tpu.memory_space<hbm>>
    tpu.wait_dma2 semaphore(%arg12 : memref<!tpu.dma_semaphore, #tpu.memory_space<semaphore_mem>>) src(%dma_wait3A_34 : memref<4x128xi32, #tpu.memory_space<hbm>>) dst(%arg8 : memref<4x128xi32, #tpu.memory_space<vmem>>)
    %dma_wait3A_35 = arith.constant 0 : i32
    %dma_wait3A_36 = tpu.memref_slice %arg5[%add3A_27, %dma_wait3A_35] : memref<12544x128xf32, #tpu.memory_space<hbm>> -> memref<4x128xf32, #tpu.memory_space<hbm>>
    %dma_wait3A_37 = arith.constant 0 : i32
    %dma_wait3A_38 = tpu.memref_slice %arg5[%add3A_27, %dma_wait3A_37] : memref<12544x128xf32, #tpu.memory_space<hbm>> -> memref<4x128xf32, #tpu.memory_space<hbm>>
    tpu.wait_dma2 semaphore(%arg12 : memref<!tpu.dma_semaphore, #tpu.memory_space<semaphore_mem>>) src(%dma_wait3A_38 : memref<4x128xf32, #tpu.memory_space<hbm>>) dst(%arg21 : memref<4x128xf32, #tpu.memory_space<vmem>>)
    %scan3A_39 = arith.constant 0 : i32
    %scan3A_40 = arith.constant 0 : i32
    %scan3A_41 = arith.constant 4 : i32
    %scan3A_42 = arith.addi %scan3A_40, %scan3A_41 : i32
    %scan3A_43 = arith.constant 1 : i32
    scf.for %scan3A_64 = %scan3A_40 to %scan3A_42 step %scan3A_43  : i32 {
      %mul3A_65 = arith.constant 128 : i32
      %mul3A_66 = arith.muli %scan3A_64, %mul3A_65 : i32
      %dma_start3A_67 = arith.constant 0 : i32
      %dma_start3A_68 = tpu.memref_slice %arg14[%mul3A_66, %dma_start3A_67] : memref<512x16xf32, #tpu.memory_space<vmem>> -> memref<128x16xf32, #tpu.memory_space<vmem>>
      %dma_start3A_69 = arith.constant 0 : i32
      %dma_start3A_70 = tpu.memref_slice %arg16[%scan3A_64, %dma_start3A_69] : memref<4x128xi32, #tpu.memory_space<vmem>> -> memref<1x128xi32, #tpu.memory_space<vmem>>
      %dma_start3A_71 = tpu.memref_squeeze %dma_start3A_70 : memref<1x128xi32, #tpu.memory_space<vmem>> -> memref<128xi32, #tpu.memory_space<vmem>>
      %dma_start3A_72 = arith.constant 0 : i32
      %dma_start3A_73 = arith.constant 0 : i32
      %dma_start3A_74 = tpu.memref_slice %arg23[%dma_start3A_72, %dma_start3A_73] : memref<50176x16xf32, #tpu.memory_space<vmem_shared>> -> memref<50176x16xf32, #tpu.memory_space<vmem_shared>>
      tpu.enqueue_indirect_dma source(%dma_start3A_74 : memref<50176x16xf32, #tpu.memory_space<vmem_shared>>) target(%dma_start3A_68 : memref<128x16xf32, #tpu.memory_space<vmem>>) offsets(%dma_start3A_71 : memref<128xi32, #tpu.memory_space<vmem>>) semaphore(%arg10 : memref<!tpu.dma_semaphore, #tpu.memory_space<semaphore_mem>>)
    }
    %scan3A_44 = arith.constant 4 : i32
    %scan3A_45 = arith.constant 0 : i32
    %scan3A_46 = arith.constant 0 : i32
    %scan3A_47 = arith.constant 98 : i32
    %scan3A_48 = arith.addi %scan3A_46, %scan3A_47 : i32
    %scan3A_49 = arith.constant 1 : i32
    scf.for %scan3A_64 = %scan3A_46 to %scan3A_48 step %scan3A_49  : i32 {
      %ge3A = arith.constant 1 : i32
      %ge3A_65 = arith.cmpi sge, %scan3A_64, %ge3A : i32
      %convert_element_type3A = arith.extui %ge3A_65 : i1 to i32
      %cond3A = arith.constant 0 : i32
      %cond3A_66 = arith.cmpi ne, %convert_element_type3A, %cond3A : i32
      scf.if %cond3A_66 {
        %scan3A_138 = arith.constant 0 : i32
        %scan3A_139 = arith.constant 0 : i32
        %scan3A_140 = arith.constant 4 : i32
        %scan3A_141 = arith.addi %scan3A_139, %scan3A_140 : i32
        %scan3A_142 = arith.constant 1 : i32
        scf.for %scan3A_144 = %scan3A_139 to %scan3A_141 step %scan3A_142  : i32 {
          %mul3A_145 = arith.constant 128 : i32
          %mul3A_146 = arith.muli %scan3A_144, %mul3A_145 : i32
          %dma_wait3A_147 = arith.constant 0 : i32
          %dma_wait3A_148 = tpu.memref_slice %arg15[%mul3A_146, %dma_wait3A_147] : memref<512x16xf32, #tpu.memory_space<vmem>> -> memref<128x16xf32, #tpu.memory_space<vmem>>
          %dma_wait3A_149 = arith.constant 0 : i32
          %dma_wait3A_150 = tpu.memref_slice %arg9[%scan3A_144, %dma_wait3A_149] : memref<4x128xi32, #tpu.memory_space<vmem>> -> memref<1x128xi32, #tpu.memory_space<vmem>>
          %dma_wait3A_151 = tpu.memref_squeeze %dma_wait3A_150 : memref<1x128xi32, #tpu.memory_space<vmem>> -> memref<128xi32, #tpu.memory_space<vmem>>
          %dma_wait3A_152 = arith.constant 0 : i32
          %dma_wait3A_153 = arith.constant 0 : i32
          %dma_wait3A_154 = tpu.memref_slice %arg7[%dma_wait3A_152, %dma_wait3A_153] : memref<50176x16xf32, #tpu.memory_space<vmem_shared>> -> memref<50176x16xf32, #tpu.memory_space<vmem_shared>>
          tpu.wait_indirect_dma semaphore(%arg19 : memref<!tpu.dma_semaphore, #tpu.memory_space<semaphore_mem>>) src(%dma_wait3A_148 : memref<128x16xf32, #tpu.memory_space<vmem>>) dst(%dma_wait3A_154 : memref<50176x16xf32, #tpu.memory_space<vmem_shared>>)
        }
        %scan3A_143 = arith.constant 4 : i32
      } else {
      }
      %mul3A_67 = arith.constant 2 : i32
      %mul3A_68 = arith.muli %mul3A_67, %scan3A_64 : i32
      %add3A_69 = arith.constant 1 : i32
      %add3A_70 = arith.addi %mul3A_68, %add3A_69 : i32
      %mul3A_71 = arith.constant 4 : i32
      %mul3A_72 = arith.muli %add3A_70, %mul3A_71 : i32
      %add3A_73 = arith.addi %mul3A_2, %mul3A_72 : i32
      %dma_start3A_74 = arith.constant 0 : i32
      %dma_start3A_75 = tpu.memref_slice %arg3[%add3A_73, %dma_start3A_74] : memref<12544x128xi32, #tpu.memory_space<hbm>> -> memref<4x128xi32, #tpu.memory_space<hbm>>
      %dma_start3A_76 = arith.constant 0 : i32
      %dma_start3A_77 = tpu.memref_slice %arg3[%add3A_73, %dma_start3A_76] : memref<12544x128xi32, #tpu.memory_space<hbm>> -> memref<4x128xi32, #tpu.memory_space<hbm>>
      tpu.enqueue_dma source(%dma_start3A_77 : memref<4x128xi32, #tpu.memory_space<hbm>>) target(%arg17 : memref<4x128xi32, #tpu.memory_space<vmem>>) target_semaphore(%arg13 : memref<!tpu.dma_semaphore, #tpu.memory_space<semaphore_mem>>)
      %dma_start3A_78 = arith.constant 0 : i32
      %dma_start3A_79 = tpu.memref_slice %arg4[%add3A_73, %dma_start3A_78] : memref<12544x128xi32, #tpu.memory_space<hbm>> -> memref<4x128xi32, #tpu.memory_space<hbm>>
      %dma_start3A_80 = arith.constant 0 : i32
      %dma_start3A_81 = tpu.memref_slice %arg4[%add3A_73, %dma_start3A_80] : memref<12544x128xi32, #tpu.memory_space<hbm>> -> memref<4x128xi32, #tpu.memory_space<hbm>>
      tpu.enqueue_dma source(%dma_start3A_81 : memref<4x128xi32, #tpu.memory_space<hbm>>) target(%arg9 : memref<4x128xi32, #tpu.memory_space<vmem>>) target_semaphore(%arg13 : memref<!tpu.dma_semaphore, #tpu.memory_space<semaphore_mem>>)
      %dma_start3A_82 = arith.constant 0 : i32
      %dma_start3A_83 = tpu.memref_slice %arg5[%add3A_73, %dma_start3A_82] : memref<12544x128xf32, #tpu.memory_space<hbm>> -> memref<4x128xf32, #tpu.memory_space<hbm>>
      %dma_start3A_84 = arith.constant 0 : i32
      %dma_start3A_85 = tpu.memref_slice %arg5[%add3A_73, %dma_start3A_84] : memref<12544x128xf32, #tpu.memory_space<hbm>> -> memref<4x128xf32, #tpu.memory_space<hbm>>
      tpu.enqueue_dma source(%dma_start3A_85 : memref<4x128xf32, #tpu.memory_space<hbm>>) target(%arg22 : memref<4x128xf32, #tpu.memory_space<vmem>>) target_semaphore(%arg13 : memref<!tpu.dma_semaphore, #tpu.memory_space<semaphore_mem>>)
      %scan3A_86 = arith.constant 0 : i32
      %scan3A_87 = arith.constant 0 : i32
      %scan3A_88 = arith.constant 4 : i32
      %scan3A_89 = arith.addi %scan3A_87, %scan3A_88 : i32
      %scan3A_90 = arith.constant 1 : i32
      scf.for %scan3A_138 = %scan3A_87 to %scan3A_89 step %scan3A_90  : i32 {
        %mul3A_139 = arith.constant 128 : i32
        %mul3A_140 = arith.muli %scan3A_138, %mul3A_139 : i32
        %dma_wait3A_141 = arith.constant 0 : i32
        %dma_wait3A_142 = tpu.memref_slice %arg14[%mul3A_140, %dma_wait3A_141] : memref<512x16xf32, #tpu.memory_space<vmem>> -> memref<128x16xf32, #tpu.memory_space<vmem>>
        %dma_wait3A_143 = arith.constant 0 : i32
        %dma_wait3A_144 = tpu.memref_slice %arg16[%scan3A_138, %dma_wait3A_143] : memref<4x128xi32, #tpu.memory_space<vmem>> -> memref<1x128xi32, #tpu.memory_space<vmem>>
        %dma_wait3A_145 = tpu.memref_squeeze %dma_wait3A_144 : memref<1x128xi32, #tpu.memory_space<vmem>> -> memref<128xi32, #tpu.memory_space<vmem>>
        %dma_wait3A_146 = arith.constant 0 : i32
        %dma_wait3A_147 = arith.constant 0 : i32
        %dma_wait3A_148 = tpu.memref_slice %arg23[%dma_wait3A_146, %dma_wait3A_147] : memref<50176x16xf32, #tpu.memory_space<vmem_shared>> -> memref<50176x16xf32, #tpu.memory_space<vmem_shared>>
        tpu.wait_indirect_dma semaphore(%arg10 : memref<!tpu.dma_semaphore, #tpu.memory_space<semaphore_mem>>) src(%dma_wait3A_148 : memref<50176x16xf32, #tpu.memory_space<vmem_shared>>) dst(%dma_wait3A_142 : memref<128x16xf32, #tpu.memory_space<vmem>>)
        %scan3A_149 = arith.constant 0 : i32
        %scan3A_150 = arith.constant 0 : i32
        %scan3A_151 = arith.constant 8 : i32
        %scan3A_152 = arith.addi %scan3A_150, %scan3A_151 : i32
        %scan3A_153 = arith.constant 1 : i32
        scf.for %scan3A_165 = %scan3A_150 to %scan3A_152 step %scan3A_153  : i32 {
          %mul3A_166 = arith.constant 16 : i32
          %mul3A_167 = arith.muli %scan3A_165, %mul3A_166 : i32
          %get3A = arith.index_cast %scan3A_138 : i32 to index
          %get3A_168 = arith.index_cast %mul3A_167 : i32 to index
          %get3A_169 = tpu.vector_load %arg21[%get3A, %get3A_168] {strides = array<i32>} : memref<4x128xf32, #tpu.memory_space<vmem>>, vector<1x16xf32>,
          %get3A_170 = vector.shape_cast %get3A_169 : vector<1x16xf32> to vector<16xf32>
          %mul3A_171 = arith.constant 128 : i32
          %mul3A_172 = arith.muli %scan3A_138, %mul3A_171 : i32
          %mul3A_173 = arith.constant 16 : i32
          %mul3A_174 = arith.muli %scan3A_165, %mul3A_173 : i32
          %add3A_175 = arith.addi %mul3A_172, %mul3A_174 : i32
          %add3A_176 = arith.constant 0 : i32
          %add3A_177 = arith.addi %add3A_175, %add3A_176 : i32
          %slice3A = vector.extract_strided_slice %get3A_170 {offsets = [0], sizes = [1], strides = [1]} : vector<16xf32> to vector<1xf32>
          %squeeze3A = vector.extract %slice3A[0] : f32 from vector<1xf32>
          %get3A_178 = arith.index_cast %add3A_177 : i32 to index
          %get3A_179 = arith.constant 0 : index
          %get3A_180 = tpu.vector_load %arg14[%get3A_178, %get3A_179] {strides = array<i32>} : memref<512x16xf32, #tpu.memory_space<vmem>>, vector<1x16xf32>,
          %get3A_181 = vector.shape_cast %get3A_180 : vector<1x16xf32> to vector<16xf32>
          %mul3A_182 = vector.broadcast %squeeze3A : f32 to vector<16xf32>
          %mul3A_183 = arith.mulf %get3A_181, %mul3A_182 : vector<16xf32>
          %swap3A = arith.index_cast %add3A_177 : i32 to index
          %swap3A_184 = arith.constant 0 : index
          %swap3A_185 = tpu.vector_load %arg14[%swap3A, %swap3A_184] {strides = array<i32>} : memref<512x16xf32, #tpu.memory_space<vmem>>, vector<1x16xf32>,
          %swap3A_186 = vector.shape_cast %swap3A_185 : vector<1x16xf32> to vector<16xf32>
          %swap3A_187 = vector.shape_cast %mul3A_183 : vector<16xf32> to vector<1x16xf32>
          tpu.vector_store %arg14[%swap3A, %swap3A_184], %swap3A_187 {strides = array<i32>} : memref<512x16xf32, #tpu.memory_space<vmem>>, vector<1x16xf32>,
          %mul3A_188 = arith.constant 128 : i32
          %mul3A_189 = arith.muli %scan3A_138, %mul3A_188 : i32
          %mul3A_190 = arith.constant 16 : i32
          %mul3A_191 = arith.muli %scan3A_165, %mul3A_190 : i32
          %add3A_192 = arith.addi %mul3A_189, %mul3A_191 : i32
          %add3A_193 = arith.constant 1 : i32
          %add3A_194 = arith.addi %add3A_192, %add3A_193 : i32
          %slice3A_195 = vector.extract_strided_slice %get3A_170 {offsets = [1], sizes = [1], strides = [1]} : vector<16xf32> to vector<1xf32>
          %squeeze3A_196 = vector.extract %slice3A_195[0] : f32 from vector<1xf32>
          %get3A_197 = arith.index_cast %add3A_194 : i32 to index
          %get3A_198 = arith.constant 0 : index
          %get3A_199 = tpu.vector_load %arg14[%get3A_197, %get3A_198] {strides = array<i32>} : memref<512x16xf32, #tpu.memory_space<vmem>>, vector<1x16xf32>,
          %get3A_200 = vector.shape_cast %get3A_199 : vector<1x16xf32> to vector<16xf32>
          %mul3A_201 = vector.broadcast %squeeze3A_196 : f32 to vector<16xf32>
          %mul3A_202 = arith.mulf %get3A_200, %mul3A_201 : vector<16xf32>
          %swap3A_203 = arith.index_cast %add3A_194 : i32 to index
          %swap3A_204 = arith.constant 0 : index
          %swap3A_205 = tpu.vector_load %arg14[%swap3A_203, %swap3A_204] {strides = array<i32>} : memref<512x16xf32, #tpu.memory_space<vmem>>, vector<1x16xf32>,
          %swap3A_206 = vector.shape_cast %swap3A_205 : vector<1x16xf32> to vector<16xf32>
          %swap3A_207 = vector.shape_cast %mul3A_202 : vector<16xf32> to vector<1x16xf32>
          tpu.vector_store %arg14[%swap3A_203, %swap3A_204], %swap3A_207 {strides = array<i32>} : memref<512x16xf32, #tpu.memory_space<vmem>>, vector<1x16xf32>,
          %mul3A_208 = arith.constant 128 : i32
          %mul3A_209 = arith.muli %scan3A_138, %mul3A_208 : i32
          %mul3A_210 = arith.constant 16 : i32
          %mul3A_211 = arith.muli %scan3A_165, %mul3A_210 : i32
          %add3A_212 = arith.addi %mul3A_209, %mul3A_211 : i32
          %add3A_213 = arith.constant 2 : i32
          %add3A_214 = arith.addi %add3A_212, %add3A_213 : i32
          %slice3A_215 = vector.extract_strided_slice %get3A_170 {offsets = [2], sizes = [1], strides = [1]} : vector<16xf32> to vector<1xf32>
          %squeeze3A_216 = vector.extract %slice3A_215[0] : f32 from vector<1xf32>
          %get3A_217 = arith.index_cast %add3A_214 : i32 to index
          %get3A_218 = arith.constant 0 : index
          %get3A_219 = tpu.vector_load %arg14[%get3A_217, %get3A_218] {strides = array<i32>} : memref<512x16xf32, #tpu.memory_space<vmem>>, vector<1x16xf32>,
          %get3A_220 = vector.shape_cast %get3A_219 : vector<1x16xf32> to vector<16xf32>
          %mul3A_221 = vector.broadcast %squeeze3A_216 : f32 to vector<16xf32>
          %mul3A_222 = arith.mulf %get3A_220, %mul3A_221 : vector<16xf32>
          %swap3A_223 = arith.index_cast %add3A_214 : i32 to index
          %swap3A_224 = arith.constant 0 : index
          %swap3A_225 = tpu.vector_load %arg14[%swap3A_223, %swap3A_224] {strides = array<i32>} : memref<512x16xf32, #tpu.memory_space<vmem>>, vector<1x16xf32>,
          %swap3A_226 = vector.shape_cast %swap3A_225 : vector<1x16xf32> to vector<16xf32>
          %swap3A_227 = vector.shape_cast %mul3A_222 : vector<16xf32> to vector<1x16xf32>
          tpu.vector_store %arg14[%swap3A_223, %swap3A_224], %swap3A_227 {strides = array<i32>} : memref<512x16xf32, #tpu.memory_space<vmem>>, vector<1x16xf32>,
          %mul3A_228 = arith.constant 128 : i32
          %mul3A_229 = arith.muli %scan3A_138, %mul3A_228 : i32
          %mul3A_230 = arith.constant 16 : i32
          %mul3A_231 = arith.muli %scan3A_165, %mul3A_230 : i32
          %add3A_232 = arith.addi %mul3A_229, %mul3A_231 : i32
          %add3A_233 = arith.constant 3 : i32
          %add3A_234 = arith.addi %add3A_232, %add3A_233 : i32
          %slice3A_235 = vector.extract_strided_slice %get3A_170 {offsets = [3], sizes = [1], strides = [1]} : vector<16xf32> to vector<1xf32>
          %squeeze3A_236 = vector.extract %slice3A_235[0] : f32 from vector<1xf32>
          %get3A_237 = arith.index_cast %add3A_234 : i32 to index
          %get3A_238 = arith.constant 0 : index
          %get3A_239 = tpu.vector_load %arg14[%get3A_237, %get3A_238] {strides = array<i32>} : memref<512x16xf32, #tpu.memory_space<vmem>>, vector<1x16xf32>,
          %get3A_240 = vector.shape_cast %get3A_239 : vector<1x16xf32> to vector<16xf32>
          %mul3A_241 = vector.broadcast %squeeze3A_236 : f32 to vector<16xf32>
          %mul3A_242 = arith.mulf %get3A_240, %mul3A_241 : vector<16xf32>
          %swap3A_243 = arith.index_cast %add3A_234 : i32 to index
          %swap3A_244 = arith.constant 0 : index
          %swap3A_245 = tpu.vector_load %arg14[%swap3A_243, %swap3A_244] {strides = array<i32>} : memref<512x16xf32, #tpu.memory_space<vmem>>, vector<1x16xf32>,
          %swap3A_246 = vector.shape_cast %swap3A_245 : vector<1x16xf32> to vector<16xf32>
          %swap3A_247 = vector.shape_cast %mul3A_242 : vector<16xf32> to vector<1x16xf32>
          tpu.vector_store %arg14[%swap3A_243, %swap3A_244], %swap3A_247 {strides = array<i32>} : memref<512x16xf32, #tpu.memory_space<vmem>>, vector<1x16xf32>,
          %mul3A_248 = arith.constant 128 : i32
          %mul3A_249 = arith.muli %scan3A_138, %mul3A_248 : i32
          %mul3A_250 = arith.constant 16 : i32
          %mul3A_251 = arith.muli %scan3A_165, %mul3A_250 : i32
          %add3A_252 = arith.addi %mul3A_249, %mul3A_251 : i32
          %add3A_253 = arith.constant 4 : i32
          %add3A_254 = arith.addi %add3A_252, %add3A_253 : i32
          %slice3A_255 = vector.extract_strided_slice %get3A_170 {offsets = [4], sizes = [1], strides = [1]} : vector<16xf32> to vector<1xf32>
          %squeeze3A_256 = vector.extract %slice3A_255[0] : f32 from vector<1xf32>
          %get3A_257 = arith.index_cast %add3A_254 : i32 to index
          %get3A_258 = arith.constant 0 : index
          %get3A_259 = tpu.vector_load %arg14[%get3A_257, %get3A_258] {strides = array<i32>} : memref<512x16xf32, #tpu.memory_space<vmem>>, vector<1x16xf32>,
          %get3A_260 = vector.shape_cast %get3A_259 : vector<1x16xf32> to vector<16xf32>
          %mul3A_261 = vector.broadcast %squeeze3A_256 : f32 to vector<16xf32>
          %mul3A_262 = arith.mulf %get3A_260, %mul3A_261 : vector<16xf32>
          %swap3A_263 = arith.index_cast %add3A_254 : i32 to index
          %swap3A_264 = arith.constant 0 : index
          %swap3A_265 = tpu.vector_load %arg14[%swap3A_263, %swap3A_264] {strides = array<i32>} : memref<512x16xf32, #tpu.memory_space<vmem>>, vector<1x16xf32>,
          %swap3A_266 = vector.shape_cast %swap3A_265 : vector<1x16xf32> to vector<16xf32>
          %swap3A_267 = vector.shape_cast %mul3A_262 : vector<16xf32> to vector<1x16xf32>
          tpu.vector_store %arg14[%swap3A_263, %swap3A_264], %swap3A_267 {strides = array<i32>} : memref<512x16xf32, #tpu.memory_space<vmem>>, vector<1x16xf32>,
          %mul3A_268 = arith.constant 128 : i32
          %mul3A_269 = arith.muli %scan3A_138, %mul3A_268 : i32
          %mul3A_270 = arith.constant 16 : i32
          %mul3A_271 = arith.muli %scan3A_165, %mul3A_270 : i32
          %add3A_272 = arith.addi %mul3A_269, %mul3A_271 : i32
          %add3A_273 = arith.constant 5 : i32
          %add3A_274 = arith.addi %add3A_272, %add3A_273 : i32
          %slice3A_275 = vector.extract_strided_slice %get3A_170 {offsets = [5], sizes = [1], strides = [1]} : vector<16xf32> to vector<1xf32>
          %squeeze3A_276 = vector.extract %slice3A_275[0] : f32 from vector<1xf32>
          %get3A_277 = arith.index_cast %add3A_274 : i32 to index
          %get3A_278 = arith.constant 0 : index
          %get3A_279 = tpu.vector_load %arg14[%get3A_277, %get3A_278] {strides = array<i32>} : memref<512x16xf32, #tpu.memory_space<vmem>>, vector<1x16xf32>,
          %get3A_280 = vector.shape_cast %get3A_279 : vector<1x16xf32> to vector<16xf32>
          %mul3A_281 = vector.broadcast %squeeze3A_276 : f32 to vector<16xf32>
          %mul3A_282 = arith.mulf %get3A_280, %mul3A_281 : vector<16xf32>
          %swap3A_283 = arith.index_cast %add3A_274 : i32 to index
          %swap3A_284 = arith.constant 0 : index
          %swap3A_285 = tpu.vector_load %arg14[%swap3A_283, %swap3A_284] {strides = array<i32>} : memref<512x16xf32, #tpu.memory_space<vmem>>, vector<1x16xf32>,
          %swap3A_286 = vector.shape_cast %swap3A_285 : vector<1x16xf32> to vector<16xf32>
          %swap3A_287 = vector.shape_cast %mul3A_282 : vector<16xf32> to vector<1x16xf32>
          tpu.vector_store %arg14[%swap3A_283, %swap3A_284], %swap3A_287 {strides = array<i32>} : memref<512x16xf32, #tpu.memory_space<vmem>>, vector<1x16xf32>,
          %mul3A_288 = arith.constant 128 : i32
          %mul3A_289 = arith.muli %scan3A_138, %mul3A_288 : i32
          %mul3A_290 = arith.constant 16 : i32
          %mul3A_291 = arith.muli %scan3A_165, %mul3A_290 : i32
          %add3A_292 = arith.addi %mul3A_289, %mul3A_291 : i32
          %add3A_293 = arith.constant 6 : i32
          %add3A_294 = arith.addi %add3A_292, %add3A_293 : i32
          %slice3A_295 = vector.extract_strided_slice %get3A_170 {offsets = [6], sizes = [1], strides = [1]} : vector<16xf32> to vector<1xf32>
          %squeeze3A_296 = vector.extract %slice3A_295[0] : f32 from vector<1xf32>
          %get3A_297 = arith.index_cast %add3A_294 : i32 to index
          %get3A_298 = arith.constant 0 : index
          %get3A_299 = tpu.vector_load %arg14[%get3A_297, %get3A_298] {strides = array<i32>} : memref<512x16xf32, #tpu.memory_space<vmem>>, vector<1x16xf32>,
          %get3A_300 = vector.shape_cast %get3A_299 : vector<1x16xf32> to vector<16xf32>
          %mul3A_301 = vector.broadcast %squeeze3A_296 : f32 to vector<16xf32>
          %mul3A_302 = arith.mulf %get3A_300, %mul3A_301 : vector<16xf32>
          %swap3A_303 = arith.index_cast %add3A_294 : i32 to index
          %swap3A_304 = arith.constant 0 : index
          %swap3A_305 = tpu.vector_load %arg14[%swap3A_303, %swap3A_304] {strides = array<i32>} : memref<512x16xf32, #tpu.memory_space<vmem>>, vector<1x16xf32>,
          %swap3A_306 = vector.shape_cast %swap3A_305 : vector<1x16xf32> to vector<16xf32>
          %swap3A_307 = vector.shape_cast %mul3A_302 : vector<16xf32> to vector<1x16xf32>
          tpu.vector_store %arg14[%swap3A_303, %swap3A_304], %swap3A_307 {strides = array<i32>} : memref<512x16xf32, #tpu.memory_space<vmem>>, vector<1x16xf32>,
          %mul3A_308 = arith.constant 128 : i32
          %mul3A_309 = arith.muli %scan3A_138, %mul3A_308 : i32
          %mul3A_310 = arith.constant 16 : i32
          %mul3A_311 = arith.muli %scan3A_165, %mul3A_310 : i32
          %add3A_312 = arith.addi %mul3A_309, %mul3A_311 : i32
          %add3A_313 = arith.constant 7 : i32
          %add3A_314 = arith.addi %add3A_312, %add3A_313 : i32
          %slice3A_315 = vector.extract_strided_slice %get3A_170 {offsets = [7], sizes = [1], strides = [1]} : vector<16xf32> to vector<1xf32>
          %squeeze3A_316 = vector.extract %slice3A_315[0] : f32 from vector<1xf32>
          %get3A_317 = arith.index_cast %add3A_314 : i32 to index
          %get3A_318 = arith.constant 0 : index
          %get3A_319 = tpu.vector_load %arg14[%get3A_317, %get3A_318] {strides = array<i32>} : memref<512x16xf32, #tpu.memory_space<vmem>>, vector<1x16xf32>,
          %get3A_320 = vector.shape_cast %get3A_319 : vector<1x16xf32> to vector<16xf32>
          %mul3A_321 = vector.broadcast %squeeze3A_316 : f32 to vector<16xf32>
          %mul3A_322 = arith.mulf %get3A_320, %mul3A_321 : vector<16xf32>
          %swap3A_323 = arith.index_cast %add3A_314 : i32 to index
          %swap3A_324 = arith.constant 0 : index
          %swap3A_325 = tpu.vector_load %arg14[%swap3A_323, %swap3A_324] {strides = array<i32>} : memref<512x16xf32, #tpu.memory_space<vmem>>, vector<1x16xf32>,
          %swap3A_326 = vector.shape_cast %swap3A_325 : vector<1x16xf32> to vector<16xf32>
          %swap3A_327 = vector.shape_cast %mul3A_322 : vector<16xf32> to vector<1x16xf32>
          tpu.vector_store %arg14[%swap3A_323, %swap3A_324], %swap3A_327 {strides = array<i32>} : memref<512x16xf32, #tpu.memory_space<vmem>>, vector<1x16xf32>,
          %mul3A_328 = arith.constant 128 : i32
          %mul3A_329 = arith.muli %scan3A_138, %mul3A_328 : i32
          %mul3A_330 = arith.constant 16 : i32
          %mul3A_331 = arith.muli %scan3A_165, %mul3A_330 : i32
          %add3A_332 = arith.addi %mul3A_329, %mul3A_331 : i32
          %add3A_333 = arith.constant 8 : i32
          %add3A_334 = arith.addi %add3A_332, %add3A_333 : i32
          %slice3A_335 = vector.extract_strided_slice %get3A_170 {offsets = [8], sizes = [1], strides = [1]} : vector<16xf32> to vector<1xf32>
          %squeeze3A_336 = vector.extract %slice3A_335[0] : f32 from vector<1xf32>
          %get3A_337 = arith.index_cast %add3A_334 : i32 to index
          %get3A_338 = arith.constant 0 : index
          %get3A_339 = tpu.vector_load %arg14[%get3A_337, %get3A_338] {strides = array<i32>} : memref<512x16xf32, #tpu.memory_space<vmem>>, vector<1x16xf32>,
          %get3A_340 = vector.shape_cast %get3A_339 : vector<1x16xf32> to vector<16xf32>
          %mul3A_341 = vector.broadcast %squeeze3A_336 : f32 to vector<16xf32>
          %mul3A_342 = arith.mulf %get3A_340, %mul3A_341 : vector<16xf32>
          %swap3A_343 = arith.index_cast %add3A_334 : i32 to index
          %swap3A_344 = arith.constant 0 : index
          %swap3A_345 = tpu.vector_load %arg14[%swap3A_343, %swap3A_344] {strides = array<i32>} : memref<512x16xf32, #tpu.memory_space<vmem>>, vector<1x16xf32>,
          %swap3A_346 = vector.shape_cast %swap3A_345 : vector<1x16xf32> to vector<16xf32>
          %swap3A_347 = vector.shape_cast %mul3A_342 : vector<16xf32> to vector<1x16xf32>
          tpu.vector_store %arg14[%swap3A_343, %swap3A_344], %swap3A_347 {strides = array<i32>} : memref<512x16xf32, #tpu.memory_space<vmem>>, vector<1x16xf32>,
          %mul3A_348 = arith.constant 128 : i32
          %mul3A_349 = arith.muli %scan3A_138, %mul3A_348 : i32
          %mul3A_350 = arith.constant 16 : i32
          %mul3A_351 = arith.muli %scan3A_165, %mul3A_350 : i32
          %add3A_352 = arith.addi %mul3A_349, %mul3A_351 : i32
          %add3A_353 = arith.constant 9 : i32
          %add3A_354 = arith.addi %add3A_352, %add3A_353 : i32
          %slice3A_355 = vector.extract_strided_slice %get3A_170 {offsets = [9], sizes = [1], strides = [1]} : vector<16xf32> to vector<1xf32>
          %squeeze3A_356 = vector.extract %slice3A_355[0] : f32 from vector<1xf32>
          %get3A_357 = arith.index_cast %add3A_354 : i32 to index
          %get3A_358 = arith.constant 0 : index
          %get3A_359 = tpu.vector_load %arg14[%get3A_357, %get3A_358] {strides = array<i32>} : memref<512x16xf32, #tpu.memory_space<vmem>>, vector<1x16xf32>,
          %get3A_360 = vector.shape_cast %get3A_359 : vector<1x16xf32> to vector<16xf32>
          %mul3A_361 = vector.broadcast %squeeze3A_356 : f32 to vector<16xf32>
          %mul3A_362 = arith.mulf %get3A_360, %mul3A_361 : vector<16xf32>
          %swap3A_363 = arith.index_cast %add3A_354 : i32 to index
          %swap3A_364 = arith.constant 0 : index
          %swap3A_365 = tpu.vector_load %arg14[%swap3A_363, %swap3A_364] {strides = array<i32>} : memref<512x16xf32, #tpu.memory_space<vmem>>, vector<1x16xf32>,
          %swap3A_366 = vector.shape_cast %swap3A_365 : vector<1x16xf32> to vector<16xf32>
          %swap3A_367 = vector.shape_cast %mul3A_362 : vector<16xf32> to vector<1x16xf32>
          tpu.vector_store %arg14[%swap3A_363, %swap3A_364], %swap3A_367 {strides = array<i32>} : memref<512x16xf32, #tpu.memory_space<vmem>>, vector<1x16xf32>,
          %mul3A_368 = arith.constant 128 : i32
          %mul3A_369 = arith.muli %scan3A_138, %mul3A_368 : i32
          %mul3A_370 = arith.constant 16 : i32
          %mul3A_371 = arith.muli %scan3A_165, %mul3A_370 : i32
          %add3A_372 = arith.addi %mul3A_369, %mul3A_371 : i32
          %add3A_373 = arith.constant 10 : i32
          %add3A_374 = arith.addi %add3A_372, %add3A_373 : i32
          %slice3A_375 = vector.extract_strided_slice %get3A_170 {offsets = [10], sizes = [1], strides = [1]} : vector<16xf32> to vector<1xf32>
          %squeeze3A_376 = vector.extract %slice3A_375[0] : f32 from vector<1xf32>
          %get3A_377 = arith.index_cast %add3A_374 : i32 to index
          %get3A_378 = arith.constant 0 : index
          %get3A_379 = tpu.vector_load %arg14[%get3A_377, %get3A_378] {strides = array<i32>} : memref<512x16xf32, #tpu.memory_space<vmem>>, vector<1x16xf32>,
          %get3A_380 = vector.shape_cast %get3A_379 : vector<1x16xf32> to vector<16xf32>
          %mul3A_381 = vector.broadcast %squeeze3A_376 : f32 to vector<16xf32>
          %mul3A_382 = arith.mulf %get3A_380, %mul3A_381 : vector<16xf32>
          %swap3A_383 = arith.index_cast %add3A_374 : i32 to index
          %swap3A_384 = arith.constant 0 : index
          %swap3A_385 = tpu.vector_load %arg14[%swap3A_383, %swap3A_384] {strides = array<i32>} : memref<512x16xf32, #tpu.memory_space<vmem>>, vector<1x16xf32>,
          %swap3A_386 = vector.shape_cast %swap3A_385 : vector<1x16xf32> to vector<16xf32>
          %swap3A_387 = vector.shape_cast %mul3A_382 : vector<16xf32> to vector<1x16xf32>
          tpu.vector_store %arg14[%swap3A_383, %swap3A_384], %swap3A_387 {strides = array<i32>} : memref<512x16xf32, #tpu.memory_space<vmem>>, vector<1x16xf32>,
          %mul3A_388 = arith.constant 128 : i32
          %mul3A_389 = arith.muli %scan3A_138, %mul3A_388 : i32
          %mul3A_390 = arith.constant 16 : i32
          %mul3A_391 = arith.muli %scan3A_165, %mul3A_390 : i32
          %add3A_392 = arith.addi %mul3A_389, %mul3A_391 : i32
          %add3A_393 = arith.constant 11 : i32
          %add3A_394 = arith.addi %add3A_392, %add3A_393 : i32
          %slice3A_395 = vector.extract_strided_slice %get3A_170 {offsets = [11], sizes = [1], strides = [1]} : vector<16xf32> to vector<1xf32>
          %squeeze3A_396 = vector.extract %slice3A_395[0] : f32 from vector<1xf32>
          %get3A_397 = arith.index_cast %add3A_394 : i32 to index
          %get3A_398 = arith.constant 0 : index
          %get3A_399 = tpu.vector_load %arg14[%get3A_397, %get3A_398] {strides = array<i32>} : memref<512x16xf32, #tpu.memory_space<vmem>>, vector<1x16xf32>,
          %get3A_400 = vector.shape_cast %get3A_399 : vector<1x16xf32> to vector<16xf32>
          %mul3A_401 = vector.broadcast %squeeze3A_396 : f32 to vector<16xf32>
          %mul3A_402 = arith.mulf %get3A_400, %mul3A_401 : vector<16xf32>
          %swap3A_403 = arith.index_cast %add3A_394 : i32 to index
          %swap3A_404 = arith.constant 0 : index
          %swap3A_405 = tpu.vector_load %arg14[%swap3A_403, %swap3A_404] {strides = array<i32>} : memref<512x16xf32, #tpu.memory_space<vmem>>, vector<1x16xf32>,
          %swap3A_406 = vector.shape_cast %swap3A_405 : vector<1x16xf32> to vector<16xf32>
          %swap3A_407 = vector.shape_cast %mul3A_402 : vector<16xf32> to vector<1x16xf32>
          tpu.vector_store %arg14[%swap3A_403, %swap3A_404], %swap3A_407 {strides = array<i32>} : memref<512x16xf32, #tpu.memory_space<vmem>>, vector<1x16xf32>,
          %mul3A_408 = arith.constant 128 : i32
          %mul3A_409 = arith.muli %scan3A_138, %mul3A_408 : i32
          %mul3A_410 = arith.constant 16 : i32
          %mul3A_411 = arith.muli %scan3A_165, %mul3A_410 : i32
          %add3A_412 = arith.addi %mul3A_409, %mul3A_411 : i32
          %add3A_413 = arith.constant 12 : i32
          %add3A_414 = arith.addi %add3A_412, %add3A_413 : i32
          %slice3A_415 = vector.extract_strided_slice %get3A_170 {offsets = [12], sizes = [1], strides = [1]} : vector<16xf32> to vector<1xf32>
          %squeeze3A_416 = vector.extract %slice3A_415[0] : f32 from vector<1xf32>
          %get3A_417 = arith.index_cast %add3A_414 : i32 to index
          %get3A_418 = arith.constant 0 : index
          %get3A_419 = tpu.vector_load %arg14[%get3A_417, %get3A_418] {strides = array<i32>} : memref<512x16xf32, #tpu.memory_space<vmem>>, vector<1x16xf32>,
          %get3A_420 = vector.shape_cast %get3A_419 : vector<1x16xf32> to vector<16xf32>
          %mul3A_421 = vector.broadcast %squeeze3A_416 : f32 to vector<16xf32>
          %mul3A_422 = arith.mulf %get3A_420, %mul3A_421 : vector<16xf32>
          %swap3A_423 = arith.index_cast %add3A_414 : i32 to index
          %swap3A_424 = arith.constant 0 : index
          %swap3A_425 = tpu.vector_load %arg14[%swap3A_423, %swap3A_424] {strides = array<i32>} : memref<512x16xf32, #tpu.memory_space<vmem>>, vector<1x16xf32>,
          %swap3A_426 = vector.shape_cast %swap3A_425 : vector<1x16xf32> to vector<16xf32>
          %swap3A_427 = vector.shape_cast %mul3A_422 : vector<16xf32> to vector<1x16xf32>
          tpu.vector_store %arg14[%swap3A_423, %swap3A_424], %swap3A_427 {strides = array<i32>} : memref<512x16xf32, #tpu.memory_space<vmem>>, vector<1x16xf32>,
          %mul3A_428 = arith.constant 128 : i32
          %mul3A_429 = arith.muli %scan3A_138, %mul3A_428 : i32
          %mul3A_430 = arith.constant 16 : i32
          %mul3A_431 = arith.muli %scan3A_165, %mul3A_430 : i32
          %add3A_432 = arith.addi %mul3A_429, %mul3A_431 : i32
          %add3A_433 = arith.constant 13 : i32
          %add3A_434 = arith.addi %add3A_432, %add3A_433 : i32
          %slice3A_435 = vector.extract_strided_slice %get3A_170 {offsets = [13], sizes = [1], strides = [1]} : vector<16xf32> to vector<1xf32>
          %squeeze3A_436 = vector.extract %slice3A_435[0] : f32 from vector<1xf32>
          %get3A_437 = arith.index_cast %add3A_434 : i32 to index
          %get3A_438 = arith.constant 0 : index
          %get3A_439 = tpu.vector_load %arg14[%get3A_437, %get3A_438] {strides = array<i32>} : memref<512x16xf32, #tpu.memory_space<vmem>>, vector<1x16xf32>,
          %get3A_440 = vector.shape_cast %get3A_439 : vector<1x16xf32> to vector<16xf32>
          %mul3A_441 = vector.broadcast %squeeze3A_436 : f32 to vector<16xf32>
          %mul3A_442 = arith.mulf %get3A_440, %mul3A_441 : vector<16xf32>
          %swap3A_443 = arith.index_cast %add3A_434 : i32 to index
          %swap3A_444 = arith.constant 0 : index
          %swap3A_445 = tpu.vector_load %arg14[%swap3A_443, %swap3A_444] {strides = array<i32>} : memref<512x16xf32, #tpu.memory_space<vmem>>, vector<1x16xf32>,
          %swap3A_446 = vector.shape_cast %swap3A_445 : vector<1x16xf32> to vector<16xf32>
          %swap3A_447 = vector.shape_cast %mul3A_442 : vector<16xf32> to vector<1x16xf32>
          tpu.vector_store %arg14[%swap3A_443, %swap3A_444], %swap3A_447 {strides = array<i32>} : memref<512x16xf32, #tpu.memory_space<vmem>>, vector<1x16xf32>,
          %mul3A_448 = arith.constant 128 : i32
          %mul3A_449 = arith.muli %scan3A_138, %mul3A_448 : i32
          %mul3A_450 = arith.constant 16 : i32
          %mul3A_451 = arith.muli %scan3A_165, %mul3A_450 : i32
          %add3A_452 = arith.addi %mul3A_449, %mul3A_451 : i32
          %add3A_453 = arith.constant 14 : i32
          %add3A_454 = arith.addi %add3A_452, %add3A_453 : i32
          %slice3A_455 = vector.extract_strided_slice %get3A_170 {offsets = [14], sizes = [1], strides = [1]} : vector<16xf32> to vector<1xf32>
          %squeeze3A_456 = vector.extract %slice3A_455[0] : f32 from vector<1xf32>
          %get3A_457 = arith.index_cast %add3A_454 : i32 to index
          %get3A_458 = arith.constant 0 : index
          %get3A_459 = tpu.vector_load %arg14[%get3A_457, %get3A_458] {strides = array<i32>} : memref<512x16xf32, #tpu.memory_space<vmem>>, vector<1x16xf32>,
          %get3A_460 = vector.shape_cast %get3A_459 : vector<1x16xf32> to vector<16xf32>
          %mul3A_461 = vector.broadcast %squeeze3A_456 : f32 to vector<16xf32>
          %mul3A_462 = arith.mulf %get3A_460, %mul3A_461 : vector<16xf32>
          %swap3A_463 = arith.index_cast %add3A_454 : i32 to index
          %swap3A_464 = arith.constant 0 : index
          %swap3A_465 = tpu.vector_load %arg14[%swap3A_463, %swap3A_464] {strides = array<i32>} : memref<512x16xf32, #tpu.memory_space<vmem>>, vector<1x16xf32>,
          %swap3A_466 = vector.shape_cast %swap3A_465 : vector<1x16xf32> to vector<16xf32>
          %swap3A_467 = vector.shape_cast %mul3A_462 : vector<16xf32> to vector<1x16xf32>
          tpu.vector_store %arg14[%swap3A_463, %swap3A_464], %swap3A_467 {strides = array<i32>} : memref<512x16xf32, #tpu.memory_space<vmem>>, vector<1x16xf32>,
          %mul3A_468 = arith.constant 128 : i32
          %mul3A_469 = arith.muli %scan3A_138, %mul3A_468 : i32
          %mul3A_470 = arith.constant 16 : i32
          %mul3A_471 = arith.muli %scan3A_165, %mul3A_470 : i32
          %add3A_472 = arith.addi %mul3A_469, %mul3A_471 : i32
          %add3A_473 = arith.constant 15 : i32
          %add3A_474 = arith.addi %add3A_472, %add3A_473 : i32
          %slice3A_475 = vector.extract_strided_slice %get3A_170 {offsets = [15], sizes = [1], strides = [1]} : vector<16xf32> to vector<1xf32>
          %squeeze3A_476 = vector.extract %slice3A_475[0] : f32 from vector<1xf32>
          %get3A_477 = arith.index_cast %add3A_474 : i32 to index
          %get3A_478 = arith.constant 0 : index
          %get3A_479 = tpu.vector_load %arg14[%get3A_477, %get3A_478] {strides = array<i32>} : memref<512x16xf32, #tpu.memory_space<vmem>>, vector<1x16xf32>,
          %get3A_480 = vector.shape_cast %get3A_479 : vector<1x16xf32> to vector<16xf32>
          %mul3A_481 = vector.broadcast %squeeze3A_476 : f32 to vector<16xf32>
          %mul3A_482 = arith.mulf %get3A_480, %mul3A_481 : vector<16xf32>
          %swap3A_483 = arith.index_cast %add3A_474 : i32 to index
          %swap3A_484 = arith.constant 0 : index
          %swap3A_485 = tpu.vector_load %arg14[%swap3A_483, %swap3A_484] {strides = array<i32>} : memref<512x16xf32, #tpu.memory_space<vmem>>, vector<1x16xf32>,
          %swap3A_486 = vector.shape_cast %swap3A_485 : vector<1x16xf32> to vector<16xf32>
          %swap3A_487 = vector.shape_cast %mul3A_482 : vector<16xf32> to vector<1x16xf32>
          tpu.vector_store %arg14[%swap3A_483, %swap3A_484], %swap3A_487 {strides = array<i32>} : memref<512x16xf32, #tpu.memory_space<vmem>>, vector<1x16xf32>,
        }
        %scan3A_154 = arith.constant 8 : i32
        %mul3A_155 = arith.constant 128 : i32
        %mul3A_156 = arith.muli %scan3A_138, %mul3A_155 : i32
        %dma_start3A_157 = arith.constant 0 : i32
        %dma_start3A_158 = tpu.memref_slice %arg14[%mul3A_156, %dma_start3A_157] : memref<512x16xf32, #tpu.memory_space<vmem>> -> memref<128x16xf32, #tpu.memory_space<vmem>>
        %dma_start3A_159 = arith.constant 0 : i32
        %dma_start3A_160 = tpu.memref_slice %arg8[%scan3A_138, %dma_start3A_159] : memref<4x128xi32, #tpu.memory_space<vmem>> -> memref<1x128xi32, #tpu.memory_space<vmem>>
        %dma_start3A_161 = tpu.memref_squeeze %dma_start3A_160 : memref<1x128xi32, #tpu.memory_space<vmem>> -> memref<128xi32, #tpu.memory_space<vmem>>
        %dma_start3A_162 = arith.constant 0 : i32
        %dma_start3A_163 = arith.constant 0 : i32
        %dma_start3A_164 = tpu.memref_slice %arg7[%dma_start3A_162, %dma_start3A_163] : memref<50176x16xf32, #tpu.memory_space<vmem_shared>> -> memref<50176x16xf32, #tpu.memory_space<vmem_shared>>
        tpu.enqueue_indirect_dma source(%dma_start3A_158 : memref<128x16xf32, #tpu.memory_space<vmem>>) target(%dma_start3A_164 : memref<50176x16xf32, #tpu.memory_space<vmem_shared>>) offsets(%dma_start3A_161 : memref<128xi32, #tpu.memory_space<vmem>>) semaphore(%arg18 : memref<!tpu.dma_semaphore, #tpu.memory_space<semaphore_mem>>) {add = true}
      }
      %scan3A_91 = arith.constant 4 : i32
      %mul3A_92 = arith.constant 2 : i32
      %mul3A_93 = arith.muli %mul3A_92, %scan3A_64 : i32
      %add3A_94 = arith.constant 1 : i32
      %add3A_95 = arith.addi %mul3A_93, %add3A_94 : i32
      %mul3A_96 = arith.constant 4 : i32
      %mul3A_97 = arith.muli %add3A_95, %mul3A_96 : i32
      %add3A_98 = arith.addi %mul3A_2, %mul3A_97 : i32
      %dma_wait3A_99 = arith.constant 0 : i32
      %dma_wait3A_100 = tpu.memref_slice %arg3[%add3A_98, %dma_wait3A_99] : memref<12544x128xi32, #tpu.memory_space<hbm>> -> memref<4x128xi32, #tpu.memory_space<hbm>>
      %dma_wait3A_101 = arith.constant 0 : i32
      %dma_wait3A_102 = tpu.memref_slice %arg3[%add3A_98, %dma_wait3A_101] : memref<12544x128xi32, #tpu.memory_space<hbm>> -> memref<4x128xi32, #tpu.memory_space<hbm>>
      tpu.wait_dma2 semaphore(%arg13 : memref<!tpu.dma_semaphore, #tpu.memory_space<semaphore_mem>>) src(%dma_wait3A_102 : memref<4x128xi32, #tpu.memory_space<hbm>>) dst(%arg17 : memref<4x128xi32, #tpu.memory_space<vmem>>)
      %dma_wait3A_103 = arith.constant 0 : i32
      %dma_wait3A_104 = tpu.memref_slice %arg4[%add3A_98, %dma_wait3A_103] : memref<12544x128xi32, #tpu.memory_space<hbm>> -> memref<4x128xi32, #tpu.memory_space<hbm>>
      %dma_wait3A_105 = arith.constant 0 : i32
      %dma_wait3A_106 = tpu.memref_slice %arg4[%add3A_98, %dma_wait3A_105] : memref<12544x128xi32, #tpu.memory_space<hbm>> -> memref<4x128xi32, #tpu.memory_space<hbm>>
      tpu.wait_dma2 semaphore(%arg13 : memref<!tpu.dma_semaphore, #tpu.memory_space<semaphore_mem>>) src(%dma_wait3A_106 : memref<4x128xi32, #tpu.memory_space<hbm>>) dst(%arg9 : memref<4x128xi32, #tpu.memory_space<vmem>>)
      %dma_wait3A_107 = arith.constant 0 : i32
      %dma_wait3A_108 = tpu.memref_slice %arg5[%add3A_98, %dma_wait3A_107] : memref<12544x128xf32, #tpu.memory_space<hbm>> -> memref<4x128xf32, #tpu.memory_space<hbm>>
      %dma_wait3A_109 = arith.constant 0 : i32
      %dma_wait3A_110 = tpu.memref_slice %arg5[%add3A_98, %dma_wait3A_109] : memref<12544x128xf32, #tpu.memory_space<hbm>> -> memref<4x128xf32, #tpu.memory_space<hbm>>
      tpu.wait_dma2 semaphore(%arg13 : memref<!tpu.dma_semaphore, #tpu.memory_space<semaphore_mem>>) src(%dma_wait3A_110 : memref<4x128xf32, #tpu.memory_space<hbm>>) dst(%arg22 : memref<4x128xf32, #tpu.memory_space<vmem>>)
      %scan3A_111 = arith.constant 0 : i32
      %scan3A_112 = arith.constant 0 : i32
      %scan3A_113 = arith.constant 4 : i32
      %scan3A_114 = arith.addi %scan3A_112, %scan3A_113 : i32
      %scan3A_115 = arith.constant 1 : i32
      scf.for %scan3A_138 = %scan3A_112 to %scan3A_114 step %scan3A_115  : i32 {
        %mul3A_139 = arith.constant 128 : i32
        %mul3A_140 = arith.muli %scan3A_138, %mul3A_139 : i32
        %dma_start3A_141 = arith.constant 0 : i32
        %dma_start3A_142 = tpu.memref_slice %arg15[%mul3A_140, %dma_start3A_141] : memref<512x16xf32, #tpu.memory_space<vmem>> -> memref<128x16xf32, #tpu.memory_space<vmem>>
        %dma_start3A_143 = arith.constant 0 : i32
        %dma_start3A_144 = tpu.memref_slice %arg17[%scan3A_138, %dma_start3A_143] : memref<4x128xi32, #tpu.memory_space<vmem>> -> memref<1x128xi32, #tpu.memory_space<vmem>>
        %dma_start3A_145 = tpu.memref_squeeze %dma_start3A_144 : memref<1x128xi32, #tpu.memory_space<vmem>> -> memref<128xi32, #tpu.memory_space<vmem>>
        %dma_start3A_146 = arith.constant 0 : i32
        %dma_start3A_147 = arith.constant 0 : i32
        %dma_start3A_148 = tpu.memref_slice %arg23[%dma_start3A_146, %dma_start3A_147] : memref<50176x16xf32, #tpu.memory_space<vmem_shared>> -> memref<50176x16xf32, #tpu.memory_space<vmem_shared>>
        tpu.enqueue_indirect_dma source(%dma_start3A_148 : memref<50176x16xf32, #tpu.memory_space<vmem_shared>>) target(%dma_start3A_142 : memref<128x16xf32, #tpu.memory_space<vmem>>) offsets(%dma_start3A_145 : memref<128xi32, #tpu.memory_space<vmem>>) semaphore(%arg11 : memref<!tpu.dma_semaphore, #tpu.memory_space<semaphore_mem>>)
      }
      %scan3A_116 = arith.constant 4 : i32
      %scan3A_117 = arith.constant 0 : i32
      %scan3A_118 = arith.constant 0 : i32
      %scan3A_119 = arith.constant 4 : i32
      %scan3A_120 = arith.addi %scan3A_118, %scan3A_119 : i32
      %scan3A_121 = arith.constant 1 : i32
      scf.for %scan3A_138 = %scan3A_118 to %scan3A_120 step %scan3A_121  : i32 {
        %mul3A_139 = arith.constant 128 : i32
        %mul3A_140 = arith.muli %scan3A_138, %mul3A_139 : i32
        %dma_wait3A_141 = arith.constant 0 : i32
        %dma_wait3A_142 = tpu.memref_slice %arg14[%mul3A_140, %dma_wait3A_141] : memref<512x16xf32, #tpu.memory_space<vmem>> -> memref<128x16xf32, #tpu.memory_space<vmem>>
        %dma_wait3A_143 = arith.constant 0 : i32
        %dma_wait3A_144 = tpu.memref_slice %arg8[%scan3A_138, %dma_wait3A_143] : memref<4x128xi32, #tpu.memory_space<vmem>> -> memref<1x128xi32, #tpu.memory_space<vmem>>
        %dma_wait3A_145 = tpu.memref_squeeze %dma_wait3A_144 : memref<1x128xi32, #tpu.memory_space<vmem>> -> memref<128xi32, #tpu.memory_space<vmem>>
        %dma_wait3A_146 = arith.constant 0 : i32
        %dma_wait3A_147 = arith.constant 0 : i32
        %dma_wait3A_148 = tpu.memref_slice %arg7[%dma_wait3A_146, %dma_wait3A_147] : memref<50176x16xf32, #tpu.memory_space<vmem_shared>> -> memref<50176x16xf32, #tpu.memory_space<vmem_shared>>
        tpu.wait_indirect_dma semaphore(%arg18 : memref<!tpu.dma_semaphore, #tpu.memory_space<semaphore_mem>>) src(%dma_wait3A_142 : memref<128x16xf32, #tpu.memory_space<vmem>>) dst(%dma_wait3A_148 : memref<50176x16xf32, #tpu.memory_space<vmem_shared>>)
      }
      %scan3A_122 = arith.constant 4 : i32
      %lt3A = arith.constant 97 : i32
      %lt3A_123 = arith.cmpi slt, %scan3A_64, %lt3A : i32
      %convert_element_type3A_124 = arith.extui %lt3A_123 : i1 to i32
      %cond3A_125 = arith.constant 0 : i32
      %cond3A_126 = arith.cmpi ne, %convert_element_type3A_124, %cond3A_125 : i32
      scf.if %cond3A_126 {
        %mul3A_138 = arith.constant 2 : i32
        %mul3A_139 = arith.muli %mul3A_138, %scan3A_64 : i32
        %add3A_140 = arith.constant 2 : i32
        %add3A_141 = arith.addi %mul3A_139, %add3A_140 : i32
        %mul3A_142 = arith.constant 4 : i32
        %mul3A_143 = arith.muli %add3A_141, %mul3A_142 : i32
        %add3A_144 = arith.addi %mul3A_2, %mul3A_143 : i32
        %dma_start3A_145 = arith.constant 0 : i32
        %dma_start3A_146 = tpu.memref_slice %arg3[%add3A_144, %dma_start3A_145] : memref<12544x128xi32, #tpu.memory_space<hbm>> -> memref<4x128xi32, #tpu.memory_space<hbm>>
        %dma_start3A_147 = arith.constant 0 : i32
        %dma_start3A_148 = tpu.memref_slice %arg3[%add3A_144, %dma_start3A_147] : memref<12544x128xi32, #tpu.memory_space<hbm>> -> memref<4x128xi32, #tpu.memory_space<hbm>>
        tpu.enqueue_dma source(%dma_start3A_148 : memref<4x128xi32, #tpu.memory_space<hbm>>) target(%arg16 : memref<4x128xi32, #tpu.memory_space<vmem>>) target_semaphore(%arg12 : memref<!tpu.dma_semaphore, #tpu.memory_space<semaphore_mem>>)
        %dma_start3A_149 = arith.constant 0 : i32
        %dma_start3A_150 = tpu.memref_slice %arg4[%add3A_144, %dma_start3A_149] : memref<12544x128xi32, #tpu.memory_space<hbm>> -> memref<4x128xi32, #tpu.memory_space<hbm>>
        %dma_start3A_151 = arith.constant 0 : i32
        %dma_start3A_152 = tpu.memref_slice %arg4[%add3A_144, %dma_start3A_151] : memref<12544x128xi32, #tpu.memory_space<hbm>> -> memref<4x128xi32, #tpu.memory_space<hbm>>
        tpu.enqueue_dma source(%dma_start3A_152 : memref<4x128xi32, #tpu.memory_space<hbm>>) target(%arg8 : memref<4x128xi32, #tpu.memory_space<vmem>>) target_semaphore(%arg12 : memref<!tpu.dma_semaphore, #tpu.memory_space<semaphore_mem>>)
        %dma_start3A_153 = arith.constant 0 : i32
        %dma_start3A_154 = tpu.memref_slice %arg5[%add3A_144, %dma_start3A_153] : memref<12544x128xf32, #tpu.memory_space<hbm>> -> memref<4x128xf32, #tpu.memory_space<hbm>>
        %dma_start3A_155 = arith.constant 0 : i32
        %dma_start3A_156 = tpu.memref_slice %arg5[%add3A_144, %dma_start3A_155] : memref<12544x128xf32, #tpu.memory_space<hbm>> -> memref<4x128xf32, #tpu.memory_space<hbm>>
        tpu.enqueue_dma source(%dma_start3A_156 : memref<4x128xf32, #tpu.memory_space<hbm>>) target(%arg21 : memref<4x128xf32, #tpu.memory_space<vmem>>) target_semaphore(%arg12 : memref<!tpu.dma_semaphore, #tpu.memory_space<semaphore_mem>>)
      } else {
      }
      %scan3A_127 = arith.constant 0 : i32
      %scan3A_128 = arith.constant 0 : i32
      %scan3A_129 = arith.constant 4 : i32
      %scan3A_130 = arith.addi %scan3A_128, %scan3A_129 : i32
      %scan3A_131 = arith.constant 1 : i32
      scf.for %scan3A_138 = %scan3A_128 to %scan3A_130 step %scan3A_131  : i32 {
        %mul3A_139 = arith.constant 128 : i32
        %mul3A_140 = arith.muli %scan3A_138, %mul3A_139 : i32
        %dma_wait3A_141 = arith.constant 0 : i32
        %dma_wait3A_142 = tpu.memref_slice %arg15[%mul3A_140, %dma_wait3A_141] : memref<512x16xf32, #tpu.memory_space<vmem>> -> memref<128x16xf32, #tpu.memory_space<vmem>>
        %dma_wait3A_143 = arith.constant 0 : i32
        %dma_wait3A_144 = tpu.memref_slice %arg17[%scan3A_138, %dma_wait3A_143] : memref<4x128xi32, #tpu.memory_space<vmem>> -> memref<1x128xi32, #tpu.memory_space<vmem>>
        %dma_wait3A_145 = tpu.memref_squeeze %dma_wait3A_144 : memref<1x128xi32, #tpu.memory_space<vmem>> -> memref<128xi32, #tpu.memory_space<vmem>>
        %dma_wait3A_146 = arith.constant 0 : i32
        %dma_wait3A_147 = arith.constant 0 : i32
        %dma_wait3A_148 = tpu.memref_slice %arg23[%dma_wait3A_146, %dma_wait3A_147] : memref<50176x16xf32, #tpu.memory_space<vmem_shared>> -> memref<50176x16xf32, #tpu.memory_space<vmem_shared>>
        tpu.wait_indirect_dma semaphore(%arg11 : memref<!tpu.dma_semaphore, #tpu.memory_space<semaphore_mem>>) src(%dma_wait3A_148 : memref<50176x16xf32, #tpu.memory_space<vmem_shared>>) dst(%dma_wait3A_142 : memref<128x16xf32, #tpu.memory_space<vmem>>)
        %scan3A_149 = arith.constant 0 : i32
        %scan3A_150 = arith.constant 0 : i32
        %scan3A_151 = arith.constant 8 : i32
        %scan3A_152 = arith.addi %scan3A_150, %scan3A_151 : i32
        %scan3A_153 = arith.constant 1 : i32
        scf.for %scan3A_165 = %scan3A_150 to %scan3A_152 step %scan3A_153  : i32 {
          %mul3A_166 = arith.constant 16 : i32
          %mul3A_167 = arith.muli %scan3A_165, %mul3A_166 : i32
          %get3A = arith.index_cast %scan3A_138 : i32 to index
          %get3A_168 = arith.index_cast %mul3A_167 : i32 to index
          %get3A_169 = tpu.vector_load %arg22[%get3A, %get3A_168] {strides = array<i32>} : memref<4x128xf32, #tpu.memory_space<vmem>>, vector<1x16xf32>,
          %get3A_170 = vector.shape_cast %get3A_169 : vector<1x16xf32> to vector<16xf32>
          %mul3A_171 = arith.constant 128 : i32
          %mul3A_172 = arith.muli %scan3A_138, %mul3A_171 : i32
          %mul3A_173 = arith.constant 16 : i32
          %mul3A_174 = arith.muli %scan3A_165, %mul3A_173 : i32
          %add3A_175 = arith.addi %mul3A_172, %mul3A_174 : i32
          %add3A_176 = arith.constant 0 : i32
          %add3A_177 = arith.addi %add3A_175, %add3A_176 : i32
          %slice3A = vector.extract_strided_slice %get3A_170 {offsets = [0], sizes = [1], strides = [1]} : vector<16xf32> to vector<1xf32>
          %squeeze3A = vector.extract %slice3A[0] : f32 from vector<1xf32>
          %get3A_178 = arith.index_cast %add3A_177 : i32 to index
          %get3A_179 = arith.constant 0 : index
          %get3A_180 = tpu.vector_load %arg15[%get3A_178, %get3A_179] {strides = array<i32>} : memref<512x16xf32, #tpu.memory_space<vmem>>, vector<1x16xf32>,
          %get3A_181 = vector.shape_cast %get3A_180 : vector<1x16xf32> to vector<16xf32>
          %mul3A_182 = vector.broadcast %squeeze3A : f32 to vector<16xf32>
          %mul3A_183 = arith.mulf %get3A_181, %mul3A_182 : vector<16xf32>
          %swap3A = arith.index_cast %add3A_177 : i32 to index
          %swap3A_184 = arith.constant 0 : index
          %swap3A_185 = tpu.vector_load %arg15[%swap3A, %swap3A_184] {strides = array<i32>} : memref<512x16xf32, #tpu.memory_space<vmem>>, vector<1x16xf32>,
          %swap3A_186 = vector.shape_cast %swap3A_185 : vector<1x16xf32> to vector<16xf32>
          %swap3A_187 = vector.shape_cast %mul3A_183 : vector<16xf32> to vector<1x16xf32>
          tpu.vector_store %arg15[%swap3A, %swap3A_184], %swap3A_187 {strides = array<i32>} : memref<512x16xf32, #tpu.memory_space<vmem>>, vector<1x16xf32>,
          %mul3A_188 = arith.constant 128 : i32
          %mul3A_189 = arith.muli %scan3A_138, %mul3A_188 : i32
          %mul3A_190 = arith.constant 16 : i32
          %mul3A_191 = arith.muli %scan3A_165, %mul3A_190 : i32
          %add3A_192 = arith.addi %mul3A_189, %mul3A_191 : i32
          %add3A_193 = arith.constant 1 : i32
          %add3A_194 = arith.addi %add3A_192, %add3A_193 : i32
          %slice3A_195 = vector.extract_strided_slice %get3A_170 {offsets = [1], sizes = [1], strides = [1]} : vector<16xf32> to vector<1xf32>
          %squeeze3A_196 = vector.extract %slice3A_195[0] : f32 from vector<1xf32>
          %get3A_197 = arith.index_cast %add3A_194 : i32 to index
          %get3A_198 = arith.constant 0 : index
          %get3A_199 = tpu.vector_load %arg15[%get3A_197, %get3A_198] {strides = array<i32>} : memref<512x16xf32, #tpu.memory_space<vmem>>, vector<1x16xf32>,
          %get3A_200 = vector.shape_cast %get3A_199 : vector<1x16xf32> to vector<16xf32>
          %mul3A_201 = vector.broadcast %squeeze3A_196 : f32 to vector<16xf32>
          %mul3A_202 = arith.mulf %get3A_200, %mul3A_201 : vector<16xf32>
          %swap3A_203 = arith.index_cast %add3A_194 : i32 to index
          %swap3A_204 = arith.constant 0 : index
          %swap3A_205 = tpu.vector_load %arg15[%swap3A_203, %swap3A_204] {strides = array<i32>} : memref<512x16xf32, #tpu.memory_space<vmem>>, vector<1x16xf32>,
          %swap3A_206 = vector.shape_cast %swap3A_205 : vector<1x16xf32> to vector<16xf32>
          %swap3A_207 = vector.shape_cast %mul3A_202 : vector<16xf32> to vector<1x16xf32>
          tpu.vector_store %arg15[%swap3A_203, %swap3A_204], %swap3A_207 {strides = array<i32>} : memref<512x16xf32, #tpu.memory_space<vmem>>, vector<1x16xf32>,
          %mul3A_208 = arith.constant 128 : i32
          %mul3A_209 = arith.muli %scan3A_138, %mul3A_208 : i32
          %mul3A_210 = arith.constant 16 : i32
          %mul3A_211 = arith.muli %scan3A_165, %mul3A_210 : i32
          %add3A_212 = arith.addi %mul3A_209, %mul3A_211 : i32
          %add3A_213 = arith.constant 2 : i32
          %add3A_214 = arith.addi %add3A_212, %add3A_213 : i32
          %slice3A_215 = vector.extract_strided_slice %get3A_170 {offsets = [2], sizes = [1], strides = [1]} : vector<16xf32> to vector<1xf32>
          %squeeze3A_216 = vector.extract %slice3A_215[0] : f32 from vector<1xf32>
          %get3A_217 = arith.index_cast %add3A_214 : i32 to index
          %get3A_218 = arith.constant 0 : index
          %get3A_219 = tpu.vector_load %arg15[%get3A_217, %get3A_218] {strides = array<i32>} : memref<512x16xf32, #tpu.memory_space<vmem>>, vector<1x16xf32>,
          %get3A_220 = vector.shape_cast %get3A_219 : vector<1x16xf32> to vector<16xf32>
          %mul3A_221 = vector.broadcast %squeeze3A_216 : f32 to vector<16xf32>
          %mul3A_222 = arith.mulf %get3A_220, %mul3A_221 : vector<16xf32>
          %swap3A_223 = arith.index_cast %add3A_214 : i32 to index
          %swap3A_224 = arith.constant 0 : index
          %swap3A_225 = tpu.vector_load %arg15[%swap3A_223, %swap3A_224] {strides = array<i32>} : memref<512x16xf32, #tpu.memory_space<vmem>>, vector<1x16xf32>,
          %swap3A_226 = vector.shape_cast %swap3A_225 : vector<1x16xf32> to vector<16xf32>
          %swap3A_227 = vector.shape_cast %mul3A_222 : vector<16xf32> to vector<1x16xf32>
          tpu.vector_store %arg15[%swap3A_223, %swap3A_224], %swap3A_227 {strides = array<i32>} : memref<512x16xf32, #tpu.memory_space<vmem>>, vector<1x16xf32>,
          %mul3A_228 = arith.constant 128 : i32
          %mul3A_229 = arith.muli %scan3A_138, %mul3A_228 : i32
          %mul3A_230 = arith.constant 16 : i32
          %mul3A_231 = arith.muli %scan3A_165, %mul3A_230 : i32
          %add3A_232 = arith.addi %mul3A_229, %mul3A_231 : i32
          %add3A_233 = arith.constant 3 : i32
          %add3A_234 = arith.addi %add3A_232, %add3A_233 : i32
          %slice3A_235 = vector.extract_strided_slice %get3A_170 {offsets = [3], sizes = [1], strides = [1]} : vector<16xf32> to vector<1xf32>
          %squeeze3A_236 = vector.extract %slice3A_235[0] : f32 from vector<1xf32>
          %get3A_237 = arith.index_cast %add3A_234 : i32 to index
          %get3A_238 = arith.constant 0 : index
          %get3A_239 = tpu.vector_load %arg15[%get3A_237, %get3A_238] {strides = array<i32>} : memref<512x16xf32, #tpu.memory_space<vmem>>, vector<1x16xf32>,
          %get3A_240 = vector.shape_cast %get3A_239 : vector<1x16xf32> to vector<16xf32>
          %mul3A_241 = vector.broadcast %squeeze3A_236 : f32 to vector<16xf32>
          %mul3A_242 = arith.mulf %get3A_240, %mul3A_241 : vector<16xf32>
          %swap3A_243 = arith.index_cast %add3A_234 : i32 to index
          %swap3A_244 = arith.constant 0 : index
          %swap3A_245 = tpu.vector_load %arg15[%swap3A_243, %swap3A_244] {strides = array<i32>} : memref<512x16xf32, #tpu.memory_space<vmem>>, vector<1x16xf32>,
          %swap3A_246 = vector.shape_cast %swap3A_245 : vector<1x16xf32> to vector<16xf32>
          %swap3A_247 = vector.shape_cast %mul3A_242 : vector<16xf32> to vector<1x16xf32>
          tpu.vector_store %arg15[%swap3A_243, %swap3A_244], %swap3A_247 {strides = array<i32>} : memref<512x16xf32, #tpu.memory_space<vmem>>, vector<1x16xf32>,
          %mul3A_248 = arith.constant 128 : i32
          %mul3A_249 = arith.muli %scan3A_138, %mul3A_248 : i32
          %mul3A_250 = arith.constant 16 : i32
          %mul3A_251 = arith.muli %scan3A_165, %mul3A_250 : i32
          %add3A_252 = arith.addi %mul3A_249, %mul3A_251 : i32
          %add3A_253 = arith.constant 4 : i32
          %add3A_254 = arith.addi %add3A_252, %add3A_253 : i32
          %slice3A_255 = vector.extract_strided_slice %get3A_170 {offsets = [4], sizes = [1], strides = [1]} : vector<16xf32> to vector<1xf32>
          %squeeze3A_256 = vector.extract %slice3A_255[0] : f32 from vector<1xf32>
          %get3A_257 = arith.index_cast %add3A_254 : i32 to index
          %get3A_258 = arith.constant 0 : index
          %get3A_259 = tpu.vector_load %arg15[%get3A_257, %get3A_258] {strides = array<i32>} : memref<512x16xf32, #tpu.memory_space<vmem>>, vector<1x16xf32>,
          %get3A_260 = vector.shape_cast %get3A_259 : vector<1x16xf32> to vector<16xf32>
          %mul3A_261 = vector.broadcast %squeeze3A_256 : f32 to vector<16xf32>
          %mul3A_262 = arith.mulf %get3A_260, %mul3A_261 : vector<16xf32>
          %swap3A_263 = arith.index_cast %add3A_254 : i32 to index
          %swap3A_264 = arith.constant 0 : index
          %swap3A_265 = tpu.vector_load %arg15[%swap3A_263, %swap3A_264] {strides = array<i32>} : memref<512x16xf32, #tpu.memory_space<vmem>>, vector<1x16xf32>,
          %swap3A_266 = vector.shape_cast %swap3A_265 : vector<1x16xf32> to vector<16xf32>
          %swap3A_267 = vector.shape_cast %mul3A_262 : vector<16xf32> to vector<1x16xf32>
          tpu.vector_store %arg15[%swap3A_263, %swap3A_264], %swap3A_267 {strides = array<i32>} : memref<512x16xf32, #tpu.memory_space<vmem>>, vector<1x16xf32>,
          %mul3A_268 = arith.constant 128 : i32
          %mul3A_269 = arith.muli %scan3A_138, %mul3A_268 : i32
          %mul3A_270 = arith.constant 16 : i32
          %mul3A_271 = arith.muli %scan3A_165, %mul3A_270 : i32
          %add3A_272 = arith.addi %mul3A_269, %mul3A_271 : i32
          %add3A_273 = arith.constant 5 : i32
          %add3A_274 = arith.addi %add3A_272, %add3A_273 : i32
          %slice3A_275 = vector.extract_strided_slice %get3A_170 {offsets = [5], sizes = [1], strides = [1]} : vector<16xf32> to vector<1xf32>
          %squeeze3A_276 = vector.extract %slice3A_275[0] : f32 from vector<1xf32>
          %get3A_277 = arith.index_cast %add3A_274 : i32 to index
          %get3A_278 = arith.constant 0 : index
          %get3A_279 = tpu.vector_load %arg15[%get3A_277, %get3A_278] {strides = array<i32>} : memref<512x16xf32, #tpu.memory_space<vmem>>, vector<1x16xf32>,
          %get3A_280 = vector.shape_cast %get3A_279 : vector<1x16xf32> to vector<16xf32>
          %mul3A_281 = vector.broadcast %squeeze3A_276 : f32 to vector<16xf32>
          %mul3A_282 = arith.mulf %get3A_280, %mul3A_281 : vector<16xf32>
          %swap3A_283 = arith.index_cast %add3A_274 : i32 to index
          %swap3A_284 = arith.constant 0 : index
          %swap3A_285 = tpu.vector_load %arg15[%swap3A_283, %swap3A_284] {strides = array<i32>} : memref<512x16xf32, #tpu.memory_space<vmem>>, vector<1x16xf32>,
          %swap3A_286 = vector.shape_cast %swap3A_285 : vector<1x16xf32> to vector<16xf32>
          %swap3A_287 = vector.shape_cast %mul3A_282 : vector<16xf32> to vector<1x16xf32>
          tpu.vector_store %arg15[%swap3A_283, %swap3A_284], %swap3A_287 {strides = array<i32>} : memref<512x16xf32, #tpu.memory_space<vmem>>, vector<1x16xf32>,
          %mul3A_288 = arith.constant 128 : i32
          %mul3A_289 = arith.muli %scan3A_138, %mul3A_288 : i32
          %mul3A_290 = arith.constant 16 : i32
          %mul3A_291 = arith.muli %scan3A_165, %mul3A_290 : i32
          %add3A_292 = arith.addi %mul3A_289, %mul3A_291 : i32
          %add3A_293 = arith.constant 6 : i32
          %add3A_294 = arith.addi %add3A_292, %add3A_293 : i32
          %slice3A_295 = vector.extract_strided_slice %get3A_170 {offsets = [6], sizes = [1], strides = [1]} : vector<16xf32> to vector<1xf32>
          %squeeze3A_296 = vector.extract %slice3A_295[0] : f32 from vector<1xf32>
          %get3A_297 = arith.index_cast %add3A_294 : i32 to index
          %get3A_298 = arith.constant 0 : index
          %get3A_299 = tpu.vector_load %arg15[%get3A_297, %get3A_298] {strides = array<i32>} : memref<512x16xf32, #tpu.memory_space<vmem>>, vector<1x16xf32>,
          %get3A_300 = vector.shape_cast %get3A_299 : vector<1x16xf32> to vector<16xf32>
          %mul3A_301 = vector.broadcast %squeeze3A_296 : f32 to vector<16xf32>
          %mul3A_302 = arith.mulf %get3A_300, %mul3A_301 : vector<16xf32>
          %swap3A_303 = arith.index_cast %add3A_294 : i32 to index
          %swap3A_304 = arith.constant 0 : index
          %swap3A_305 = tpu.vector_load %arg15[%swap3A_303, %swap3A_304] {strides = array<i32>} : memref<512x16xf32, #tpu.memory_space<vmem>>, vector<1x16xf32>,
          %swap3A_306 = vector.shape_cast %swap3A_305 : vector<1x16xf32> to vector<16xf32>
          %swap3A_307 = vector.shape_cast %mul3A_302 : vector<16xf32> to vector<1x16xf32>
          tpu.vector_store %arg15[%swap3A_303, %swap3A_304], %swap3A_307 {strides = array<i32>} : memref<512x16xf32, #tpu.memory_space<vmem>>, vector<1x16xf32>,
          %mul3A_308 = arith.constant 128 : i32
          %mul3A_309 = arith.muli %scan3A_138, %mul3A_308 : i32
          %mul3A_310 = arith.constant 16 : i32
          %mul3A_311 = arith.muli %scan3A_165, %mul3A_310 : i32
          %add3A_312 = arith.addi %mul3A_309, %mul3A_311 : i32
          %add3A_313 = arith.constant 7 : i32
          %add3A_314 = arith.addi %add3A_312, %add3A_313 : i32
          %slice3A_315 = vector.extract_strided_slice %get3A_170 {offsets = [7], sizes = [1], strides = [1]} : vector<16xf32> to vector<1xf32>
          %squeeze3A_316 = vector.extract %slice3A_315[0] : f32 from vector<1xf32>
          %get3A_317 = arith.index_cast %add3A_314 : i32 to index
          %get3A_318 = arith.constant 0 : index
          %get3A_319 = tpu.vector_load %arg15[%get3A_317, %get3A_318] {strides = array<i32>} : memref<512x16xf32, #tpu.memory_space<vmem>>, vector<1x16xf32>,
          %get3A_320 = vector.shape_cast %get3A_319 : vector<1x16xf32> to vector<16xf32>
          %mul3A_321 = vector.broadcast %squeeze3A_316 : f32 to vector<16xf32>
          %mul3A_322 = arith.mulf %get3A_320, %mul3A_321 : vector<16xf32>
          %swap3A_323 = arith.index_cast %add3A_314 : i32 to index
          %swap3A_324 = arith.constant 0 : index
          %swap3A_325 = tpu.vector_load %arg15[%swap3A_323, %swap3A_324] {strides = array<i32>} : memref<512x16xf32, #tpu.memory_space<vmem>>, vector<1x16xf32>,
          %swap3A_326 = vector.shape_cast %swap3A_325 : vector<1x16xf32> to vector<16xf32>
          %swap3A_327 = vector.shape_cast %mul3A_322 : vector<16xf32> to vector<1x16xf32>
          tpu.vector_store %arg15[%swap3A_323, %swap3A_324], %swap3A_327 {strides = array<i32>} : memref<512x16xf32, #tpu.memory_space<vmem>>, vector<1x16xf32>,
          %mul3A_328 = arith.constant 128 : i32
          %mul3A_329 = arith.muli %scan3A_138, %mul3A_328 : i32
          %mul3A_330 = arith.constant 16 : i32
          %mul3A_331 = arith.muli %scan3A_165, %mul3A_330 : i32
          %add3A_332 = arith.addi %mul3A_329, %mul3A_331 : i32
          %add3A_333 = arith.constant 8 : i32
          %add3A_334 = arith.addi %add3A_332, %add3A_333 : i32
          %slice3A_335 = vector.extract_strided_slice %get3A_170 {offsets = [8], sizes = [1], strides = [1]} : vector<16xf32> to vector<1xf32>
          %squeeze3A_336 = vector.extract %slice3A_335[0] : f32 from vector<1xf32>
          %get3A_337 = arith.index_cast %add3A_334 : i32 to index
          %get3A_338 = arith.constant 0 : index
          %get3A_339 = tpu.vector_load %arg15[%get3A_337, %get3A_338] {strides = array<i32>} : memref<512x16xf32, #tpu.memory_space<vmem>>, vector<1x16xf32>,
          %get3A_340 = vector.shape_cast %get3A_339 : vector<1x16xf32> to vector<16xf32>
          %mul3A_341 = vector.broadcast %squeeze3A_336 : f32 to vector<16xf32>
          %mul3A_342 = arith.mulf %get3A_340, %mul3A_341 : vector<16xf32>
          %swap3A_343 = arith.index_cast %add3A_334 : i32 to index
          %swap3A_344 = arith.constant 0 : index
          %swap3A_345 = tpu.vector_load %arg15[%swap3A_343, %swap3A_344] {strides = array<i32>} : memref<512x16xf32, #tpu.memory_space<vmem>>, vector<1x16xf32>,
          %swap3A_346 = vector.shape_cast %swap3A_345 : vector<1x16xf32> to vector<16xf32>
          %swap3A_347 = vector.shape_cast %mul3A_342 : vector<16xf32> to vector<1x16xf32>
          tpu.vector_store %arg15[%swap3A_343, %swap3A_344], %swap3A_347 {strides = array<i32>} : memref<512x16xf32, #tpu.memory_space<vmem>>, vector<1x16xf32>,
          %mul3A_348 = arith.constant 128 : i32
          %mul3A_349 = arith.muli %scan3A_138, %mul3A_348 : i32
          %mul3A_350 = arith.constant 16 : i32
          %mul3A_351 = arith.muli %scan3A_165, %mul3A_350 : i32
          %add3A_352 = arith.addi %mul3A_349, %mul3A_351 : i32
          %add3A_353 = arith.constant 9 : i32
          %add3A_354 = arith.addi %add3A_352, %add3A_353 : i32
          %slice3A_355 = vector.extract_strided_slice %get3A_170 {offsets = [9], sizes = [1], strides = [1]} : vector<16xf32> to vector<1xf32>
          %squeeze3A_356 = vector.extract %slice3A_355[0] : f32 from vector<1xf32>
          %get3A_357 = arith.index_cast %add3A_354 : i32 to index
          %get3A_358 = arith.constant 0 : index
          %get3A_359 = tpu.vector_load %arg15[%get3A_357, %get3A_358] {strides = array<i32>} : memref<512x16xf32, #tpu.memory_space<vmem>>, vector<1x16xf32>,
          %get3A_360 = vector.shape_cast %get3A_359 : vector<1x16xf32> to vector<16xf32>
          %mul3A_361 = vector.broadcast %squeeze3A_356 : f32 to vector<16xf32>
          %mul3A_362 = arith.mulf %get3A_360, %mul3A_361 : vector<16xf32>
          %swap3A_363 = arith.index_cast %add3A_354 : i32 to index
          %swap3A_364 = arith.constant 0 : index
          %swap3A_365 = tpu.vector_load %arg15[%swap3A_363, %swap3A_364] {strides = array<i32>} : memref<512x16xf32, #tpu.memory_space<vmem>>, vector<1x16xf32>,
          %swap3A_366 = vector.shape_cast %swap3A_365 : vector<1x16xf32> to vector<16xf32>
          %swap3A_367 = vector.shape_cast %mul3A_362 : vector<16xf32> to vector<1x16xf32>
          tpu.vector_store %arg15[%swap3A_363, %swap3A_364], %swap3A_367 {strides = array<i32>} : memref<512x16xf32, #tpu.memory_space<vmem>>, vector<1x16xf32>,
          %mul3A_368 = arith.constant 128 : i32
          %mul3A_369 = arith.muli %scan3A_138, %mul3A_368 : i32
          %mul3A_370 = arith.constant 16 : i32
          %mul3A_371 = arith.muli %scan3A_165, %mul3A_370 : i32
          %add3A_372 = arith.addi %mul3A_369, %mul3A_371 : i32
          %add3A_373 = arith.constant 10 : i32
          %add3A_374 = arith.addi %add3A_372, %add3A_373 : i32
          %slice3A_375 = vector.extract_strided_slice %get3A_170 {offsets = [10], sizes = [1], strides = [1]} : vector<16xf32> to vector<1xf32>
          %squeeze3A_376 = vector.extract %slice3A_375[0] : f32 from vector<1xf32>
          %get3A_377 = arith.index_cast %add3A_374 : i32 to index
          %get3A_378 = arith.constant 0 : index
          %get3A_379 = tpu.vector_load %arg15[%get3A_377, %get3A_378] {strides = array<i32>} : memref<512x16xf32, #tpu.memory_space<vmem>>, vector<1x16xf32>,
          %get3A_380 = vector.shape_cast %get3A_379 : vector<1x16xf32> to vector<16xf32>
          %mul3A_381 = vector.broadcast %squeeze3A_376 : f32 to vector<16xf32>
          %mul3A_382 = arith.mulf %get3A_380, %mul3A_381 : vector<16xf32>
          %swap3A_383 = arith.index_cast %add3A_374 : i32 to index
          %swap3A_384 = arith.constant 0 : index
          %swap3A_385 = tpu.vector_load %arg15[%swap3A_383, %swap3A_384] {strides = array<i32>} : memref<512x16xf32, #tpu.memory_space<vmem>>, vector<1x16xf32>,
          %swap3A_386 = vector.shape_cast %swap3A_385 : vector<1x16xf32> to vector<16xf32>
          %swap3A_387 = vector.shape_cast %mul3A_382 : vector<16xf32> to vector<1x16xf32>
          tpu.vector_store %arg15[%swap3A_383, %swap3A_384], %swap3A_387 {strides = array<i32>} : memref<512x16xf32, #tpu.memory_space<vmem>>, vector<1x16xf32>,
          %mul3A_388 = arith.constant 128 : i32
          %mul3A_389 = arith.muli %scan3A_138, %mul3A_388 : i32
          %mul3A_390 = arith.constant 16 : i32
          %mul3A_391 = arith.muli %scan3A_165, %mul3A_390 : i32
          %add3A_392 = arith.addi %mul3A_389, %mul3A_391 : i32
          %add3A_393 = arith.constant 11 : i32
          %add3A_394 = arith.addi %add3A_392, %add3A_393 : i32
          %slice3A_395 = vector.extract_strided_slice %get3A_170 {offsets = [11], sizes = [1], strides = [1]} : vector<16xf32> to vector<1xf32>
          %squeeze3A_396 = vector.extract %slice3A_395[0] : f32 from vector<1xf32>
          %get3A_397 = arith.index_cast %add3A_394 : i32 to index
          %get3A_398 = arith.constant 0 : index
          %get3A_399 = tpu.vector_load %arg15[%get3A_397, %get3A_398] {strides = array<i32>} : memref<512x16xf32, #tpu.memory_space<vmem>>, vector<1x16xf32>,
          %get3A_400 = vector.shape_cast %get3A_399 : vector<1x16xf32> to vector<16xf32>
          %mul3A_401 = vector.broadcast %squeeze3A_396 : f32 to vector<16xf32>
          %mul3A_402 = arith.mulf %get3A_400, %mul3A_401 : vector<16xf32>
          %swap3A_403 = arith.index_cast %add3A_394 : i32 to index
          %swap3A_404 = arith.constant 0 : index
          %swap3A_405 = tpu.vector_load %arg15[%swap3A_403, %swap3A_404] {strides = array<i32>} : memref<512x16xf32, #tpu.memory_space<vmem>>, vector<1x16xf32>,
          %swap3A_406 = vector.shape_cast %swap3A_405 : vector<1x16xf32> to vector<16xf32>
          %swap3A_407 = vector.shape_cast %mul3A_402 : vector<16xf32> to vector<1x16xf32>
          tpu.vector_store %arg15[%swap3A_403, %swap3A_404], %swap3A_407 {strides = array<i32>} : memref<512x16xf32, #tpu.memory_space<vmem>>, vector<1x16xf32>,
          %mul3A_408 = arith.constant 128 : i32
          %mul3A_409 = arith.muli %scan3A_138, %mul3A_408 : i32
          %mul3A_410 = arith.constant 16 : i32
          %mul3A_411 = arith.muli %scan3A_165, %mul3A_410 : i32
          %add3A_412 = arith.addi %mul3A_409, %mul3A_411 : i32
          %add3A_413 = arith.constant 12 : i32
          %add3A_414 = arith.addi %add3A_412, %add3A_413 : i32
          %slice3A_415 = vector.extract_strided_slice %get3A_170 {offsets = [12], sizes = [1], strides = [1]} : vector<16xf32> to vector<1xf32>
          %squeeze3A_416 = vector.extract %slice3A_415[0] : f32 from vector<1xf32>
          %get3A_417 = arith.index_cast %add3A_414 : i32 to index
          %get3A_418 = arith.constant 0 : index
          %get3A_419 = tpu.vector_load %arg15[%get3A_417, %get3A_418] {strides = array<i32>} : memref<512x16xf32, #tpu.memory_space<vmem>>, vector<1x16xf32>,
          %get3A_420 = vector.shape_cast %get3A_419 : vector<1x16xf32> to vector<16xf32>
          %mul3A_421 = vector.broadcast %squeeze3A_416 : f32 to vector<16xf32>
          %mul3A_422 = arith.mulf %get3A_420, %mul3A_421 : vector<16xf32>
          %swap3A_423 = arith.index_cast %add3A_414 : i32 to index
          %swap3A_424 = arith.constant 0 : index
          %swap3A_425 = tpu.vector_load %arg15[%swap3A_423, %swap3A_424] {strides = array<i32>} : memref<512x16xf32, #tpu.memory_space<vmem>>, vector<1x16xf32>,
          %swap3A_426 = vector.shape_cast %swap3A_425 : vector<1x16xf32> to vector<16xf32>
          %swap3A_427 = vector.shape_cast %mul3A_422 : vector<16xf32> to vector<1x16xf32>
          tpu.vector_store %arg15[%swap3A_423, %swap3A_424], %swap3A_427 {strides = array<i32>} : memref<512x16xf32, #tpu.memory_space<vmem>>, vector<1x16xf32>,
          %mul3A_428 = arith.constant 128 : i32
          %mul3A_429 = arith.muli %scan3A_138, %mul3A_428 : i32
          %mul3A_430 = arith.constant 16 : i32
          %mul3A_431 = arith.muli %scan3A_165, %mul3A_430 : i32
          %add3A_432 = arith.addi %mul3A_429, %mul3A_431 : i32
          %add3A_433 = arith.constant 13 : i32
          %add3A_434 = arith.addi %add3A_432, %add3A_433 : i32
          %slice3A_435 = vector.extract_strided_slice %get3A_170 {offsets = [13], sizes = [1], strides = [1]} : vector<16xf32> to vector<1xf32>
          %squeeze3A_436 = vector.extract %slice3A_435[0] : f32 from vector<1xf32>
          %get3A_437 = arith.index_cast %add3A_434 : i32 to index
          %get3A_438 = arith.constant 0 : index
          %get3A_439 = tpu.vector_load %arg15[%get3A_437, %get3A_438] {strides = array<i32>} : memref<512x16xf32, #tpu.memory_space<vmem>>, vector<1x16xf32>,
          %get3A_440 = vector.shape_cast %get3A_439 : vector<1x16xf32> to vector<16xf32>
          %mul3A_441 = vector.broadcast %squeeze3A_436 : f32 to vector<16xf32>
          %mul3A_442 = arith.mulf %get3A_440, %mul3A_441 : vector<16xf32>
          %swap3A_443 = arith.index_cast %add3A_434 : i32 to index
          %swap3A_444 = arith.constant 0 : index
          %swap3A_445 = tpu.vector_load %arg15[%swap3A_443, %swap3A_444] {strides = array<i32>} : memref<512x16xf32, #tpu.memory_space<vmem>>, vector<1x16xf32>,
          %swap3A_446 = vector.shape_cast %swap3A_445 : vector<1x16xf32> to vector<16xf32>
          %swap3A_447 = vector.shape_cast %mul3A_442 : vector<16xf32> to vector<1x16xf32>
          tpu.vector_store %arg15[%swap3A_443, %swap3A_444], %swap3A_447 {strides = array<i32>} : memref<512x16xf32, #tpu.memory_space<vmem>>, vector<1x16xf32>,
          %mul3A_448 = arith.constant 128 : i32
          %mul3A_449 = arith.muli %scan3A_138, %mul3A_448 : i32
          %mul3A_450 = arith.constant 16 : i32
          %mul3A_451 = arith.muli %scan3A_165, %mul3A_450 : i32
          %add3A_452 = arith.addi %mul3A_449, %mul3A_451 : i32
          %add3A_453 = arith.constant 14 : i32
          %add3A_454 = arith.addi %add3A_452, %add3A_453 : i32
          %slice3A_455 = vector.extract_strided_slice %get3A_170 {offsets = [14], sizes = [1], strides = [1]} : vector<16xf32> to vector<1xf32>
          %squeeze3A_456 = vector.extract %slice3A_455[0] : f32 from vector<1xf32>
          %get3A_457 = arith.index_cast %add3A_454 : i32 to index
          %get3A_458 = arith.constant 0 : index
          %get3A_459 = tpu.vector_load %arg15[%get3A_457, %get3A_458] {strides = array<i32>} : memref<512x16xf32, #tpu.memory_space<vmem>>, vector<1x16xf32>,
          %get3A_460 = vector.shape_cast %get3A_459 : vector<1x16xf32> to vector<16xf32>
          %mul3A_461 = vector.broadcast %squeeze3A_456 : f32 to vector<16xf32>
          %mul3A_462 = arith.mulf %get3A_460, %mul3A_461 : vector<16xf32>
          %swap3A_463 = arith.index_cast %add3A_454 : i32 to index
          %swap3A_464 = arith.constant 0 : index
          %swap3A_465 = tpu.vector_load %arg15[%swap3A_463, %swap3A_464] {strides = array<i32>} : memref<512x16xf32, #tpu.memory_space<vmem>>, vector<1x16xf32>,
          %swap3A_466 = vector.shape_cast %swap3A_465 : vector<1x16xf32> to vector<16xf32>
          %swap3A_467 = vector.shape_cast %mul3A_462 : vector<16xf32> to vector<1x16xf32>
          tpu.vector_store %arg15[%swap3A_463, %swap3A_464], %swap3A_467 {strides = array<i32>} : memref<512x16xf32, #tpu.memory_space<vmem>>, vector<1x16xf32>,
          %mul3A_468 = arith.constant 128 : i32
          %mul3A_469 = arith.muli %scan3A_138, %mul3A_468 : i32
          %mul3A_470 = arith.constant 16 : i32
          %mul3A_471 = arith.muli %scan3A_165, %mul3A_470 : i32
          %add3A_472 = arith.addi %mul3A_469, %mul3A_471 : i32
          %add3A_473 = arith.constant 15 : i32
          %add3A_474 = arith.addi %add3A_472, %add3A_473 : i32
          %slice3A_475 = vector.extract_strided_slice %get3A_170 {offsets = [15], sizes = [1], strides = [1]} : vector<16xf32> to vector<1xf32>
          %squeeze3A_476 = vector.extract %slice3A_475[0] : f32 from vector<1xf32>
          %get3A_477 = arith.index_cast %add3A_474 : i32 to index
          %get3A_478 = arith.constant 0 : index
          %get3A_479 = tpu.vector_load %arg15[%get3A_477, %get3A_478] {strides = array<i32>} : memref<512x16xf32, #tpu.memory_space<vmem>>, vector<1x16xf32>,
          %get3A_480 = vector.shape_cast %get3A_479 : vector<1x16xf32> to vector<16xf32>
          %mul3A_481 = vector.broadcast %squeeze3A_476 : f32 to vector<16xf32>
          %mul3A_482 = arith.mulf %get3A_480, %mul3A_481 : vector<16xf32>
          %swap3A_483 = arith.index_cast %add3A_474 : i32 to index
          %swap3A_484 = arith.constant 0 : index
          %swap3A_485 = tpu.vector_load %arg15[%swap3A_483, %swap3A_484] {strides = array<i32>} : memref<512x16xf32, #tpu.memory_space<vmem>>, vector<1x16xf32>,
          %swap3A_486 = vector.shape_cast %swap3A_485 : vector<1x16xf32> to vector<16xf32>
          %swap3A_487 = vector.shape_cast %mul3A_482 : vector<16xf32> to vector<1x16xf32>
          tpu.vector_store %arg15[%swap3A_483, %swap3A_484], %swap3A_487 {strides = array<i32>} : memref<512x16xf32, #tpu.memory_space<vmem>>, vector<1x16xf32>,
        }
        %scan3A_154 = arith.constant 8 : i32
        %mul3A_155 = arith.constant 128 : i32
        %mul3A_156 = arith.muli %scan3A_138, %mul3A_155 : i32
        %dma_start3A_157 = arith.constant 0 : i32
        %dma_start3A_158 = tpu.memref_slice %arg15[%mul3A_156, %dma_start3A_157] : memref<512x16xf32, #tpu.memory_space<vmem>> -> memref<128x16xf32, #tpu.memory_space<vmem>>
        %dma_start3A_159 = arith.constant 0 : i32
        %dma_start3A_160 = tpu.memref_slice %arg9[%scan3A_138, %dma_start3A_159] : memref<4x128xi32, #tpu.memory_space<vmem>> -> memref<1x128xi32, #tpu.memory_space<vmem>>
        %dma_start3A_161 = tpu.memref_squeeze %dma_start3A_160 : memref<1x128xi32, #tpu.memory_space<vmem>> -> memref<128xi32, #tpu.memory_space<vmem>>
        %dma_start3A_162 = arith.constant 0 : i32
        %dma_start3A_163 = arith.constant 0 : i32
        %dma_start3A_164 = tpu.memref_slice %arg7[%dma_start3A_162, %dma_start3A_163] : memref<50176x16xf32, #tpu.memory_space<vmem_shared>> -> memref<50176x16xf32, #tpu.memory_space<vmem_shared>>
        tpu.enqueue_indirect_dma source(%dma_start3A_158 : memref<128x16xf32, #tpu.memory_space<vmem>>) target(%dma_start3A_164 : memref<50176x16xf32, #tpu.memory_space<vmem_shared>>) offsets(%dma_start3A_161 : memref<128xi32, #tpu.memory_space<vmem>>) semaphore(%arg19 : memref<!tpu.dma_semaphore, #tpu.memory_space<semaphore_mem>>) {add = true}
      }
      %scan3A_132 = arith.constant 4 : i32
      %lt3A_133 = arith.constant 97 : i32
      %lt3A_134 = arith.cmpi slt, %scan3A_64, %lt3A_133 : i32
      %convert_element_type3A_135 = arith.extui %lt3A_134 : i1 to i32
      %cond3A_136 = arith.constant 0 : i32
      %cond3A_137 = arith.cmpi ne, %convert_element_type3A_135, %cond3A_136 : i32
      scf.if %cond3A_137 {
        %mul3A_138 = arith.constant 2 : i32
        %mul3A_139 = arith.muli %mul3A_138, %scan3A_64 : i32
        %add3A_140 = arith.constant 2 : i32
        %add3A_141 = arith.addi %mul3A_139, %add3A_140 : i32
        %mul3A_142 = arith.constant 4 : i32
        %mul3A_143 = arith.muli %add3A_141, %mul3A_142 : i32
        %add3A_144 = arith.addi %mul3A_2, %mul3A_143 : i32
        %dma_wait3A_145 = arith.constant 0 : i32
        %dma_wait3A_146 = tpu.memref_slice %arg3[%add3A_144, %dma_wait3A_145] : memref<12544x128xi32, #tpu.memory_space<hbm>> -> memref<4x128xi32, #tpu.memory_space<hbm>>
        %dma_wait3A_147 = arith.constant 0 : i32
        %dma_wait3A_148 = tpu.memref_slice %arg3[%add3A_144, %dma_wait3A_147] : memref<12544x128xi32, #tpu.memory_space<hbm>> -> memref<4x128xi32, #tpu.memory_space<hbm>>
        tpu.wait_dma2 semaphore(%arg12 : memref<!tpu.dma_semaphore, #tpu.memory_space<semaphore_mem>>) src(%dma_wait3A_148 : memref<4x128xi32, #tpu.memory_space<hbm>>) dst(%arg16 : memref<4x128xi32, #tpu.memory_space<vmem>>)
        %dma_wait3A_149 = arith.constant 0 : i32
        %dma_wait3A_150 = tpu.memref_slice %arg4[%add3A_144, %dma_wait3A_149] : memref<12544x128xi32, #tpu.memory_space<hbm>> -> memref<4x128xi32, #tpu.memory_space<hbm>>
        %dma_wait3A_151 = arith.constant 0 : i32
        %dma_wait3A_152 = tpu.memref_slice %arg4[%add3A_144, %dma_wait3A_151] : memref<12544x128xi32, #tpu.memory_space<hbm>> -> memref<4x128xi32, #tpu.memory_space<hbm>>
        tpu.wait_dma2 semaphore(%arg12 : memref<!tpu.dma_semaphore, #tpu.memory_space<semaphore_mem>>) src(%dma_wait3A_152 : memref<4x128xi32, #tpu.memory_space<hbm>>) dst(%arg8 : memref<4x128xi32, #tpu.memory_space<vmem>>)
        %dma_wait3A_153 = arith.constant 0 : i32
        %dma_wait3A_154 = tpu.memref_slice %arg5[%add3A_144, %dma_wait3A_153] : memref<12544x128xf32, #tpu.memory_space<hbm>> -> memref<4x128xf32, #tpu.memory_space<hbm>>
        %dma_wait3A_155 = arith.constant 0 : i32
        %dma_wait3A_156 = tpu.memref_slice %arg5[%add3A_144, %dma_wait3A_155] : memref<12544x128xf32, #tpu.memory_space<hbm>> -> memref<4x128xf32, #tpu.memory_space<hbm>>
        tpu.wait_dma2 semaphore(%arg12 : memref<!tpu.dma_semaphore, #tpu.memory_space<semaphore_mem>>) src(%dma_wait3A_156 : memref<4x128xf32, #tpu.memory_space<hbm>>) dst(%arg21 : memref<4x128xf32, #tpu.memory_space<vmem>>)
        %scan3A_157 = arith.constant 0 : i32
        %scan3A_158 = arith.constant 0 : i32
        %scan3A_159 = arith.constant 4 : i32
        %scan3A_160 = arith.addi %scan3A_158, %scan3A_159 : i32
        %scan3A_161 = arith.constant 1 : i32
        scf.for %scan3A_163 = %scan3A_158 to %scan3A_160 step %scan3A_161  : i32 {
          %mul3A_164 = arith.constant 128 : i32
          %mul3A_165 = arith.muli %scan3A_163, %mul3A_164 : i32
          %dma_start3A_166 = arith.constant 0 : i32
          %dma_start3A_167 = tpu.memref_slice %arg14[%mul3A_165, %dma_start3A_166] : memref<512x16xf32, #tpu.memory_space<vmem>> -> memref<128x16xf32, #tpu.memory_space<vmem>>
          %dma_start3A_168 = arith.constant 0 : i32
          %dma_start3A_169 = tpu.memref_slice %arg16[%scan3A_163, %dma_start3A_168] : memref<4x128xi32, #tpu.memory_space<vmem>> -> memref<1x128xi32, #tpu.memory_space<vmem>>
          %dma_start3A_170 = tpu.memref_squeeze %dma_start3A_169 : memref<1x128xi32, #tpu.memory_space<vmem>> -> memref<128xi32, #tpu.memory_space<vmem>>
          %dma_start3A_171 = arith.constant 0 : i32
          %dma_start3A_172 = arith.constant 0 : i32
          %dma_start3A_173 = tpu.memref_slice %arg23[%dma_start3A_171, %dma_start3A_172] : memref<50176x16xf32, #tpu.memory_space<vmem_shared>> -> memref<50176x16xf32, #tpu.memory_space<vmem_shared>>
          tpu.enqueue_indirect_dma source(%dma_start3A_173 : memref<50176x16xf32, #tpu.memory_space<vmem_shared>>) target(%dma_start3A_167 : memref<128x16xf32, #tpu.memory_space<vmem>>) offsets(%dma_start3A_170 : memref<128xi32, #tpu.memory_space<vmem>>) semaphore(%arg10 : memref<!tpu.dma_semaphore, #tpu.memory_space<semaphore_mem>>)
        }
        %scan3A_162 = arith.constant 4 : i32
      } else {
      }
    }
    %scan3A_50 = arith.constant 98 : i32
    %scan3A_51 = arith.constant 0 : i32
    %scan3A_52 = arith.constant 0 : i32
    %scan3A_53 = arith.constant 4 : i32
    %scan3A_54 = arith.addi %scan3A_52, %scan3A_53 : i32
    %scan3A_55 = arith.constant 1 : i32
    scf.for %scan3A_64 = %scan3A_52 to %scan3A_54 step %scan3A_55  : i32 {
      %mul3A_65 = arith.constant 128 : i32
      %mul3A_66 = arith.muli %scan3A_64, %mul3A_65 : i32
      %dma_wait3A_67 = arith.constant 0 : i32
      %dma_wait3A_68 = tpu.memref_slice %arg15[%mul3A_66, %dma_wait3A_67] : memref<512x16xf32, #tpu.memory_space<vmem>> -> memref<128x16xf32, #tpu.memory_space<vmem>>
      %dma_wait3A_69 = arith.constant 0 : i32
      %dma_wait3A_70 = tpu.memref_slice %arg9[%scan3A_64, %dma_wait3A_69] : memref<4x128xi32, #tpu.memory_space<vmem>> -> memref<1x128xi32, #tpu.memory_space<vmem>>
      %dma_wait3A_71 = tpu.memref_squeeze %dma_wait3A_70 : memref<1x128xi32, #tpu.memory_space<vmem>> -> memref<128xi32, #tpu.memory_space<vmem>>
      %dma_wait3A_72 = arith.constant 0 : i32
      %dma_wait3A_73 = arith.constant 0 : i32
      %dma_wait3A_74 = tpu.memref_slice %arg7[%dma_wait3A_72, %dma_wait3A_73] : memref<50176x16xf32, #tpu.memory_space<vmem_shared>> -> memref<50176x16xf32, #tpu.memory_space<vmem_shared>>
      tpu.wait_indirect_dma semaphore(%arg19 : memref<!tpu.dma_semaphore, #tpu.memory_space<semaphore_mem>>) src(%dma_wait3A_68 : memref<128x16xf32, #tpu.memory_space<vmem>>) dst(%dma_wait3A_74 : memref<50176x16xf32, #tpu.memory_space<vmem_shared>>)
    }
    %scan3A_56 = arith.constant 4 : i32
    %barrier3A_57 = arith.constant 0 : index
    tpu.barrier barrier_id(%barrier3A_57)
    %scan3A_58 = arith.constant 0 : i32
    %scan3A_59 = arith.constant 0 : i32
    %scan3A_60 = arith.constant 28 : i32
    %scan3A_61 = arith.addi %scan3A_59, %scan3A_60 : i32
    %scan3A_62 = arith.constant 1 : i32
    scf.for %scan3A_64 = %scan3A_59 to %scan3A_61 step %scan3A_62  : i32 {
      %mul3A_65 = arith.constant 112 : i32
      %mul3A_66 = arith.muli %scan3A_64, %mul3A_65 : i32
      %add3A_67 = arith.addi %mul3A_0, %mul3A_66 : i32
      "tpu.region"() ({
        %run_scoped3A = tpu.sem_alloc : memref<!tpu.dma_semaphore, #tpu.memory_space<semaphore_mem>>
        %dma_start3A_68 = arith.constant 0 : i32
        %dma_start3A_69 = tpu.memref_slice %arg7[%add3A_67, %dma_start3A_68] : memref<50176x16xf32, #tpu.memory_space<vmem_shared>> -> memref<112x16xf32, #tpu.memory_space<vmem_shared>>
        %dma_start3A_70 = arith.constant 0 : i32
        %dma_start3A_71 = tpu.memref_slice %arg7[%add3A_67, %dma_start3A_70] : memref<50176x16xf32, #tpu.memory_space<vmem_shared>> -> memref<112x16xf32, #tpu.memory_space<vmem_shared>>
        tpu.enqueue_dma source(%dma_start3A_71 : memref<112x16xf32, #tpu.memory_space<vmem_shared>>) target(%arg20 : memref<112x16xf32, #tpu.memory_space<vmem>>) target_semaphore(%run_scoped3A : memref<!tpu.dma_semaphore, #tpu.memory_space<semaphore_mem>>)
        %dma_wait3A_72 = arith.constant 0 : i32
        %dma_wait3A_73 = tpu.memref_slice %arg7[%add3A_67, %dma_wait3A_72] : memref<50176x16xf32, #tpu.memory_space<vmem_shared>> -> memref<112x16xf32, #tpu.memory_space<vmem_shared>>
        %dma_wait3A_74 = arith.constant 0 : i32
        %dma_wait3A_75 = tpu.memref_slice %arg7[%add3A_67, %dma_wait3A_74] : memref<50176x16xf32, #tpu.memory_space<vmem_shared>> -> memref<112x16xf32, #tpu.memory_space<vmem_shared>>
        tpu.wait_dma2 semaphore(%run_scoped3A : memref<!tpu.dma_semaphore, #tpu.memory_space<semaphore_mem>>) src(%dma_wait3A_75 : memref<112x16xf32, #tpu.memory_space<vmem_shared>>) dst(%arg20 : memref<112x16xf32, #tpu.memory_space<vmem>>)
        tpu.yield
      }) : () -> ()
      "tpu.region"() ({
        %run_scoped3A = tpu.sem_alloc : memref<!tpu.dma_semaphore, #tpu.memory_space<semaphore_mem>>
        %dma_start3A_68 = arith.constant 0 : i32
        %dma_start3A_69 = tpu.memref_slice %arg6[%arg0, %add3A_67, %dma_start3A_68] : memref<2x50176x16xf32, #tpu.memory_space<hbm>> -> memref<1x112x16xf32, #tpu.memory_space<hbm>>
        %dma_start3A_70 = tpu.memref_squeeze %dma_start3A_69 : memref<1x112x16xf32, #tpu.memory_space<hbm>> -> memref<112x16xf32, #tpu.memory_space<hbm>>
        %dma_start3A_71 = arith.constant 0 : i32
        %dma_start3A_72 = tpu.memref_slice %arg6[%arg0, %add3A_67, %dma_start3A_71] : memref<2x50176x16xf32, #tpu.memory_space<hbm>> -> memref<1x112x16xf32, #tpu.memory_space<hbm>>
        %dma_start3A_73 = tpu.memref_squeeze %dma_start3A_72 : memref<1x112x16xf32, #tpu.memory_space<hbm>> -> memref<112x16xf32, #tpu.memory_space<hbm>>
        tpu.enqueue_dma source(%arg20 : memref<112x16xf32, #tpu.memory_space<vmem>>) target(%dma_start3A_73 : memref<112x16xf32, #tpu.memory_space<hbm>>) target_semaphore(%run_scoped3A : memref<!tpu.dma_semaphore, #tpu.memory_space<semaphore_mem>>)
        %dma_wait3A_74 = arith.constant 0 : i32
        %dma_wait3A_75 = tpu.memref_slice %arg6[%arg0, %add3A_67, %dma_wait3A_74] : memref<2x50176x16xf32, #tpu.memory_space<hbm>> -> memref<1x112x16xf32, #tpu.memory_space<hbm>>
        %dma_wait3A_76 = tpu.memref_squeeze %dma_wait3A_75 : memref<1x112x16xf32, #tpu.memory_space<hbm>> -> memref<112x16xf32, #tpu.memory_space<hbm>>
        %dma_wait3A_77 = arith.constant 0 : i32
        %dma_wait3A_78 = tpu.memref_slice %arg6[%arg0, %add3A_67, %dma_wait3A_77] : memref<2x50176x16xf32, #tpu.memory_space<hbm>> -> memref<1x112x16xf32, #tpu.memory_space<hbm>>
        %dma_wait3A_79 = tpu.memref_squeeze %dma_wait3A_78 : memref<1x112x16xf32, #tpu.memory_space<hbm>> -> memref<112x16xf32, #tpu.memory_space<hbm>>
        tpu.wait_dma2 semaphore(%run_scoped3A : memref<!tpu.dma_semaphore, #tpu.memory_space<semaphore_mem>>) src(%arg20 : memref<112x16xf32, #tpu.memory_space<vmem>>) dst(%dma_wait3A_79 : memref<112x16xf32, #tpu.memory_space<hbm>>)
        tpu.yield
      }) : () -> ()
    }
    %scan3A_63 = arith.constant 28 : i32
    return
  }
}

#map = affine_map<(d0, d1) -> (0, 0, 0)>
#map1 = affine_map<(d0, d1) -> (0, 0)>
module attributes {stable_mosaic.version = 14 : i64} {
  func.func @_propagate(%arg0: i32, %arg1: i32, %arg2: memref<2x50176x16xf32, #tpu.memory_space<hbm>>, %arg3: memref<12544x128xi32, #tpu.memory_space<hbm>>, %arg4: memref<12544x128xi32, #tpu.memory_space<hbm>>, %arg5: memref<12544x128xf32, #tpu.memory_space<hbm>>, %arg6: memref<2x50176x16xf32, #tpu.memory_space<hbm>>, %arg7: memref<50176x16xf32, #tpu.memory_space<vmem_shared>>, %arg8: memref<4x128xi32, #tpu.memory_space<vmem>>, %arg9: memref<4x128xi32, #tpu.memory_space<vmem>>, %arg10: memref<!tpu.dma_semaphore, #tpu.memory_space<semaphore_mem>>, %arg11: memref<!tpu.dma_semaphore, #tpu.memory_space<semaphore_mem>>, %arg12: memref<!tpu.dma_semaphore, #tpu.memory_space<semaphore_mem>>, %arg13: memref<!tpu.dma_semaphore, #tpu.memory_space<semaphore_mem>>, %arg14: memref<512x16xf32, #tpu.memory_space<vmem>>, %arg15: memref<512x16xf32, #tpu.memory_space<vmem>>, %arg16: memref<4x128xi32, #tpu.memory_space<vmem>>, %arg17: memref<4x128xi32, #tpu.memory_space<vmem>>, %arg18: memref<!tpu.dma_semaphore, #tpu.memory_space<semaphore_mem>>, %arg19: memref<!tpu.dma_semaphore, #tpu.memory_space<semaphore_mem>>, %arg20: memref<112x16xf32, #tpu.memory_space<vmem>>, %arg21: memref<4x128xf32, #tpu.memory_space<vmem>>, %arg22: memref<4x128xf32, #tpu.memory_space<vmem>>, %arg23: memref<50176x16xf32, #tpu.memory_space<vmem_shared>>) attributes {dimension_semantics = [#tpu.dimension_semantics<core_parallel>, #tpu.dimension_semantics<subcore_parallel>], iteration_bounds = array<i64: 2, 16>, scalar_prefetch = 0 : i64, scratch_operands = 17 : i64, tpu.core_type = #tpu.core_type<sc_vector_subcore>, window_params = [{transform_indices = #map}, {transform_indices = #map1}, {transform_indices = #map1}, {transform_indices = #map1}, {transform_indices = #map}]} {
    %mul3A = arith.constant 3136 : i32
    %mul3A_0 = arith.muli %arg1, %mul3A : i32
    %mul3A_1 = arith.constant 784 : i32
    %mul3A_2 = arith.muli %arg1, %mul3A_1 : i32
    "tpu.region"() ({
      %run_scoped3A = tpu.sem_alloc : memref<!tpu.dma_semaphore, #tpu.memory_space<semaphore_mem>>
      %dma_start3A_64 = arith.constant 0 : i32
      %dma_start3A_65 = tpu.memref_slice %arg23[%mul3A_0, %dma_start3A_64] : memref<50176x16xf32, #tpu.memory_space<vmem_shared>> -> memref<3136x16xf32, #tpu.memory_space<vmem_shared>>
      %dma_start3A_66 = arith.constant 0 : i32
      %dma_start3A_67 = tpu.memref_slice %arg2[%arg0, %mul3A_0, %dma_start3A_66] : memref<2x50176x16xf32, #tpu.memory_space<hbm>> -> memref<1x3136x16xf32, #tpu.memory_space<hbm>>
      %dma_start3A_68 = tpu.memref_squeeze %dma_start3A_67 : memref<1x3136x16xf32, #tpu.memory_space<hbm>> -> memref<3136x16xf32, #tpu.memory_space<hbm>>
      tpu.enqueue_dma source(%dma_start3A_68 : memref<3136x16xf32, #tpu.memory_space<hbm>>) target(%dma_start3A_65 : memref<3136x16xf32, #tpu.memory_space<vmem_shared>>) target_semaphore(%run_scoped3A : memref<!tpu.dma_semaphore, #tpu.memory_space<semaphore_mem>>)
      %dma_wait3A_69 = arith.constant 0 : i32
      %dma_wait3A_70 = tpu.memref_slice %arg23[%mul3A_0, %dma_wait3A_69] : memref<50176x16xf32, #tpu.memory_space<vmem_shared>> -> memref<3136x16xf32, #tpu.memory_space<vmem_shared>>
      %dma_wait3A_71 = arith.constant 0 : i32
      %dma_wait3A_72 = tpu.memref_slice %arg2[%arg0, %mul3A_0, %dma_wait3A_71] : memref<2x50176x16xf32, #tpu.memory_space<hbm>> -> memref<1x3136x16xf32, #tpu.memory_space<hbm>>
      %dma_wait3A_73 = tpu.memref_squeeze %dma_wait3A_72 : memref<1x3136x16xf32, #tpu.memory_space<hbm>> -> memref<3136x16xf32, #tpu.memory_space<hbm>>
      tpu.wait_dma2 semaphore(%run_scoped3A : memref<!tpu.dma_semaphore, #tpu.memory_space<semaphore_mem>>) src(%dma_wait3A_73 : memref<3136x16xf32, #tpu.memory_space<hbm>>) dst(%dma_wait3A_70 : memref<3136x16xf32, #tpu.memory_space<vmem_shared>>)
      tpu.yield
    }) : () -> ()
    %scan3A = arith.constant 0 : i32
    %scan3A_3 = arith.constant 0 : i32
    %scan3A_4 = arith.constant 112 : i32
    %scan3A_5 = arith.addi %scan3A_3, %scan3A_4 : i32
    %scan3A_6 = arith.constant 1 : i32
    scf.for %scan3A_64 = %scan3A_3 to %scan3A_5 step %scan3A_6  : i32 {
      %broadcast_in_dim3A = arith.constant 0.000000e+00 : f32
      %broadcast_in_dim3A_65 = vector.broadcast %broadcast_in_dim3A : f32 to vector<16xf32>
      %swap3A = arith.index_cast %scan3A_64 : i32 to index
      %swap3A_66 = arith.constant 0 : index
      %swap3A_67 = tpu.vector_load %arg20[%swap3A, %swap3A_66] {strides = array<i32>} : memref<112x16xf32, #tpu.memory_space<vmem>>, vector<1x16xf32>,
      %swap3A_68 = vector.shape_cast %swap3A_67 : vector<1x16xf32> to vector<16xf32>
      %swap3A_69 = vector.shape_cast %broadcast_in_dim3A_65 : vector<16xf32> to vector<1x16xf32>
      tpu.vector_store %arg20[%swap3A, %swap3A_66], %swap3A_69 {strides = array<i32>} : memref<112x16xf32, #tpu.memory_space<vmem>>, vector<1x16xf32>,
    }
    %scan3A_7 = arith.constant 112 : i32
    %scan3A_8 = arith.constant 0 : i32
    %scan3A_9 = arith.constant 0 : i32
    %scan3A_10 = arith.constant 28 : i32
    %scan3A_11 = arith.addi %scan3A_9, %scan3A_10 : i32
    %scan3A_12 = arith.constant 1 : i32
    scf.for %scan3A_64 = %scan3A_9 to %scan3A_11 step %scan3A_12  : i32 {
      %mul3A_65 = arith.constant 112 : i32
      %mul3A_66 = arith.muli %scan3A_64, %mul3A_65 : i32
      %add3A_67 = arith.addi %mul3A_0, %mul3A_66 : i32
      "tpu.region"() ({
        %run_scoped3A = tpu.sem_alloc : memref<!tpu.dma_semaphore, #tpu.memory_space<semaphore_mem>>
        %dma_start3A_68 = arith.constant 0 : i32
        %dma_start3A_69 = tpu.memref_slice %arg7[%add3A_67, %dma_start3A_68] : memref<50176x16xf32, #tpu.memory_space<vmem_shared>> -> memref<112x16xf32, #tpu.memory_space<vmem_shared>>
        %dma_start3A_70 = arith.constant 0 : i32
        %dma_start3A_71 = tpu.memref_slice %arg7[%add3A_67, %dma_start3A_70] : memref<50176x16xf32, #tpu.memory_space<vmem_shared>> -> memref<112x16xf32, #tpu.memory_space<vmem_shared>>
        tpu.enqueue_dma source(%arg20 : memref<112x16xf32, #tpu.memory_space<vmem>>) target(%dma_start3A_71 : memref<112x16xf32, #tpu.memory_space<vmem_shared>>) target_semaphore(%run_scoped3A : memref<!tpu.dma_semaphore, #tpu.memory_space<semaphore_mem>>)
        %dma_wait3A_72 = arith.constant 0 : i32
        %dma_wait3A_73 = tpu.memref_slice %arg7[%add3A_67, %dma_wait3A_72] : memref<50176x16xf32, #tpu.memory_space<vmem_shared>> -> memref<112x16xf32, #tpu.memory_space<vmem_shared>>
        %dma_wait3A_74 = arith.constant 0 : i32
        %dma_wait3A_75 = tpu.memref_slice %arg7[%add3A_67, %dma_wait3A_74] : memref<50176x16xf32, #tpu.memory_space<vmem_shared>> -> memref<112x16xf32, #tpu.memory_space<vmem_shared>>
        tpu.wait_dma2 semaphore(%run_scoped3A : memref<!tpu.dma_semaphore, #tpu.memory_space<semaphore_mem>>) src(%arg20 : memref<112x16xf32, #tpu.memory_space<vmem>>) dst(%dma_wait3A_75 : memref<112x16xf32, #tpu.memory_space<vmem_shared>>)
        tpu.yield
      }) : () -> ()
    }
    %scan3A_13 = arith.constant 28 : i32
    %barrier3A = arith.constant 0 : index
    tpu.barrier barrier_id(%barrier3A)
    %add3A = arith.constant 0 : i32
    %add3A_14 = arith.addi %mul3A_2, %add3A : i32
    %dma_start3A = arith.constant 0 : i32
    %dma_start3A_15 = tpu.memref_slice %arg3[%add3A_14, %dma_start3A] : memref<12544x128xi32, #tpu.memory_space<hbm>> -> memref<4x128xi32, #tpu.memory_space<hbm>>
    %dma_start3A_16 = arith.constant 0 : i32
    %dma_start3A_17 = tpu.memref_slice %arg3[%add3A_14, %dma_start3A_16] : memref<12544x128xi32, #tpu.memory_space<hbm>> -> memref<4x128xi32, #tpu.memory_space<hbm>>
    tpu.enqueue_dma source(%dma_start3A_17 : memref<4x128xi32, #tpu.memory_space<hbm>>) target(%arg16 : memref<4x128xi32, #tpu.memory_space<vmem>>) target_semaphore(%arg12 : memref<!tpu.dma_semaphore, #tpu.memory_space<semaphore_mem>>)
    %dma_start3A_18 = arith.constant 0 : i32
    %dma_start3A_19 = tpu.memref_slice %arg4[%add3A_14, %dma_start3A_18] : memref<12544x128xi32, #tpu.memory_space<hbm>> -> memref<4x128xi32, #tpu.memory_space<hbm>>
    %dma_start3A_20 = arith.constant 0 : i32
    %dma_start3A_21 = tpu.memref_slice %arg4[%add3A_14, %dma_start3A_20] : memref<12544x128xi32, #tpu.memory_space<hbm>> -> memref<4x128xi32, #tpu.memory_space<hbm>>
    tpu.enqueue_dma source(%dma_start3A_21 : memref<4x128xi32, #tpu.memory_space<hbm>>) target(%arg8 : memref<4x128xi32, #tpu.memory_space<vmem>>) target_semaphore(%arg12 : memref<!tpu.dma_semaphore, #tpu.memory_space<semaphore_mem>>)
    %dma_start3A_22 = arith.constant 0 : i32
    %dma_start3A_23 = tpu.memref_slice %arg5[%add3A_14, %dma_start3A_22] : memref<12544x128xf32, #tpu.memory_space<hbm>> -> memref<4x128xf32, #tpu.memory_space<hbm>>
    %dma_start3A_24 = arith.constant 0 : i32
    %dma_start3A_25 = tpu.memref_slice %arg5[%add3A_14, %dma_start3A_24] : memref<12544x128xf32, #tpu.memory_space<hbm>> -> memref<4x128xf32, #tpu.memory_space<hbm>>
    tpu.enqueue_dma source(%dma_start3A_25 : memref<4x128xf32, #tpu.memory_space<hbm>>) target(%arg21 : memref<4x128xf32, #tpu.memory_space<vmem>>) target_semaphore(%arg12 : memref<!tpu.dma_semaphore, #tpu.memory_space<semaphore_mem>>)
    %add3A_26 = arith.constant 0 : i32
    %add3A_27 = arith.addi %mul3A_2, %add3A_26 : i32
    %dma_wait3A = arith.constant 0 : i32
    %dma_wait3A_28 = tpu.memref_slice %arg3[%add3A_27, %dma_wait3A] : memref<12544x128xi32, #tpu.memory_space<hbm>> -> memref<4x128xi32, #tpu.memory_space<hbm>>
    %dma_wait3A_29 = arith.constant 0 : i32
    %dma_wait3A_30 = tpu.memref_slice %arg3[%add3A_27, %dma_wait3A_29] : memref<12544x128xi32, #tpu.memory_space<hbm>> -> memref<4x128xi32, #tpu.memory_space<hbm>>
    tpu.wait_dma2 semaphore(%arg12 : memref<!tpu.dma_semaphore, #tpu.memory_space<semaphore_mem>>) src(%dma_wait3A_30 : memref<4x128xi32, #tpu.memory_space<hbm>>) dst(%arg16 : memref<4x128xi32, #tpu.memory_space<vmem>>)
    %dma_wait3A_31 = arith.constant 0 : i32
    %dma_wait3A_32 = tpu.memref_slice %arg4[%add3A_27, %dma_wait3A_31] : memref<12544x128xi32, #tpu.memory_space<hbm>> -> memref<4x128xi32, #tpu.memory_space<hbm>>
    %dma_wait3A_33 = arith.constant 0 : i32
    %dma_wait3A_34 = tpu.memref_slice %arg4[%add3A_27, %dma_wait3A_33] : memref<12544x128xi32, #tpu.memory_space<hbm>> -> memref<4x128xi32, #tpu.memory_space<hbm>>
    tpu.wait_dma2 semaphore(%arg12 : memref<!tpu.dma_semaphore, #tpu.memory_space<semaphore_mem>>) src(%dma_wait3A_34 : memref<4x128xi32, #tpu.memory_space<hbm>>) dst(%arg8 : memref<4x128xi32, #tpu.memory_space<vmem>>)
    %dma_wait3A_35 = arith.constant 0 : i32
    %dma_wait3A_36 = tpu.memref_slice %arg5[%add3A_27, %dma_wait3A_35] : memref<12544x128xf32, #tpu.memory_space<hbm>> -> memref<4x128xf32, #tpu.memory_space<hbm>>
    %dma_wait3A_37 = arith.constant 0 : i32
    %dma_wait3A_38 = tpu.memref_slice %arg5[%add3A_27, %dma_wait3A_37] : memref<12544x128xf32, #tpu.memory_space<hbm>> -> memref<4x128xf32, #tpu.memory_space<hbm>>
    tpu.wait_dma2 semaphore(%arg12 : memref<!tpu.dma_semaphore, #tpu.memory_space<semaphore_mem>>) src(%dma_wait3A_38 : memref<4x128xf32, #tpu.memory_space<hbm>>) dst(%arg21 : memref<4x128xf32, #tpu.memory_space<vmem>>)
    %scan3A_39 = arith.constant 0 : i32
    %scan3A_40 = arith.constant 0 : i32
    %scan3A_41 = arith.constant 4 : i32
    %scan3A_42 = arith.addi %scan3A_40, %scan3A_41 : i32
    %scan3A_43 = arith.constant 1 : i32
    scf.for %scan3A_64 = %scan3A_40 to %scan3A_42 step %scan3A_43  : i32 {
      %mul3A_65 = arith.constant 128 : i32
      %mul3A_66 = arith.muli %scan3A_64, %mul3A_65 : i32
      %dma_start3A_67 = arith.constant 0 : i32
      %dma_start3A_68 = tpu.memref_slice %arg14[%mul3A_66, %dma_start3A_67] : memref<512x16xf32, #tpu.memory_space<vmem>> -> memref<128x16xf32, #tpu.memory_space<vmem>>
      %dma_start3A_69 = arith.constant 0 : i32
      %dma_start3A_70 = tpu.memref_slice %arg16[%scan3A_64, %dma_start3A_69] : memref<4x128xi32, #tpu.memory_space<vmem>> -> memref<1x128xi32, #tpu.memory_space<vmem>>
      %dma_start3A_71 = tpu.memref_squeeze %dma_start3A_70 : memref<1x128xi32, #tpu.memory_space<vmem>> -> memref<128xi32, #tpu.memory_space<vmem>>
      %dma_start3A_72 = arith.constant 0 : i32
      %dma_start3A_73 = arith.constant 0 : i32
      %dma_start3A_74 = tpu.memref_slice %arg23[%dma_start3A_72, %dma_start3A_73] : memref<50176x16xf32, #tpu.memory_space<vmem_shared>> -> memref<50176x16xf32, #tpu.memory_space<vmem_shared>>
      tpu.enqueue_indirect_dma source(%dma_start3A_74 : memref<50176x16xf32, #tpu.memory_space<vmem_shared>>) target(%dma_start3A_68 : memref<128x16xf32, #tpu.memory_space<vmem>>) offsets(%dma_start3A_71 : memref<128xi32, #tpu.memory_space<vmem>>) semaphore(%arg10 : memref<!tpu.dma_semaphore, #tpu.memory_space<semaphore_mem>>)
    }
    %scan3A_44 = arith.constant 4 : i32
    %scan3A_45 = arith.constant 0 : i32
    %scan3A_46 = arith.constant 0 : i32
    %scan3A_47 = arith.constant 98 : i32
    %scan3A_48 = arith.addi %scan3A_46, %scan3A_47 : i32
    %scan3A_49 = arith.constant 1 : i32
    scf.for %scan3A_64 = %scan3A_46 to %scan3A_48 step %scan3A_49  : i32 {
      %ge3A = arith.constant 1 : i32
      %ge3A_65 = arith.cmpi sge, %scan3A_64, %ge3A : i32
      %convert_element_type3A = arith.extui %ge3A_65 : i1 to i32
      %cond3A = arith.constant 0 : i32
      %cond3A_66 = arith.cmpi ne, %convert_element_type3A, %cond3A : i32
      scf.if %cond3A_66 {
        %scan3A_138 = arith.constant 0 : i32
        %scan3A_139 = arith.constant 0 : i32
        %scan3A_140 = arith.constant 4 : i32
        %scan3A_141 = arith.addi %scan3A_139, %scan3A_140 : i32
        %scan3A_142 = arith.constant 1 : i32
        scf.for %scan3A_144 = %scan3A_139 to %scan3A_141 step %scan3A_142  : i32 {
          %mul3A_145 = arith.constant 128 : i32
          %mul3A_146 = arith.muli %scan3A_144, %mul3A_145 : i32
          %dma_wait3A_147 = arith.constant 0 : i32
          %dma_wait3A_148 = tpu.memref_slice %arg15[%mul3A_146, %dma_wait3A_147] : memref<512x16xf32, #tpu.memory_space<vmem>> -> memref<128x16xf32, #tpu.memory_space<vmem>>
          %dma_wait3A_149 = arith.constant 0 : i32
          %dma_wait3A_150 = tpu.memref_slice %arg9[%scan3A_144, %dma_wait3A_149] : memref<4x128xi32, #tpu.memory_space<vmem>> -> memref<1x128xi32, #tpu.memory_space<vmem>>
          %dma_wait3A_151 = tpu.memref_squeeze %dma_wait3A_150 : memref<1x128xi32, #tpu.memory_space<vmem>> -> memref<128xi32, #tpu.memory_space<vmem>>
          %dma_wait3A_152 = arith.constant 0 : i32
          %dma_wait3A_153 = arith.constant 0 : i32
          %dma_wait3A_154 = tpu.memref_slice %arg7[%dma_wait3A_152, %dma_wait3A_153] : memref<50176x16xf32, #tpu.memory_space<vmem_shared>> -> memref<50176x16xf32, #tpu.memory_space<vmem_shared>>
          tpu.wait_indirect_dma semaphore(%arg19 : memref<!tpu.dma_semaphore, #tpu.memory_space<semaphore_mem>>) src(%dma_wait3A_148 : memref<128x16xf32, #tpu.memory_space<vmem>>) dst(%dma_wait3A_154 : memref<50176x16xf32, #tpu.memory_space<vmem_shared>>)
        }
        %scan3A_143 = arith.constant 4 : i32
      } else {
      }
      %mul3A_67 = arith.constant 2 : i32
      %mul3A_68 = arith.muli %mul3A_67, %scan3A_64 : i32
      %add3A_69 = arith.constant 1 : i32
      %add3A_70 = arith.addi %mul3A_68, %add3A_69 : i32
      %mul3A_71 = arith.constant 4 : i32
      %mul3A_72 = arith.muli %add3A_70, %mul3A_71 : i32
      %add3A_73 = arith.addi %mul3A_2, %mul3A_72 : i32
      %dma_start3A_74 = arith.constant 0 : i32
      %dma_start3A_75 = tpu.memref_slice %arg3[%add3A_73, %dma_start3A_74] : memref<12544x128xi32, #tpu.memory_space<hbm>> -> memref<4x128xi32, #tpu.memory_space<hbm>>
      %dma_start3A_76 = arith.constant 0 : i32
      %dma_start3A_77 = tpu.memref_slice %arg3[%add3A_73, %dma_start3A_76] : memref<12544x128xi32, #tpu.memory_space<hbm>> -> memref<4x128xi32, #tpu.memory_space<hbm>>
      tpu.enqueue_dma source(%dma_start3A_77 : memref<4x128xi32, #tpu.memory_space<hbm>>) target(%arg17 : memref<4x128xi32, #tpu.memory_space<vmem>>) target_semaphore(%arg13 : memref<!tpu.dma_semaphore, #tpu.memory_space<semaphore_mem>>)
      %dma_start3A_78 = arith.constant 0 : i32
      %dma_start3A_79 = tpu.memref_slice %arg4[%add3A_73, %dma_start3A_78] : memref<12544x128xi32, #tpu.memory_space<hbm>> -> memref<4x128xi32, #tpu.memory_space<hbm>>
      %dma_start3A_80 = arith.constant 0 : i32
      %dma_start3A_81 = tpu.memref_slice %arg4[%add3A_73, %dma_start3A_80] : memref<12544x128xi32, #tpu.memory_space<hbm>> -> memref<4x128xi32, #tpu.memory_space<hbm>>
      tpu.enqueue_dma source(%dma_start3A_81 : memref<4x128xi32, #tpu.memory_space<hbm>>) target(%arg9 : memref<4x128xi32, #tpu.memory_space<vmem>>) target_semaphore(%arg13 : memref<!tpu.dma_semaphore, #tpu.memory_space<semaphore_mem>>)
      %dma_start3A_82 = arith.constant 0 : i32
      %dma_start3A_83 = tpu.memref_slice %arg5[%add3A_73, %dma_start3A_82] : memref<12544x128xf32, #tpu.memory_space<hbm>> -> memref<4x128xf32, #tpu.memory_space<hbm>>
      %dma_start3A_84 = arith.constant 0 : i32
      %dma_start3A_85 = tpu.memref_slice %arg5[%add3A_73, %dma_start3A_84] : memref<12544x128xf32, #tpu.memory_space<hbm>> -> memref<4x128xf32, #tpu.memory_space<hbm>>
      tpu.enqueue_dma source(%dma_start3A_85 : memref<4x128xf32, #tpu.memory_space<hbm>>) target(%arg22 : memref<4x128xf32, #tpu.memory_space<vmem>>) target_semaphore(%arg13 : memref<!tpu.dma_semaphore, #tpu.memory_space<semaphore_mem>>)
      %scan3A_86 = arith.constant 0 : i32
      %scan3A_87 = arith.constant 0 : i32
      %scan3A_88 = arith.constant 4 : i32
      %scan3A_89 = arith.addi %scan3A_87, %scan3A_88 : i32
      %scan3A_90 = arith.constant 1 : i32
      scf.for %scan3A_138 = %scan3A_87 to %scan3A_89 step %scan3A_90  : i32 {
        %mul3A_139 = arith.constant 128 : i32
        %mul3A_140 = arith.muli %scan3A_138, %mul3A_139 : i32
        %dma_wait3A_141 = arith.constant 0 : i32
        %dma_wait3A_142 = tpu.memref_slice %arg14[%mul3A_140, %dma_wait3A_141] : memref<512x16xf32, #tpu.memory_space<vmem>> -> memref<128x16xf32, #tpu.memory_space<vmem>>
        %dma_wait3A_143 = arith.constant 0 : i32
        %dma_wait3A_144 = tpu.memref_slice %arg16[%scan3A_138, %dma_wait3A_143] : memref<4x128xi32, #tpu.memory_space<vmem>> -> memref<1x128xi32, #tpu.memory_space<vmem>>
        %dma_wait3A_145 = tpu.memref_squeeze %dma_wait3A_144 : memref<1x128xi32, #tpu.memory_space<vmem>> -> memref<128xi32, #tpu.memory_space<vmem>>
        %dma_wait3A_146 = arith.constant 0 : i32
        %dma_wait3A_147 = arith.constant 0 : i32
        %dma_wait3A_148 = tpu.memref_slice %arg23[%dma_wait3A_146, %dma_wait3A_147] : memref<50176x16xf32, #tpu.memory_space<vmem_shared>> -> memref<50176x16xf32, #tpu.memory_space<vmem_shared>>
        tpu.wait_indirect_dma semaphore(%arg10 : memref<!tpu.dma_semaphore, #tpu.memory_space<semaphore_mem>>) src(%dma_wait3A_148 : memref<50176x16xf32, #tpu.memory_space<vmem_shared>>) dst(%dma_wait3A_142 : memref<128x16xf32, #tpu.memory_space<vmem>>)
        %scan3A_149 = arith.constant 0 : i32
        %scan3A_150 = arith.constant 0 : i32
        %scan3A_151 = arith.constant 8 : i32
        %scan3A_152 = arith.addi %scan3A_150, %scan3A_151 : i32
        %scan3A_153 = arith.constant 1 : i32
        scf.for %scan3A_165 = %scan3A_150 to %scan3A_152 step %scan3A_153  : i32 {
          %mul3A_166 = arith.constant 16 : i32
          %mul3A_167 = arith.muli %scan3A_165, %mul3A_166 : i32
          %get3A = arith.index_cast %scan3A_138 : i32 to index
          %get3A_168 = arith.index_cast %mul3A_167 : i32 to index
          %get3A_169 = tpu.vector_load %arg21[%get3A, %get3A_168] {strides = array<i32>} : memref<4x128xf32, #tpu.memory_space<vmem>>, vector<1x16xf32>,
          %get3A_170 = vector.shape_cast %get3A_169 : vector<1x16xf32> to vector<16xf32>
          %mul3A_171 = arith.constant 128 : i32
          %mul3A_172 = arith.muli %scan3A_138, %mul3A_171 : i32
          %mul3A_173 = arith.constant 16 : i32
          %mul3A_174 = arith.muli %scan3A_165, %mul3A_173 : i32
          %add3A_175 = arith.addi %mul3A_172, %mul3A_174 : i32
          %add3A_176 = arith.constant 0 : i32
          %add3A_177 = arith.addi %add3A_175, %add3A_176 : i32
          %slice3A = vector.extract_strided_slice %get3A_170 {offsets = [0], sizes = [1], strides = [1]} : vector<16xf32> to vector<1xf32>
          %squeeze3A = vector.extract %slice3A[0] : f32 from vector<1xf32>
          %get3A_178 = arith.index_cast %add3A_177 : i32 to index
          %get3A_179 = arith.constant 0 : index
          %get3A_180 = tpu.vector_load %arg14[%get3A_178, %get3A_179] {strides = array<i32>} : memref<512x16xf32, #tpu.memory_space<vmem>>, vector<1x16xf32>,
          %get3A_181 = vector.shape_cast %get3A_180 : vector<1x16xf32> to vector<16xf32>
          %mul3A_182 = vector.broadcast %squeeze3A : f32 to vector<16xf32>
          %mul3A_183 = arith.mulf %get3A_181, %mul3A_182 : vector<16xf32>
          %swap3A = arith.index_cast %add3A_177 : i32 to index
          %swap3A_184 = arith.constant 0 : index
          %swap3A_185 = tpu.vector_load %arg14[%swap3A, %swap3A_184] {strides = array<i32>} : memref<512x16xf32, #tpu.memory_space<vmem>>, vector<1x16xf32>,
          %swap3A_186 = vector.shape_cast %swap3A_185 : vector<1x16xf32> to vector<16xf32>
          %swap3A_187 = vector.shape_cast %mul3A_183 : vector<16xf32> to vector<1x16xf32>
          tpu.vector_store %arg14[%swap3A, %swap3A_184], %swap3A_187 {strides = array<i32>} : memref<512x16xf32, #tpu.memory_space<vmem>>, vector<1x16xf32>,
          %mul3A_188 = arith.constant 128 : i32
          %mul3A_189 = arith.muli %scan3A_138, %mul3A_188 : i32
          %mul3A_190 = arith.constant 16 : i32
          %mul3A_191 = arith.muli %scan3A_165, %mul3A_190 : i32
          %add3A_192 = arith.addi %mul3A_189, %mul3A_191 : i32
          %add3A_193 = arith.constant 1 : i32
          %add3A_194 = arith.addi %add3A_192, %add3A_193 : i32
          %slice3A_195 = vector.extract_strided_slice %get3A_170 {offsets = [1], sizes = [1], strides = [1]} : vector<16xf32> to vector<1xf32>
          %squeeze3A_196 = vector.extract %slice3A_195[0] : f32 from vector<1xf32>
          %get3A_197 = arith.index_cast %add3A_194 : i32 to index
          %get3A_198 = arith.constant 0 : index
          %get3A_199 = tpu.vector_load %arg14[%get3A_197, %get3A_198] {strides = array<i32>} : memref<512x16xf32, #tpu.memory_space<vmem>>, vector<1x16xf32>,
          %get3A_200 = vector.shape_cast %get3A_199 : vector<1x16xf32> to vector<16xf32>
          %mul3A_201 = vector.broadcast %squeeze3A_196 : f32 to vector<16xf32>
          %mul3A_202 = arith.mulf %get3A_200, %mul3A_201 : vector<16xf32>
          %swap3A_203 = arith.index_cast %add3A_194 : i32 to index
          %swap3A_204 = arith.constant 0 : index
          %swap3A_205 = tpu.vector_load %arg14[%swap3A_203, %swap3A_204] {strides = array<i32>} : memref<512x16xf32, #tpu.memory_space<vmem>>, vector<1x16xf32>,
          %swap3A_206 = vector.shape_cast %swap3A_205 : vector<1x16xf32> to vector<16xf32>
          %swap3A_207 = vector.shape_cast %mul3A_202 : vector<16xf32> to vector<1x16xf32>
          tpu.vector_store %arg14[%swap3A_203, %swap3A_204], %swap3A_207 {strides = array<i32>} : memref<512x16xf32, #tpu.memory_space<vmem>>, vector<1x16xf32>,
          %mul3A_208 = arith.constant 128 : i32
          %mul3A_209 = arith.muli %scan3A_138, %mul3A_208 : i32
          %mul3A_210 = arith.constant 16 : i32
          %mul3A_211 = arith.muli %scan3A_165, %mul3A_210 : i32
          %add3A_212 = arith.addi %mul3A_209, %mul3A_211 : i32
          %add3A_213 = arith.constant 2 : i32
          %add3A_214 = arith.addi %add3A_212, %add3A_213 : i32
          %slice3A_215 = vector.extract_strided_slice %get3A_170 {offsets = [2], sizes = [1], strides = [1]} : vector<16xf32> to vector<1xf32>
          %squeeze3A_216 = vector.extract %slice3A_215[0] : f32 from vector<1xf32>
          %get3A_217 = arith.index_cast %add3A_214 : i32 to index
          %get3A_218 = arith.constant 0 : index
          %get3A_219 = tpu.vector_load %arg14[%get3A_217, %get3A_218] {strides = array<i32>} : memref<512x16xf32, #tpu.memory_space<vmem>>, vector<1x16xf32>,
          %get3A_220 = vector.shape_cast %get3A_219 : vector<1x16xf32> to vector<16xf32>
          %mul3A_221 = vector.broadcast %squeeze3A_216 : f32 to vector<16xf32>
          %mul3A_222 = arith.mulf %get3A_220, %mul3A_221 : vector<16xf32>
          %swap3A_223 = arith.index_cast %add3A_214 : i32 to index
          %swap3A_224 = arith.constant 0 : index
          %swap3A_225 = tpu.vector_load %arg14[%swap3A_223, %swap3A_224] {strides = array<i32>} : memref<512x16xf32, #tpu.memory_space<vmem>>, vector<1x16xf32>,
          %swap3A_226 = vector.shape_cast %swap3A_225 : vector<1x16xf32> to vector<16xf32>
          %swap3A_227 = vector.shape_cast %mul3A_222 : vector<16xf32> to vector<1x16xf32>
          tpu.vector_store %arg14[%swap3A_223, %swap3A_224], %swap3A_227 {strides = array<i32>} : memref<512x16xf32, #tpu.memory_space<vmem>>, vector<1x16xf32>,
          %mul3A_228 = arith.constant 128 : i32
          %mul3A_229 = arith.muli %scan3A_138, %mul3A_228 : i32
          %mul3A_230 = arith.constant 16 : i32
          %mul3A_231 = arith.muli %scan3A_165, %mul3A_230 : i32
          %add3A_232 = arith.addi %mul3A_229, %mul3A_231 : i32
          %add3A_233 = arith.constant 3 : i32
          %add3A_234 = arith.addi %add3A_232, %add3A_233 : i32
          %slice3A_235 = vector.extract_strided_slice %get3A_170 {offsets = [3], sizes = [1], strides = [1]} : vector<16xf32> to vector<1xf32>
          %squeeze3A_236 = vector.extract %slice3A_235[0] : f32 from vector<1xf32>
          %get3A_237 = arith.index_cast %add3A_234 : i32 to index
          %get3A_238 = arith.constant 0 : index
          %get3A_239 = tpu.vector_load %arg14[%get3A_237, %get3A_238] {strides = array<i32>} : memref<512x16xf32, #tpu.memory_space<vmem>>, vector<1x16xf32>,
          %get3A_240 = vector.shape_cast %get3A_239 : vector<1x16xf32> to vector<16xf32>
          %mul3A_241 = vector.broadcast %squeeze3A_236 : f32 to vector<16xf32>
          %mul3A_242 = arith.mulf %get3A_240, %mul3A_241 : vector<16xf32>
          %swap3A_243 = arith.index_cast %add3A_234 : i32 to index
          %swap3A_244 = arith.constant 0 : index
          %swap3A_245 = tpu.vector_load %arg14[%swap3A_243, %swap3A_244] {strides = array<i32>} : memref<512x16xf32, #tpu.memory_space<vmem>>, vector<1x16xf32>,
          %swap3A_246 = vector.shape_cast %swap3A_245 : vector<1x16xf32> to vector<16xf32>
          %swap3A_247 = vector.shape_cast %mul3A_242 : vector<16xf32> to vector<1x16xf32>
          tpu.vector_store %arg14[%swap3A_243, %swap3A_244], %swap3A_247 {strides = array<i32>} : memref<512x16xf32, #tpu.memory_space<vmem>>, vector<1x16xf32>,
          %mul3A_248 = arith.constant 128 : i32
          %mul3A_249 = arith.muli %scan3A_138, %mul3A_248 : i32
          %mul3A_250 = arith.constant 16 : i32
          %mul3A_251 = arith.muli %scan3A_165, %mul3A_250 : i32
          %add3A_252 = arith.addi %mul3A_249, %mul3A_251 : i32
          %add3A_253 = arith.constant 4 : i32
          %add3A_254 = arith.addi %add3A_252, %add3A_253 : i32
          %slice3A_255 = vector.extract_strided_slice %get3A_170 {offsets = [4], sizes = [1], strides = [1]} : vector<16xf32> to vector<1xf32>
          %squeeze3A_256 = vector.extract %slice3A_255[0] : f32 from vector<1xf32>
          %get3A_257 = arith.index_cast %add3A_254 : i32 to index
          %get3A_258 = arith.constant 0 : index
          %get3A_259 = tpu.vector_load %arg14[%get3A_257, %get3A_258] {strides = array<i32>} : memref<512x16xf32, #tpu.memory_space<vmem>>, vector<1x16xf32>,
          %get3A_260 = vector.shape_cast %get3A_259 : vector<1x16xf32> to vector<16xf32>
          %mul3A_261 = vector.broadcast %squeeze3A_256 : f32 to vector<16xf32>
          %mul3A_262 = arith.mulf %get3A_260, %mul3A_261 : vector<16xf32>
          %swap3A_263 = arith.index_cast %add3A_254 : i32 to index
          %swap3A_264 = arith.constant 0 : index
          %swap3A_265 = tpu.vector_load %arg14[%swap3A_263, %swap3A_264] {strides = array<i32>} : memref<512x16xf32, #tpu.memory_space<vmem>>, vector<1x16xf32>,
          %swap3A_266 = vector.shape_cast %swap3A_265 : vector<1x16xf32> to vector<16xf32>
          %swap3A_267 = vector.shape_cast %mul3A_262 : vector<16xf32> to vector<1x16xf32>
          tpu.vector_store %arg14[%swap3A_263, %swap3A_264], %swap3A_267 {strides = array<i32>} : memref<512x16xf32, #tpu.memory_space<vmem>>, vector<1x16xf32>,
          %mul3A_268 = arith.constant 128 : i32
          %mul3A_269 = arith.muli %scan3A_138, %mul3A_268 : i32
          %mul3A_270 = arith.constant 16 : i32
          %mul3A_271 = arith.muli %scan3A_165, %mul3A_270 : i32
          %add3A_272 = arith.addi %mul3A_269, %mul3A_271 : i32
          %add3A_273 = arith.constant 5 : i32
          %add3A_274 = arith.addi %add3A_272, %add3A_273 : i32
          %slice3A_275 = vector.extract_strided_slice %get3A_170 {offsets = [5], sizes = [1], strides = [1]} : vector<16xf32> to vector<1xf32>
          %squeeze3A_276 = vector.extract %slice3A_275[0] : f32 from vector<1xf32>
          %get3A_277 = arith.index_cast %add3A_274 : i32 to index
          %get3A_278 = arith.constant 0 : index
          %get3A_279 = tpu.vector_load %arg14[%get3A_277, %get3A_278] {strides = array<i32>} : memref<512x16xf32, #tpu.memory_space<vmem>>, vector<1x16xf32>,
          %get3A_280 = vector.shape_cast %get3A_279 : vector<1x16xf32> to vector<16xf32>
          %mul3A_281 = vector.broadcast %squeeze3A_276 : f32 to vector<16xf32>
          %mul3A_282 = arith.mulf %get3A_280, %mul3A_281 : vector<16xf32>
          %swap3A_283 = arith.index_cast %add3A_274 : i32 to index
          %swap3A_284 = arith.constant 0 : index
          %swap3A_285 = tpu.vector_load %arg14[%swap3A_283, %swap3A_284] {strides = array<i32>} : memref<512x16xf32, #tpu.memory_space<vmem>>, vector<1x16xf32>,
          %swap3A_286 = vector.shape_cast %swap3A_285 : vector<1x16xf32> to vector<16xf32>
          %swap3A_287 = vector.shape_cast %mul3A_282 : vector<16xf32> to vector<1x16xf32>
          tpu.vector_store %arg14[%swap3A_283, %swap3A_284], %swap3A_287 {strides = array<i32>} : memref<512x16xf32, #tpu.memory_space<vmem>>, vector<1x16xf32>,
          %mul3A_288 = arith.constant 128 : i32
          %mul3A_289 = arith.muli %scan3A_138, %mul3A_288 : i32
          %mul3A_290 = arith.constant 16 : i32
          %mul3A_291 = arith.muli %scan3A_165, %mul3A_290 : i32
          %add3A_292 = arith.addi %mul3A_289, %mul3A_291 : i32
          %add3A_293 = arith.constant 6 : i32
          %add3A_294 = arith.addi %add3A_292, %add3A_293 : i32
          %slice3A_295 = vector.extract_strided_slice %get3A_170 {offsets = [6], sizes = [1], strides = [1]} : vector<16xf32> to vector<1xf32>
          %squeeze3A_296 = vector.extract %slice3A_295[0] : f32 from vector<1xf32>
          %get3A_297 = arith.index_cast %add3A_294 : i32 to index
          %get3A_298 = arith.constant 0 : index
          %get3A_299 = tpu.vector_load %arg14[%get3A_297, %get3A_298] {strides = array<i32>} : memref<512x16xf32, #tpu.memory_space<vmem>>, vector<1x16xf32>,
          %get3A_300 = vector.shape_cast %get3A_299 : vector<1x16xf32> to vector<16xf32>
          %mul3A_301 = vector.broadcast %squeeze3A_296 : f32 to vector<16xf32>
          %mul3A_302 = arith.mulf %get3A_300, %mul3A_301 : vector<16xf32>
          %swap3A_303 = arith.index_cast %add3A_294 : i32 to index
          %swap3A_304 = arith.constant 0 : index
          %swap3A_305 = tpu.vector_load %arg14[%swap3A_303, %swap3A_304] {strides = array<i32>} : memref<512x16xf32, #tpu.memory_space<vmem>>, vector<1x16xf32>,
          %swap3A_306 = vector.shape_cast %swap3A_305 : vector<1x16xf32> to vector<16xf32>
          %swap3A_307 = vector.shape_cast %mul3A_302 : vector<16xf32> to vector<1x16xf32>
          tpu.vector_store %arg14[%swap3A_303, %swap3A_304], %swap3A_307 {strides = array<i32>} : memref<512x16xf32, #tpu.memory_space<vmem>>, vector<1x16xf32>,
          %mul3A_308 = arith.constant 128 : i32
          %mul3A_309 = arith.muli %scan3A_138, %mul3A_308 : i32
          %mul3A_310 = arith.constant 16 : i32
          %mul3A_311 = arith.muli %scan3A_165, %mul3A_310 : i32
          %add3A_312 = arith.addi %mul3A_309, %mul3A_311 : i32
          %add3A_313 = arith.constant 7 : i32
          %add3A_314 = arith.addi %add3A_312, %add3A_313 : i32
          %slice3A_315 = vector.extract_strided_slice %get3A_170 {offsets = [7], sizes = [1], strides = [1]} : vector<16xf32> to vector<1xf32>
          %squeeze3A_316 = vector.extract %slice3A_315[0] : f32 from vector<1xf32>
          %get3A_317 = arith.index_cast %add3A_314 : i32 to index
          %get3A_318 = arith.constant 0 : index
          %get3A_319 = tpu.vector_load %arg14[%get3A_317, %get3A_318] {strides = array<i32>} : memref<512x16xf32, #tpu.memory_space<vmem>>, vector<1x16xf32>,
          %get3A_320 = vector.shape_cast %get3A_319 : vector<1x16xf32> to vector<16xf32>
          %mul3A_321 = vector.broadcast %squeeze3A_316 : f32 to vector<16xf32>
          %mul3A_322 = arith.mulf %get3A_320, %mul3A_321 : vector<16xf32>
          %swap3A_323 = arith.index_cast %add3A_314 : i32 to index
          %swap3A_324 = arith.constant 0 : index
          %swap3A_325 = tpu.vector_load %arg14[%swap3A_323, %swap3A_324] {strides = array<i32>} : memref<512x16xf32, #tpu.memory_space<vmem>>, vector<1x16xf32>,
          %swap3A_326 = vector.shape_cast %swap3A_325 : vector<1x16xf32> to vector<16xf32>
          %swap3A_327 = vector.shape_cast %mul3A_322 : vector<16xf32> to vector<1x16xf32>
          tpu.vector_store %arg14[%swap3A_323, %swap3A_324], %swap3A_327 {strides = array<i32>} : memref<512x16xf32, #tpu.memory_space<vmem>>, vector<1x16xf32>,
          %mul3A_328 = arith.constant 128 : i32
          %mul3A_329 = arith.muli %scan3A_138, %mul3A_328 : i32
          %mul3A_330 = arith.constant 16 : i32
          %mul3A_331 = arith.muli %scan3A_165, %mul3A_330 : i32
          %add3A_332 = arith.addi %mul3A_329, %mul3A_331 : i32
          %add3A_333 = arith.constant 8 : i32
          %add3A_334 = arith.addi %add3A_332, %add3A_333 : i32
          %slice3A_335 = vector.extract_strided_slice %get3A_170 {offsets = [8], sizes = [1], strides = [1]} : vector<16xf32> to vector<1xf32>
          %squeeze3A_336 = vector.extract %slice3A_335[0] : f32 from vector<1xf32>
          %get3A_337 = arith.index_cast %add3A_334 : i32 to index
          %get3A_338 = arith.constant 0 : index
          %get3A_339 = tpu.vector_load %arg14[%get3A_337, %get3A_338] {strides = array<i32>} : memref<512x16xf32, #tpu.memory_space<vmem>>, vector<1x16xf32>,
          %get3A_340 = vector.shape_cast %get3A_339 : vector<1x16xf32> to vector<16xf32>
          %mul3A_341 = vector.broadcast %squeeze3A_336 : f32 to vector<16xf32>
          %mul3A_342 = arith.mulf %get3A_340, %mul3A_341 : vector<16xf32>
          %swap3A_343 = arith.index_cast %add3A_334 : i32 to index
          %swap3A_344 = arith.constant 0 : index
          %swap3A_345 = tpu.vector_load %arg14[%swap3A_343, %swap3A_344] {strides = array<i32>} : memref<512x16xf32, #tpu.memory_space<vmem>>, vector<1x16xf32>,
          %swap3A_346 = vector.shape_cast %swap3A_345 : vector<1x16xf32> to vector<16xf32>
          %swap3A_347 = vector.shape_cast %mul3A_342 : vector<16xf32> to vector<1x16xf32>
          tpu.vector_store %arg14[%swap3A_343, %swap3A_344], %swap3A_347 {strides = array<i32>} : memref<512x16xf32, #tpu.memory_space<vmem>>, vector<1x16xf32>,
          %mul3A_348 = arith.constant 128 : i32
          %mul3A_349 = arith.muli %scan3A_138, %mul3A_348 : i32
          %mul3A_350 = arith.constant 16 : i32
          %mul3A_351 = arith.muli %scan3A_165, %mul3A_350 : i32
          %add3A_352 = arith.addi %mul3A_349, %mul3A_351 : i32
          %add3A_353 = arith.constant 9 : i32
          %add3A_354 = arith.addi %add3A_352, %add3A_353 : i32
          %slice3A_355 = vector.extract_strided_slice %get3A_170 {offsets = [9], sizes = [1], strides = [1]} : vector<16xf32> to vector<1xf32>
          %squeeze3A_356 = vector.extract %slice3A_355[0] : f32 from vector<1xf32>
          %get3A_357 = arith.index_cast %add3A_354 : i32 to index
          %get3A_358 = arith.constant 0 : index
          %get3A_359 = tpu.vector_load %arg14[%get3A_357, %get3A_358] {strides = array<i32>} : memref<512x16xf32, #tpu.memory_space<vmem>>, vector<1x16xf32>,
          %get3A_360 = vector.shape_cast %get3A_359 : vector<1x16xf32> to vector<16xf32>
          %mul3A_361 = vector.broadcast %squeeze3A_356 : f32 to vector<16xf32>
          %mul3A_362 = arith.mulf %get3A_360, %mul3A_361 : vector<16xf32>
          %swap3A_363 = arith.index_cast %add3A_354 : i32 to index
          %swap3A_364 = arith.constant 0 : index
          %swap3A_365 = tpu.vector_load %arg14[%swap3A_363, %swap3A_364] {strides = array<i32>} : memref<512x16xf32, #tpu.memory_space<vmem>>, vector<1x16xf32>,
          %swap3A_366 = vector.shape_cast %swap3A_365 : vector<1x16xf32> to vector<16xf32>
          %swap3A_367 = vector.shape_cast %mul3A_362 : vector<16xf32> to vector<1x16xf32>
          tpu.vector_store %arg14[%swap3A_363, %swap3A_364], %swap3A_367 {strides = array<i32>} : memref<512x16xf32, #tpu.memory_space<vmem>>, vector<1x16xf32>,
          %mul3A_368 = arith.constant 128 : i32
          %mul3A_369 = arith.muli %scan3A_138, %mul3A_368 : i32
          %mul3A_370 = arith.constant 16 : i32
          %mul3A_371 = arith.muli %scan3A_165, %mul3A_370 : i32
          %add3A_372 = arith.addi %mul3A_369, %mul3A_371 : i32
          %add3A_373 = arith.constant 10 : i32
          %add3A_374 = arith.addi %add3A_372, %add3A_373 : i32
          %slice3A_375 = vector.extract_strided_slice %get3A_170 {offsets = [10], sizes = [1], strides = [1]} : vector<16xf32> to vector<1xf32>
          %squeeze3A_376 = vector.extract %slice3A_375[0] : f32 from vector<1xf32>
          %get3A_377 = arith.index_cast %add3A_374 : i32 to index
          %get3A_378 = arith.constant 0 : index
          %get3A_379 = tpu.vector_load %arg14[%get3A_377, %get3A_378] {strides = array<i32>} : memref<512x16xf32, #tpu.memory_space<vmem>>, vector<1x16xf32>,
          %get3A_380 = vector.shape_cast %get3A_379 : vector<1x16xf32> to vector<16xf32>
          %mul3A_381 = vector.broadcast %squeeze3A_376 : f32 to vector<16xf32>
          %mul3A_382 = arith.mulf %get3A_380, %mul3A_381 : vector<16xf32>
          %swap3A_383 = arith.index_cast %add3A_374 : i32 to index
          %swap3A_384 = arith.constant 0 : index
          %swap3A_385 = tpu.vector_load %arg14[%swap3A_383, %swap3A_384] {strides = array<i32>} : memref<512x16xf32, #tpu.memory_space<vmem>>, vector<1x16xf32>,
          %swap3A_386 = vector.shape_cast %swap3A_385 : vector<1x16xf32> to vector<16xf32>
          %swap3A_387 = vector.shape_cast %mul3A_382 : vector<16xf32> to vector<1x16xf32>
          tpu.vector_store %arg14[%swap3A_383, %swap3A_384], %swap3A_387 {strides = array<i32>} : memref<512x16xf32, #tpu.memory_space<vmem>>, vector<1x16xf32>,
          %mul3A_388 = arith.constant 128 : i32
          %mul3A_389 = arith.muli %scan3A_138, %mul3A_388 : i32
          %mul3A_390 = arith.constant 16 : i32
          %mul3A_391 = arith.muli %scan3A_165, %mul3A_390 : i32
          %add3A_392 = arith.addi %mul3A_389, %mul3A_391 : i32
          %add3A_393 = arith.constant 11 : i32
          %add3A_394 = arith.addi %add3A_392, %add3A_393 : i32
          %slice3A_395 = vector.extract_strided_slice %get3A_170 {offsets = [11], sizes = [1], strides = [1]} : vector<16xf32> to vector<1xf32>
          %squeeze3A_396 = vector.extract %slice3A_395[0] : f32 from vector<1xf32>
          %get3A_397 = arith.index_cast %add3A_394 : i32 to index
          %get3A_398 = arith.constant 0 : index
          %get3A_399 = tpu.vector_load %arg14[%get3A_397, %get3A_398] {strides = array<i32>} : memref<512x16xf32, #tpu.memory_space<vmem>>, vector<1x16xf32>,
          %get3A_400 = vector.shape_cast %get3A_399 : vector<1x16xf32> to vector<16xf32>
          %mul3A_401 = vector.broadcast %squeeze3A_396 : f32 to vector<16xf32>
          %mul3A_402 = arith.mulf %get3A_400, %mul3A_401 : vector<16xf32>
          %swap3A_403 = arith.index_cast %add3A_394 : i32 to index
          %swap3A_404 = arith.constant 0 : index
          %swap3A_405 = tpu.vector_load %arg14[%swap3A_403, %swap3A_404] {strides = array<i32>} : memref<512x16xf32, #tpu.memory_space<vmem>>, vector<1x16xf32>,
          %swap3A_406 = vector.shape_cast %swap3A_405 : vector<1x16xf32> to vector<16xf32>
          %swap3A_407 = vector.shape_cast %mul3A_402 : vector<16xf32> to vector<1x16xf32>
          tpu.vector_store %arg14[%swap3A_403, %swap3A_404], %swap3A_407 {strides = array<i32>} : memref<512x16xf32, #tpu.memory_space<vmem>>, vector<1x16xf32>,
          %mul3A_408 = arith.constant 128 : i32
          %mul3A_409 = arith.muli %scan3A_138, %mul3A_408 : i32
          %mul3A_410 = arith.constant 16 : i32
          %mul3A_411 = arith.muli %scan3A_165, %mul3A_410 : i32
          %add3A_412 = arith.addi %mul3A_409, %mul3A_411 : i32
          %add3A_413 = arith.constant 12 : i32
          %add3A_414 = arith.addi %add3A_412, %add3A_413 : i32
          %slice3A_415 = vector.extract_strided_slice %get3A_170 {offsets = [12], sizes = [1], strides = [1]} : vector<16xf32> to vector<1xf32>
          %squeeze3A_416 = vector.extract %slice3A_415[0] : f32 from vector<1xf32>
          %get3A_417 = arith.index_cast %add3A_414 : i32 to index
          %get3A_418 = arith.constant 0 : index
          %get3A_419 = tpu.vector_load %arg14[%get3A_417, %get3A_418] {strides = array<i32>} : memref<512x16xf32, #tpu.memory_space<vmem>>, vector<1x16xf32>,
          %get3A_420 = vector.shape_cast %get3A_419 : vector<1x16xf32> to vector<16xf32>
          %mul3A_421 = vector.broadcast %squeeze3A_416 : f32 to vector<16xf32>
          %mul3A_422 = arith.mulf %get3A_420, %mul3A_421 : vector<16xf32>
          %swap3A_423 = arith.index_cast %add3A_414 : i32 to index
          %swap3A_424 = arith.constant 0 : index
          %swap3A_425 = tpu.vector_load %arg14[%swap3A_423, %swap3A_424] {strides = array<i32>} : memref<512x16xf32, #tpu.memory_space<vmem>>, vector<1x16xf32>,
          %swap3A_426 = vector.shape_cast %swap3A_425 : vector<1x16xf32> to vector<16xf32>
          %swap3A_427 = vector.shape_cast %mul3A_422 : vector<16xf32> to vector<1x16xf32>
          tpu.vector_store %arg14[%swap3A_423, %swap3A_424], %swap3A_427 {strides = array<i32>} : memref<512x16xf32, #tpu.memory_space<vmem>>, vector<1x16xf32>,
          %mul3A_428 = arith.constant 128 : i32
          %mul3A_429 = arith.muli %scan3A_138, %mul3A_428 : i32
          %mul3A_430 = arith.constant 16 : i32
          %mul3A_431 = arith.muli %scan3A_165, %mul3A_430 : i32
          %add3A_432 = arith.addi %mul3A_429, %mul3A_431 : i32
          %add3A_433 = arith.constant 13 : i32
          %add3A_434 = arith.addi %add3A_432, %add3A_433 : i32
          %slice3A_435 = vector.extract_strided_slice %get3A_170 {offsets = [13], sizes = [1], strides = [1]} : vector<16xf32> to vector<1xf32>
          %squeeze3A_436 = vector.extract %slice3A_435[0] : f32 from vector<1xf32>
          %get3A_437 = arith.index_cast %add3A_434 : i32 to index
          %get3A_438 = arith.constant 0 : index
          %get3A_439 = tpu.vector_load %arg14[%get3A_437, %get3A_438] {strides = array<i32>} : memref<512x16xf32, #tpu.memory_space<vmem>>, vector<1x16xf32>,
          %get3A_440 = vector.shape_cast %get3A_439 : vector<1x16xf32> to vector<16xf32>
          %mul3A_441 = vector.broadcast %squeeze3A_436 : f32 to vector<16xf32>
          %mul3A_442 = arith.mulf %get3A_440, %mul3A_441 : vector<16xf32>
          %swap3A_443 = arith.index_cast %add3A_434 : i32 to index
          %swap3A_444 = arith.constant 0 : index
          %swap3A_445 = tpu.vector_load %arg14[%swap3A_443, %swap3A_444] {strides = array<i32>} : memref<512x16xf32, #tpu.memory_space<vmem>>, vector<1x16xf32>,
          %swap3A_446 = vector.shape_cast %swap3A_445 : vector<1x16xf32> to vector<16xf32>
          %swap3A_447 = vector.shape_cast %mul3A_442 : vector<16xf32> to vector<1x16xf32>
          tpu.vector_store %arg14[%swap3A_443, %swap3A_444], %swap3A_447 {strides = array<i32>} : memref<512x16xf32, #tpu.memory_space<vmem>>, vector<1x16xf32>,
          %mul3A_448 = arith.constant 128 : i32
          %mul3A_449 = arith.muli %scan3A_138, %mul3A_448 : i32
          %mul3A_450 = arith.constant 16 : i32
          %mul3A_451 = arith.muli %scan3A_165, %mul3A_450 : i32
          %add3A_452 = arith.addi %mul3A_449, %mul3A_451 : i32
          %add3A_453 = arith.constant 14 : i32
          %add3A_454 = arith.addi %add3A_452, %add3A_453 : i32
          %slice3A_455 = vector.extract_strided_slice %get3A_170 {offsets = [14], sizes = [1], strides = [1]} : vector<16xf32> to vector<1xf32>
          %squeeze3A_456 = vector.extract %slice3A_455[0] : f32 from vector<1xf32>
          %get3A_457 = arith.index_cast %add3A_454 : i32 to index
          %get3A_458 = arith.constant 0 : index
          %get3A_459 = tpu.vector_load %arg14[%get3A_457, %get3A_458] {strides = array<i32>} : memref<512x16xf32, #tpu.memory_space<vmem>>, vector<1x16xf32>,
          %get3A_460 = vector.shape_cast %get3A_459 : vector<1x16xf32> to vector<16xf32>
          %mul3A_461 = vector.broadcast %squeeze3A_456 : f32 to vector<16xf32>
          %mul3A_462 = arith.mulf %get3A_460, %mul3A_461 : vector<16xf32>
          %swap3A_463 = arith.index_cast %add3A_454 : i32 to index
          %swap3A_464 = arith.constant 0 : index
          %swap3A_465 = tpu.vector_load %arg14[%swap3A_463, %swap3A_464] {strides = array<i32>} : memref<512x16xf32, #tpu.memory_space<vmem>>, vector<1x16xf32>,
          %swap3A_466 = vector.shape_cast %swap3A_465 : vector<1x16xf32> to vector<16xf32>
          %swap3A_467 = vector.shape_cast %mul3A_462 : vector<16xf32> to vector<1x16xf32>
          tpu.vector_store %arg14[%swap3A_463, %swap3A_464], %swap3A_467 {strides = array<i32>} : memref<512x16xf32, #tpu.memory_space<vmem>>, vector<1x16xf32>,
          %mul3A_468 = arith.constant 128 : i32
          %mul3A_469 = arith.muli %scan3A_138, %mul3A_468 : i32
          %mul3A_470 = arith.constant 16 : i32
          %mul3A_471 = arith.muli %scan3A_165, %mul3A_470 : i32
          %add3A_472 = arith.addi %mul3A_469, %mul3A_471 : i32
          %add3A_473 = arith.constant 15 : i32
          %add3A_474 = arith.addi %add3A_472, %add3A_473 : i32
          %slice3A_475 = vector.extract_strided_slice %get3A_170 {offsets = [15], sizes = [1], strides = [1]} : vector<16xf32> to vector<1xf32>
          %squeeze3A_476 = vector.extract %slice3A_475[0] : f32 from vector<1xf32>
          %get3A_477 = arith.index_cast %add3A_474 : i32 to index
          %get3A_478 = arith.constant 0 : index
          %get3A_479 = tpu.vector_load %arg14[%get3A_477, %get3A_478] {strides = array<i32>} : memref<512x16xf32, #tpu.memory_space<vmem>>, vector<1x16xf32>,
          %get3A_480 = vector.shape_cast %get3A_479 : vector<1x16xf32> to vector<16xf32>
          %mul3A_481 = vector.broadcast %squeeze3A_476 : f32 to vector<16xf32>
          %mul3A_482 = arith.mulf %get3A_480, %mul3A_481 : vector<16xf32>
          %swap3A_483 = arith.index_cast %add3A_474 : i32 to index
          %swap3A_484 = arith.constant 0 : index
          %swap3A_485 = tpu.vector_load %arg14[%swap3A_483, %swap3A_484] {strides = array<i32>} : memref<512x16xf32, #tpu.memory_space<vmem>>, vector<1x16xf32>,
          %swap3A_486 = vector.shape_cast %swap3A_485 : vector<1x16xf32> to vector<16xf32>
          %swap3A_487 = vector.shape_cast %mul3A_482 : vector<16xf32> to vector<1x16xf32>
          tpu.vector_store %arg14[%swap3A_483, %swap3A_484], %swap3A_487 {strides = array<i32>} : memref<512x16xf32, #tpu.memory_space<vmem>>, vector<1x16xf32>,
        }
        %scan3A_154 = arith.constant 8 : i32
        %mul3A_155 = arith.constant 128 : i32
        %mul3A_156 = arith.muli %scan3A_138, %mul3A_155 : i32
        %dma_start3A_157 = arith.constant 0 : i32
        %dma_start3A_158 = tpu.memref_slice %arg14[%mul3A_156, %dma_start3A_157] : memref<512x16xf32, #tpu.memory_space<vmem>> -> memref<128x16xf32, #tpu.memory_space<vmem>>
        %dma_start3A_159 = arith.constant 0 : i32
        %dma_start3A_160 = tpu.memref_slice %arg8[%scan3A_138, %dma_start3A_159] : memref<4x128xi32, #tpu.memory_space<vmem>> -> memref<1x128xi32, #tpu.memory_space<vmem>>
        %dma_start3A_161 = tpu.memref_squeeze %dma_start3A_160 : memref<1x128xi32, #tpu.memory_space<vmem>> -> memref<128xi32, #tpu.memory_space<vmem>>
        %dma_start3A_162 = arith.constant 0 : i32
        %dma_start3A_163 = arith.constant 0 : i32
        %dma_start3A_164 = tpu.memref_slice %arg7[%dma_start3A_162, %dma_start3A_163] : memref<50176x16xf32, #tpu.memory_space<vmem_shared>> -> memref<50176x16xf32, #tpu.memory_space<vmem_shared>>
        tpu.enqueue_indirect_dma source(%dma_start3A_158 : memref<128x16xf32, #tpu.memory_space<vmem>>) target(%dma_start3A_164 : memref<50176x16xf32, #tpu.memory_space<vmem_shared>>) offsets(%dma_start3A_161 : memref<128xi32, #tpu.memory_space<vmem>>) semaphore(%arg18 : memref<!tpu.dma_semaphore, #tpu.memory_space<semaphore_mem>>) {add = true}
      }
      %scan3A_91 = arith.constant 4 : i32
      %mul3A_92 = arith.constant 2 : i32
      %mul3A_93 = arith.muli %mul3A_92, %scan3A_64 : i32
      %add3A_94 = arith.constant 1 : i32
      %add3A_95 = arith.addi %mul3A_93, %add3A_94 : i32
      %mul3A_96 = arith.constant 4 : i32
      %mul3A_97 = arith.muli %add3A_95, %mul3A_96 : i32
      %add3A_98 = arith.addi %mul3A_2, %mul3A_97 : i32
      %dma_wait3A_99 = arith.constant 0 : i32
      %dma_wait3A_100 = tpu.memref_slice %arg3[%add3A_98, %dma_wait3A_99] : memref<12544x128xi32, #tpu.memory_space<hbm>> -> memref<4x128xi32, #tpu.memory_space<hbm>>
      %dma_wait3A_101 = arith.constant 0 : i32
      %dma_wait3A_102 = tpu.memref_slice %arg3[%add3A_98, %dma_wait3A_101] : memref<12544x128xi32, #tpu.memory_space<hbm>> -> memref<4x128xi32, #tpu.memory_space<hbm>>
      tpu.wait_dma2 semaphore(%arg13 : memref<!tpu.dma_semaphore, #tpu.memory_space<semaphore_mem>>) src(%dma_wait3A_102 : memref<4x128xi32, #tpu.memory_space<hbm>>) dst(%arg17 : memref<4x128xi32, #tpu.memory_space<vmem>>)
      %dma_wait3A_103 = arith.constant 0 : i32
      %dma_wait3A_104 = tpu.memref_slice %arg4[%add3A_98, %dma_wait3A_103] : memref<12544x128xi32, #tpu.memory_space<hbm>> -> memref<4x128xi32, #tpu.memory_space<hbm>>
      %dma_wait3A_105 = arith.constant 0 : i32
      %dma_wait3A_106 = tpu.memref_slice %arg4[%add3A_98, %dma_wait3A_105] : memref<12544x128xi32, #tpu.memory_space<hbm>> -> memref<4x128xi32, #tpu.memory_space<hbm>>
      tpu.wait_dma2 semaphore(%arg13 : memref<!tpu.dma_semaphore, #tpu.memory_space<semaphore_mem>>) src(%dma_wait3A_106 : memref<4x128xi32, #tpu.memory_space<hbm>>) dst(%arg9 : memref<4x128xi32, #tpu.memory_space<vmem>>)
      %dma_wait3A_107 = arith.constant 0 : i32
      %dma_wait3A_108 = tpu.memref_slice %arg5[%add3A_98, %dma_wait3A_107] : memref<12544x128xf32, #tpu.memory_space<hbm>> -> memref<4x128xf32, #tpu.memory_space<hbm>>
      %dma_wait3A_109 = arith.constant 0 : i32
      %dma_wait3A_110 = tpu.memref_slice %arg5[%add3A_98, %dma_wait3A_109] : memref<12544x128xf32, #tpu.memory_space<hbm>> -> memref<4x128xf32, #tpu.memory_space<hbm>>
      tpu.wait_dma2 semaphore(%arg13 : memref<!tpu.dma_semaphore, #tpu.memory_space<semaphore_mem>>) src(%dma_wait3A_110 : memref<4x128xf32, #tpu.memory_space<hbm>>) dst(%arg22 : memref<4x128xf32, #tpu.memory_space<vmem>>)
      %scan3A_111 = arith.constant 0 : i32
      %scan3A_112 = arith.constant 0 : i32
      %scan3A_113 = arith.constant 4 : i32
      %scan3A_114 = arith.addi %scan3A_112, %scan3A_113 : i32
      %scan3A_115 = arith.constant 1 : i32
      scf.for %scan3A_138 = %scan3A_112 to %scan3A_114 step %scan3A_115  : i32 {
        %mul3A_139 = arith.constant 128 : i32
        %mul3A_140 = arith.muli %scan3A_138, %mul3A_139 : i32
        %dma_start3A_141 = arith.constant 0 : i32
        %dma_start3A_142 = tpu.memref_slice %arg15[%mul3A_140, %dma_start3A_141] : memref<512x16xf32, #tpu.memory_space<vmem>> -> memref<128x16xf32, #tpu.memory_space<vmem>>
        %dma_start3A_143 = arith.constant 0 : i32
        %dma_start3A_144 = tpu.memref_slice %arg17[%scan3A_138, %dma_start3A_143] : memref<4x128xi32, #tpu.memory_space<vmem>> -> memref<1x128xi32, #tpu.memory_space<vmem>>
        %dma_start3A_145 = tpu.memref_squeeze %dma_start3A_144 : memref<1x128xi32, #tpu.memory_space<vmem>> -> memref<128xi32, #tpu.memory_space<vmem>>
        %dma_start3A_146 = arith.constant 0 : i32
        %dma_start3A_147 = arith.constant 0 : i32
        %dma_start3A_148 = tpu.memref_slice %arg23[%dma_start3A_146, %dma_start3A_147] : memref<50176x16xf32, #tpu.memory_space<vmem_shared>> -> memref<50176x16xf32, #tpu.memory_space<vmem_shared>>
        tpu.enqueue_indirect_dma source(%dma_start3A_148 : memref<50176x16xf32, #tpu.memory_space<vmem_shared>>) target(%dma_start3A_142 : memref<128x16xf32, #tpu.memory_space<vmem>>) offsets(%dma_start3A_145 : memref<128xi32, #tpu.memory_space<vmem>>) semaphore(%arg11 : memref<!tpu.dma_semaphore, #tpu.memory_space<semaphore_mem>>)
      }
      %scan3A_116 = arith.constant 4 : i32
      %scan3A_117 = arith.constant 0 : i32
      %scan3A_118 = arith.constant 0 : i32
      %scan3A_119 = arith.constant 4 : i32
      %scan3A_120 = arith.addi %scan3A_118, %scan3A_119 : i32
      %scan3A_121 = arith.constant 1 : i32
      scf.for %scan3A_138 = %scan3A_118 to %scan3A_120 step %scan3A_121  : i32 {
        %mul3A_139 = arith.constant 128 : i32
        %mul3A_140 = arith.muli %scan3A_138, %mul3A_139 : i32
        %dma_wait3A_141 = arith.constant 0 : i32
        %dma_wait3A_142 = tpu.memref_slice %arg14[%mul3A_140, %dma_wait3A_141] : memref<512x16xf32, #tpu.memory_space<vmem>> -> memref<128x16xf32, #tpu.memory_space<vmem>>
        %dma_wait3A_143 = arith.constant 0 : i32
        %dma_wait3A_144 = tpu.memref_slice %arg8[%scan3A_138, %dma_wait3A_143] : memref<4x128xi32, #tpu.memory_space<vmem>> -> memref<1x128xi32, #tpu.memory_space<vmem>>
        %dma_wait3A_145 = tpu.memref_squeeze %dma_wait3A_144 : memref<1x128xi32, #tpu.memory_space<vmem>> -> memref<128xi32, #tpu.memory_space<vmem>>
        %dma_wait3A_146 = arith.constant 0 : i32
        %dma_wait3A_147 = arith.constant 0 : i32
        %dma_wait3A_148 = tpu.memref_slice %arg7[%dma_wait3A_146, %dma_wait3A_147] : memref<50176x16xf32, #tpu.memory_space<vmem_shared>> -> memref<50176x16xf32, #tpu.memory_space<vmem_shared>>
        tpu.wait_indirect_dma semaphore(%arg18 : memref<!tpu.dma_semaphore, #tpu.memory_space<semaphore_mem>>) src(%dma_wait3A_142 : memref<128x16xf32, #tpu.memory_space<vmem>>) dst(%dma_wait3A_148 : memref<50176x16xf32, #tpu.memory_space<vmem_shared>>)
      }
      %scan3A_122 = arith.constant 4 : i32
      %lt3A = arith.constant 97 : i32
      %lt3A_123 = arith.cmpi slt, %scan3A_64, %lt3A : i32
      %convert_element_type3A_124 = arith.extui %lt3A_123 : i1 to i32
      %cond3A_125 = arith.constant 0 : i32
      %cond3A_126 = arith.cmpi ne, %convert_element_type3A_124, %cond3A_125 : i32
      scf.if %cond3A_126 {
        %mul3A_138 = arith.constant 2 : i32
        %mul3A_139 = arith.muli %mul3A_138, %scan3A_64 : i32
        %add3A_140 = arith.constant 2 : i32
        %add3A_141 = arith.addi %mul3A_139, %add3A_140 : i32
        %mul3A_142 = arith.constant 4 : i32
        %mul3A_143 = arith.muli %add3A_141, %mul3A_142 : i32
        %add3A_144 = arith.addi %mul3A_2, %mul3A_143 : i32
        %dma_start3A_145 = arith.constant 0 : i32
        %dma_start3A_146 = tpu.memref_slice %arg3[%add3A_144, %dma_start3A_145] : memref<12544x128xi32, #tpu.memory_space<hbm>> -> memref<4x128xi32, #tpu.memory_space<hbm>>
        %dma_start3A_147 = arith.constant 0 : i32
        %dma_start3A_148 = tpu.memref_slice %arg3[%add3A_144, %dma_start3A_147] : memref<12544x128xi32, #tpu.memory_space<hbm>> -> memref<4x128xi32, #tpu.memory_space<hbm>>
        tpu.enqueue_dma source(%dma_start3A_148 : memref<4x128xi32, #tpu.memory_space<hbm>>) target(%arg16 : memref<4x128xi32, #tpu.memory_space<vmem>>) target_semaphore(%arg12 : memref<!tpu.dma_semaphore, #tpu.memory_space<semaphore_mem>>)
        %dma_start3A_149 = arith.constant 0 : i32
        %dma_start3A_150 = tpu.memref_slice %arg4[%add3A_144, %dma_start3A_149] : memref<12544x128xi32, #tpu.memory_space<hbm>> -> memref<4x128xi32, #tpu.memory_space<hbm>>
        %dma_start3A_151 = arith.constant 0 : i32
        %dma_start3A_152 = tpu.memref_slice %arg4[%add3A_144, %dma_start3A_151] : memref<12544x128xi32, #tpu.memory_space<hbm>> -> memref<4x128xi32, #tpu.memory_space<hbm>>
        tpu.enqueue_dma source(%dma_start3A_152 : memref<4x128xi32, #tpu.memory_space<hbm>>) target(%arg8 : memref<4x128xi32, #tpu.memory_space<vmem>>) target_semaphore(%arg12 : memref<!tpu.dma_semaphore, #tpu.memory_space<semaphore_mem>>)
        %dma_start3A_153 = arith.constant 0 : i32
        %dma_start3A_154 = tpu.memref_slice %arg5[%add3A_144, %dma_start3A_153] : memref<12544x128xf32, #tpu.memory_space<hbm>> -> memref<4x128xf32, #tpu.memory_space<hbm>>
        %dma_start3A_155 = arith.constant 0 : i32
        %dma_start3A_156 = tpu.memref_slice %arg5[%add3A_144, %dma_start3A_155] : memref<12544x128xf32, #tpu.memory_space<hbm>> -> memref<4x128xf32, #tpu.memory_space<hbm>>
        tpu.enqueue_dma source(%dma_start3A_156 : memref<4x128xf32, #tpu.memory_space<hbm>>) target(%arg21 : memref<4x128xf32, #tpu.memory_space<vmem>>) target_semaphore(%arg12 : memref<!tpu.dma_semaphore, #tpu.memory_space<semaphore_mem>>)
      } else {
      }
      %scan3A_127 = arith.constant 0 : i32
      %scan3A_128 = arith.constant 0 : i32
      %scan3A_129 = arith.constant 4 : i32
      %scan3A_130 = arith.addi %scan3A_128, %scan3A_129 : i32
      %scan3A_131 = arith.constant 1 : i32
      scf.for %scan3A_138 = %scan3A_128 to %scan3A_130 step %scan3A_131  : i32 {
        %mul3A_139 = arith.constant 128 : i32
        %mul3A_140 = arith.muli %scan3A_138, %mul3A_139 : i32
        %dma_wait3A_141 = arith.constant 0 : i32
        %dma_wait3A_142 = tpu.memref_slice %arg15[%mul3A_140, %dma_wait3A_141] : memref<512x16xf32, #tpu.memory_space<vmem>> -> memref<128x16xf32, #tpu.memory_space<vmem>>
        %dma_wait3A_143 = arith.constant 0 : i32
        %dma_wait3A_144 = tpu.memref_slice %arg17[%scan3A_138, %dma_wait3A_143] : memref<4x128xi32, #tpu.memory_space<vmem>> -> memref<1x128xi32, #tpu.memory_space<vmem>>
        %dma_wait3A_145 = tpu.memref_squeeze %dma_wait3A_144 : memref<1x128xi32, #tpu.memory_space<vmem>> -> memref<128xi32, #tpu.memory_space<vmem>>
        %dma_wait3A_146 = arith.constant 0 : i32
        %dma_wait3A_147 = arith.constant 0 : i32
        %dma_wait3A_148 = tpu.memref_slice %arg23[%dma_wait3A_146, %dma_wait3A_147] : memref<50176x16xf32, #tpu.memory_space<vmem_shared>> -> memref<50176x16xf32, #tpu.memory_space<vmem_shared>>
        tpu.wait_indirect_dma semaphore(%arg11 : memref<!tpu.dma_semaphore, #tpu.memory_space<semaphore_mem>>) src(%dma_wait3A_148 : memref<50176x16xf32, #tpu.memory_space<vmem_shared>>) dst(%dma_wait3A_142 : memref<128x16xf32, #tpu.memory_space<vmem>>)
        %scan3A_149 = arith.constant 0 : i32
        %scan3A_150 = arith.constant 0 : i32
        %scan3A_151 = arith.constant 8 : i32
        %scan3A_152 = arith.addi %scan3A_150, %scan3A_151 : i32
        %scan3A_153 = arith.constant 1 : i32
        scf.for %scan3A_165 = %scan3A_150 to %scan3A_152 step %scan3A_153  : i32 {
          %mul3A_166 = arith.constant 16 : i32
          %mul3A_167 = arith.muli %scan3A_165, %mul3A_166 : i32
          %get3A = arith.index_cast %scan3A_138 : i32 to index
          %get3A_168 = arith.index_cast %mul3A_167 : i32 to index
          %get3A_169 = tpu.vector_load %arg22[%get3A, %get3A_168] {strides = array<i32>} : memref<4x128xf32, #tpu.memory_space<vmem>>, vector<1x16xf32>,
          %get3A_170 = vector.shape_cast %get3A_169 : vector<1x16xf32> to vector<16xf32>
          %mul3A_171 = arith.constant 128 : i32
          %mul3A_172 = arith.muli %scan3A_138, %mul3A_171 : i32
          %mul3A_173 = arith.constant 16 : i32
          %mul3A_174 = arith.muli %scan3A_165, %mul3A_173 : i32
          %add3A_175 = arith.addi %mul3A_172, %mul3A_174 : i32
          %add3A_176 = arith.constant 0 : i32
          %add3A_177 = arith.addi %add3A_175, %add3A_176 : i32
          %slice3A = vector.extract_strided_slice %get3A_170 {offsets = [0], sizes = [1], strides = [1]} : vector<16xf32> to vector<1xf32>
          %squeeze3A = vector.extract %slice3A[0] : f32 from vector<1xf32>
          %get3A_178 = arith.index_cast %add3A_177 : i32 to index
          %get3A_179 = arith.constant 0 : index
          %get3A_180 = tpu.vector_load %arg15[%get3A_178, %get3A_179] {strides = array<i32>} : memref<512x16xf32, #tpu.memory_space<vmem>>, vector<1x16xf32>,
          %get3A_181 = vector.shape_cast %get3A_180 : vector<1x16xf32> to vector<16xf32>
          %mul3A_182 = vector.broadcast %squeeze3A : f32 to vector<16xf32>
          %mul3A_183 = arith.mulf %get3A_181, %mul3A_182 : vector<16xf32>
          %swap3A = arith.index_cast %add3A_177 : i32 to index
          %swap3A_184 = arith.constant 0 : index
          %swap3A_185 = tpu.vector_load %arg15[%swap3A, %swap3A_184] {strides = array<i32>} : memref<512x16xf32, #tpu.memory_space<vmem>>, vector<1x16xf32>,
          %swap3A_186 = vector.shape_cast %swap3A_185 : vector<1x16xf32> to vector<16xf32>
          %swap3A_187 = vector.shape_cast %mul3A_183 : vector<16xf32> to vector<1x16xf32>
          tpu.vector_store %arg15[%swap3A, %swap3A_184], %swap3A_187 {strides = array<i32>} : memref<512x16xf32, #tpu.memory_space<vmem>>, vector<1x16xf32>,
          %mul3A_188 = arith.constant 128 : i32
          %mul3A_189 = arith.muli %scan3A_138, %mul3A_188 : i32
          %mul3A_190 = arith.constant 16 : i32
          %mul3A_191 = arith.muli %scan3A_165, %mul3A_190 : i32
          %add3A_192 = arith.addi %mul3A_189, %mul3A_191 : i32
          %add3A_193 = arith.constant 1 : i32
          %add3A_194 = arith.addi %add3A_192, %add3A_193 : i32
          %slice3A_195 = vector.extract_strided_slice %get3A_170 {offsets = [1], sizes = [1], strides = [1]} : vector<16xf32> to vector<1xf32>
          %squeeze3A_196 = vector.extract %slice3A_195[0] : f32 from vector<1xf32>
          %get3A_197 = arith.index_cast %add3A_194 : i32 to index
          %get3A_198 = arith.constant 0 : index
          %get3A_199 = tpu.vector_load %arg15[%get3A_197, %get3A_198] {strides = array<i32>} : memref<512x16xf32, #tpu.memory_space<vmem>>, vector<1x16xf32>,
          %get3A_200 = vector.shape_cast %get3A_199 : vector<1x16xf32> to vector<16xf32>
          %mul3A_201 = vector.broadcast %squeeze3A_196 : f32 to vector<16xf32>
          %mul3A_202 = arith.mulf %get3A_200, %mul3A_201 : vector<16xf32>
          %swap3A_203 = arith.index_cast %add3A_194 : i32 to index
          %swap3A_204 = arith.constant 0 : index
          %swap3A_205 = tpu.vector_load %arg15[%swap3A_203, %swap3A_204] {strides = array<i32>} : memref<512x16xf32, #tpu.memory_space<vmem>>, vector<1x16xf32>,
          %swap3A_206 = vector.shape_cast %swap3A_205 : vector<1x16xf32> to vector<16xf32>
          %swap3A_207 = vector.shape_cast %mul3A_202 : vector<16xf32> to vector<1x16xf32>
          tpu.vector_store %arg15[%swap3A_203, %swap3A_204], %swap3A_207 {strides = array<i32>} : memref<512x16xf32, #tpu.memory_space<vmem>>, vector<1x16xf32>,
          %mul3A_208 = arith.constant 128 : i32
          %mul3A_209 = arith.muli %scan3A_138, %mul3A_208 : i32
          %mul3A_210 = arith.constant 16 : i32
          %mul3A_211 = arith.muli %scan3A_165, %mul3A_210 : i32
          %add3A_212 = arith.addi %mul3A_209, %mul3A_211 : i32
          %add3A_213 = arith.constant 2 : i32
          %add3A_214 = arith.addi %add3A_212, %add3A_213 : i32
          %slice3A_215 = vector.extract_strided_slice %get3A_170 {offsets = [2], sizes = [1], strides = [1]} : vector<16xf32> to vector<1xf32>
          %squeeze3A_216 = vector.extract %slice3A_215[0] : f32 from vector<1xf32>
          %get3A_217 = arith.index_cast %add3A_214 : i32 to index
          %get3A_218 = arith.constant 0 : index
          %get3A_219 = tpu.vector_load %arg15[%get3A_217, %get3A_218] {strides = array<i32>} : memref<512x16xf32, #tpu.memory_space<vmem>>, vector<1x16xf32>,
          %get3A_220 = vector.shape_cast %get3A_219 : vector<1x16xf32> to vector<16xf32>
          %mul3A_221 = vector.broadcast %squeeze3A_216 : f32 to vector<16xf32>
          %mul3A_222 = arith.mulf %get3A_220, %mul3A_221 : vector<16xf32>
          %swap3A_223 = arith.index_cast %add3A_214 : i32 to index
          %swap3A_224 = arith.constant 0 : index
          %swap3A_225 = tpu.vector_load %arg15[%swap3A_223, %swap3A_224] {strides = array<i32>} : memref<512x16xf32, #tpu.memory_space<vmem>>, vector<1x16xf32>,
          %swap3A_226 = vector.shape_cast %swap3A_225 : vector<1x16xf32> to vector<16xf32>
          %swap3A_227 = vector.shape_cast %mul3A_222 : vector<16xf32> to vector<1x16xf32>
          tpu.vector_store %arg15[%swap3A_223, %swap3A_224], %swap3A_227 {strides = array<i32>} : memref<512x16xf32, #tpu.memory_space<vmem>>, vector<1x16xf32>,
          %mul3A_228 = arith.constant 128 : i32
          %mul3A_229 = arith.muli %scan3A_138, %mul3A_228 : i32
          %mul3A_230 = arith.constant 16 : i32
          %mul3A_231 = arith.muli %scan3A_165, %mul3A_230 : i32
          %add3A_232 = arith.addi %mul3A_229, %mul3A_231 : i32
          %add3A_233 = arith.constant 3 : i32
          %add3A_234 = arith.addi %add3A_232, %add3A_233 : i32
          %slice3A_235 = vector.extract_strided_slice %get3A_170 {offsets = [3], sizes = [1], strides = [1]} : vector<16xf32> to vector<1xf32>
          %squeeze3A_236 = vector.extract %slice3A_235[0] : f32 from vector<1xf32>
          %get3A_237 = arith.index_cast %add3A_234 : i32 to index
          %get3A_238 = arith.constant 0 : index
          %get3A_239 = tpu.vector_load %arg15[%get3A_237, %get3A_238] {strides = array<i32>} : memref<512x16xf32, #tpu.memory_space<vmem>>, vector<1x16xf32>,
          %get3A_240 = vector.shape_cast %get3A_239 : vector<1x16xf32> to vector<16xf32>
          %mul3A_241 = vector.broadcast %squeeze3A_236 : f32 to vector<16xf32>
          %mul3A_242 = arith.mulf %get3A_240, %mul3A_241 : vector<16xf32>
          %swap3A_243 = arith.index_cast %add3A_234 : i32 to index
          %swap3A_244 = arith.constant 0 : index
          %swap3A_245 = tpu.vector_load %arg15[%swap3A_243, %swap3A_244] {strides = array<i32>} : memref<512x16xf32, #tpu.memory_space<vmem>>, vector<1x16xf32>,
          %swap3A_246 = vector.shape_cast %swap3A_245 : vector<1x16xf32> to vector<16xf32>
          %swap3A_247 = vector.shape_cast %mul3A_242 : vector<16xf32> to vector<1x16xf32>
          tpu.vector_store %arg15[%swap3A_243, %swap3A_244], %swap3A_247 {strides = array<i32>} : memref<512x16xf32, #tpu.memory_space<vmem>>, vector<1x16xf32>,
          %mul3A_248 = arith.constant 128 : i32
          %mul3A_249 = arith.muli %scan3A_138, %mul3A_248 : i32
          %mul3A_250 = arith.constant 16 : i32
          %mul3A_251 = arith.muli %scan3A_165, %mul3A_250 : i32
          %add3A_252 = arith.addi %mul3A_249, %mul3A_251 : i32
          %add3A_253 = arith.constant 4 : i32
          %add3A_254 = arith.addi %add3A_252, %add3A_253 : i32
          %slice3A_255 = vector.extract_strided_slice %get3A_170 {offsets = [4], sizes = [1], strides = [1]} : vector<16xf32> to vector<1xf32>
          %squeeze3A_256 = vector.extract %slice3A_255[0] : f32 from vector<1xf32>
          %get3A_257 = arith.index_cast %add3A_254 : i32 to index
          %get3A_258 = arith.constant 0 : index
          %get3A_259 = tpu.vector_load %arg15[%get3A_257, %get3A_258] {strides = array<i32>} : memref<512x16xf32, #tpu.memory_space<vmem>>, vector<1x16xf32>,
          %get3A_260 = vector.shape_cast %get3A_259 : vector<1x16xf32> to vector<16xf32>
          %mul3A_261 = vector.broadcast %squeeze3A_256 : f32 to vector<16xf32>
          %mul3A_262 = arith.mulf %get3A_260, %mul3A_261 : vector<16xf32>
          %swap3A_263 = arith.index_cast %add3A_254 : i32 to index
          %swap3A_264 = arith.constant 0 : index
          %swap3A_265 = tpu.vector_load %arg15[%swap3A_263, %swap3A_264] {strides = array<i32>} : memref<512x16xf32, #tpu.memory_space<vmem>>, vector<1x16xf32>,
          %swap3A_266 = vector.shape_cast %swap3A_265 : vector<1x16xf32> to vector<16xf32>
          %swap3A_267 = vector.shape_cast %mul3A_262 : vector<16xf32> to vector<1x16xf32>
          tpu.vector_store %arg15[%swap3A_263, %swap3A_264], %swap3A_267 {strides = array<i32>} : memref<512x16xf32, #tpu.memory_space<vmem>>, vector<1x16xf32>,
          %mul3A_268 = arith.constant 128 : i32
          %mul3A_269 = arith.muli %scan3A_138, %mul3A_268 : i32
          %mul3A_270 = arith.constant 16 : i32
          %mul3A_271 = arith.muli %scan3A_165, %mul3A_270 : i32
          %add3A_272 = arith.addi %mul3A_269, %mul3A_271 : i32
          %add3A_273 = arith.constant 5 : i32
          %add3A_274 = arith.addi %add3A_272, %add3A_273 : i32
          %slice3A_275 = vector.extract_strided_slice %get3A_170 {offsets = [5], sizes = [1], strides = [1]} : vector<16xf32> to vector<1xf32>
          %squeeze3A_276 = vector.extract %slice3A_275[0] : f32 from vector<1xf32>
          %get3A_277 = arith.index_cast %add3A_274 : i32 to index
          %get3A_278 = arith.constant 0 : index
          %get3A_279 = tpu.vector_load %arg15[%get3A_277, %get3A_278] {strides = array<i32>} : memref<512x16xf32, #tpu.memory_space<vmem>>, vector<1x16xf32>,
          %get3A_280 = vector.shape_cast %get3A_279 : vector<1x16xf32> to vector<16xf32>
          %mul3A_281 = vector.broadcast %squeeze3A_276 : f32 to vector<16xf32>
          %mul3A_282 = arith.mulf %get3A_280, %mul3A_281 : vector<16xf32>
          %swap3A_283 = arith.index_cast %add3A_274 : i32 to index
          %swap3A_284 = arith.constant 0 : index
          %swap3A_285 = tpu.vector_load %arg15[%swap3A_283, %swap3A_284] {strides = array<i32>} : memref<512x16xf32, #tpu.memory_space<vmem>>, vector<1x16xf32>,
          %swap3A_286 = vector.shape_cast %swap3A_285 : vector<1x16xf32> to vector<16xf32>
          %swap3A_287 = vector.shape_cast %mul3A_282 : vector<16xf32> to vector<1x16xf32>
          tpu.vector_store %arg15[%swap3A_283, %swap3A_284], %swap3A_287 {strides = array<i32>} : memref<512x16xf32, #tpu.memory_space<vmem>>, vector<1x16xf32>,
          %mul3A_288 = arith.constant 128 : i32
          %mul3A_289 = arith.muli %scan3A_138, %mul3A_288 : i32
          %mul3A_290 = arith.constant 16 : i32
          %mul3A_291 = arith.muli %scan3A_165, %mul3A_290 : i32
          %add3A_292 = arith.addi %mul3A_289, %mul3A_291 : i32
          %add3A_293 = arith.constant 6 : i32
          %add3A_294 = arith.addi %add3A_292, %add3A_293 : i32
          %slice3A_295 = vector.extract_strided_slice %get3A_170 {offsets = [6], sizes = [1], strides = [1]} : vector<16xf32> to vector<1xf32>
          %squeeze3A_296 = vector.extract %slice3A_295[0] : f32 from vector<1xf32>
          %get3A_297 = arith.index_cast %add3A_294 : i32 to index
          %get3A_298 = arith.constant 0 : index
          %get3A_299 = tpu.vector_load %arg15[%get3A_297, %get3A_298] {strides = array<i32>} : memref<512x16xf32, #tpu.memory_space<vmem>>, vector<1x16xf32>,
          %get3A_300 = vector.shape_cast %get3A_299 : vector<1x16xf32> to vector<16xf32>
          %mul3A_301 = vector.broadcast %squeeze3A_296 : f32 to vector<16xf32>
          %mul3A_302 = arith.mulf %get3A_300, %mul3A_301 : vector<16xf32>
          %swap3A_303 = arith.index_cast %add3A_294 : i32 to index
          %swap3A_304 = arith.constant 0 : index
          %swap3A_305 = tpu.vector_load %arg15[%swap3A_303, %swap3A_304] {strides = array<i32>} : memref<512x16xf32, #tpu.memory_space<vmem>>, vector<1x16xf32>,
          %swap3A_306 = vector.shape_cast %swap3A_305 : vector<1x16xf32> to vector<16xf32>
          %swap3A_307 = vector.shape_cast %mul3A_302 : vector<16xf32> to vector<1x16xf32>
          tpu.vector_store %arg15[%swap3A_303, %swap3A_304], %swap3A_307 {strides = array<i32>} : memref<512x16xf32, #tpu.memory_space<vmem>>, vector<1x16xf32>,
          %mul3A_308 = arith.constant 128 : i32
          %mul3A_309 = arith.muli %scan3A_138, %mul3A_308 : i32
          %mul3A_310 = arith.constant 16 : i32
          %mul3A_311 = arith.muli %scan3A_165, %mul3A_310 : i32
          %add3A_312 = arith.addi %mul3A_309, %mul3A_311 : i32
          %add3A_313 = arith.constant 7 : i32
          %add3A_314 = arith.addi %add3A_312, %add3A_313 : i32
          %slice3A_315 = vector.extract_strided_slice %get3A_170 {offsets = [7], sizes = [1], strides = [1]} : vector<16xf32> to vector<1xf32>
          %squeeze3A_316 = vector.extract %slice3A_315[0] : f32 from vector<1xf32>
          %get3A_317 = arith.index_cast %add3A_314 : i32 to index
          %get3A_318 = arith.constant 0 : index
          %get3A_319 = tpu.vector_load %arg15[%get3A_317, %get3A_318] {strides = array<i32>} : memref<512x16xf32, #tpu.memory_space<vmem>>, vector<1x16xf32>,
          %get3A_320 = vector.shape_cast %get3A_319 : vector<1x16xf32> to vector<16xf32>
          %mul3A_321 = vector.broadcast %squeeze3A_316 : f32 to vector<16xf32>
          %mul3A_322 = arith.mulf %get3A_320, %mul3A_321 : vector<16xf32>
          %swap3A_323 = arith.index_cast %add3A_314 : i32 to index
          %swap3A_324 = arith.constant 0 : index
          %swap3A_325 = tpu.vector_load %arg15[%swap3A_323, %swap3A_324] {strides = array<i32>} : memref<512x16xf32, #tpu.memory_space<vmem>>, vector<1x16xf32>,
          %swap3A_326 = vector.shape_cast %swap3A_325 : vector<1x16xf32> to vector<16xf32>
          %swap3A_327 = vector.shape_cast %mul3A_322 : vector<16xf32> to vector<1x16xf32>
          tpu.vector_store %arg15[%swap3A_323, %swap3A_324], %swap3A_327 {strides = array<i32>} : memref<512x16xf32, #tpu.memory_space<vmem>>, vector<1x16xf32>,
          %mul3A_328 = arith.constant 128 : i32
          %mul3A_329 = arith.muli %scan3A_138, %mul3A_328 : i32
          %mul3A_330 = arith.constant 16 : i32
          %mul3A_331 = arith.muli %scan3A_165, %mul3A_330 : i32
          %add3A_332 = arith.addi %mul3A_329, %mul3A_331 : i32
          %add3A_333 = arith.constant 8 : i32
          %add3A_334 = arith.addi %add3A_332, %add3A_333 : i32
          %slice3A_335 = vector.extract_strided_slice %get3A_170 {offsets = [8], sizes = [1], strides = [1]} : vector<16xf32> to vector<1xf32>
          %squeeze3A_336 = vector.extract %slice3A_335[0] : f32 from vector<1xf32>
          %get3A_337 = arith.index_cast %add3A_334 : i32 to index
          %get3A_338 = arith.constant 0 : index
          %get3A_339 = tpu.vector_load %arg15[%get3A_337, %get3A_338] {strides = array<i32>} : memref<512x16xf32, #tpu.memory_space<vmem>>, vector<1x16xf32>,
          %get3A_340 = vector.shape_cast %get3A_339 : vector<1x16xf32> to vector<16xf32>
          %mul3A_341 = vector.broadcast %squeeze3A_336 : f32 to vector<16xf32>
          %mul3A_342 = arith.mulf %get3A_340, %mul3A_341 : vector<16xf32>
          %swap3A_343 = arith.index_cast %add3A_334 : i32 to index
          %swap3A_344 = arith.constant 0 : index
          %swap3A_345 = tpu.vector_load %arg15[%swap3A_343, %swap3A_344] {strides = array<i32>} : memref<512x16xf32, #tpu.memory_space<vmem>>, vector<1x16xf32>,
          %swap3A_346 = vector.shape_cast %swap3A_345 : vector<1x16xf32> to vector<16xf32>
          %swap3A_347 = vector.shape_cast %mul3A_342 : vector<16xf32> to vector<1x16xf32>
          tpu.vector_store %arg15[%swap3A_343, %swap3A_344], %swap3A_347 {strides = array<i32>} : memref<512x16xf32, #tpu.memory_space<vmem>>, vector<1x16xf32>,
          %mul3A_348 = arith.constant 128 : i32
          %mul3A_349 = arith.muli %scan3A_138, %mul3A_348 : i32
          %mul3A_350 = arith.constant 16 : i32
          %mul3A_351 = arith.muli %scan3A_165, %mul3A_350 : i32
          %add3A_352 = arith.addi %mul3A_349, %mul3A_351 : i32
          %add3A_353 = arith.constant 9 : i32
          %add3A_354 = arith.addi %add3A_352, %add3A_353 : i32
          %slice3A_355 = vector.extract_strided_slice %get3A_170 {offsets = [9], sizes = [1], strides = [1]} : vector<16xf32> to vector<1xf32>
          %squeeze3A_356 = vector.extract %slice3A_355[0] : f32 from vector<1xf32>
          %get3A_357 = arith.index_cast %add3A_354 : i32 to index
          %get3A_358 = arith.constant 0 : index
          %get3A_359 = tpu.vector_load %arg15[%get3A_357, %get3A_358] {strides = array<i32>} : memref<512x16xf32, #tpu.memory_space<vmem>>, vector<1x16xf32>,
          %get3A_360 = vector.shape_cast %get3A_359 : vector<1x16xf32> to vector<16xf32>
          %mul3A_361 = vector.broadcast %squeeze3A_356 : f32 to vector<16xf32>
          %mul3A_362 = arith.mulf %get3A_360, %mul3A_361 : vector<16xf32>
          %swap3A_363 = arith.index_cast %add3A_354 : i32 to index
          %swap3A_364 = arith.constant 0 : index
          %swap3A_365 = tpu.vector_load %arg15[%swap3A_363, %swap3A_364] {strides = array<i32>} : memref<512x16xf32, #tpu.memory_space<vmem>>, vector<1x16xf32>,
          %swap3A_366 = vector.shape_cast %swap3A_365 : vector<1x16xf32> to vector<16xf32>
          %swap3A_367 = vector.shape_cast %mul3A_362 : vector<16xf32> to vector<1x16xf32>
          tpu.vector_store %arg15[%swap3A_363, %swap3A_364], %swap3A_367 {strides = array<i32>} : memref<512x16xf32, #tpu.memory_space<vmem>>, vector<1x16xf32>,
          %mul3A_368 = arith.constant 128 : i32
          %mul3A_369 = arith.muli %scan3A_138, %mul3A_368 : i32
          %mul3A_370 = arith.constant 16 : i32
          %mul3A_371 = arith.muli %scan3A_165, %mul3A_370 : i32
          %add3A_372 = arith.addi %mul3A_369, %mul3A_371 : i32
          %add3A_373 = arith.constant 10 : i32
          %add3A_374 = arith.addi %add3A_372, %add3A_373 : i32
          %slice3A_375 = vector.extract_strided_slice %get3A_170 {offsets = [10], sizes = [1], strides = [1]} : vector<16xf32> to vector<1xf32>
          %squeeze3A_376 = vector.extract %slice3A_375[0] : f32 from vector<1xf32>
          %get3A_377 = arith.index_cast %add3A_374 : i32 to index
          %get3A_378 = arith.constant 0 : index
          %get3A_379 = tpu.vector_load %arg15[%get3A_377, %get3A_378] {strides = array<i32>} : memref<512x16xf32, #tpu.memory_space<vmem>>, vector<1x16xf32>,
          %get3A_380 = vector.shape_cast %get3A_379 : vector<1x16xf32> to vector<16xf32>
          %mul3A_381 = vector.broadcast %squeeze3A_376 : f32 to vector<16xf32>
          %mul3A_382 = arith.mulf %get3A_380, %mul3A_381 : vector<16xf32>
          %swap3A_383 = arith.index_cast %add3A_374 : i32 to index
          %swap3A_384 = arith.constant 0 : index
          %swap3A_385 = tpu.vector_load %arg15[%swap3A_383, %swap3A_384] {strides = array<i32>} : memref<512x16xf32, #tpu.memory_space<vmem>>, vector<1x16xf32>,
          %swap3A_386 = vector.shape_cast %swap3A_385 : vector<1x16xf32> to vector<16xf32>
          %swap3A_387 = vector.shape_cast %mul3A_382 : vector<16xf32> to vector<1x16xf32>
          tpu.vector_store %arg15[%swap3A_383, %swap3A_384], %swap3A_387 {strides = array<i32>} : memref<512x16xf32, #tpu.memory_space<vmem>>, vector<1x16xf32>,
          %mul3A_388 = arith.constant 128 : i32
          %mul3A_389 = arith.muli %scan3A_138, %mul3A_388 : i32
          %mul3A_390 = arith.constant 16 : i32
          %mul3A_391 = arith.muli %scan3A_165, %mul3A_390 : i32
          %add3A_392 = arith.addi %mul3A_389, %mul3A_391 : i32
          %add3A_393 = arith.constant 11 : i32
          %add3A_394 = arith.addi %add3A_392, %add3A_393 : i32
          %slice3A_395 = vector.extract_strided_slice %get3A_170 {offsets = [11], sizes = [1], strides = [1]} : vector<16xf32> to vector<1xf32>
          %squeeze3A_396 = vector.extract %slice3A_395[0] : f32 from vector<1xf32>
          %get3A_397 = arith.index_cast %add3A_394 : i32 to index
          %get3A_398 = arith.constant 0 : index
          %get3A_399 = tpu.vector_load %arg15[%get3A_397, %get3A_398] {strides = array<i32>} : memref<512x16xf32, #tpu.memory_space<vmem>>, vector<1x16xf32>,
          %get3A_400 = vector.shape_cast %get3A_399 : vector<1x16xf32> to vector<16xf32>
          %mul3A_401 = vector.broadcast %squeeze3A_396 : f32 to vector<16xf32>
          %mul3A_402 = arith.mulf %get3A_400, %mul3A_401 : vector<16xf32>
          %swap3A_403 = arith.index_cast %add3A_394 : i32 to index
          %swap3A_404 = arith.constant 0 : index
          %swap3A_405 = tpu.vector_load %arg15[%swap3A_403, %swap3A_404] {strides = array<i32>} : memref<512x16xf32, #tpu.memory_space<vmem>>, vector<1x16xf32>,
          %swap3A_406 = vector.shape_cast %swap3A_405 : vector<1x16xf32> to vector<16xf32>
          %swap3A_407 = vector.shape_cast %mul3A_402 : vector<16xf32> to vector<1x16xf32>
          tpu.vector_store %arg15[%swap3A_403, %swap3A_404], %swap3A_407 {strides = array<i32>} : memref<512x16xf32, #tpu.memory_space<vmem>>, vector<1x16xf32>,
          %mul3A_408 = arith.constant 128 : i32
          %mul3A_409 = arith.muli %scan3A_138, %mul3A_408 : i32
          %mul3A_410 = arith.constant 16 : i32
          %mul3A_411 = arith.muli %scan3A_165, %mul3A_410 : i32
          %add3A_412 = arith.addi %mul3A_409, %mul3A_411 : i32
          %add3A_413 = arith.constant 12 : i32
          %add3A_414 = arith.addi %add3A_412, %add3A_413 : i32
          %slice3A_415 = vector.extract_strided_slice %get3A_170 {offsets = [12], sizes = [1], strides = [1]} : vector<16xf32> to vector<1xf32>
          %squeeze3A_416 = vector.extract %slice3A_415[0] : f32 from vector<1xf32>
          %get3A_417 = arith.index_cast %add3A_414 : i32 to index
          %get3A_418 = arith.constant 0 : index
          %get3A_419 = tpu.vector_load %arg15[%get3A_417, %get3A_418] {strides = array<i32>} : memref<512x16xf32, #tpu.memory_space<vmem>>, vector<1x16xf32>,
          %get3A_420 = vector.shape_cast %get3A_419 : vector<1x16xf32> to vector<16xf32>
          %mul3A_421 = vector.broadcast %squeeze3A_416 : f32 to vector<16xf32>
          %mul3A_422 = arith.mulf %get3A_420, %mul3A_421 : vector<16xf32>
          %swap3A_423 = arith.index_cast %add3A_414 : i32 to index
          %swap3A_424 = arith.constant 0 : index
          %swap3A_425 = tpu.vector_load %arg15[%swap3A_423, %swap3A_424] {strides = array<i32>} : memref<512x16xf32, #tpu.memory_space<vmem>>, vector<1x16xf32>,
          %swap3A_426 = vector.shape_cast %swap3A_425 : vector<1x16xf32> to vector<16xf32>
          %swap3A_427 = vector.shape_cast %mul3A_422 : vector<16xf32> to vector<1x16xf32>
          tpu.vector_store %arg15[%swap3A_423, %swap3A_424], %swap3A_427 {strides = array<i32>} : memref<512x16xf32, #tpu.memory_space<vmem>>, vector<1x16xf32>,
          %mul3A_428 = arith.constant 128 : i32
          %mul3A_429 = arith.muli %scan3A_138, %mul3A_428 : i32
          %mul3A_430 = arith.constant 16 : i32
          %mul3A_431 = arith.muli %scan3A_165, %mul3A_430 : i32
          %add3A_432 = arith.addi %mul3A_429, %mul3A_431 : i32
          %add3A_433 = arith.constant 13 : i32
          %add3A_434 = arith.addi %add3A_432, %add3A_433 : i32
          %slice3A_435 = vector.extract_strided_slice %get3A_170 {offsets = [13], sizes = [1], strides = [1]} : vector<16xf32> to vector<1xf32>
          %squeeze3A_436 = vector.extract %slice3A_435[0] : f32 from vector<1xf32>
          %get3A_437 = arith.index_cast %add3A_434 : i32 to index
          %get3A_438 = arith.constant 0 : index
          %get3A_439 = tpu.vector_load %arg15[%get3A_437, %get3A_438] {strides = array<i32>} : memref<512x16xf32, #tpu.memory_space<vmem>>, vector<1x16xf32>,
          %get3A_440 = vector.shape_cast %get3A_439 : vector<1x16xf32> to vector<16xf32>
          %mul3A_441 = vector.broadcast %squeeze3A_436 : f32 to vector<16xf32>
          %mul3A_442 = arith.mulf %get3A_440, %mul3A_441 : vector<16xf32>
          %swap3A_443 = arith.index_cast %add3A_434 : i32 to index
          %swap3A_444 = arith.constant 0 : index
          %swap3A_445 = tpu.vector_load %arg15[%swap3A_443, %swap3A_444] {strides = array<i32>} : memref<512x16xf32, #tpu.memory_space<vmem>>, vector<1x16xf32>,
          %swap3A_446 = vector.shape_cast %swap3A_445 : vector<1x16xf32> to vector<16xf32>
          %swap3A_447 = vector.shape_cast %mul3A_442 : vector<16xf32> to vector<1x16xf32>
          tpu.vector_store %arg15[%swap3A_443, %swap3A_444], %swap3A_447 {strides = array<i32>} : memref<512x16xf32, #tpu.memory_space<vmem>>, vector<1x16xf32>,
          %mul3A_448 = arith.constant 128 : i32
          %mul3A_449 = arith.muli %scan3A_138, %mul3A_448 : i32
          %mul3A_450 = arith.constant 16 : i32
          %mul3A_451 = arith.muli %scan3A_165, %mul3A_450 : i32
          %add3A_452 = arith.addi %mul3A_449, %mul3A_451 : i32
          %add3A_453 = arith.constant 14 : i32
          %add3A_454 = arith.addi %add3A_452, %add3A_453 : i32
          %slice3A_455 = vector.extract_strided_slice %get3A_170 {offsets = [14], sizes = [1], strides = [1]} : vector<16xf32> to vector<1xf32>
          %squeeze3A_456 = vector.extract %slice3A_455[0] : f32 from vector<1xf32>
          %get3A_457 = arith.index_cast %add3A_454 : i32 to index
          %get3A_458 = arith.constant 0 : index
          %get3A_459 = tpu.vector_load %arg15[%get3A_457, %get3A_458] {strides = array<i32>} : memref<512x16xf32, #tpu.memory_space<vmem>>, vector<1x16xf32>,
          %get3A_460 = vector.shape_cast %get3A_459 : vector<1x16xf32> to vector<16xf32>
          %mul3A_461 = vector.broadcast %squeeze3A_456 : f32 to vector<16xf32>
          %mul3A_462 = arith.mulf %get3A_460, %mul3A_461 : vector<16xf32>
          %swap3A_463 = arith.index_cast %add3A_454 : i32 to index
          %swap3A_464 = arith.constant 0 : index
          %swap3A_465 = tpu.vector_load %arg15[%swap3A_463, %swap3A_464] {strides = array<i32>} : memref<512x16xf32, #tpu.memory_space<vmem>>, vector<1x16xf32>,
          %swap3A_466 = vector.shape_cast %swap3A_465 : vector<1x16xf32> to vector<16xf32>
          %swap3A_467 = vector.shape_cast %mul3A_462 : vector<16xf32> to vector<1x16xf32>
          tpu.vector_store %arg15[%swap3A_463, %swap3A_464], %swap3A_467 {strides = array<i32>} : memref<512x16xf32, #tpu.memory_space<vmem>>, vector<1x16xf32>,
          %mul3A_468 = arith.constant 128 : i32
          %mul3A_469 = arith.muli %scan3A_138, %mul3A_468 : i32
          %mul3A_470 = arith.constant 16 : i32
          %mul3A_471 = arith.muli %scan3A_165, %mul3A_470 : i32
          %add3A_472 = arith.addi %mul3A_469, %mul3A_471 : i32
          %add3A_473 = arith.constant 15 : i32
          %add3A_474 = arith.addi %add3A_472, %add3A_473 : i32
          %slice3A_475 = vector.extract_strided_slice %get3A_170 {offsets = [15], sizes = [1], strides = [1]} : vector<16xf32> to vector<1xf32>
          %squeeze3A_476 = vector.extract %slice3A_475[0] : f32 from vector<1xf32>
          %get3A_477 = arith.index_cast %add3A_474 : i32 to index
          %get3A_478 = arith.constant 0 : index
          %get3A_479 = tpu.vector_load %arg15[%get3A_477, %get3A_478] {strides = array<i32>} : memref<512x16xf32, #tpu.memory_space<vmem>>, vector<1x16xf32>,
          %get3A_480 = vector.shape_cast %get3A_479 : vector<1x16xf32> to vector<16xf32>
          %mul3A_481 = vector.broadcast %squeeze3A_476 : f32 to vector<16xf32>
          %mul3A_482 = arith.mulf %get3A_480, %mul3A_481 : vector<16xf32>
          %swap3A_483 = arith.index_cast %add3A_474 : i32 to index
          %swap3A_484 = arith.constant 0 : index
          %swap3A_485 = tpu.vector_load %arg15[%swap3A_483, %swap3A_484] {strides = array<i32>} : memref<512x16xf32, #tpu.memory_space<vmem>>, vector<1x16xf32>,
          %swap3A_486 = vector.shape_cast %swap3A_485 : vector<1x16xf32> to vector<16xf32>
          %swap3A_487 = vector.shape_cast %mul3A_482 : vector<16xf32> to vector<1x16xf32>
          tpu.vector_store %arg15[%swap3A_483, %swap3A_484], %swap3A_487 {strides = array<i32>} : memref<512x16xf32, #tpu.memory_space<vmem>>, vector<1x16xf32>,
        }
        %scan3A_154 = arith.constant 8 : i32
        %mul3A_155 = arith.constant 128 : i32
        %mul3A_156 = arith.muli %scan3A_138, %mul3A_155 : i32
        %dma_start3A_157 = arith.constant 0 : i32
        %dma_start3A_158 = tpu.memref_slice %arg15[%mul3A_156, %dma_start3A_157] : memref<512x16xf32, #tpu.memory_space<vmem>> -> memref<128x16xf32, #tpu.memory_space<vmem>>
        %dma_start3A_159 = arith.constant 0 : i32
        %dma_start3A_160 = tpu.memref_slice %arg9[%scan3A_138, %dma_start3A_159] : memref<4x128xi32, #tpu.memory_space<vmem>> -> memref<1x128xi32, #tpu.memory_space<vmem>>
        %dma_start3A_161 = tpu.memref_squeeze %dma_start3A_160 : memref<1x128xi32, #tpu.memory_space<vmem>> -> memref<128xi32, #tpu.memory_space<vmem>>
        %dma_start3A_162 = arith.constant 0 : i32
        %dma_start3A_163 = arith.constant 0 : i32
        %dma_start3A_164 = tpu.memref_slice %arg7[%dma_start3A_162, %dma_start3A_163] : memref<50176x16xf32, #tpu.memory_space<vmem_shared>> -> memref<50176x16xf32, #tpu.memory_space<vmem_shared>>
        tpu.enqueue_indirect_dma source(%dma_start3A_158 : memref<128x16xf32, #tpu.memory_space<vmem>>) target(%dma_start3A_164 : memref<50176x16xf32, #tpu.memory_space<vmem_shared>>) offsets(%dma_start3A_161 : memref<128xi32, #tpu.memory_space<vmem>>) semaphore(%arg19 : memref<!tpu.dma_semaphore, #tpu.memory_space<semaphore_mem>>) {add = true}
      }
      %scan3A_132 = arith.constant 4 : i32
      %lt3A_133 = arith.constant 97 : i32
      %lt3A_134 = arith.cmpi slt, %scan3A_64, %lt3A_133 : i32
      %convert_element_type3A_135 = arith.extui %lt3A_134 : i1 to i32
      %cond3A_136 = arith.constant 0 : i32
      %cond3A_137 = arith.cmpi ne, %convert_element_type3A_135, %cond3A_136 : i32
      scf.if %cond3A_137 {
        %mul3A_138 = arith.constant 2 : i32
        %mul3A_139 = arith.muli %mul3A_138, %scan3A_64 : i32
        %add3A_140 = arith.constant 2 : i32
        %add3A_141 = arith.addi %mul3A_139, %add3A_140 : i32
        %mul3A_142 = arith.constant 4 : i32
        %mul3A_143 = arith.muli %add3A_141, %mul3A_142 : i32
        %add3A_144 = arith.addi %mul3A_2, %mul3A_143 : i32
        %dma_wait3A_145 = arith.constant 0 : i32
        %dma_wait3A_146 = tpu.memref_slice %arg3[%add3A_144, %dma_wait3A_145] : memref<12544x128xi32, #tpu.memory_space<hbm>> -> memref<4x128xi32, #tpu.memory_space<hbm>>
        %dma_wait3A_147 = arith.constant 0 : i32
        %dma_wait3A_148 = tpu.memref_slice %arg3[%add3A_144, %dma_wait3A_147] : memref<12544x128xi32, #tpu.memory_space<hbm>> -> memref<4x128xi32, #tpu.memory_space<hbm>>
        tpu.wait_dma2 semaphore(%arg12 : memref<!tpu.dma_semaphore, #tpu.memory_space<semaphore_mem>>) src(%dma_wait3A_148 : memref<4x128xi32, #tpu.memory_space<hbm>>) dst(%arg16 : memref<4x128xi32, #tpu.memory_space<vmem>>)
        %dma_wait3A_149 = arith.constant 0 : i32
        %dma_wait3A_150 = tpu.memref_slice %arg4[%add3A_144, %dma_wait3A_149] : memref<12544x128xi32, #tpu.memory_space<hbm>> -> memref<4x128xi32, #tpu.memory_space<hbm>>
        %dma_wait3A_151 = arith.constant 0 : i32
        %dma_wait3A_152 = tpu.memref_slice %arg4[%add3A_144, %dma_wait3A_151] : memref<12544x128xi32, #tpu.memory_space<hbm>> -> memref<4x128xi32, #tpu.memory_space<hbm>>
        tpu.wait_dma2 semaphore(%arg12 : memref<!tpu.dma_semaphore, #tpu.memory_space<semaphore_mem>>) src(%dma_wait3A_152 : memref<4x128xi32, #tpu.memory_space<hbm>>) dst(%arg8 : memref<4x128xi32, #tpu.memory_space<vmem>>)
        %dma_wait3A_153 = arith.constant 0 : i32
        %dma_wait3A_154 = tpu.memref_slice %arg5[%add3A_144, %dma_wait3A_153] : memref<12544x128xf32, #tpu.memory_space<hbm>> -> memref<4x128xf32, #tpu.memory_space<hbm>>
        %dma_wait3A_155 = arith.constant 0 : i32
        %dma_wait3A_156 = tpu.memref_slice %arg5[%add3A_144, %dma_wait3A_155] : memref<12544x128xf32, #tpu.memory_space<hbm>> -> memref<4x128xf32, #tpu.memory_space<hbm>>
        tpu.wait_dma2 semaphore(%arg12 : memref<!tpu.dma_semaphore, #tpu.memory_space<semaphore_mem>>) src(%dma_wait3A_156 : memref<4x128xf32, #tpu.memory_space<hbm>>) dst(%arg21 : memref<4x128xf32, #tpu.memory_space<vmem>>)
        %scan3A_157 = arith.constant 0 : i32
        %scan3A_158 = arith.constant 0 : i32
        %scan3A_159 = arith.constant 4 : i32
        %scan3A_160 = arith.addi %scan3A_158, %scan3A_159 : i32
        %scan3A_161 = arith.constant 1 : i32
        scf.for %scan3A_163 = %scan3A_158 to %scan3A_160 step %scan3A_161  : i32 {
          %mul3A_164 = arith.constant 128 : i32
          %mul3A_165 = arith.muli %scan3A_163, %mul3A_164 : i32
          %dma_start3A_166 = arith.constant 0 : i32
          %dma_start3A_167 = tpu.memref_slice %arg14[%mul3A_165, %dma_start3A_166] : memref<512x16xf32, #tpu.memory_space<vmem>> -> memref<128x16xf32, #tpu.memory_space<vmem>>
          %dma_start3A_168 = arith.constant 0 : i32
          %dma_start3A_169 = tpu.memref_slice %arg16[%scan3A_163, %dma_start3A_168] : memref<4x128xi32, #tpu.memory_space<vmem>> -> memref<1x128xi32, #tpu.memory_space<vmem>>
          %dma_start3A_170 = tpu.memref_squeeze %dma_start3A_169 : memref<1x128xi32, #tpu.memory_space<vmem>> -> memref<128xi32, #tpu.memory_space<vmem>>
          %dma_start3A_171 = arith.constant 0 : i32
          %dma_start3A_172 = arith.constant 0 : i32
          %dma_start3A_173 = tpu.memref_slice %arg23[%dma_start3A_171, %dma_start3A_172] : memref<50176x16xf32, #tpu.memory_space<vmem_shared>> -> memref<50176x16xf32, #tpu.memory_space<vmem_shared>>
          tpu.enqueue_indirect_dma source(%dma_start3A_173 : memref<50176x16xf32, #tpu.memory_space<vmem_shared>>) target(%dma_start3A_167 : memref<128x16xf32, #tpu.memory_space<vmem>>) offsets(%dma_start3A_170 : memref<128xi32, #tpu.memory_space<vmem>>) semaphore(%arg10 : memref<!tpu.dma_semaphore, #tpu.memory_space<semaphore_mem>>)
        }
        %scan3A_162 = arith.constant 4 : i32
      } else {
      }
    }
    %scan3A_50 = arith.constant 98 : i32
    %scan3A_51 = arith.constant 0 : i32
    %scan3A_52 = arith.constant 0 : i32
    %scan3A_53 = arith.constant 4 : i32
    %scan3A_54 = arith.addi %scan3A_52, %scan3A_53 : i32
    %scan3A_55 = arith.constant 1 : i32
    scf.for %scan3A_64 = %scan3A_52 to %scan3A_54 step %scan3A_55  : i32 {
      %mul3A_65 = arith.constant 128 : i32
      %mul3A_66 = arith.muli %scan3A_64, %mul3A_65 : i32
      %dma_wait3A_67 = arith.constant 0 : i32
      %dma_wait3A_68 = tpu.memref_slice %arg15[%mul3A_66, %dma_wait3A_67] : memref<512x16xf32, #tpu.memory_space<vmem>> -> memref<128x16xf32, #tpu.memory_space<vmem>>
      %dma_wait3A_69 = arith.constant 0 : i32
      %dma_wait3A_70 = tpu.memref_slice %arg9[%scan3A_64, %dma_wait3A_69] : memref<4x128xi32, #tpu.memory_space<vmem>> -> memref<1x128xi32, #tpu.memory_space<vmem>>
      %dma_wait3A_71 = tpu.memref_squeeze %dma_wait3A_70 : memref<1x128xi32, #tpu.memory_space<vmem>> -> memref<128xi32, #tpu.memory_space<vmem>>
      %dma_wait3A_72 = arith.constant 0 : i32
      %dma_wait3A_73 = arith.constant 0 : i32
      %dma_wait3A_74 = tpu.memref_slice %arg7[%dma_wait3A_72, %dma_wait3A_73] : memref<50176x16xf32, #tpu.memory_space<vmem_shared>> -> memref<50176x16xf32, #tpu.memory_space<vmem_shared>>
      tpu.wait_indirect_dma semaphore(%arg19 : memref<!tpu.dma_semaphore, #tpu.memory_space<semaphore_mem>>) src(%dma_wait3A_68 : memref<128x16xf32, #tpu.memory_space<vmem>>) dst(%dma_wait3A_74 : memref<50176x16xf32, #tpu.memory_space<vmem_shared>>)
    }
    %scan3A_56 = arith.constant 4 : i32
    %barrier3A_57 = arith.constant 0 : index
    tpu.barrier barrier_id(%barrier3A_57)
    %scan3A_58 = arith.constant 0 : i32
    %scan3A_59 = arith.constant 0 : i32
    %scan3A_60 = arith.constant 28 : i32
    %scan3A_61 = arith.addi %scan3A_59, %scan3A_60 : i32
    %scan3A_62 = arith.constant 1 : i32
    scf.for %scan3A_64 = %scan3A_59 to %scan3A_61 step %scan3A_62  : i32 {
      %mul3A_65 = arith.constant 112 : i32
      %mul3A_66 = arith.muli %scan3A_64, %mul3A_65 : i32
      %add3A_67 = arith.addi %mul3A_0, %mul3A_66 : i32
      "tpu.region"() ({
        %run_scoped3A = tpu.sem_alloc : memref<!tpu.dma_semaphore, #tpu.memory_space<semaphore_mem>>
        %dma_start3A_68 = arith.constant 0 : i32
        %dma_start3A_69 = tpu.memref_slice %arg7[%add3A_67, %dma_start3A_68] : memref<50176x16xf32, #tpu.memory_space<vmem_shared>> -> memref<112x16xf32, #tpu.memory_space<vmem_shared>>
        %dma_start3A_70 = arith.constant 0 : i32
        %dma_start3A_71 = tpu.memref_slice %arg7[%add3A_67, %dma_start3A_70] : memref<50176x16xf32, #tpu.memory_space<vmem_shared>> -> memref<112x16xf32, #tpu.memory_space<vmem_shared>>
        tpu.enqueue_dma source(%dma_start3A_71 : memref<112x16xf32, #tpu.memory_space<vmem_shared>>) target(%arg20 : memref<112x16xf32, #tpu.memory_space<vmem>>) target_semaphore(%run_scoped3A : memref<!tpu.dma_semaphore, #tpu.memory_space<semaphore_mem>>)
        %dma_wait3A_72 = arith.constant 0 : i32
        %dma_wait3A_73 = tpu.memref_slice %arg7[%add3A_67, %dma_wait3A_72] : memref<50176x16xf32, #tpu.memory_space<vmem_shared>> -> memref<112x16xf32, #tpu.memory_space<vmem_shared>>
        %dma_wait3A_74 = arith.constant 0 : i32
        %dma_wait3A_75 = tpu.memref_slice %arg7[%add3A_67, %dma_wait3A_74] : memref<50176x16xf32, #tpu.memory_space<vmem_shared>> -> memref<112x16xf32, #tpu.memory_space<vmem_shared>>
        tpu.wait_dma2 semaphore(%run_scoped3A : memref<!tpu.dma_semaphore, #tpu.memory_space<semaphore_mem>>) src(%dma_wait3A_75 : memref<112x16xf32, #tpu.memory_space<vmem_shared>>) dst(%arg20 : memref<112x16xf32, #tpu.memory_space<vmem>>)
        tpu.yield
      }) : () -> ()
      "tpu.region"() ({
        %run_scoped3A = tpu.sem_alloc : memref<!tpu.dma_semaphore, #tpu.memory_space<semaphore_mem>>
        %dma_start3A_68 = arith.constant 0 : i32
        %dma_start3A_69 = tpu.memref_slice %arg6[%arg0, %add3A_67, %dma_start3A_68] : memref<2x50176x16xf32, #tpu.memory_space<hbm>> -> memref<1x112x16xf32, #tpu.memory_space<hbm>>
        %dma_start3A_70 = tpu.memref_squeeze %dma_start3A_69 : memref<1x112x16xf32, #tpu.memory_space<hbm>> -> memref<112x16xf32, #tpu.memory_space<hbm>>
        %dma_start3A_71 = arith.constant 0 : i32
        %dma_start3A_72 = tpu.memref_slice %arg6[%arg0, %add3A_67, %dma_start3A_71] : memref<2x50176x16xf32, #tpu.memory_space<hbm>> -> memref<1x112x16xf32, #tpu.memory_space<hbm>>
        %dma_start3A_73 = tpu.memref_squeeze %dma_start3A_72 : memref<1x112x16xf32, #tpu.memory_space<hbm>> -> memref<112x16xf32, #tpu.memory_space<hbm>>
        tpu.enqueue_dma source(%arg20 : memref<112x16xf32, #tpu.memory_space<vmem>>) target(%dma_start3A_73 : memref<112x16xf32, #tpu.memory_space<hbm>>) target_semaphore(%run_scoped3A : memref<!tpu.dma_semaphore, #tpu.memory_space<semaphore_mem>>)
        %dma_wait3A_74 = arith.constant 0 : i32
        %dma_wait3A_75 = tpu.memref_slice %arg6[%arg0, %add3A_67, %dma_wait3A_74] : memref<2x50176x16xf32, #tpu.memory_space<hbm>> -> memref<1x112x16xf32, #tpu.memory_space<hbm>>
        %dma_wait3A_76 = tpu.memref_squeeze %dma_wait3A_75 : memref<1x112x16xf32, #tpu.memory_space<hbm>> -> memref<112x16xf32, #tpu.memory_space<hbm>>
        %dma_wait3A_77 = arith.constant 0 : i32
        %dma_wait3A_78 = tpu.memref_slice %arg6[%arg0, %add3A_67, %dma_wait3A_77] : memref<2x50176x16xf32, #tpu.memory_space<hbm>> -> memref<1x112x16xf32, #tpu.memory_space<hbm>>
        %dma_wait3A_79 = tpu.memref_squeeze %dma_wait3A_78 : memref<1x112x16xf32, #tpu.memory_space<hbm>> -> memref<112x16xf32, #tpu.memory_space<hbm>>
        tpu.wait_dma2 semaphore(%run_scoped3A : memref<!tpu.dma_semaphore, #tpu.memory_space<semaphore_mem>>) src(%arg20 : memref<112x16xf32, #tpu.memory_space<vmem>>) dst(%dma_wait3A_79 : memref<112x16xf32, #tpu.memory_space<hbm>>)
        tpu.yield
      }) : () -> ()
    }
    %scan3A_63 = arith.constant 28 : i32
    return
  }
}

</mosaic_0001>

<sc_bundles>
// kernel: kernel.12.cloned.1.call-start
scs
__scs_entry_jumppad:
0x0: {  	(pc) =	sbr.rel $0x88, $3  }
0x1: {  	(tag) =	ssettag $0x0;
	lr =	simm.s32 $0x1  }
0x2: {  	[smem:$0x3F9D] =	sst lr;
	_ =	strace $0xD0000000  }
0x3: {  	_ = 	snop  }
0x4: {  	_ = 	snop  }
0x5: {  	_ = 	snop  }
0x6: {  	_ = 	snop  }
0x7: {  	_ = 	snop  }
__scs_overlays_trampoline_lowered:
0x8: {  	[smem:$0x3FAC] =	sst s0  }
0x9: {  	[smem:$0x3FAD] =	sst s1  }
0xa: {  	[smem:$0x3FAE] =	sst s2  }
0xb: {  	[smem:$0x3FAF] =	sst s3  }
0xc: {  	[smem:$0x3FB0] =	sst s4  }
0xd: {  	[smem:$0x3FB1] =	sst s5  }
0xe: {  	[smem:$0x3FB2] =	sst s6  }
0xf: {  	[smem:$0x3FB3] =	sst s7  }
0x10: {  	[smem:$0x3FB4] =	sst s8  }
0x11: {  	[smem:$0x3FB5] =	sst s9;
	s0 =	simm.s32 @!p0 $0x0  }
0x12: {  	s1 =	sld [smem:$0x3F9B];
	s0 =	simm.s32 @p0 $0x1  }
0x13: {  	[smem:$0x3FB6] =	sst s0;
	s0 =	simm.s32 @!p1 $0x0  }
0x14: {  	s2 =	sld [smem:$0x3F9A];
	s0 =	simm.s32 @p1 $0x1  }
0x15: {  	[smem:$0x3FB7] =	sst s0;
	s0 =	simm.s32 @!p2 $0x0  }
0x16: {  	s3 =	sld [smem:$0x3FDB];
	s0 =	simm.s32 @p2 $0x1  }
0x17: {  	s4 =	simm.s32 $0x1BF5;
	[smem:$0x3FB9] =	sst s0  }
0x18: {  	s0 =	sld [smem:$0x3F9C];
	_ =	swait.ge [sflag:s4], $0x0  }
0x19: {  	s7 =	sld [smem:$0x3F9D]  }
0x1a: {  	s8 =	sadd.s32 $0xFFFFE003, lr  }
0x1b: {  	s9 =	sadd.s32 $0xFFFFFEF7, lr;
	s5 =	simm.s32 $0xFFFFFFFF;
	p2 =	slt.u32 s8, $0xFFFFF086  }
0x1c: {  	p1 =	slt.u32 s9, $0xF7A;
	s5 =	simm.s32 @!p2 $0x0  }
0x1d: {  	s5 =	simm.s32 @p1 $0x1;
	p0 =	seq.s32 s7, s2  }
0x1e: {  	s7 =	smul.u32 @!p0 $0xF7A, s2;
	p2 =	seq.s32 @!p0 s5, $0x0  }
0x1f: {  	s9 =	smul.u32 $0xF7A, s1;
	s8 =	simm.s32 @!p0 $0x1BF5;
	p2 =	por !p2, p0  }
0x20: {  	[sflag:s8] =	ssyncset.s32 @!p0 $0xFFFFF086;
	s6 =	sadd.s32 @!p0 s3, s7;
	s7 =	simm.s32 @!p0 $0x108  }
0x21: {  	s3 =	sadd.s32 s3, s9;
	s6 =	sadd.s32 @!p0 $0x88, s6;
	s7 =	simm.s32 @p2 $0x1082  }
0x22: {  	[simem:s7], [sflag:s8] =	dma.local @!p0 [hbm:s6], $0xF7A  }
0x23: {  	s9 =	sor.u32 $0xD0000000, s2;
	s6 =	simm.s32 $0x108;
	_ =	swait.ge @!p0 [sflag:s8], $0x0  }
0x24: {  	s3 =	sadd.s32 $0x88, s3;
	s6 =	simm.s32 @!p1 $0x1082;
	[sflag:s4] =	ssyncset.s32 $0xFFFFF086  }
0x25: {  	[simem:s6], [sflag:s4] =	dma.local [hbm:s3], $0xF7A  }
0x26: {  	[smem:$0x3F9D] =	sst s1;
	(tag) =	ssettag s2;
	_ =	strace s9  }
0x27: {  	s1 =	sld [smem:$0x3FAD]  }
0x28: {  	s2 =	sld [smem:$0x3FAE]  }
0x29: {  	s4 =	sld [smem:$0x3FB0]  }
0x2a: {  	p0 =	seq.s32 s5, $0x0;
	s5 =	sld [smem:$0x3FB1]  }
0x2b: {  	s6 =	sld [smem:$0x3FB2]  }
0x2c: {  	s7 =	sld [smem:$0x3FB3]  }
0x2d: {  	s3 =	simm.s32 $0x108;
	s8 =	sld [smem:$0x3FB4]  }
0x2e: {  	s3 =	simm.s32 @!p0 $0x1082;
	s9 =	sld [smem:$0x3FB5]  }
0x2f: {  	lr =	sadd.s32 s0, s3;
	s0 =	sld [smem:$0x3FAC]  }
0x30: {  	s3 =	sld [smem:$0x3FAF]  }
0x31: {  	[smem:$0x3FB8] =	sst s10  }
0x32: {  	s10 =	sld [smem:$0x3FB6];
	_ =	sdelay $0x3  }
0x33: {  	p0 =	seq.s32 s10, $0x1;
	s10 =	sld [smem:$0x3FB8];
	_ =	sdelay $0x3  }
0x34: {  	[smem:$0x3FB8] =	sst s10  }
0x35: {  	s10 =	sld [smem:$0x3FB7];
	_ =	sdelay $0x3  }
0x36: {  	p1 =	seq.s32 s10, $0x1;
	s10 =	sld [smem:$0x3FB8];
	_ =	sdelay $0x3  }
0x37: {  	[smem:$0x3FB8] =	sst s10  }
0x38: {  	s10 =	sld [smem:$0x3FB9]  }
0x39: {  	_ = 	snop;
	(pc) =	sbr.ind lr, $3  }
0x3a: {  	_ = 	snop  }
0x3b: {  	_ = 	snop  }
0x3c: {  	p2 =	seq.s32 s10, $0x1;
	s10 =	sld [smem:$0x3FB8]  }
0x3d: {  	_ =	shalt  }
0x3e: {  	_ =	shalt  }
0x3f: {  	_ =	shalt  }
0x40: {  	_ =	shalt  }
0x41: {  	_ =	shalt  }
0x42: {  	_ =	shalt  }
0x43: {  	_ =	shalt  }
0x44: {  	_ =	shalt  }
0x45: {  	_ =	shalt  }
0x46: {  	_ =	shalt  }
0x47: {  	_ =	shalt  }
0x48: {  	_ =	shalt  }
0x49: {  	_ =	shalt  }
0x4a: {  	_ =	shalt  }
0x4b: {  	_ =	shalt  }
0x4c: {  	_ =	shalt  }
0x4d: {  	_ =	shalt  }
0x4e: {  	_ =	shalt  }
0x4f: {  	_ =	shalt  }
0x50: {  	_ =	shalt  }
0x51: {  	_ =	shalt  }
0x52: {  	_ =	shalt  }
0x53: {  	_ =	shalt  }
0x54: {  	_ =	shalt  }
0x55: {  	_ =	shalt  }
0x56: {  	_ =	shalt  }
0x57: {  	_ =	shalt  }
0x58: {  	_ =	shalt  }
0x59: {  	_ =	shalt  }
0x5a: {  	_ =	shalt  }
0x5b: {  	_ =	shalt  }
0x5c: {  	_ =	shalt  }
0x5d: {  	_ =	shalt  }
0x5e: {  	_ =	shalt  }
0x5f: {  	_ =	shalt  }
0x60: {  	_ =	shalt  }
0x61: {  	_ =	shalt  }
0x62: {  	_ =	shalt  }
0x63: {  	_ =	shalt  }
0x64: {  	_ =	shalt  }
0x65: {  	_ =	shalt  }
0x66: {  	_ =	shalt  }
0x67: {  	_ =	shalt  }
0x68: {  	_ =	shalt  }
0x69: {  	_ =	shalt  }
0x6a: {  	_ =	shalt  }
0x6b: {  	_ =	shalt  }
0x6c: {  	_ =	shalt  }
0x6d: {  	_ =	shalt  }
0x6e: {  	_ =	shalt  }
0x6f: {  	_ =	shalt  }
0x70: {  	_ =	shalt  }
0x71: {  	_ =	shalt  }
0x72: {  	_ =	shalt  }
0x73: {  	_ =	shalt  }
0x74: {  	_ =	shalt  }
0x75: {  	_ =	shalt  }
0x76: {  	_ =	shalt  }
0x77: {  	_ =	shalt  }
0x78: {  	_ =	shalt  }
0x79: {  	_ =	shalt  }
0x7a: {  	_ =	shalt  }
0x7b: {  	_ =	shalt  }
0x7c: {  	_ =	shalt  }
0x7d: {  	_ =	shalt  }
0x7e: {  	_ =	shalt  }
0x7f: {  	_ =	shalt  }
0x80: {  	_ =	shalt  }
0x81: {  	_ =	shalt  }
0x82: {  	_ =	shalt  }
0x83: {  	_ =	shalt  }
0x84: {  	_ =	shalt  }
0x85: {  	_ =	shalt  }
0x86: {  	_ =	shalt  }
0x87: {  	_ =	shalt  }
.Lfunc_end0:
.L_simem_size_0:
called_computation.2_lowered:
.L_overlay_start_0:
0x88: {  	s2 =	sld [smem:$0x3FD9]  }
0x89: {  	s3 =	sld [smem:$0x3FFE];
	_ =	sdelay $0x1  }
0x8a: {  	s1 =	srdreg.scid  }
0x8b: {  	s0 =	sand.u32 $0x1, s1  }
0x8c: {  	s16 =	sshll.u32 s0, $0xA;
	s2 =	sadd.s32 s3, s2  }
0x8d: {  	s2 =	sadd.s32 s2, s16  }
0x8e: {  	[smem:$0x3FC4] =	sst s2  }
0x8f: {  	_ = 	snop  }
0x90: {  	(tm) =	ssettm $0x1  }
0x91: {  	s17 =	sld [smem:$0x3FFB];
	_ =	sdelay $0x3  }
0x92: {  	_ =	strace s17  }
0x93: {  	s2 =	sld [smem:$0x3FFC];
	_ =	sdelay $0x3  }
0x94: {  	_ =	strace s2  }
0x95: {  	s2 =	sld [smem:$0x3FFD];
	_ =	sdelay $0x3  }
0x96: {  	_ =	strace s2  }
0x97: {  	_ =	strace $0x8FFFFFFF  }
0x98: {  	s18 =	sld [smem:$0x3FDB];
	_ =	sdelay $0x1  }
0x99: {  	s19 =	simm.s32 $_scs_section_size  }
0x9a: {  	s4 =	simm.s32 $_size__tile_overlayer_lowered;
	s5 =	simm.s32 $_tile_overlayer_lowered  }
0x9b: {  	s22 =	simm.s32 $0x1BFF;
	s21 =	sshll.u32 s5, $0x1;
	s2 =	sadd.s32 s19, s18  }
0x9c: {  	s6 =	simm.s32 $0x0;
	s20 =	sshll.u32 s4, $0x1;
	s4 =	sadd.s32 s21, s2  }
0x9d: {  	[timem:s6], [sflag:s22] =	dma.local [hbm:s4], s20  }
0x9e: {  	_ =	swait.ge [sflag:s22], s20  }
0x9f: {  	s3 =	ssub.s32 $0x0, s20;
	[sflag:s22] =	ssyncset.done $0x0  }
0xa0: {  	[sflag:s22] =	ssyncadd.s32 s3;
	_ =	sdelay $0x1  }
0xa1: {  	s23 =	simm.s32 $0x1B8B  }
0xa2: {  	_ =	swait.ge [sflag:s23], $0x1  }
0xa3: {  	[sflag:s23] =	ssyncset.done $0x0  }
0xa4: {  	s25 =	simm.s32 $0x1B8E;
	s24 =	sld [smem:$0x3FFE];
	[sflag:s23] =	ssyncadd.s32 $0xFFFFFFFF  }
0xa5: {  	s26 =	simm.s32 $execute0_lowered;
	[smem:$0x3FD2] =	sst s25  }
0xa6: {  	s4 =	sshll.u32 s26, $0x1;
	_ =	strace $0x8000004C;
	[dreg:$0x1] =	wrdreg $0xFFFFFFFF  }
0xa7: {  	s28 =	simm.s32 $_size_execute0_lowered;
	s2 =	sadd.s32 s2, s4;
	[dreg:$0x0] =	wrdreg $0x0  }
0xa8: {  	s4 =	sshll.u32 s28, $0x1;
	[dreg:$0x2] =	wrdreg s2  }
0xa9: {  	[dreg:$0x3] =	wrdreg s4  }
0xaa: {  	[dreg:$0x4] =	wrdreg $0xC0  }
0xab: {  	_ =	task [dreg:s6], $0x5FFFF  }
0xac: {  	[dreg:$0x1] =	wrdreg $0xFFFFFFFF  }
0xad: {  	[dreg:$0x0] =	wrdreg $0x60  }
0xae: {  	[dreg:$0x2] =	wrdreg s24  }
0xaf: {  	[dreg:$0x3] =	wrdreg $0x117000  }
0xb0: {  	[dreg:$0x4] =	wrdreg $0x0  }
0xb1: {  	[dreg:$0x5] =	wrdreg $0x9  }
0xb2: {  	_ =	task.clear_ibuf [dreg:s6], $0x6FFFF;
	_ =	strace $0x9000004C  }
0xb3: {  	s29 =	simm.s32 $0x9;
	_ =	strace $0x8000004E  }
0xb4: {  	_ =	swait.ge [sflag:s29], $0x1  }
0xb5: {  	[sflag:s29] =	ssyncadd.s32 $0xFFFFFFFF  }
0xb6: {  	_ =	strace $0x9000004E  }
0xb7: {  	_ =	sfence  }
0xb8: {  	s30 =	sld [smem:$0x0];
	_ =	sdelay $0x2  }
0xb9: {  	s31 =	sshll.u32 s1, $0xD;
	s1 =	sshrl.u32 s1, $0x2  }
0xba: {  	s3 =	sand.u32 $0x4000, s31;
	s1 =	sadd.s32 s1, s30  }
0xbb: {  	s0 =	sor.u32 s3, s0;
	s1 =	sshll.u32 s1, $0x11  }
0xbc: {  	s0 =	sor.u32 s1, s0  }
0xbd: {  	s0 =	sadd.s32 $0x8F2B, s0  }
0xbe: {  	[sflag:s0] =	ssyncadd.remote.s32 $0x1  }
0xbf: {  	_ =	sfence.sel $0xFFFF  }
0xc0: {  	[dreg:$0x0] =	wrdreg $0xFFFFFFFF;
	(pc) =	sbr.abs _section_cstart, $3  }
0xc1: {  	[dreg:$0x1] =	wrdreg $0xFFFFFFFF  }
0xc2: {  	_ =	task.clear_ibuf [dreg:s6], $0x2FFFF;
	_ =	strace $0x9FFFFFFF  }
0xc3: {  	(tm) =	ssettm $0x7FFFFFFF  }
tec
execute0_lowered:
.L_overlay_start_1:
0x0: {  	(tag) =	ssettag $0x1  }
0x1: {  	s0 =	rddreg [dreg:$0x0]  }
0x2: {  	s1 =	rddreg [dreg:$0x1]  }
0x3: {  	s2 =	rddreg [dreg:$0x2];
	s3 =	srdreg.scid;
	s4 =	simm.s32 $0x0  }
0x4: {  	s12 =	stileid.u32;
	s19 =	simm.s32 $0x7;
	s29 =	simm.s32 $0x10000  }
0x5: {  	s30 =	simm.s32 $0x5;
	s31 =	simm.s32 $0x2;
	s9 =	smul.u32 $0xC400, s12  }
0x6: {  	s3 =	sand.u32 $0x1, s3;
	[smem:$0x7FF] =	sst s4;
	s11 =	smul.u32 $0x310, s12  }
0x7: {  	s5 =	sadd.s32 $0x33600, s0;
	s6 =	sadd.s32 $0x2600, s0;
	s20 =	smul.u32 $0x3100, s12  }
0x8: {  	s7 =	sadd.s32 $0x64600, s0;
	s22 =	sshll.u32 s12, $0x6;
	s24 =	smul.u32 $0x31000, s12  }
0x9: {  	s8 =	smul.u32 $0xC4000, s3;
	_ =	strace $0x8000004D;
	s3 =	ssub.s32 $0x2, s3  }
0xa: {  	s10 =	sshrl.u32 s3, $0x1;
	s23 =	sadd.s32 s5, s20;
	s25 =	sadd.s32 s6, s20  }
0xb: {  	s13 =	sor.u32 $0x4, s11;
	s14 =	sor.u32 $0x8, s11;
	s26 =	sshrl.u32 s24, $0x2  }
0xc: {  	s24 =	simm.s32 $0x3;
	s8 =	sadd.s32 s9, s8;
	s3 =	ssub.s32 s3, s10  }
0xd: {  	s9 =	sadd.s32 s9, s1;
	s10 =	sor.u32 $0x1C07, s22;
	[dreg:$0x6] =	wrdreg s23  }
0xe: {  	[dreg:$0x7] =	wrdreg s25;
	s16 =	sadd.s32 s26, s2;
	s25 =	simm.s32 $0x80  }
0xf: {  	s22 =	simm.s32 $0x10A00;
	s8 =	sshrl.u32 s8, $0x3;
	[dreg:$0x5] =	wrdreg s10  }
0x10: {  	s3 =	smax.u32 s3, $0x1;
	s28 =	sshrl.u32 s9, $0x3;
	s9 =	simm.s32 $0x1  }
0x11: {  	s10 =	simm.s32 $0x4;
	s0 =	sadd.s32 s8, s0;
	[dreg:$0x9] =	wrdreg s3  }
0x12: {  	s8 =	sadd.s32 s7, s20;
	[dreg:$0xa] =	wrdreg s28;
	s20 =	simm.s32 $0x10C00  }
0x13: {  	s3 =	simm.s32 $0x0;
	s21 =	sadd.s32 $0xC6600, s0;
	[dreg:$0x8] =	wrdreg s8  }
0x14: {  	v0 =	vimm.f32 $0.0e+00;
	s17 =	sadd.s32 $0xF7600, s0;
	[dreg:$0x4] =	wrdreg s21;
	s21 =	simm.s32 $0x10800  }
.LBB2_1:
0x15: {  	[dreg:$0xb] =	wrdreg s3  }
0x16: {  	s0 =	rddreg [dreg:$0x4]  }
0x17: {  	s28 =	rddreg [dreg:$0x5]  }
0x18: {  	s8 =	rddreg [dreg:$0xa]  }
0x19: {  	[spmem:s8], [sflag:s28] =	dma.local [hbm:s0], $0x1880  }
0x1a: {  	_ =	swait.ge [sflag:s19], $0x1880  }
0x1b: {  	[sflag:s19] =	ssyncset.done $0x0  }
0x1c: {  	s0 =	simm.s32 $0x0;
	[sflag:s19] =	ssyncadd.s32 $0xFFFFE780  }
.LBB2_2:
0x1d: {  	p0 =	sne.s32 s0, $0x1BC0  }
.Ltmp0:
0x1e: {  	_ = 	snop;
	(pc) =	sbr.rel @p0 .LBB2_2-.Ltmp0, $3  }
0x1f: {  	_ =	sdelay $0x1  }
0x20: {  	s3 =	sshra.s32 s0, $0x2  }
0x21: {  	s0 =	sadd.s32 $0x40, s0;
	[tilespmem:s3+$0x10C00] =	vst v0  }
0x22: {  	s0 =	sadd.s32 $0x0, s16  }
0x23: {  	[spmem:s0] =	stream.linear.scatter [tilespmem:s20], [sflag:$0x7], $0x700, $0x38;
	[tilespmem:$0x1DB00] =	vst v63  }
0x24: {  	s0 =	simm.s32 $0x1C00;
	_ =	swait.ge [sflag:s19], $0x700  }
.LBB2_4:
0x25: {  	s3 =	sshra.s32 s0, $0x2;
	[sflag:s19] =	ssyncset.done $0x0;
	p0 =	sne.s32 s0, $0x2F400  }
.Ltmp1:
0x26: {  	s3 =	sadd.s32 s3, s16;
	[sflag:s19] =	ssyncadd.s32 $0xFFFFF900;
	(pc) =	sbr.rel @p0 .LBB2_4-.Ltmp1, $3  }
0x27: {  	[spmem:s3] =	stream.linear.scatter [tilespmem:s20], [sflag:$0x7], $0x700, $0x38;
	[tilespmem:$0x1DB00] =	vst v63  }
0x28: {  	s0 =	sadd.s32 $0x1C00, s0;
	_ =	sdelay $0x1  }
0x29: {  	_ =	swait.ge [sflag:s19], $0x700  }
0x2a: {  	[sflag:s19] =	ssyncset.done $0x0  }
0x2b: {  	[sflag:s19] =	ssyncadd.s32 $0xFFFFF900  }
0x2c: {  	[bflag:$0x0] =	sbarrier.arrive $0xFFFF  }
0x2d: {  	s0 =	simm.s32 $0x0;
	s3 =	rddreg [dreg:$0x6]  }
0x2e: {  	[tilespmem:s21], [sflag:$0x3] =	stream.linear.gather [hbm4b:s3+s0], $0x200, $0x38;
	[tilespmem:$0x1DB00] =	vst v63  }
0x2f: {  	s8 =	simm.s32 $0xC400;
	s23 =	rddreg [dreg:$0x7]  }
0x30: {  	[tilespmem:s8], [sflag:$0x3] =	stream.linear.gather [hbm4b:s23+s0], $0x200, $0x38;
	[tilespmem:$0x1DB00] =	vst v63  }
0x31: {  	s28 =	simm.s32 $0x11300;
	s26 =	rddreg [dreg:$0x8]  }
0x32: {  	[tilespmem:s28], [sflag:$0x3] =	stream.linear.gather [hbm4b:s26+s0], $0x200, $0x38;
	[tilespmem:$0x1DB00] =	vst v63  }
0x33: {  	_ =	swait.ge [sflag:s24], $0x200  }
0x34: {  	[sflag:s24] =	ssyncset.done $0x0  }
0x35: {  	[sflag:s24] =	ssyncadd.s32 $0xFFFFFE00  }
0x36: {  	_ =	swait.ge [sflag:s24], $0x200  }
0x37: {  	[sflag:s24] =	ssyncset.done $0x0  }
0x38: {  	[sflag:s24] =	ssyncadd.s32 $0xFFFFFE00  }
0x39: {  	_ =	swait.ge [sflag:s24], $0x200  }
0x3a: {  	[sflag:s24] =	ssyncset.done $0x0  }
0x3b: {  	s11 =	simm.s32 $0xC800;
	[sflag:s24] =	ssyncadd.s32 $0xFFFFFE00  }
0x3c: {  	[tilespmem:s11], [sflag:$0x1] =	stream.indirect.gather [spmem:s1], $0x10, s21, s25, $0xb8;
	[tilespmem:$0x1DB00] =	vst v63  }
0x3d: {  	s12 =	simm.s32 $0x10880;
	s15 =	simm.s32 $0xD000  }
0x3e: {  	[tilespmem:s15], [sflag:$0x1] =	stream.indirect.gather [spmem:s1], $0x10, s12, s25, $0xb8;
	[tilespmem:$0x1DB00] =	vst v63  }
0x3f: {  	s18 =	simm.s32 $0x10900;
	s23 =	simm.s32 $0xD800  }
0x40: {  	[tilespmem:s23], [sflag:$0x1] =	stream.indirect.gather [spmem:s1], $0x10, s18, s25, $0xb8;
	[tilespmem:$0x1DB00] =	vst v63  }
0x41: {  	s3 =	simm.s32 $0x0;
	s26 =	simm.s32 $0x10980;
	s28 =	simm.s32 $0xE000  }
0x42: {  	[tilespmem:s28], [sflag:$0x1] =	stream.indirect.gather [spmem:s1], $0x10, s26, s25, $0xb8;
	[tilespmem:$0x1DB00] =	vst v63  }
.LBB2_6:
0x43: {  	p0 =	seq.s32 s3, $0x0  }
0x44: {  	s8 =	simm.s32 @!p0 $0x6  }
0x45: {  	_ =	swait.ge @!p0 [sflag:s8], $0x800  }
0x46: {  	[sflag:s8] =	ssyncset.done @!p0 $0x0  }
0x47: {  	[sflag:s8] =	ssyncadd.s32 @!p0 $0xFFFFF800  }
0x48: {  	_ =	swait.ge @!p0 [sflag:s8], $0x800  }
0x49: {  	[sflag:s8] =	ssyncset.done @!p0 $0x0  }
0x4a: {  	[sflag:s8] =	ssyncadd.s32 @!p0 $0xFFFFF800  }
0x4b: {  	_ =	swait.ge @!p0 [sflag:s8], $0x800  }
0x4c: {  	[sflag:s8] =	ssyncset.done @!p0 $0x0  }
0x4d: {  	s23 =	sshll.u32 s3, $0x3;
	[sflag:s8] =	ssyncadd.s32 @!p0 $0xFFFFF800  }
0x4e: {  	s11 =	sadd.s32 s23, s13;
	_ =	swait.ge @!p0 [sflag:s8], $0x800  }
0x4f: {  	s11 =	sshll.u32 s11, $0x4;
	[sflag:s8] =	ssyncset.done @!p0 $0x0  }
0x50: {  	s12 =	simm.s32 $0xC600;
	s15 =	sadd.s32 s5, s11;
	[sflag:s8] =	ssyncadd.s32 @!p0 $0xFFFFF800  }
0x51: {  	[tilespmem:s22], [sflag:$0x4] =	stream.linear.gather [hbm4b:s15+s0], $0x200, $0x38;
	[tilespmem:$0x1DB00] =	vst v63  }
0x52: {  	s28 =	simm.s32 $0x11500;
	s18 =	sadd.s32 s6, s11;
	s26 =	sadd.s32 s7, s11  }
0x53: {  	[tilespmem:s12], [sflag:$0x4] =	stream.linear.gather [hbm4b:s18+s0], $0x200, $0x38;
	[tilespmem:$0x1DB00] =	vst v63  }
0x54: {  	s8 =	simm.s32 $0x11300;
	s18 =	simm.s32 $0xC880;
	s12 =	simm.s32 $0x0  }
0x55: {  	[tilespmem:s28], [sflag:$0x4] =	stream.linear.gather [hbm4b:s26+s0], $0x200, $0x38;
	[tilespmem:$0x1DB00] =	vst v63  }
.LBB2_7:
0x56: {  	v1 =	vmov s8;
	_ =	sdelay $0x1  }
0x57: {  	_ =	swait.ge [sflag:s9], $0x800  }
0x58: {  	[sflag:s9] =	ssyncset.done $0x0  }
0x59: {  	s11 =	simm.s32 $0x0;
	[sflag:s9] =	ssyncadd.s32 $0xFFFFF800  }
0x5a: {  	v2 =	vld.idx.msk [tilespmem:v1+s11+$0x0 ss:$0x1], $0xffff;
	_ =	sdelay $0x1  }
0x5b: {  	v3 =	vld [tilespmem:s18+$0xFFFFFF80]  }
0x5c: {  	v4 =	vld [tilespmem:s18+$0xFFFFFF90]  }
0x5d: {  	v5 =	vld [tilespmem:s18+$0xFFFFFFA0]  }
0x5e: {  	v6 =	vld [tilespmem:s18+$0xFFFFFFB0];
	v7 =	vbroadcast v2, $0x0  }
0x5f: {  	v10 =	vld [tilespmem:s18+$0xFFFFFFD0];
	v8 =	vbroadcast v2, $0x1  }
0x60: {  	v46 =	vld [tilespmem:s18+$0xFFFFFFE0];
	v11 =	vbroadcast v2, $0x2;
	v3 =	vmul.f32 v7, v3  }
0x61: {  	v9 =	vld [tilespmem:s18+$0xFFFFFFC0];
	v45 =	vbroadcast v2, $0x3;
	v4 =	vmul.f32 v4, v8  }
0x62: {  	v49 =	vld [tilespmem:s18+$0x10];
	v47 =	vbroadcast v2, $0x5;
	v5 =	vmul.f32 v5, v11;
	[tilespmem:s18+$0xFFFFFF80] =	vst v3  }
0x63: {  	v59 =	vld [tilespmem:s18+$0x60];
	v13 =	vbroadcast v2, $0x6;
	v6 =	vmul.f32 v6, v45;
	[tilespmem:s18+$0xFFFFFF90] =	vst v4  }
0x64: {  	v12 =	vld [tilespmem:s18+$0xFFFFFFF0];
	v7 =	vmul.f32 v10, v47;
	v3 =	vbroadcast v2, $0x4;
	[tilespmem:s18+$0xFFFFFFA0] =	vst v5  }
0x65: {  	v48 =	vld [tilespmem:s18+$0x0];
	v53 =	vbroadcast v2, $0x9;
	v8 =	vmul.f32 v46, v13;
	[tilespmem:s18+$0xFFFFFFB0] =	vst v6  }
0x66: {  	v52 =	vld [tilespmem:s18+$0x30];
	v62 =	vbroadcast v2, $0xE;
	[tilespmem:s18+$0xFFFFFFD0] =	vst v7;
	v3 =	vmul.f32 v9, v3  }
0x67: {  	v55 =	vld [tilespmem:s18+$0x50];
	v50 =	vbroadcast v2, $0x7;
	v58 =	vmul.f32 v49, v53;
	[tilespmem:s18+$0xFFFFFFE0] =	vst v8  }
0x68: {  	v51 =	vld [tilespmem:s18+$0x20];
	v63 =	vmul.f32 v59, v62;
	[tilespmem:s18+$0xFFFFFFC0] =	vst v3;
	v3 =	vbroadcast v2, $0x8  }
0x69: {  	v54 =	vld [tilespmem:s18+$0x40];
	v57 =	vbroadcast v2, $0xB;
	v5 =	vmul.f32 v12, v50;
	[tilespmem:s18+$0x10] =	vst v58  }
0x6a: {  	v60 =	vld [tilespmem:s18+$0x70];
	v61 =	vbroadcast v2, $0xD;
	[tilespmem:s18+$0x60] =	vst v63;
	v3 =	vmul.f32 v48, v3  }
0x6b: {  	v56 =	vbroadcast v2, $0xA;
	v4 =	vmul.f32 v52, v57;
	[tilespmem:s18+$0xFFFFFFF0] =	vst v5  }
0x6c: {  	v6 =	vmul.f32 v55, v61;
	[tilespmem:s18+$0x0] =	vst v3;
	v3 =	vbroadcast v2, $0xC  }
0x6d: {  	v9 =	vmul.f32 v51, v56;
	[tilespmem:s18+$0x30] =	vst v4;
	v2 =	vbroadcast v2, $0xF  }
0x6e: {  	[tilespmem:s18+$0x50] =	vst v6;
	v3 =	vmul.f32 v54, v3  }
0x6f: {  	[tilespmem:s18+$0x20] =	vst v9;
	v2 =	vmul.f32 v60, v2  }
0x70: {  	s15 =	sshll.u32 s12, $0x7;
	[tilespmem:s18+$0x40] =	vst v3  }
0x71: {  	s28 =	simm.s32 $0x10;
	s26 =	simm.s32 $0x80;
	s11 =	smov.u32 s18;
	[tilespmem:s18+$0x70] =	vst v2  }
.LBB2_8:
0x72: {  	p0 =	sne.s32 s26, $0x1C0;
	v2 =	vld.idx.msk [tilespmem:v1+s28+$0x0 ss:$0x1], $0xffff;
	s11 =	sadd.s32 $0x100, s11  }
0x73: {  	v3 =	vld [tilespmem:s11+$0xFFFFFFB0]  }
0x74: {  	v4 =	vld [tilespmem:s11+$0xFFFFFF90]  }
0x75: {  	v5 =	vld [tilespmem:s11+$0xFFFFFF80]  }
0x76: {  	v6 =	vld [tilespmem:s11+$0xFFFFFFA0]  }
0x77: {  	v7 =	vld [tilespmem:s11+$0xFFFFFFF0]  }
0x78: {  	v8 =	vbroadcast v2, $0x0;
	v9 =	vbroadcast v2, $0x1;
	v10 =	vld [tilespmem:s11+$0xFFFFFFD0]  }
0x79: {  	v11 =	vbroadcast v2, $0x2;
	v12 =	vbroadcast v2, $0x3;
	v13 =	vld [tilespmem:s11+$0xFFFFFFC0]  }
0x7a: {  	v4 =	vmul.f32 v4, v9;
	v5 =	vmul.f32 v8, v5;
	v8 =	vld [tilespmem:s11+$0xFFFFFFE0]  }
0x7b: {  	v3 =	vmul.f32 v3, v12;
	v6 =	vmul.f32 v6, v11;
	v9 =	vld [tilespmem:s11+$0x30]  }
0x7c: {  	v11 =	vbroadcast v2, $0x5;
	[tilespmem:s11+$0xFFFFFF80] =	vst v5;
	v5 =	vbroadcast v2, $0x4;
	v12 =	vld [tilespmem:s11+$0x10]  }
0x7d: {  	v14 =	vbroadcast v2, $0x7;
	[tilespmem:s11+$0xFFFFFF90] =	vst v4;
	v4 =	vbroadcast v2, $0x6;
	v15 =	vld [tilespmem:s11+$0x0]  }
0x7e: {  	[tilespmem:s11+$0xFFFFFFA0] =	vst v6;
	v5 =	vmul.f32 v13, v5;
	v6 =	vmul.f32 v10, v11;
	v10 =	vld [tilespmem:s11+$0x20]  }
0x7f: {  	[tilespmem:s11+$0xFFFFFFB0] =	vst v3;
	v3 =	vmul.f32 v8, v4;
	v4 =	vmul.f32 v7, v14;
	v7 =	vld [tilespmem:s11+$0x70]  }
0x80: {  	v8 =	vbroadcast v2, $0x9;
	[tilespmem:s11+$0xFFFFFFC0] =	vst v5;
	v5 =	vbroadcast v2, $0x8;
	v11 =	vld [tilespmem:s11+$0x50]  }
0x81: {  	v13 =	vbroadcast v2, $0xB;
	[tilespmem:s11+$0xFFFFFFD0] =	vst v6;
	v6 =	vbroadcast v2, $0xA;
	v14 =	vld [tilespmem:s11+$0x40]  }
0x82: {  	[tilespmem:s11+$0xFFFFFFE0] =	vst v3;
	v3 =	vmul.f32 v15, v5;
	v5 =	vmul.f32 v12, v8;
	v8 =	vld [tilespmem:s11+$0x60]  }
0x83: {  	[tilespmem:s11+$0xFFFFFFF0] =	vst v4;
	v4 =	vmul.f32 v10, v6;
	v6 =	vmul.f32 v9, v13  }
0x84: {  	v9 =	vbroadcast v2, $0xD;
	[tilespmem:s11+$0x0] =	vst v3;
	v3 =	vbroadcast v2, $0xC  }
0x85: {  	[tilespmem:s11+$0x10] =	vst v5;
	v5 =	vbroadcast v2, $0xE;
	v2 =	vbroadcast v2, $0xF  }
0x86: {  	[tilespmem:s11+$0x20] =	vst v4;
	v3 =	vmul.f32 v14, v3;
	v4 =	vmul.f32 v11, v9  }
.Ltmp2:
0x87: {  	[tilespmem:s11+$0x30] =	vst v6;
	v5 =	vmul.f32 v8, v5;
	v2 =	vmul.f32 v7, v2;
	(pc) =	sbr.rel @p0 .LBB2_8-.Ltmp2, $4  }
0x88: {  	[tilespmem:s11+$0x40] =	vst v3  }
0x89: {  	[tilespmem:s11+$0x50] =	vst v4  }
0x8a: {  	[tilespmem:s11+$0x60] =	vst v5  }
0x8b: {  	s28 =	sshra.s32 s26, $0x2;
	s26 =	sadd.s32 $0x40, s26;
	[tilespmem:s11+$0x70] =	vst v2  }
0x8c: {  	_ =	sdelay $0x3  }
0x8d: {  	v1 =	vld.idx.msk [tilespmem:v1+s28+$0x0 ss:$0x1], $0xffff  }
0x8e: {  	s11 =	sadd.s32 $0x100, s11  }
0x8f: {  	v2 =	vld [tilespmem:s11+$0xFFFFFF80]  }
0x90: {  	v3 =	vld [tilespmem:s11+$0xFFFFFF90]  }
0x91: {  	v4 =	vld [tilespmem:s11+$0xFFFFFFA0]  }
0x92: {  	v5 =	vld [tilespmem:s11+$0xFFFFFFB0];
	v6 =	vbroadcast v1, $0x0  }
0x93: {  	v9 =	vld [tilespmem:s11+$0xFFFFFFD0];
	v7 =	vbroadcast v1, $0x1  }
0x94: {  	v8 =	vld [tilespmem:s11+$0xFFFFFFC0];
	v10 =	vbroadcast v1, $0x2;
	v2 =	vmul.f32 v6, v2  }
0x95: {  	v49 =	vld [tilespmem:s11+$0xFFFFFFE0];
	v48 =	vbroadcast v1, $0x3;
	v3 =	vmul.f32 v3, v7  }
0x96: {  	v51 =	vld [tilespmem:s11+$0x10];
	v50 =	vbroadcast v1, $0x5;
	v4 =	vmul.f32 v4, v10;
	[tilespmem:s11+$0xFFFFFF80] =	vst v2  }
0x97: {  	v11 =	vld [tilespmem:s11+$0xFFFFFFF0];
	v5 =	vmul.f32 v5, v48;
	v2 =	vbroadcast v1, $0x4;
	[tilespmem:s11+$0xFFFFFF90] =	vst v3  }
0x98: {  	v12 =	vbroadcast v1, $0x6;
	v6 =	vmul.f32 v9, v50;
	v3 =	vld [tilespmem:s11+$0x0];
	[tilespmem:s11+$0xFFFFFFA0] =	vst v4  }
0x99: {  	v57 =	vld [tilespmem:s11+$0x50];
	v55 =	vbroadcast v1, $0x9;
	[tilespmem:s11+$0xFFFFFFB0] =	vst v5;
	v2 =	vmul.f32 v8, v2  }
0x9a: {  	v53 =	vld [tilespmem:s11+$0x20];
	v52 =	vbroadcast v1, $0x7;
	v7 =	vmul.f32 v49, v12;
	[tilespmem:s11+$0xFFFFFFD0] =	vst v6  }
0x9b: {  	v54 =	vld [tilespmem:s11+$0x30];
	v59 =	vmul.f32 v51, v55;
	[tilespmem:s11+$0xFFFFFFC0] =	vst v2;
	v2 =	vbroadcast v1, $0x8  }
0x9c: {  	v56 =	vld [tilespmem:s11+$0x40];
	v62 =	vbroadcast v1, $0xD;
	v4 =	vmul.f32 v11, v52;
	[tilespmem:s11+$0xFFFFFFE0] =	vst v7  }
0x9d: {  	v60 =	vld [tilespmem:s11+$0x60];
	v58 =	vbroadcast v1, $0xA;
	[tilespmem:s11+$0x10] =	vst v59;
	v2 =	vmul.f32 v3, v2  }
0x9e: {  	v61 =	vld [tilespmem:s11+$0x70];
	v5 =	vmul.f32 v57, v62;
	[tilespmem:s11+$0xFFFFFFF0] =	vst v4;
	v3 =	vbroadcast v1, $0xB  }
0x9f: {  	v8 =	vmul.f32 v53, v58;
	[tilespmem:s11+$0x0] =	vst v2;
	v2 =	vbroadcast v1, $0xC  }
0xa0: {  	s26 =	sshll.u32 s12, $0xB;
	s12 =	sadd.s32 $0x1, s12;
	v63 =	vbroadcast v1, $0xE;
	[tilespmem:s11+$0x50] =	vst v5;
	v3 =	vmul.f32 v54, v3  }
0xa1: {  	p0 =	sne.s32 s12, $0x4;
	[tilespmem:s11+$0x20] =	vst v8;
	v1 =	vbroadcast v1, $0xF;
	v2 =	vmul.f32 v56, v2  }
.Ltmp3:
0xa2: {  	[tilespmem:s11+$0x30] =	vst v3;
	v3 =	vmul.f32 v60, v63;
	(pc) =	sbr.rel @p0 .LBB2_7-.Ltmp3, $4  }
0xa3: {  	v1 =	vmul.f32 v61, v1;
	[tilespmem:s11+$0x40] =	vst v2  }
0xa4: {  	s15 =	sadd.s32 $0xC400, s15;
	s26 =	sand.u32 $0x3FFFF800, s26;
	[tilespmem:s11+$0x60] =	vst v3  }
0xa5: {  	s8 =	sadd.s32 $0x80, s8;
	s18 =	sadd.s32 $0x800, s18;
	s28 =	sadd.s32 $0xC800, s26;
	[tilespmem:s11+$0x70] =	vst v1  }
0xa6: {  	[spmem:s2] =	stream.indirect.scatter.add.f32 [tilespmem:s28], [sflag:$0x5], $0x10, s15, s25, $0xb8;
	[tilespmem:$0x1DB00] =	vst v63  }
0xa7: {  	_ =	swait.ge [sflag:s10], $0x200  }
0xa8: {  	[sflag:s10] =	ssyncset.done $0x0  }
0xa9: {  	[sflag:s10] =	ssyncadd.s32 $0xFFFFFE00  }
0xaa: {  	_ =	swait.ge [sflag:s10], $0x200  }
0xab: {  	[sflag:s10] =	ssyncset.done $0x0  }
0xac: {  	[sflag:s10] =	ssyncadd.s32 $0xFFFFFE00  }
0xad: {  	_ =	swait.ge [sflag:s10], $0x200  }
0xae: {  	[sflag:s10] =	ssyncset.done $0x0  }
0xaf: {  	s8 =	simm.s32 $0xE800;
	[sflag:s10] =	ssyncadd.s32 $0xFFFFFE00  }
0xb0: {  	[tilespmem:s8], [sflag:$0x2] =	stream.indirect.gather [spmem:s1], $0x10, s22, s25, $0xb8;
	[tilespmem:$0x1DB00] =	vst v63  }
0xb1: {  	s15 =	simm.s32 $0x10A80;
	s11 =	simm.s32 $0xF000  }
0xb2: {  	[tilespmem:s11], [sflag:$0x2] =	stream.indirect.gather [spmem:s1], $0x10, s15, s25, $0xb8;
	[tilespmem:$0x1DB00] =	vst v63  }
0xb3: {  	s18 =	simm.s32 $0x10B00;
	s26 =	simm.s32 $0xF800  }
0xb4: {  	[tilespmem:s26], [sflag:$0x2] =	stream.indirect.gather [spmem:s1], $0x10, s18, s25, $0xb8;
	[tilespmem:$0x1DB00] =	vst v63  }
0xb5: {  	s28 =	simm.s32 $0x10B80  }
0xb6: {  	[tilespmem:s29], [sflag:$0x2] =	stream.indirect.gather [spmem:s1], $0x10, s28, s25, $0xb8;
	[tilespmem:$0x1DB00] =	vst v63  }
0xb7: {  	_ =	swait.ge [sflag:s30], $0x800  }
0xb8: {  	[sflag:s30] =	ssyncset.done $0x0  }
0xb9: {  	[sflag:s30] =	ssyncadd.s32 $0xFFFFF800  }
0xba: {  	_ =	swait.ge [sflag:s30], $0x800  }
0xbb: {  	[sflag:s30] =	ssyncset.done $0x0  }
0xbc: {  	[sflag:s30] =	ssyncadd.s32 $0xFFFFF800  }
0xbd: {  	_ =	swait.ge [sflag:s30], $0x800  }
0xbe: {  	[sflag:s30] =	ssyncset.done $0x0  }
0xbf: {  	p0 =	seq.s32 s3, $0x61;
	[sflag:s30] =	ssyncadd.s32 $0xFFFFF800  }
0xc0: {  	s8 =	sadd.s32 @!p0 s23, s14;
	_ =	swait.ge [sflag:s30], $0x800  }
0xc1: {  	s12 =	simm.s32 @!p0 $0x0;
	s8 =	sshll.u32 @!p0 s8, $0x4;
	[sflag:s30] =	ssyncset.done $0x0  }
0xc2: {  	s11 =	sadd.s32 @!p0 s5, s8;
	s15 =	simm.s32 @!p0 $0x10800;
	[sflag:s30] =	ssyncadd.s32 $0xFFFFF800  }
0xc3: {  	[tilespmem:s15], [sflag:$0x3] =	stream.linear.gather @!p0 [hbm4b:s11+s12], $0x200, $0x38;
	[tilespmem:$0x1DB00] =	vst v63  }
0xc4: {  	s11 =	sadd.s32 @!p0 s6, s8;
	s15 =	simm.s32 @!p0 $0xC400  }
0xc5: {  	[tilespmem:s15], [sflag:$0x3] =	stream.linear.gather @!p0 [hbm4b:s11+s12], $0x200, $0x38;
	[tilespmem:$0x1DB00] =	vst v63  }
0xc6: {  	s8 =	sadd.s32 @!p0 s7, s8;
	s11 =	simm.s32 @!p0 $0x11300  }
0xc7: {  	[tilespmem:s11], [sflag:$0x3] =	stream.linear.gather @!p0 [hbm4b:s8+s12], $0x200, $0x38;
	[tilespmem:$0x1DB00] =	vst v63  }
0xc8: {  	s8 =	simm.s32 $0x0;
	s11 =	simm.s32 $0x11500;
	s12 =	simm.s32 $0xE880  }
.LBB2_11:
0xc9: {  	v1 =	vmov s11;
	_ =	sdelay $0x1  }
0xca: {  	_ =	swait.ge [sflag:s31], $0x800  }
0xcb: {  	[sflag:s31] =	ssyncset.done $0x0  }
0xcc: {  	s15 =	simm.s32 $0x0;
	[sflag:s31] =	ssyncadd.s32 $0xFFFFF800  }
0xcd: {  	v2 =	vld.idx.msk [tilespmem:v1+s15+$0x0 ss:$0x1], $0xffff;
	_ =	sdelay $0x1  }
0xce: {  	v3 =	vld [tilespmem:s12+$0xFFFFFF80]  }
0xcf: {  	v4 =	vld [tilespmem:s12+$0xFFFFFF90]  }
0xd0: {  	v5 =	vld [tilespmem:s12+$0xFFFFFFA0]  }
0xd1: {  	v6 =	vld [tilespmem:s12+$0xFFFFFFB0];
	v7 =	vbroadcast v2, $0x0  }
0xd2: {  	v10 =	vld [tilespmem:s12+$0xFFFFFFD0];
	v8 =	vbroadcast v2, $0x1  }
0xd3: {  	v46 =	vld [tilespmem:s12+$0xFFFFFFE0];
	v11 =	vbroadcast v2, $0x2;
	v3 =	vmul.f32 v7, v3  }
0xd4: {  	v9 =	vld [tilespmem:s12+$0xFFFFFFC0];
	v45 =	vbroadcast v2, $0x3;
	v4 =	vmul.f32 v4, v8  }
0xd5: {  	v49 =	vld [tilespmem:s12+$0x10];
	v47 =	vbroadcast v2, $0x5;
	v5 =	vmul.f32 v5, v11;
	[tilespmem:s12+$0xFFFFFF80] =	vst v3  }
0xd6: {  	v59 =	vld [tilespmem:s12+$0x60];
	v13 =	vbroadcast v2, $0x6;
	v6 =	vmul.f32 v6, v45;
	[tilespmem:s12+$0xFFFFFF90] =	vst v4  }
0xd7: {  	v12 =	vld [tilespmem:s12+$0xFFFFFFF0];
	v7 =	vmul.f32 v10, v47;
	v3 =	vbroadcast v2, $0x4;
	[tilespmem:s12+$0xFFFFFFA0] =	vst v5  }
0xd8: {  	v48 =	vld [tilespmem:s12+$0x0];
	v53 =	vbroadcast v2, $0x9;
	v8 =	vmul.f32 v46, v13;
	[tilespmem:s12+$0xFFFFFFB0] =	vst v6  }
0xd9: {  	v52 =	vld [tilespmem:s12+$0x30];
	v62 =	vbroadcast v2, $0xE;
	[tilespmem:s12+$0xFFFFFFD0] =	vst v7;
	v3 =	vmul.f32 v9, v3  }
0xda: {  	v55 =	vld [tilespmem:s12+$0x50];
	v50 =	vbroadcast v2, $0x7;
	v58 =	vmul.f32 v49, v53;
	[tilespmem:s12+$0xFFFFFFE0] =	vst v8  }
0xdb: {  	v51 =	vld [tilespmem:s12+$0x20];
	v63 =	vmul.f32 v59, v62;
	[tilespmem:s12+$0xFFFFFFC0] =	vst v3;
	v3 =	vbroadcast v2, $0x8  }
0xdc: {  	v54 =	vld [tilespmem:s12+$0x40];
	v57 =	vbroadcast v2, $0xB;
	v5 =	vmul.f32 v12, v50;
	[tilespmem:s12+$0x10] =	vst v58  }
0xdd: {  	v60 =	vld [tilespmem:s12+$0x70];
	v61 =	vbroadcast v2, $0xD;
	[tilespmem:s12+$0x60] =	vst v63;
	v3 =	vmul.f32 v48, v3  }
0xde: {  	v56 =	vbroadcast v2, $0xA;
	v4 =	vmul.f32 v52, v57;
	[tilespmem:s12+$0xFFFFFFF0] =	vst v5  }
0xdf: {  	v6 =	vmul.f32 v55, v61;
	[tilespmem:s12+$0x0] =	vst v3;
	v3 =	vbroadcast v2, $0xC  }
0xe0: {  	v9 =	vmul.f32 v51, v56;
	[tilespmem:s12+$0x30] =	vst v4;
	v2 =	vbroadcast v2, $0xF  }
0xe1: {  	[tilespmem:s12+$0x50] =	vst v6;
	v3 =	vmul.f32 v54, v3  }
0xe2: {  	[tilespmem:s12+$0x20] =	vst v9;
	v2 =	vmul.f32 v60, v2  }
0xe3: {  	s26 =	simm.s32 $0x10;
	[tilespmem:s12+$0x40] =	vst v3  }
0xe4: {  	s23 =	simm.s32 $0x80;
	s18 =	smov.u32 s12;
	s15 =	sshll.u32 s8, $0x7;
	[tilespmem:s12+$0x70] =	vst v2  }
.LBB2_12:
0xe5: {  	p1 =	sne.s32 s23, $0x1C0;
	v2 =	vld.idx.msk [tilespmem:v1+s26+$0x0 ss:$0x1], $0xffff;
	s18 =	sadd.s32 $0x100, s18  }
0xe6: {  	v3 =	vld [tilespmem:s18+$0xFFFFFFB0]  }
0xe7: {  	v4 =	vld [tilespmem:s18+$0xFFFFFF90]  }
0xe8: {  	v5 =	vld [tilespmem:s18+$0xFFFFFF80]  }
0xe9: {  	v6 =	vld [tilespmem:s18+$0xFFFFFFA0]  }
0xea: {  	v7 =	vld [tilespmem:s18+$0xFFFFFFF0]  }
0xeb: {  	v8 =	vbroadcast v2, $0x0;
	v9 =	vbroadcast v2, $0x1;
	v10 =	vld [tilespmem:s18+$0xFFFFFFD0]  }
0xec: {  	v11 =	vbroadcast v2, $0x2;
	v12 =	vbroadcast v2, $0x3;
	v13 =	vld [tilespmem:s18+$0xFFFFFFC0]  }
0xed: {  	v4 =	vmul.f32 v4, v9;
	v5 =	vmul.f32 v8, v5;
	v8 =	vld [tilespmem:s18+$0xFFFFFFE0]  }
0xee: {  	v3 =	vmul.f32 v3, v12;
	v6 =	vmul.f32 v6, v11;
	v9 =	vld [tilespmem:s18+$0x30]  }
0xef: {  	v11 =	vbroadcast v2, $0x5;
	[tilespmem:s18+$0xFFFFFF80] =	vst v5;
	v5 =	vbroadcast v2, $0x4;
	v12 =	vld [tilespmem:s18+$0x10]  }
0xf0: {  	v14 =	vbroadcast v2, $0x7;
	[tilespmem:s18+$0xFFFFFF90] =	vst v4;
	v4 =	vbroadcast v2, $0x6;
	v15 =	vld [tilespmem:s18+$0x0]  }
0xf1: {  	[tilespmem:s18+$0xFFFFFFA0] =	vst v6;
	v5 =	vmul.f32 v13, v5;
	v6 =	vmul.f32 v10, v11;
	v10 =	vld [tilespmem:s18+$0x20]  }
0xf2: {  	[tilespmem:s18+$0xFFFFFFB0] =	vst v3;
	v3 =	vmul.f32 v8, v4;
	v4 =	vmul.f32 v7, v14;
	v7 =	vld [tilespmem:s18+$0x70]  }
0xf3: {  	v8 =	vbroadcast v2, $0x9;
	[tilespmem:s18+$0xFFFFFFC0] =	vst v5;
	v5 =	vbroadcast v2, $0x8;
	v11 =	vld [tilespmem:s18+$0x50]  }
0xf4: {  	v13 =	vbroadcast v2, $0xB;
	[tilespmem:s18+$0xFFFFFFD0] =	vst v6;
	v6 =	vbroadcast v2, $0xA;
	v14 =	vld [tilespmem:s18+$0x40]  }
0xf5: {  	[tilespmem:s18+$0xFFFFFFE0] =	vst v3;
	v3 =	vmul.f32 v15, v5;
	v5 =	vmul.f32 v12, v8;
	v8 =	vld [tilespmem:s18+$0x60]  }
0xf6: {  	[tilespmem:s18+$0xFFFFFFF0] =	vst v4;
	v4 =	vmul.f32 v10, v6;
	v6 =	vmul.f32 v9, v13  }
0xf7: {  	v9 =	vbroadcast v2, $0xD;
	[tilespmem:s18+$0x0] =	vst v3;
	v3 =	vbroadcast v2, $0xC  }
0xf8: {  	[tilespmem:s18+$0x10] =	vst v5;
	v5 =	vbroadcast v2, $0xE;
	v2 =	vbroadcast v2, $0xF  }
0xf9: {  	[tilespmem:s18+$0x20] =	vst v4;
	v3 =	vmul.f32 v14, v3;
	v4 =	vmul.f32 v11, v9  }
.Ltmp4:
0xfa: {  	[tilespmem:s18+$0x30] =	vst v6;
	v5 =	vmul.f32 v8, v5;
	v2 =	vmul.f32 v7, v2;
	(pc) =	sbr.rel @p1 .LBB2_12-.Ltmp4, $4  }
0xfb: {  	[tilespmem:s18+$0x40] =	vst v3  }
0xfc: {  	[tilespmem:s18+$0x50] =	vst v4  }
0xfd: {  	[tilespmem:s18+$0x60] =	vst v5  }
0xfe: {  	s26 =	sshra.s32 s23, $0x2;
	s23 =	sadd.s32 $0x40, s23;
	[tilespmem:s18+$0x70] =	vst v2  }
0xff: {  	_ =	sdelay $0x3  }
0x100: {  	v1 =	vld.idx.msk [tilespmem:v1+s26+$0x0 ss:$0x1], $0xffff  }
0x101: {  	s18 =	sadd.s32 $0x100, s18  }
0x102: {  	v2 =	vld [tilespmem:s18+$0xFFFFFF80]  }
0x103: {  	v3 =	vld [tilespmem:s18+$0xFFFFFF90]  }
0x104: {  	v4 =	vld [tilespmem:s18+$0xFFFFFFA0]  }
0x105: {  	v5 =	vld [tilespmem:s18+$0xFFFFFFB0];
	v6 =	vbroadcast v1, $0x0  }
0x106: {  	v9 =	vld [tilespmem:s18+$0xFFFFFFD0];
	v7 =	vbroadcast v1, $0x1  }
0x107: {  	v8 =	vld [tilespmem:s18+$0xFFFFFFC0];
	v10 =	vbroadcast v1, $0x2;
	v2 =	vmul.f32 v6, v2  }
0x108: {  	v49 =	vld [tilespmem:s18+$0xFFFFFFE0];
	v48 =	vbroadcast v1, $0x3;
	v3 =	vmul.f32 v3, v7  }
0x109: {  	v51 =	vld [tilespmem:s18+$0x10];
	v50 =	vbroadcast v1, $0x5;
	v4 =	vmul.f32 v4, v10;
	[tilespmem:s18+$0xFFFFFF80] =	vst v2  }
0x10a: {  	v11 =	vld [tilespmem:s18+$0xFFFFFFF0];
	v5 =	vmul.f32 v5, v48;
	v2 =	vbroadcast v1, $0x4;
	[tilespmem:s18+$0xFFFFFF90] =	vst v3  }
0x10b: {  	v12 =	vbroadcast v1, $0x6;
	v6 =	vmul.f32 v9, v50;
	v3 =	vld [tilespmem:s18+$0x0];
	[tilespmem:s18+$0xFFFFFFA0] =	vst v4  }
0x10c: {  	v57 =	vld [tilespmem:s18+$0x50];
	v55 =	vbroadcast v1, $0x9;
	[tilespmem:s18+$0xFFFFFFB0] =	vst v5;
	v2 =	vmul.f32 v8, v2  }
0x10d: {  	v53 =	vld [tilespmem:s18+$0x20];
	v52 =	vbroadcast v1, $0x7;
	v7 =	vmul.f32 v49, v12;
	[tilespmem:s18+$0xFFFFFFD0] =	vst v6  }
0x10e: {  	v54 =	vld [tilespmem:s18+$0x30];
	v59 =	vmul.f32 v51, v55;
	[tilespmem:s18+$0xFFFFFFC0] =	vst v2;
	v2 =	vbroadcast v1, $0x8  }
0x10f: {  	v56 =	vld [tilespmem:s18+$0x40];
	v62 =	vbroadcast v1, $0xD;
	v4 =	vmul.f32 v11, v52;
	[tilespmem:s18+$0xFFFFFFE0] =	vst v7  }
0x110: {  	v60 =	vld [tilespmem:s18+$0x60];
	v58 =	vbroadcast v1, $0xA;
	[tilespmem:s18+$0x10] =	vst v59;
	v2 =	vmul.f32 v3, v2  }
0x111: {  	v61 =	vld [tilespmem:s18+$0x70];
	v5 =	vmul.f32 v57, v62;
	[tilespmem:s18+$0xFFFFFFF0] =	vst v4;
	v3 =	vbroadcast v1, $0xB  }
0x112: {  	v8 =	vmul.f32 v53, v58;
	[tilespmem:s18+$0x0] =	vst v2;
	v2 =	vbroadcast v1, $0xC  }
0x113: {  	s23 =	sshll.u32 s8, $0xB;
	s8 =	sadd.s32 $0x1, s8;
	v63 =	vbroadcast v1, $0xE;
	[tilespmem:s18+$0x50] =	vst v5;
	v3 =	vmul.f32 v54, v3  }
0x114: {  	p1 =	sne.s32 s8, $0x4;
	[tilespmem:s18+$0x20] =	vst v8;
	v1 =	vbroadcast v1, $0xF;
	v2 =	vmul.f32 v56, v2  }
.Ltmp5:
0x115: {  	[tilespmem:s18+$0x30] =	vst v3;
	v3 =	vmul.f32 v60, v63;
	(pc) =	sbr.rel @p1 .LBB2_11-.Ltmp5, $4  }
0x116: {  	v1 =	vmul.f32 v61, v1;
	[tilespmem:s18+$0x40] =	vst v2  }
0x117: {  	s15 =	sadd.s32 $0xC600, s15;
	s23 =	sand.u32 $0x3FFFF800, s23;
	[tilespmem:s18+$0x60] =	vst v3  }
0x118: {  	s11 =	sadd.s32 $0x80, s11;
	s12 =	sadd.s32 $0x800, s12;
	s28 =	sadd.s32 $0xE800, s23;
	[tilespmem:s18+$0x70] =	vst v1  }
0x119: {  	[spmem:s2] =	stream.indirect.scatter.add.f32 [tilespmem:s28], [sflag:$0x6], $0x10, s15, s25, $0xb8;
	[tilespmem:$0x1DB00] =	vst v63  }
.Ltmp6:
0x11a: {  	(pc) =	sbr.rel @p0 .LBB2_16-.Ltmp6, $1  }
0x11b: {  	_ =	sdelay $0x3  }
0x11c: {  	_ =	swait.ge [sflag:s24], $0x200  }
0x11d: {  	[sflag:s24] =	ssyncset.done $0x0  }
0x11e: {  	[sflag:s24] =	ssyncadd.s32 $0xFFFFFE00  }
0x11f: {  	_ =	swait.ge [sflag:s24], $0x200  }
0x120: {  	[sflag:s24] =	ssyncset.done $0x0  }
0x121: {  	[sflag:s24] =	ssyncadd.s32 $0xFFFFFE00  }
0x122: {  	_ =	swait.ge [sflag:s24], $0x200  }
0x123: {  	[sflag:s24] =	ssyncset.done $0x0  }
0x124: {  	s8 =	simm.s32 $0xC800;
	[sflag:s24] =	ssyncadd.s32 $0xFFFFFE00  }
0x125: {  	[tilespmem:s8], [sflag:$0x1] =	stream.indirect.gather [spmem:s1], $0x10, s21, s25, $0xb8;
	[tilespmem:$0x1DB00] =	vst v63  }
0x126: {  	s15 =	simm.s32 $0x10880;
	s11 =	simm.s32 $0xD000  }
0x127: {  	[tilespmem:s11], [sflag:$0x1] =	stream.indirect.gather [spmem:s1], $0x10, s15, s25, $0xb8;
	[tilespmem:$0x1DB00] =	vst v63  }
.Ltmp7:
0x128: {  	_ = 	snop;
	(pc) =	sbr.rel .LBB2_6-.Ltmp7, $4  }
0x129: {  	s18 =	simm.s32 $0x10900;
	s23 =	simm.s32 $0xD800  }
0x12a: {  	[tilespmem:s23], [sflag:$0x1] =	stream.indirect.gather [spmem:s1], $0x10, s18, s25, $0xb8;
	[tilespmem:$0x1DB00] =	vst v63  }
0x12b: {  	s26 =	simm.s32 $0x10980;
	s28 =	simm.s32 $0xE000;
	s3 =	sadd.s32 $0x1, s3  }
0x12c: {  	[tilespmem:s28], [sflag:$0x1] =	stream.indirect.gather [spmem:s1], $0x10, s26, s25, $0xb8;
	[tilespmem:$0x1DB00] =	vst v63  }
.LBB2_16:
0x12d: {  	s0 =	simm.s32 $0x6  }
0x12e: {  	_ =	swait.ge [sflag:s0], $0x800  }
0x12f: {  	[sflag:s0] =	ssyncset.done $0x0  }
0x130: {  	[sflag:s0] =	ssyncadd.s32 $0xFFFFF800  }
0x131: {  	_ =	swait.ge [sflag:s0], $0x800  }
0x132: {  	[sflag:s0] =	ssyncset.done $0x0  }
0x133: {  	[sflag:s0] =	ssyncadd.s32 $0xFFFFF800  }
0x134: {  	_ =	swait.ge [sflag:s0], $0x800  }
0x135: {  	[sflag:s0] =	ssyncset.done $0x0  }
0x136: {  	[sflag:s0] =	ssyncadd.s32 $0xFFFFF800  }
0x137: {  	_ =	swait.ge [sflag:s0], $0x800  }
0x138: {  	[sflag:s0] =	ssyncset.done $0x0  }
0x139: {  	[sflag:s0] =	ssyncadd.s32 $0xFFFFF800  }
0x13a: {  	[bflag:$0x0] =	sbarrier.arrive $0xFFFF  }
0x13b: {  	[tilespmem:s20], [sflag:$0x7] =	stream.linear.gather [spmem:s16], $0x700, $0x38;
	[tilespmem:$0x1DB00] =	vst v63  }
0x13c: {  	_ =	swait.ge [sflag:s19], $0x700  }
0x13d: {  	[sflag:s19] =	ssyncset.done $0x0  }
0x13e: {  	s28 =	sadd.s32 $0x0, s17;
	[sflag:s19] =	ssyncadd.s32 $0xFFFFF900  }
0x13f: {  	[hbm4b:s28+s4] =	stream.linear.scatter [tilespmem:s20], [sflag:$0x7], $0x700, $0x38;
	[tilespmem:$0x1DB00] =	vst v63  }
0x140: {  	_ =	swait.ge [sflag:s19], $0x700  }
0x141: {  	s3 =	smov.u32 s16;
	s0 =	simm.s32 $0xE0;
	[sflag:s19] =	ssyncset.done $0x0  }
.LBB2_17:
0x142: {  	p0 =	sne.s32 s0, $0x17A0;
	[sflag:s19] =	ssyncadd.s32 $0xFFFFF900;
	s3 =	sadd.s32 $0x700, s3  }
0x143: {  	[tilespmem:s20], [sflag:$0x7] =	stream.linear.gather [spmem:s3], $0x700, $0x38;
	[tilespmem:$0x1DB00] =	vst v63  }
0x144: {  	s8 =	smov.u32 s0;
	s0 =	sadd.s32 $0xE0, s0;
	_ =	swait.ge [sflag:s19], $0x700  }
.Ltmp8:
0x145: {  	[sflag:s19] =	ssyncset.done $0x0;
	(pc) =	sbr.rel @p0 .LBB2_17-.Ltmp8, $4  }
0x146: {  	s8 =	sadd.s32 s8, s17;
	[sflag:s19] =	ssyncadd.s32 $0xFFFFF900  }
0x147: {  	[hbm4b:s8+s4] =	stream.linear.scatter [tilespmem:s20], [sflag:$0x7], $0x700, $0x38;
	[tilespmem:$0x1DB00] =	vst v63  }
0x148: {  	_ =	swait.ge [sflag:s19], $0x700  }
0x149: {  	[sflag:s19] =	ssyncset.done $0x0  }
0x14a: {  	s3 =	rddreg [dreg:$0xb]  }
0x14b: {  	s0 =	rddreg [dreg:$0x9];
	s3 =	sadd.s32 $0x1, s3  }
0x14c: {  	p0 =	sne.s32 s3, s0  }
.Ltmp9:
0x14d: {  	_ = 	snop;
	(pc) =	sbr.rel @p0 .LBB2_1-.Ltmp9, $2  }
0x14e: {  	_ =	sdelay $0x2  }
0x14f: {  	[sflag:s19] =	ssyncadd.s32 $0xFFFFF900  }
0x150: {  	_ =	sfence.sel $0x180000  }
0x151: {  	[bflag:$0x0] =	sbarrier.arrive $0xFFFF  }
0x152: {  	_ =	strace $0x9000004D  }
0x153: {  	s0 =	stileid.u32;
	[bflag:$0x2] =	sbarrier.arrive $0xFFFF  }
0x154: {  	p0 =	sne.s32 s0, $0x0;
	s0 =	rddreg [dreg:$0x3]  }
0x155: {  	s0 =	sadd.s32 @!p0 $0x100000, s0  }
0x156: {  	[sflag:s0] =	ssyncadd.tile.s32 @!p0 $0x1;
	_ =	shalt  }
.Lfunc_end2:
_tile_overlayer_lowered:
.L_overlay_start_2:
0x157: {  	(tag) =	ssettag $0x2  }
0x158: {  	s0 =	rddreg [dreg:$0x0];
	s2 =	stileid.u32  }
0x159: {  	s1 =	rddreg [dreg:$0x1];
	p0 =	sne.s32 s2, $0x0  }
0x15a: {  	s3 =	rddreg [dreg:$0x2];
	[bflag:$0x3] =	sbarrier.arrive $0xFFFF;
	s2 =	simm.s32 @!p0 $0x1C07  }
0x15b: {  	[timem:s3], [sflag:s2] =	dma.local @!p0 [hbm:s0], s1  }
0x15c: {  	s0 =	simm.s32 @!p0 $0x7  }
0x15d: {  	_ =	swait.ge @!p0 [sflag:s0], s1  }
0x15e: {  	s1 =	ssub.s32 @!p0 $0x0, s1;
	[sflag:s0] =	ssyncset.done @!p0 $0x0  }
0x15f: {  	[sflag:s0] =	ssyncadd.s32 @!p0 s1  }
0x160: {  	[bflag:$0x3] =	sbarrier.arrive $0xFFFF  }
0x161: {  	_ =	shalt  }

// kernel: kernel.15.cloned.1.call-start
scs
__scs_entry_jumppad:
0x0: {  	(pc) =	sbr.rel $0x88, $3  }
0x1: {  	(tag) =	ssettag $0x0;
	lr =	simm.s32 $0x1  }
0x2: {  	[smem:$0x3F9D] =	sst lr;
	_ =	strace $0xD0000000  }
0x3: {  	_ = 	snop  }
0x4: {  	_ = 	snop  }
0x5: {  	_ = 	snop  }
0x6: {  	_ = 	snop  }
0x7: {  	_ = 	snop  }
__scs_overlays_trampoline_lowered:
0x8: {  	[smem:$0x3FAC] =	sst s0  }
0x9: {  	[smem:$0x3FAD] =	sst s1  }
0xa: {  	[smem:$0x3FAE] =	sst s2  }
0xb: {  	[smem:$0x3FAF] =	sst s3  }
0xc: {  	[smem:$0x3FB0] =	sst s4  }
0xd: {  	[smem:$0x3FB1] =	sst s5  }
0xe: {  	[smem:$0x3FB2] =	sst s6  }
0xf: {  	[smem:$0x3FB3] =	sst s7  }
0x10: {  	[smem:$0x3FB4] =	sst s8  }
0x11: {  	[smem:$0x3FB5] =	sst s9;
	s0 =	simm.s32 @!p0 $0x0  }
0x12: {  	s1 =	sld [smem:$0x3F9B];
	s0 =	simm.s32 @p0 $0x1  }
0x13: {  	[smem:$0x3FB6] =	sst s0;
	s0 =	simm.s32 @!p1 $0x0  }
0x14: {  	s2 =	sld [smem:$0x3F9A];
	s0 =	simm.s32 @p1 $0x1  }
0x15: {  	[smem:$0x3FB7] =	sst s0;
	s0 =	simm.s32 @!p2 $0x0  }
0x16: {  	s3 =	sld [smem:$0x3FDB];
	s0 =	simm.s32 @p2 $0x1  }
0x17: {  	s4 =	simm.s32 $0x1BF5;
	[smem:$0x3FB9] =	sst s0  }
0x18: {  	s0 =	sld [smem:$0x3F9C];
	_ =	swait.ge [sflag:s4], $0x0  }
0x19: {  	s7 =	sld [smem:$0x3F9D]  }
0x1a: {  	s8 =	sadd.s32 $0xFFFFE003, lr  }
0x1b: {  	s9 =	sadd.s32 $0xFFFFFEF7, lr;
	s5 =	simm.s32 $0xFFFFFFFF;
	p2 =	slt.u32 s8, $0xFFFFF086  }
0x1c: {  	p1 =	slt.u32 s9, $0xF7A;
	s5 =	simm.s32 @!p2 $0x0  }
0x1d: {  	s5 =	simm.s32 @p1 $0x1;
	p0 =	seq.s32 s7, s2  }
0x1e: {  	s7 =	smul.u32 @!p0 $0xF7A, s2;
	p2 =	seq.s32 @!p0 s5, $0x0  }
0x1f: {  	s9 =	smul.u32 $0xF7A, s1;
	s8 =	simm.s32 @!p0 $0x1BF5;
	p2 =	por !p2, p0  }
0x20: {  	[sflag:s8] =	ssyncset.s32 @!p0 $0xFFFFF086;
	s6 =	sadd.s32 @!p0 s3, s7;
	s7 =	simm.s32 @!p0 $0x108  }
0x21: {  	s3 =	sadd.s32 s3, s9;
	s6 =	sadd.s32 @!p0 $0x88, s6;
	s7 =	simm.s32 @p2 $0x1082  }
0x22: {  	[simem:s7], [sflag:s8] =	dma.local @!p0 [hbm:s6], $0xF7A  }
0x23: {  	s9 =	sor.u32 $0xD0000000, s2;
	s6 =	simm.s32 $0x108;
	_ =	swait.ge @!p0 [sflag:s8], $0x0  }
0x24: {  	s3 =	sadd.s32 $0x88, s3;
	s6 =	simm.s32 @!p1 $0x1082;
	[sflag:s4] =	ssyncset.s32 $0xFFFFF086  }
0x25: {  	[simem:s6], [sflag:s4] =	dma.local [hbm:s3], $0xF7A  }
0x26: {  	[smem:$0x3F9D] =	sst s1;
	(tag) =	ssettag s2;
	_ =	strace s9  }
0x27: {  	s1 =	sld [smem:$0x3FAD]  }
0x28: {  	s2 =	sld [smem:$0x3FAE]  }
0x29: {  	s4 =	sld [smem:$0x3FB0]  }
0x2a: {  	p0 =	seq.s32 s5, $0x0;
	s5 =	sld [smem:$0x3FB1]  }
0x2b: {  	s6 =	sld [smem:$0x3FB2]  }
0x2c: {  	s7 =	sld [smem:$0x3FB3]  }
0x2d: {  	s3 =	simm.s32 $0x108;
	s8 =	sld [smem:$0x3FB4]  }
0x2e: {  	s3 =	simm.s32 @!p0 $0x1082;
	s9 =	sld [smem:$0x3FB5]  }
0x2f: {  	lr =	sadd.s32 s0, s3;
	s0 =	sld [smem:$0x3FAC]  }
0x30: {  	s3 =	sld [smem:$0x3FAF]  }
0x31: {  	[smem:$0x3FB8] =	sst s10  }
0x32: {  	s10 =	sld [smem:$0x3FB6];
	_ =	sdelay $0x3  }
0x33: {  	p0 =	seq.s32 s10, $0x1;
	s10 =	sld [smem:$0x3FB8];
	_ =	sdelay $0x3  }
0x34: {  	[smem:$0x3FB8] =	sst s10  }
0x35: {  	s10 =	sld [smem:$0x3FB7];
	_ =	sdelay $0x3  }
0x36: {  	p1 =	seq.s32 s10, $0x1;
	s10 =	sld [smem:$0x3FB8];
	_ =	sdelay $0x3  }
0x37: {  	[smem:$0x3FB8] =	sst s10  }
0x38: {  	s10 =	sld [smem:$0x3FB9]  }
0x39: {  	_ = 	snop;
	(pc) =	sbr.ind lr, $3  }
0x3a: {  	_ = 	snop  }
0x3b: {  	_ = 	snop  }
0x3c: {  	p2 =	seq.s32 s10, $0x1;
	s10 =	sld [smem:$0x3FB8]  }
0x3d: {  	_ =	shalt  }
0x3e: {  	_ =	shalt  }
0x3f: {  	_ =	shalt  }
0x40: {  	_ =	shalt  }
0x41: {  	_ =	shalt  }
0x42: {  	_ =	shalt  }
0x43: {  	_ =	shalt  }
0x44: {  	_ =	shalt  }
0x45: {  	_ =	shalt  }
0x46: {  	_ =	shalt  }
0x47: {  	_ =	shalt  }
0x48: {  	_ =	shalt  }
0x49: {  	_ =	shalt  }
0x4a: {  	_ =	shalt  }
0x4b: {  	_ =	shalt  }
0x4c: {  	_ =	shalt  }
0x4d: {  	_ =	shalt  }
0x4e: {  	_ =	shalt  }
0x4f: {  	_ =	shalt  }
0x50: {  	_ =	shalt  }
0x51: {  	_ =	shalt  }
0x52: {  	_ =	shalt  }
0x53: {  	_ =	shalt  }
0x54: {  	_ =	shalt  }
0x55: {  	_ =	shalt  }
0x56: {  	_ =	shalt  }
0x57: {  	_ =	shalt  }
0x58: {  	_ =	shalt  }
0x59: {  	_ =	shalt  }
0x5a: {  	_ =	shalt  }
0x5b: {  	_ =	shalt  }
0x5c: {  	_ =	shalt  }
0x5d: {  	_ =	shalt  }
0x5e: {  	_ =	shalt  }
0x5f: {  	_ =	shalt  }
0x60: {  	_ =	shalt  }
0x61: {  	_ =	shalt  }
0x62: {  	_ =	shalt  }
0x63: {  	_ =	shalt  }
0x64: {  	_ =	shalt  }
0x65: {  	_ =	shalt  }
0x66: {  	_ =	shalt  }
0x67: {  	_ =	shalt  }
0x68: {  	_ =	shalt  }
0x69: {  	_ =	shalt  }
0x6a: {  	_ =	shalt  }
0x6b: {  	_ =	shalt  }
0x6c: {  	_ =	shalt  }
0x6d: {  	_ =	shalt  }
0x6e: {  	_ =	shalt  }
0x6f: {  	_ =	shalt  }
0x70: {  	_ =	shalt  }
0x71: {  	_ =	shalt  }
0x72: {  	_ =	shalt  }
0x73: {  	_ =	shalt  }
0x74: {  	_ =	shalt  }
0x75: {  	_ =	shalt  }
0x76: {  	_ =	shalt  }
0x77: {  	_ =	shalt  }
0x78: {  	_ =	shalt  }
0x79: {  	_ =	shalt  }
0x7a: {  	_ =	shalt  }
0x7b: {  	_ =	shalt  }
0x7c: {  	_ =	shalt  }
0x7d: {  	_ =	shalt  }
0x7e: {  	_ =	shalt  }
0x7f: {  	_ =	shalt  }
0x80: {  	_ =	shalt  }
0x81: {  	_ =	shalt  }
0x82: {  	_ =	shalt  }
0x83: {  	_ =	shalt  }
0x84: {  	_ =	shalt  }
0x85: {  	_ =	shalt  }
0x86: {  	_ =	shalt  }
0x87: {  	_ =	shalt  }
.Lfunc_end0:
.L_simem_size_0:
called_computation.3_lowered:
.L_overlay_start_0:
0x88: {  	s2 =	sld [smem:$0x3FD9]  }
0x89: {  	s3 =	sld [smem:$0x3FFE];
	_ =	sdelay $0x1  }
0x8a: {  	s1 =	srdreg.scid  }
0x8b: {  	s0 =	sand.u32 $0x1, s1  }
0x8c: {  	s16 =	sshll.u32 s0, $0xA;
	s2 =	sadd.s32 s3, s2  }
0x8d: {  	s2 =	sadd.s32 s2, s16  }
0x8e: {  	[smem:$0x3FC4] =	sst s2  }
0x8f: {  	_ = 	snop  }
0x90: {  	(tm) =	ssettm $0x1  }
0x91: {  	s17 =	sld [smem:$0x3FFB];
	_ =	sdelay $0x3  }
0x92: {  	_ =	strace s17  }
0x93: {  	s2 =	sld [smem:$0x3FFC];
	_ =	sdelay $0x3  }
0x94: {  	_ =	strace s2  }
0x95: {  	s2 =	sld [smem:$0x3FFD];
	_ =	sdelay $0x3  }
0x96: {  	_ =	strace s2  }
0x97: {  	_ =	strace $0x8FFFFFFF  }
0x98: {  	s18 =	sld [smem:$0x3FDB];
	_ =	sdelay $0x1  }
0x99: {  	s19 =	simm.s32 $_scs_section_size  }
0x9a: {  	s4 =	simm.s32 $_size__tile_overlayer_lowered;
	s5 =	simm.s32 $_tile_overlayer_lowered  }
0x9b: {  	s22 =	simm.s32 $0x1BFF;
	s21 =	sshll.u32 s5, $0x1;
	s2 =	sadd.s32 s19, s18  }
0x9c: {  	s6 =	simm.s32 $0x0;
	s20 =	sshll.u32 s4, $0x1;
	s4 =	sadd.s32 s21, s2  }
0x9d: {  	[timem:s6], [sflag:s22] =	dma.local [hbm:s4], s20  }
0x9e: {  	_ =	swait.ge [sflag:s22], s20  }
0x9f: {  	s3 =	ssub.s32 $0x0, s20;
	[sflag:s22] =	ssyncset.done $0x0  }
0xa0: {  	[sflag:s22] =	ssyncadd.s32 s3;
	_ =	sdelay $0x1  }
0xa1: {  	s23 =	simm.s32 $0x1B8B  }
0xa2: {  	_ =	swait.ge [sflag:s23], $0x1  }
0xa3: {  	[sflag:s23] =	ssyncset.done $0x0  }
0xa4: {  	s25 =	simm.s32 $0x1B8E;
	s24 =	sld [smem:$0x3FFE];
	[sflag:s23] =	ssyncadd.s32 $0xFFFFFFFF  }
0xa5: {  	s26 =	simm.s32 $execute0_lowered;
	[smem:$0x3FD2] =	sst s25  }
0xa6: {  	s4 =	sshll.u32 s26, $0x1;
	_ =	strace $0x8000004F;
	[dreg:$0x1] =	wrdreg $0xFFFFFFFF  }
0xa7: {  	s28 =	simm.s32 $_size_execute0_lowered;
	s2 =	sadd.s32 s2, s4;
	[dreg:$0x0] =	wrdreg $0x0  }
0xa8: {  	s4 =	sshll.u32 s28, $0x1;
	[dreg:$0x2] =	wrdreg s2  }
0xa9: {  	[dreg:$0x3] =	wrdreg s4  }
0xaa: {  	[dreg:$0x4] =	wrdreg $0xC0  }
0xab: {  	_ =	task [dreg:s6], $0x5FFFF  }
0xac: {  	[dreg:$0x1] =	wrdreg $0xFFFFFFFF  }
0xad: {  	[dreg:$0x0] =	wrdreg $0x60  }
0xae: {  	[dreg:$0x2] =	wrdreg s24  }
0xaf: {  	[dreg:$0x3] =	wrdreg $0x9  }
0xb0: {  	_ =	task.clear_ibuf [dreg:s6], $0x4FFFF;
	_ =	strace $0x9000004F  }
0xb1: {  	s29 =	simm.s32 $0x9;
	_ =	strace $0x80000051  }
0xb2: {  	_ =	swait.ge [sflag:s29], $0x1  }
0xb3: {  	[sflag:s29] =	ssyncadd.s32 $0xFFFFFFFF  }
0xb4: {  	_ =	strace $0x90000051  }
0xb5: {  	_ =	sfence  }
0xb6: {  	s30 =	sld [smem:$0x0];
	_ =	sdelay $0x2  }
0xb7: {  	s31 =	sshll.u32 s1, $0xD;
	s1 =	sshrl.u32 s1, $0x2  }
0xb8: {  	s3 =	sand.u32 $0x4000, s31;
	s1 =	sadd.s32 s1, s30  }
0xb9: {  	s0 =	sor.u32 s3, s0;
	s1 =	sshll.u32 s1, $0x11  }
0xba: {  	s0 =	sor.u32 s1, s0  }
0xbb: {  	s0 =	sadd.s32 $0x8F2B, s0  }
0xbc: {  	[sflag:s0] =	ssyncadd.remote.s32 $0x1  }
0xbd: {  	_ =	sfence.sel $0xFFFF  }
0xbe: {  	[dreg:$0x0] =	wrdreg $0xFFFFFFFF;
	(pc) =	sbr.abs _section_cstart, $3  }
0xbf: {  	[dreg:$0x1] =	wrdreg $0xFFFFFFFF  }
0xc0: {  	_ =	task.clear_ibuf [dreg:s6], $0x2FFFF;
	_ =	strace $0x9FFFFFFF  }
0xc1: {  	(tm) =	ssettm $0x7FFFFFFF  }
tec
execute0_lowered:
.L_overlay_start_1:
0x0: {  	(tag) =	ssettag $0x1  }
0x1: {  	s8 =	rddreg [dreg:$0x0]  }
0x2: {  	s0 =	rddreg [dreg:$0x1];
	s1 =	simm.s32 $0x0;
	s2 =	srdreg.scid  }
0x3: {  	s11 =	simm.s32 $0x3100;
	s12 =	simm.s32 $0x6200;
	s13 =	simm.s32 $0x9300  }
0x4: {  	s14 =	simm.s32 $0x1;
	s15 =	simm.s32 $0x2;
	s16 =	simm.s32 $0x0  }
0x5: {  	[smem:$0x7FF] =	sst s1;
	s9 =	sand.u32 $0x1, s2;
	s3 =	sadd.s32 $0x1EC600, s8  }
0x6: {  	s4 =	sadd.s32 $0x95600, s8;
	s5 =	sadd.s32 $0xC6600, s8;
	s7 =	ssub.s32 $0x2, s9  }
0x7: {  	s2 =	stileid.u32;
	s6 =	sadd.s32 $0xF7600, s8;
	s10 =	sshrl.u32 s7, $0x1  }
0x8: {  	s8 =	sadd.s32 $0x2600, s8;
	s9 =	smul.u32 $0xC4000, s9;
	s10 =	ssub.s32 s7, s10  }
0x9: {  	_ =	strace $0x80000050;
	s7 =	smul.u32 $0xC40, s2;
	s10 =	smax.u32 s10, $0x1  }
.LBB2_1:
0xa: {  	s17 =	simm.s32 $0x0  }
.LBB2_2:
0xb: {  	s18 =	smul.u32 $0x310, s17;
	_ =	sdelay $0x1  }
0xc: {  	s18 =	sadd.s32 s7, s18  }
0xd: {  	s18 =	sshll.u32 s18, $0x4  }
0xe: {  	s18 =	sadd.s32 s9, s18  }
0xf: {  	s18 =	sshrl.u32 s18, $0x3  }
0x10: {  	s20 =	simm.s32 $0x0;
	s19 =	sadd.s32 s3, s18  }
0x11: {  	[tilespmem:s20], [sflag:$0x1] =	stream.linear.gather [hbm4b:s19+s20], $0x3100, $0x38;
	[tilespmem:$0xC400] =	vst v63  }
0x12: {  	s29 =	sadd.s32 s4, s18  }
0x13: {  	[tilespmem:s11], [sflag:$0x1] =	stream.linear.gather [hbm4b:s29+s20], $0x3100, $0x38;
	[tilespmem:$0xC400] =	vst v63  }
0x14: {  	s30 =	sadd.s32 s5, s18  }
0x15: {  	[tilespmem:s12], [sflag:$0x1] =	stream.linear.gather [hbm4b:s30+s20], $0x3100, $0x38;
	[tilespmem:$0xC400] =	vst v63  }
0x16: {  	s31 =	sadd.s32 s6, s18  }
0x17: {  	[tilespmem:s13], [sflag:$0x1] =	stream.linear.gather [hbm4b:s31+s20], $0x3100, $0x38;
	[tilespmem:$0xC400] =	vst v63  }
0x18: {  	_ =	swait.ge [sflag:s14], $0x3100  }
0x19: {  	[sflag:s14] =	ssyncset.done $0x0  }
0x1a: {  	[sflag:s14] =	ssyncadd.s32 $0xFFFFCF00  }
0x1b: {  	_ =	swait.ge [sflag:s14], $0x3100  }
0x1c: {  	[sflag:s14] =	ssyncset.done $0x0  }
0x1d: {  	[sflag:s14] =	ssyncadd.s32 $0xFFFFCF00  }
0x1e: {  	_ =	swait.ge [sflag:s14], $0x3100  }
0x1f: {  	[sflag:s14] =	ssyncset.done $0x0  }
0x20: {  	[sflag:s14] =	ssyncadd.s32 $0xFFFFCF00  }
0x21: {  	_ =	swait.ge [sflag:s14], $0x3100  }
0x22: {  	[sflag:s14] =	ssyncset.done $0x0  }
0x23: {  	s19 =	simm.s32 $0x0;
	[sflag:s14] =	ssyncadd.s32 $0xFFFFCF00  }
0x24: {  	v0 =	vld [tilespmem:s19+$0x3100]  }
0x25: {  	v1 =	vld [tilespmem:s19+$0x6200]  }
0x26: {  	s20 =	simm.s32 $0x40;
	v2 =	vld [tilespmem:s19+$0x9300]  }
.LBB2_3:
0x27: {  	p0 =	sne.s32 s20, $0xC3C0;
	v3 =	vld [tilespmem:s19+$0x0];
	_ =	sdelay $0x4  }
0x28: {  	v1 =	vadd.f32 v2, v1;
	v0 =	vadd.f32 v0, v3;
	_ =	sdelay $0x1  }
.Ltmp0:
0x29: {  	v1 =	vadd.f32 v1, v0;
	(pc) =	sbr.rel @p0 .LBB2_3-.Ltmp0, $4  }
0x2a: {  	s21 =	sshra.s32 s20, $0x2  }
0x2b: {  	v0 =	vld [tilespmem:s21+$0x3100];
	v3 =	vmul.f32 $2.500000000e-01, v1  }
0x2c: {  	v1 =	vld [tilespmem:s21+$0x6200]  }
0x2d: {  	s20 =	sadd.s32 $0x40, s20;
	v2 =	vld [tilespmem:s21+$0x9300];
	[tilespmem:s19+$0x0] =	vst v3;
	s19 =	smov.u32 s21  }
0x2e: {  	v3 =	vld [tilespmem:s19+$0x0];
	_ =	sdelay $0x4  }
0x2f: {  	v1 =	vadd.f32 v2, v1;
	v0 =	vadd.f32 v0, v3;
	_ =	sdelay $0x1  }
0x30: {  	v0 =	vadd.f32 v1, v0;
	_ =	sdelay $0x1  }
0x31: {  	s17 =	sadd.s32 $0x1, s17;
	v0 =	vmul.f32 $2.500000000e-01, v0  }
0x32: {  	p0 =	sne.s32 s17, $0x4  }
.Ltmp1:
0x33: {  	s18 =	sadd.s32 s8, s18;
	[tilespmem:s19+$0x0] =	vst v0;
	(pc) =	sbr.rel @p0 .LBB2_2-.Ltmp1, $4  }
0x34: {  	[hbm4b:s18+s1] =	stream.linear.scatter [tilespmem:s1], [sflag:$0x2], $0x3100, $0x38;
	[tilespmem:$0xC400] =	vst v63  }
0x35: {  	_ =	swait.ge [sflag:s15], $0x3100  }
0x36: {  	[sflag:s15] =	ssyncset.done $0x0  }
0x37: {  	[sflag:s15] =	ssyncadd.s32 $0xFFFFCF00  }
0x38: {  	s16 =	sadd.s32 $0x1, s16  }
0x39: {  	p0 =	sne.s32 s16, s10  }
.Ltmp2:
0x3a: {  	_ = 	snop;
	(pc) =	sbr.rel @p0 .LBB2_1-.Ltmp2, $1  }
0x3b: {  	_ =	sdelay $0x3  }
0x3c: {  	_ =	sfence.sel $0x180000  }
0x3d: {  	[bflag:$0x0] =	sbarrier.arrive $0xFFFF  }
0x3e: {  	p0 =	sne.s32 s2, $0x0;
	_ =	strace $0x90000050  }
0x3f: {  	s0 =	sadd.s32 @!p0 $0x100000, s0;
	[bflag:$0x2] =	sbarrier.arrive $0xFFFF  }
0x40: {  	[sflag:s0] =	ssyncadd.tile.s32 @!p0 $0x1;
	_ =	shalt  }
.Lfunc_end2:
_tile_overlayer_lowered:
.L_overlay_start_2:
0x41: {  	(tag) =	ssettag $0x2  }
0x42: {  	s0 =	rddreg [dreg:$0x0];
	s2 =	stileid.u32  }
0x43: {  	s1 =	rddreg [dreg:$0x1];
	p0 =	sne.s32 s2, $0x0  }
0x44: {  	s3 =	rddreg [dreg:$0x2];
	[bflag:$0x3] =	sbarrier.arrive $0xFFFF;
	s2 =	simm.s32 @!p0 $0x1C02  }
0x45: {  	[timem:s3], [sflag:s2] =	dma.local @!p0 [hbm:s0], s1  }
0x46: {  	s0 =	simm.s32 @!p0 $0x2  }
0x47: {  	_ =	swait.ge @!p0 [sflag:s0], s1  }
0x48: {  	s1 =	ssub.s32 @!p0 $0x0, s1;
	[sflag:s0] =	ssyncset.done @!p0 $0x0  }
0x49: {  	[sflag:s0] =	ssyncadd.s32 @!p0 s1  }
0x4a: {  	[bflag:$0x3] =	sbarrier.arrive $0xFFFF  }
0x4b: {  	_ =	shalt  }

// kernel: kernel.6.cloned.1.call-start
scs
__scs_entry_jumppad:
0x0: {  	(pc) =	sbr.rel $0x88, $3  }
0x1: {  	(tag) =	ssettag $0x0;
	lr =	simm.s32 $0x1  }
0x2: {  	[smem:$0x3F9D] =	sst lr;
	_ =	strace $0xD0000000  }
0x3: {  	_ = 	snop  }
0x4: {  	_ = 	snop  }
0x5: {  	_ = 	snop  }
0x6: {  	_ = 	snop  }
0x7: {  	_ = 	snop  }
__scs_overlays_trampoline_lowered:
0x8: {  	[smem:$0x3FAC] =	sst s0  }
0x9: {  	[smem:$0x3FAD] =	sst s1  }
0xa: {  	[smem:$0x3FAE] =	sst s2  }
0xb: {  	[smem:$0x3FAF] =	sst s3  }
0xc: {  	[smem:$0x3FB0] =	sst s4  }
0xd: {  	[smem:$0x3FB1] =	sst s5  }
0xe: {  	[smem:$0x3FB2] =	sst s6  }
0xf: {  	[smem:$0x3FB3] =	sst s7  }
0x10: {  	[smem:$0x3FB4] =	sst s8  }
0x11: {  	[smem:$0x3FB5] =	sst s9;
	s0 =	simm.s32 @!p0 $0x0  }
0x12: {  	s1 =	sld [smem:$0x3F9B];
	s0 =	simm.s32 @p0 $0x1  }
0x13: {  	[smem:$0x3FB6] =	sst s0;
	s0 =	simm.s32 @!p1 $0x0  }
0x14: {  	s2 =	sld [smem:$0x3F9A];
	s0 =	simm.s32 @p1 $0x1  }
0x15: {  	[smem:$0x3FB7] =	sst s0;
	s0 =	simm.s32 @!p2 $0x0  }
0x16: {  	s3 =	sld [smem:$0x3FDB];
	s0 =	simm.s32 @p2 $0x1  }
0x17: {  	s4 =	simm.s32 $0x1BF5;
	[smem:$0x3FB9] =	sst s0  }
0x18: {  	s0 =	sld [smem:$0x3F9C];
	_ =	swait.ge [sflag:s4], $0x0  }
0x19: {  	s7 =	sld [smem:$0x3F9D]  }
0x1a: {  	s8 =	sadd.s32 $0xFFFFE003, lr  }
0x1b: {  	s9 =	sadd.s32 $0xFFFFFEF7, lr;
	s5 =	simm.s32 $0xFFFFFFFF;
	p2 =	slt.u32 s8, $0xFFFFF086  }
0x1c: {  	p1 =	slt.u32 s9, $0xF7A;
	s5 =	simm.s32 @!p2 $0x0  }
0x1d: {  	s5 =	simm.s32 @p1 $0x1;
	p0 =	seq.s32 s7, s2  }
0x1e: {  	s7 =	smul.u32 @!p0 $0xF7A, s2;
	p2 =	seq.s32 @!p0 s5, $0x0  }
0x1f: {  	s9 =	smul.u32 $0xF7A, s1;
	s8 =	simm.s32 @!p0 $0x1BF5;
	p2 =	por !p2, p0  }
0x20: {  	[sflag:s8] =	ssyncset.s32 @!p0 $0xFFFFF086;
	s6 =	sadd.s32 @!p0 s3, s7;
	s7 =	simm.s32 @!p0 $0x108  }
0x21: {  	s3 =	sadd.s32 s3, s9;
	s6 =	sadd.s32 @!p0 $0x88, s6;
	s7 =	simm.s32 @p2 $0x1082  }
0x22: {  	[simem:s7], [sflag:s8] =	dma.local @!p0 [hbm:s6], $0xF7A  }
0x23: {  	s9 =	sor.u32 $0xD0000000, s2;
	s6 =	simm.s32 $0x108;
	_ =	swait.ge @!p0 [sflag:s8], $0x0  }
0x24: {  	s3 =	sadd.s32 $0x88, s3;
	s6 =	simm.s32 @!p1 $0x1082;
	[sflag:s4] =	ssyncset.s32 $0xFFFFF086  }
0x25: {  	[simem:s6], [sflag:s4] =	dma.local [hbm:s3], $0xF7A  }
0x26: {  	[smem:$0x3F9D] =	sst s1;
	(tag) =	ssettag s2;
	_ =	strace s9  }
0x27: {  	s1 =	sld [smem:$0x3FAD]  }
0x28: {  	s2 =	sld [smem:$0x3FAE]  }
0x29: {  	s4 =	sld [smem:$0x3FB0]  }
0x2a: {  	p0 =	seq.s32 s5, $0x0;
	s5 =	sld [smem:$0x3FB1]  }
0x2b: {  	s6 =	sld [smem:$0x3FB2]  }
0x2c: {  	s7 =	sld [smem:$0x3FB3]  }
0x2d: {  	s3 =	simm.s32 $0x108;
	s8 =	sld [smem:$0x3FB4]  }
0x2e: {  	s3 =	simm.s32 @!p0 $0x1082;
	s9 =	sld [smem:$0x3FB5]  }
0x2f: {  	lr =	sadd.s32 s0, s3;
	s0 =	sld [smem:$0x3FAC]  }
0x30: {  	s3 =	sld [smem:$0x3FAF]  }
0x31: {  	[smem:$0x3FB8] =	sst s10  }
0x32: {  	s10 =	sld [smem:$0x3FB6];
	_ =	sdelay $0x3  }
0x33: {  	p0 =	seq.s32 s10, $0x1;
	s10 =	sld [smem:$0x3FB8];
	_ =	sdelay $0x3  }
0x34: {  	[smem:$0x3FB8] =	sst s10  }
0x35: {  	s10 =	sld [smem:$0x3FB7];
	_ =	sdelay $0x3  }
0x36: {  	p1 =	seq.s32 s10, $0x1;
	s10 =	sld [smem:$0x3FB8];
	_ =	sdelay $0x3  }
0x37: {  	[smem:$0x3FB8] =	sst s10  }
0x38: {  	s10 =	sld [smem:$0x3FB9]  }
0x39: {  	_ = 	snop;
	(pc) =	sbr.ind lr, $3  }
0x3a: {  	_ = 	snop  }
0x3b: {  	_ = 	snop  }
0x3c: {  	p2 =	seq.s32 s10, $0x1;
	s10 =	sld [smem:$0x3FB8]  }
0x3d: {  	_ =	shalt  }
0x3e: {  	_ =	shalt  }
0x3f: {  	_ =	shalt  }
0x40: {  	_ =	shalt  }
0x41: {  	_ =	shalt  }
0x42: {  	_ =	shalt  }
0x43: {  	_ =	shalt  }
0x44: {  	_ =	shalt  }
0x45: {  	_ =	shalt  }
0x46: {  	_ =	shalt  }
0x47: {  	_ =	shalt  }
0x48: {  	_ =	shalt  }
0x49: {  	_ =	shalt  }
0x4a: {  	_ =	shalt  }
0x4b: {  	_ =	shalt  }
0x4c: {  	_ =	shalt  }
0x4d: {  	_ =	shalt  }
0x4e: {  	_ =	shalt  }
0x4f: {  	_ =	shalt  }
0x50: {  	_ =	shalt  }
0x51: {  	_ =	shalt  }
0x52: {  	_ =	shalt  }
0x53: {  	_ =	shalt  }
0x54: {  	_ =	shalt  }
0x55: {  	_ =	shalt  }
0x56: {  	_ =	shalt  }
0x57: {  	_ =	shalt  }
0x58: {  	_ =	shalt  }
0x59: {  	_ =	shalt  }
0x5a: {  	_ =	shalt  }
0x5b: {  	_ =	shalt  }
0x5c: {  	_ =	shalt  }
0x5d: {  	_ =	shalt  }
0x5e: {  	_ =	shalt  }
0x5f: {  	_ =	shalt  }
0x60: {  	_ =	shalt  }
0x61: {  	_ =	shalt  }
0x62: {  	_ =	shalt  }
0x63: {  	_ =	shalt  }
0x64: {  	_ =	shalt  }
0x65: {  	_ =	shalt  }
0x66: {  	_ =	shalt  }
0x67: {  	_ =	shalt  }
0x68: {  	_ =	shalt  }
0x69: {  	_ =	shalt  }
0x6a: {  	_ =	shalt  }
0x6b: {  	_ =	shalt  }
0x6c: {  	_ =	shalt  }
0x6d: {  	_ =	shalt  }
0x6e: {  	_ =	shalt  }
0x6f: {  	_ =	shalt  }
0x70: {  	_ =	shalt  }
0x71: {  	_ =	shalt  }
0x72: {  	_ =	shalt  }
0x73: {  	_ =	shalt  }
0x74: {  	_ =	shalt  }
0x75: {  	_ =	shalt  }
0x76: {  	_ =	shalt  }
0x77: {  	_ =	shalt  }
0x78: {  	_ =	shalt  }
0x79: {  	_ =	shalt  }
0x7a: {  	_ =	shalt  }
0x7b: {  	_ =	shalt  }
0x7c: {  	_ =	shalt  }
0x7d: {  	_ =	shalt  }
0x7e: {  	_ =	shalt  }
0x7f: {  	_ =	shalt  }
0x80: {  	_ =	shalt  }
0x81: {  	_ =	shalt  }
0x82: {  	_ =	shalt  }
0x83: {  	_ =	shalt  }
0x84: {  	_ =	shalt  }
0x85: {  	_ =	shalt  }
0x86: {  	_ =	shalt  }
0x87: {  	_ =	shalt  }
.Lfunc_end0:
.L_simem_size_0:
called_computation_lowered:
.L_overlay_start_0:
0x88: {  	s2 =	sld [smem:$0x3FD9]  }
0x89: {  	s3 =	sld [smem:$0x3FFE];
	_ =	sdelay $0x1  }
0x8a: {  	s1 =	srdreg.scid  }
0x8b: {  	s0 =	sand.u32 $0x1, s1  }
0x8c: {  	s16 =	sshll.u32 s0, $0xA;
	s2 =	sadd.s32 s3, s2  }
0x8d: {  	s2 =	sadd.s32 s2, s16  }
0x8e: {  	[smem:$0x3FC4] =	sst s2  }
0x8f: {  	_ = 	snop  }
0x90: {  	(tm) =	ssettm $0x1  }
0x91: {  	s17 =	sld [smem:$0x3FFB];
	_ =	sdelay $0x3  }
0x92: {  	_ =	strace s17  }
0x93: {  	s2 =	sld [smem:$0x3FFC];
	_ =	sdelay $0x3  }
0x94: {  	_ =	strace s2  }
0x95: {  	s2 =	sld [smem:$0x3FFD];
	_ =	sdelay $0x3  }
0x96: {  	_ =	strace s2  }
0x97: {  	_ =	strace $0x8FFFFFFF  }
0x98: {  	s18 =	sld [smem:$0x3FDB];
	_ =	sdelay $0x1  }
0x99: {  	s19 =	simm.s32 $_scs_section_size  }
0x9a: {  	s4 =	simm.s32 $_size__tile_overlayer_lowered;
	s5 =	simm.s32 $_tile_overlayer_lowered  }
0x9b: {  	s22 =	simm.s32 $0x1BFF;
	s21 =	sshll.u32 s5, $0x1;
	s2 =	sadd.s32 s19, s18  }
0x9c: {  	s6 =	simm.s32 $0x0;
	s20 =	sshll.u32 s4, $0x1;
	s4 =	sadd.s32 s21, s2  }
0x9d: {  	[timem:s6], [sflag:s22] =	dma.local [hbm:s4], s20  }
0x9e: {  	_ =	swait.ge [sflag:s22], s20  }
0x9f: {  	s3 =	ssub.s32 $0x0, s20;
	[sflag:s22] =	ssyncset.done $0x0  }
0xa0: {  	[sflag:s22] =	ssyncadd.s32 s3;
	_ =	sdelay $0x1  }
0xa1: {  	s23 =	simm.s32 $0x1B8B  }
0xa2: {  	_ =	swait.ge [sflag:s23], $0x1  }
0xa3: {  	[sflag:s23] =	ssyncset.done $0x0  }
0xa4: {  	s25 =	simm.s32 $0x1B8E;
	s24 =	sld [smem:$0x3FFE];
	[sflag:s23] =	ssyncadd.s32 $0xFFFFFFFF  }
0xa5: {  	s26 =	simm.s32 $execute0_lowered;
	[smem:$0x3FD2] =	sst s25  }
0xa6: {  	s4 =	sshll.u32 s26, $0x1;
	_ =	strace $0x80000046;
	[dreg:$0x1] =	wrdreg $0xFFFFFFFF  }
0xa7: {  	s28 =	simm.s32 $_size_execute0_lowered;
	s2 =	sadd.s32 s2, s4;
	[dreg:$0x0] =	wrdreg $0x0  }
0xa8: {  	s4 =	sshll.u32 s28, $0x1;
	[dreg:$0x2] =	wrdreg s2  }
0xa9: {  	[dreg:$0x3] =	wrdreg s4  }
0xaa: {  	[dreg:$0x4] =	wrdreg $0xC0  }
0xab: {  	_ =	task [dreg:s6], $0x5FFFF  }
0xac: {  	[dreg:$0x1] =	wrdreg $0xFFFFFFFF  }
0xad: {  	[dreg:$0x0] =	wrdreg $0x60  }
0xae: {  	[dreg:$0x2] =	wrdreg s24  }
0xaf: {  	[dreg:$0x3] =	wrdreg $0x117000  }
0xb0: {  	[dreg:$0x4] =	wrdreg $0x0  }
0xb1: {  	[dreg:$0x5] =	wrdreg $0x9  }
0xb2: {  	_ =	task.clear_ibuf [dreg:s6], $0x6FFFF;
	_ =	strace $0x90000046  }
0xb3: {  	s29 =	simm.s32 $0x9;
	_ =	strace $0x80000048  }
0xb4: {  	_ =	swait.ge [sflag:s29], $0x1  }
0xb5: {  	[sflag:s29] =	ssyncadd.s32 $0xFFFFFFFF  }
0xb6: {  	_ =	strace $0x90000048  }
0xb7: {  	_ =	sfence  }
0xb8: {  	s30 =	sld [smem:$0x0];
	_ =	sdelay $0x2  }
0xb9: {  	s31 =	sshll.u32 s1, $0xD;
	s1 =	sshrl.u32 s1, $0x2  }
0xba: {  	s3 =	sand.u32 $0x4000, s31;
	s1 =	sadd.s32 s1, s30  }
0xbb: {  	s0 =	sor.u32 s3, s0;
	s1 =	sshll.u32 s1, $0x11  }
0xbc: {  	s0 =	sor.u32 s1, s0  }
0xbd: {  	s0 =	sadd.s32 $0x8F2B, s0  }
0xbe: {  	[sflag:s0] =	ssyncadd.remote.s32 $0x1  }
0xbf: {  	_ =	sfence.sel $0xFFFF  }
0xc0: {  	[dreg:$0x0] =	wrdreg $0xFFFFFFFF;
	(pc) =	sbr.abs _section_cstart, $3  }
0xc1: {  	[dreg:$0x1] =	wrdreg $0xFFFFFFFF  }
0xc2: {  	_ =	task.clear_ibuf [dreg:s6], $0x2FFFF;
	_ =	strace $0x9FFFFFFF  }
0xc3: {  	(tm) =	ssettm $0x7FFFFFFF  }
tec
execute0_lowered:
.L_overlay_start_1:
0x0: {  	(tag) =	ssettag $0x1  }
0x1: {  	s0 =	rddreg [dreg:$0x0]  }
0x2: {  	s1 =	rddreg [dreg:$0x1]  }
0x3: {  	s2 =	rddreg [dreg:$0x2];
	s3 =	srdreg.scid;
	s4 =	simm.s32 $0x0  }
0x4: {  	s12 =	stileid.u32;
	s19 =	simm.s32 $0x7;
	s29 =	simm.s32 $0x10000  }
0x5: {  	s30 =	simm.s32 $0x5;
	s31 =	simm.s32 $0x2;
	s9 =	smul.u32 $0xC400, s12  }
0x6: {  	s3 =	sand.u32 $0x1, s3;
	[smem:$0x7FF] =	sst s4;
	s11 =	smul.u32 $0x310, s12  }
0x7: {  	s5 =	sadd.s32 $0x33600, s0;
	s6 =	sadd.s32 $0x2600, s0;
	s20 =	smul.u32 $0x3100, s12  }
0x8: {  	s7 =	sadd.s32 $0x64600, s0;
	s22 =	sshll.u32 s12, $0x6;
	s24 =	smul.u32 $0x31000, s12  }
0x9: {  	s8 =	smul.u32 $0xC4000, s3;
	_ =	strace $0x80000047;
	s3 =	ssub.s32 $0x2, s3  }
0xa: {  	s10 =	sshrl.u32 s3, $0x1;
	s23 =	sadd.s32 s5, s20;
	s25 =	sadd.s32 s6, s20  }
0xb: {  	s13 =	sor.u32 $0x4, s11;
	s14 =	sor.u32 $0x8, s11;
	s26 =	sshrl.u32 s24, $0x2  }
0xc: {  	s24 =	simm.s32 $0x3;
	s8 =	sadd.s32 s9, s8;
	s3 =	ssub.s32 s3, s10  }
0xd: {  	s9 =	sadd.s32 s9, s1;
	s10 =	sor.u32 $0x1C07, s22;
	[dreg:$0x6] =	wrdreg s23  }
0xe: {  	[dreg:$0x7] =	wrdreg s25;
	s16 =	sadd.s32 s26, s2;
	s25 =	simm.s32 $0x80  }
0xf: {  	s22 =	simm.s32 $0x10A00;
	s8 =	sshrl.u32 s8, $0x3;
	[dreg:$0x5] =	wrdreg s10  }
0x10: {  	s3 =	smax.u32 s3, $0x1;
	s28 =	sshrl.u32 s9, $0x3;
	s9 =	simm.s32 $0x1  }
0x11: {  	s10 =	simm.s32 $0x4;
	s0 =	sadd.s32 s8, s0;
	[dreg:$0x9] =	wrdreg s3  }
0x12: {  	s8 =	sadd.s32 s7, s20;
	[dreg:$0xa] =	wrdreg s28;
	s20 =	simm.s32 $0x10C00  }
0x13: {  	s3 =	simm.s32 $0x0;
	s21 =	sadd.s32 $0x1EC600, s0;
	[dreg:$0x8] =	wrdreg s8  }
0x14: {  	v0 =	vimm.f32 $0.0e+00;
	s17 =	sadd.s32 $0x95600, s0;
	[dreg:$0x4] =	wrdreg s21;
	s21 =	simm.s32 $0x10800  }
.LBB2_1:
0x15: {  	[dreg:$0xb] =	wrdreg s3  }
0x16: {  	s0 =	rddreg [dreg:$0x4]  }
0x17: {  	s28 =	rddreg [dreg:$0x5]  }
0x18: {  	s8 =	rddreg [dreg:$0xa]  }
0x19: {  	[spmem:s8], [sflag:s28] =	dma.local [hbm:s0], $0x1880  }
0x1a: {  	_ =	swait.ge [sflag:s19], $0x1880  }
0x1b: {  	[sflag:s19] =	ssyncset.done $0x0  }
0x1c: {  	s0 =	simm.s32 $0x0;
	[sflag:s19] =	ssyncadd.s32 $0xFFFFE780  }
.LBB2_2:
0x1d: {  	p0 =	sne.s32 s0, $0x1BC0  }
.Ltmp0:
0x1e: {  	_ = 	snop;
	(pc) =	sbr.rel @p0 .LBB2_2-.Ltmp0, $3  }
0x1f: {  	_ =	sdelay $0x1  }
0x20: {  	s3 =	sshra.s32 s0, $0x2  }
0x21: {  	s0 =	sadd.s32 $0x40, s0;
	[tilespmem:s3+$0x10C00] =	vst v0  }
0x22: {  	s0 =	sadd.s32 $0x0, s16  }
0x23: {  	[spmem:s0] =	stream.linear.scatter [tilespmem:s20], [sflag:$0x7], $0x700, $0x38;
	[tilespmem:$0x1DB00] =	vst v63  }
0x24: {  	s0 =	simm.s32 $0x1C00;
	_ =	swait.ge [sflag:s19], $0x700  }
.LBB2_4:
0x25: {  	s3 =	sshra.s32 s0, $0x2;
	[sflag:s19] =	ssyncset.done $0x0;
	p0 =	sne.s32 s0, $0x2F400  }
.Ltmp1:
0x26: {  	s3 =	sadd.s32 s3, s16;
	[sflag:s19] =	ssyncadd.s32 $0xFFFFF900;
	(pc) =	sbr.rel @p0 .LBB2_4-.Ltmp1, $3  }
0x27: {  	[spmem:s3] =	stream.linear.scatter [tilespmem:s20], [sflag:$0x7], $0x700, $0x38;
	[tilespmem:$0x1DB00] =	vst v63  }
0x28: {  	s0 =	sadd.s32 $0x1C00, s0;
	_ =	sdelay $0x1  }
0x29: {  	_ =	swait.ge [sflag:s19], $0x700  }
0x2a: {  	[sflag:s19] =	ssyncset.done $0x0  }
0x2b: {  	[sflag:s19] =	ssyncadd.s32 $0xFFFFF900  }
0x2c: {  	[bflag:$0x0] =	sbarrier.arrive $0xFFFF  }
0x2d: {  	s0 =	simm.s32 $0x0;
	s3 =	rddreg [dreg:$0x6]  }
0x2e: {  	[tilespmem:s21], [sflag:$0x3] =	stream.linear.gather [hbm4b:s3+s0], $0x200, $0x38;
	[tilespmem:$0x1DB00] =	vst v63  }
0x2f: {  	s8 =	simm.s32 $0xC400;
	s23 =	rddreg [dreg:$0x7]  }
0x30: {  	[tilespmem:s8], [sflag:$0x3] =	stream.linear.gather [hbm4b:s23+s0], $0x200, $0x38;
	[tilespmem:$0x1DB00] =	vst v63  }
0x31: {  	s28 =	simm.s32 $0x11300;
	s26 =	rddreg [dreg:$0x8]  }
0x32: {  	[tilespmem:s28], [sflag:$0x3] =	stream.linear.gather [hbm4b:s26+s0], $0x200, $0x38;
	[tilespmem:$0x1DB00] =	vst v63  }
0x33: {  	_ =	swait.ge [sflag:s24], $0x200  }
0x34: {  	[sflag:s24] =	ssyncset.done $0x0  }
0x35: {  	[sflag:s24] =	ssyncadd.s32 $0xFFFFFE00  }
0x36: {  	_ =	swait.ge [sflag:s24], $0x200  }
0x37: {  	[sflag:s24] =	ssyncset.done $0x0  }
0x38: {  	[sflag:s24] =	ssyncadd.s32 $0xFFFFFE00  }
0x39: {  	_ =	swait.ge [sflag:s24], $0x200  }
0x3a: {  	[sflag:s24] =	ssyncset.done $0x0  }
0x3b: {  	s11 =	simm.s32 $0xC800;
	[sflag:s24] =	ssyncadd.s32 $0xFFFFFE00  }
0x3c: {  	[tilespmem:s11], [sflag:$0x1] =	stream.indirect.gather [spmem:s1], $0x10, s21, s25, $0xb8;
	[tilespmem:$0x1DB00] =	vst v63  }
0x3d: {  	s12 =	simm.s32 $0x10880;
	s15 =	simm.s32 $0xD000  }
0x3e: {  	[tilespmem:s15], [sflag:$0x1] =	stream.indirect.gather [spmem:s1], $0x10, s12, s25, $0xb8;
	[tilespmem:$0x1DB00] =	vst v63  }
0x3f: {  	s18 =	simm.s32 $0x10900;
	s23 =	simm.s32 $0xD800  }
0x40: {  	[tilespmem:s23], [sflag:$0x1] =	stream.indirect.gather [spmem:s1], $0x10, s18, s25, $0xb8;
	[tilespmem:$0x1DB00] =	vst v63  }
0x41: {  	s3 =	simm.s32 $0x0;
	s26 =	simm.s32 $0x10980;
	s28 =	simm.s32 $0xE000  }
0x42: {  	[tilespmem:s28], [sflag:$0x1] =	stream.indirect.gather [spmem:s1], $0x10, s26, s25, $0xb8;
	[tilespmem:$0x1DB00] =	vst v63  }
.LBB2_6:
0x43: {  	p0 =	seq.s32 s3, $0x0  }
0x44: {  	s8 =	simm.s32 @!p0 $0x6  }
0x45: {  	_ =	swait.ge @!p0 [sflag:s8], $0x800  }
0x46: {  	[sflag:s8] =	ssyncset.done @!p0 $0x0  }
0x47: {  	[sflag:s8] =	ssyncadd.s32 @!p0 $0xFFFFF800  }
0x48: {  	_ =	swait.ge @!p0 [sflag:s8], $0x800  }
0x49: {  	[sflag:s8] =	ssyncset.done @!p0 $0x0  }
0x4a: {  	[sflag:s8] =	ssyncadd.s32 @!p0 $0xFFFFF800  }
0x4b: {  	_ =	swait.ge @!p0 [sflag:s8], $0x800  }
0x4c: {  	[sflag:s8] =	ssyncset.done @!p0 $0x0  }
0x4d: {  	s23 =	sshll.u32 s3, $0x3;
	[sflag:s8] =	ssyncadd.s32 @!p0 $0xFFFFF800  }
0x4e: {  	s11 =	sadd.s32 s23, s13;
	_ =	swait.ge @!p0 [sflag:s8], $0x800  }
0x4f: {  	s11 =	sshll.u32 s11, $0x4;
	[sflag:s8] =	ssyncset.done @!p0 $0x0  }
0x50: {  	s12 =	simm.s32 $0xC600;
	s15 =	sadd.s32 s5, s11;
	[sflag:s8] =	ssyncadd.s32 @!p0 $0xFFFFF800  }
0x51: {  	[tilespmem:s22], [sflag:$0x4] =	stream.linear.gather [hbm4b:s15+s0], $0x200, $0x38;
	[tilespmem:$0x1DB00] =	vst v63  }
0x52: {  	s28 =	simm.s32 $0x11500;
	s18 =	sadd.s32 s6, s11;
	s26 =	sadd.s32 s7, s11  }
0x53: {  	[tilespmem:s12], [sflag:$0x4] =	stream.linear.gather [hbm4b:s18+s0], $0x200, $0x38;
	[tilespmem:$0x1DB00] =	vst v63  }
0x54: {  	s8 =	simm.s32 $0x11300;
	s18 =	simm.s32 $0xC880;
	s12 =	simm.s32 $0x0  }
0x55: {  	[tilespmem:s28], [sflag:$0x4] =	stream.linear.gather [hbm4b:s26+s0], $0x200, $0x38;
	[tilespmem:$0x1DB00] =	vst v63  }
.LBB2_7:
0x56: {  	v1 =	vmov s8;
	_ =	sdelay $0x1  }
0x57: {  	_ =	swait.ge [sflag:s9], $0x800  }
0x58: {  	[sflag:s9] =	ssyncset.done $0x0  }
0x59: {  	s11 =	simm.s32 $0x0;
	[sflag:s9] =	ssyncadd.s32 $0xFFFFF800  }
0x5a: {  	v2 =	vld.idx.msk [tilespmem:v1+s11+$0x0 ss:$0x1], $0xffff;
	_ =	sdelay $0x1  }
0x5b: {  	v3 =	vld [tilespmem:s18+$0xFFFFFF80]  }
0x5c: {  	v4 =	vld [tilespmem:s18+$0xFFFFFF90]  }
0x5d: {  	v5 =	vld [tilespmem:s18+$0xFFFFFFA0]  }
0x5e: {  	v6 =	vld [tilespmem:s18+$0xFFFFFFB0];
	v7 =	vbroadcast v2, $0x0  }
0x5f: {  	v10 =	vld [tilespmem:s18+$0xFFFFFFD0];
	v8 =	vbroadcast v2, $0x1  }
0x60: {  	v46 =	vld [tilespmem:s18+$0xFFFFFFE0];
	v11 =	vbroadcast v2, $0x2;
	v3 =	vmul.f32 v7, v3  }
0x61: {  	v9 =	vld [tilespmem:s18+$0xFFFFFFC0];
	v45 =	vbroadcast v2, $0x3;
	v4 =	vmul.f32 v4, v8  }
0x62: {  	v49 =	vld [tilespmem:s18+$0x10];
	v47 =	vbroadcast v2, $0x5;
	v5 =	vmul.f32 v5, v11;
	[tilespmem:s18+$0xFFFFFF80] =	vst v3  }
0x63: {  	v59 =	vld [tilespmem:s18+$0x60];
	v13 =	vbroadcast v2, $0x6;
	v6 =	vmul.f32 v6, v45;
	[tilespmem:s18+$0xFFFFFF90] =	vst v4  }
0x64: {  	v12 =	vld [tilespmem:s18+$0xFFFFFFF0];
	v7 =	vmul.f32 v10, v47;
	v3 =	vbroadcast v2, $0x4;
	[tilespmem:s18+$0xFFFFFFA0] =	vst v5  }
0x65: {  	v48 =	vld [tilespmem:s18+$0x0];
	v53 =	vbroadcast v2, $0x9;
	v8 =	vmul.f32 v46, v13;
	[tilespmem:s18+$0xFFFFFFB0] =	vst v6  }
0x66: {  	v52 =	vld [tilespmem:s18+$0x30];
	v62 =	vbroadcast v2, $0xE;
	[tilespmem:s18+$0xFFFFFFD0] =	vst v7;
	v3 =	vmul.f32 v9, v3  }
0x67: {  	v55 =	vld [tilespmem:s18+$0x50];
	v50 =	vbroadcast v2, $0x7;
	v58 =	vmul.f32 v49, v53;
	[tilespmem:s18+$0xFFFFFFE0] =	vst v8  }
0x68: {  	v51 =	vld [tilespmem:s18+$0x20];
	v63 =	vmul.f32 v59, v62;
	[tilespmem:s18+$0xFFFFFFC0] =	vst v3;
	v3 =	vbroadcast v2, $0x8  }
0x69: {  	v54 =	vld [tilespmem:s18+$0x40];
	v57 =	vbroadcast v2, $0xB;
	v5 =	vmul.f32 v12, v50;
	[tilespmem:s18+$0x10] =	vst v58  }
0x6a: {  	v60 =	vld [tilespmem:s18+$0x70];
	v61 =	vbroadcast v2, $0xD;
	[tilespmem:s18+$0x60] =	vst v63;
	v3 =	vmul.f32 v48, v3  }
0x6b: {  	v56 =	vbroadcast v2, $0xA;
	v4 =	vmul.f32 v52, v57;
	[tilespmem:s18+$0xFFFFFFF0] =	vst v5  }
0x6c: {  	v6 =	vmul.f32 v55, v61;
	[tilespmem:s18+$0x0] =	vst v3;
	v3 =	vbroadcast v2, $0xC  }
0x6d: {  	v9 =	vmul.f32 v51, v56;
	[tilespmem:s18+$0x30] =	vst v4;
	v2 =	vbroadcast v2, $0xF  }
0x6e: {  	[tilespmem:s18+$0x50] =	vst v6;
	v3 =	vmul.f32 v54, v3  }
0x6f: {  	[tilespmem:s18+$0x20] =	vst v9;
	v2 =	vmul.f32 v60, v2  }
0x70: {  	s15 =	sshll.u32 s12, $0x7;
	[tilespmem:s18+$0x40] =	vst v3  }
0x71: {  	s28 =	simm.s32 $0x10;
	s26 =	simm.s32 $0x80;
	s11 =	smov.u32 s18;
	[tilespmem:s18+$0x70] =	vst v2  }
.LBB2_8:
0x72: {  	p0 =	sne.s32 s26, $0x1C0;
	v2 =	vld.idx.msk [tilespmem:v1+s28+$0x0 ss:$0x1], $0xffff;
	s11 =	sadd.s32 $0x100, s11  }
0x73: {  	v3 =	vld [tilespmem:s11+$0xFFFFFFB0]  }
0x74: {  	v4 =	vld [tilespmem:s11+$0xFFFFFF90]  }
0x75: {  	v5 =	vld [tilespmem:s11+$0xFFFFFF80]  }
0x76: {  	v6 =	vld [tilespmem:s11+$0xFFFFFFA0]  }
0x77: {  	v7 =	vld [tilespmem:s11+$0xFFFFFFF0]  }
0x78: {  	v8 =	vbroadcast v2, $0x0;
	v9 =	vbroadcast v2, $0x1;
	v10 =	vld [tilespmem:s11+$0xFFFFFFD0]  }
0x79: {  	v11 =	vbroadcast v2, $0x2;
	v12 =	vbroadcast v2, $0x3;
	v13 =	vld [tilespmem:s11+$0xFFFFFFC0]  }
0x7a: {  	v4 =	vmul.f32 v4, v9;
	v5 =	vmul.f32 v8, v5;
	v8 =	vld [tilespmem:s11+$0xFFFFFFE0]  }
0x7b: {  	v3 =	vmul.f32 v3, v12;
	v6 =	vmul.f32 v6, v11;
	v9 =	vld [tilespmem:s11+$0x30]  }
0x7c: {  	v11 =	vbroadcast v2, $0x5;
	[tilespmem:s11+$0xFFFFFF80] =	vst v5;
	v5 =	vbroadcast v2, $0x4;
	v12 =	vld [tilespmem:s11+$0x10]  }
0x7d: {  	v14 =	vbroadcast v2, $0x7;
	[tilespmem:s11+$0xFFFFFF90] =	vst v4;
	v4 =	vbroadcast v2, $0x6;
	v15 =	vld [tilespmem:s11+$0x0]  }
0x7e: {  	[tilespmem:s11+$0xFFFFFFA0] =	vst v6;
	v5 =	vmul.f32 v13, v5;
	v6 =	vmul.f32 v10, v11;
	v10 =	vld [tilespmem:s11+$0x20]  }
0x7f: {  	[tilespmem:s11+$0xFFFFFFB0] =	vst v3;
	v3 =	vmul.f32 v8, v4;
	v4 =	vmul.f32 v7, v14;
	v7 =	vld [tilespmem:s11+$0x70]  }
0x80: {  	v8 =	vbroadcast v2, $0x9;
	[tilespmem:s11+$0xFFFFFFC0] =	vst v5;
	v5 =	vbroadcast v2, $0x8;
	v11 =	vld [tilespmem:s11+$0x50]  }
0x81: {  	v13 =	vbroadcast v2, $0xB;
	[tilespmem:s11+$0xFFFFFFD0] =	vst v6;
	v6 =	vbroadcast v2, $0xA;
	v14 =	vld [tilespmem:s11+$0x40]  }
0x82: {  	[tilespmem:s11+$0xFFFFFFE0] =	vst v3;
	v3 =	vmul.f32 v15, v5;
	v5 =	vmul.f32 v12, v8;
	v8 =	vld [tilespmem:s11+$0x60]  }
0x83: {  	[tilespmem:s11+$0xFFFFFFF0] =	vst v4;
	v4 =	vmul.f32 v10, v6;
	v6 =	vmul.f32 v9, v13  }
0x84: {  	v9 =	vbroadcast v2, $0xD;
	[tilespmem:s11+$0x0] =	vst v3;
	v3 =	vbroadcast v2, $0xC  }
0x85: {  	[tilespmem:s11+$0x10] =	vst v5;
	v5 =	vbroadcast v2, $0xE;
	v2 =	vbroadcast v2, $0xF  }
0x86: {  	[tilespmem:s11+$0x20] =	vst v4;
	v3 =	vmul.f32 v14, v3;
	v4 =	vmul.f32 v11, v9  }
.Ltmp2:
0x87: {  	[tilespmem:s11+$0x30] =	vst v6;
	v5 =	vmul.f32 v8, v5;
	v2 =	vmul.f32 v7, v2;
	(pc) =	sbr.rel @p0 .LBB2_8-.Ltmp2, $4  }
0x88: {  	[tilespmem:s11+$0x40] =	vst v3  }
0x89: {  	[tilespmem:s11+$0x50] =	vst v4  }
0x8a: {  	[tilespmem:s11+$0x60] =	vst v5  }
0x8b: {  	s28 =	sshra.s32 s26, $0x2;
	s26 =	sadd.s32 $0x40, s26;
	[tilespmem:s11+$0x70] =	vst v2  }
0x8c: {  	_ =	sdelay $0x3  }
0x8d: {  	v1 =	vld.idx.msk [tilespmem:v1+s28+$0x0 ss:$0x1], $0xffff  }
0x8e: {  	s11 =	sadd.s32 $0x100, s11  }
0x8f: {  	v2 =	vld [tilespmem:s11+$0xFFFFFF80]  }
0x90: {  	v3 =	vld [tilespmem:s11+$0xFFFFFF90]  }
0x91: {  	v4 =	vld [tilespmem:s11+$0xFFFFFFA0]  }
0x92: {  	v5 =	vld [tilespmem:s11+$0xFFFFFFB0];
	v6 =	vbroadcast v1, $0x0  }
0x93: {  	v9 =	vld [tilespmem:s11+$0xFFFFFFD0];
	v7 =	vbroadcast v1, $0x1  }
0x94: {  	v8 =	vld [tilespmem:s11+$0xFFFFFFC0];
	v10 =	vbroadcast v1, $0x2;
	v2 =	vmul.f32 v6, v2  }
0x95: {  	v49 =	vld [tilespmem:s11+$0xFFFFFFE0];
	v48 =	vbroadcast v1, $0x3;
	v3 =	vmul.f32 v3, v7  }
0x96: {  	v51 =	vld [tilespmem:s11+$0x10];
	v50 =	vbroadcast v1, $0x5;
	v4 =	vmul.f32 v4, v10;
	[tilespmem:s11+$0xFFFFFF80] =	vst v2  }
0x97: {  	v11 =	vld [tilespmem:s11+$0xFFFFFFF0];
	v5 =	vmul.f32 v5, v48;
	v2 =	vbroadcast v1, $0x4;
	[tilespmem:s11+$0xFFFFFF90] =	vst v3  }
0x98: {  	v12 =	vbroadcast v1, $0x6;
	v6 =	vmul.f32 v9, v50;
	v3 =	vld [tilespmem:s11+$0x0];
	[tilespmem:s11+$0xFFFFFFA0] =	vst v4  }
0x99: {  	v57 =	vld [tilespmem:s11+$0x50];
	v55 =	vbroadcast v1, $0x9;
	[tilespmem:s11+$0xFFFFFFB0] =	vst v5;
	v2 =	vmul.f32 v8, v2  }
0x9a: {  	v53 =	vld [tilespmem:s11+$0x20];
	v52 =	vbroadcast v1, $0x7;
	v7 =	vmul.f32 v49, v12;
	[tilespmem:s11+$0xFFFFFFD0] =	vst v6  }
0x9b: {  	v54 =	vld [tilespmem:s11+$0x30];
	v59 =	vmul.f32 v51, v55;
	[tilespmem:s11+$0xFFFFFFC0] =	vst v2;
	v2 =	vbroadcast v1, $0x8  }
0x9c: {  	v56 =	vld [tilespmem:s11+$0x40];
	v62 =	vbroadcast v1, $0xD;
	v4 =	vmul.f32 v11, v52;
	[tilespmem:s11+$0xFFFFFFE0] =	vst v7  }
0x9d: {  	v60 =	vld [tilespmem:s11+$0x60];
	v58 =	vbroadcast v1, $0xA;
	[tilespmem:s11+$0x10] =	vst v59;
	v2 =	vmul.f32 v3, v2  }
0x9e: {  	v61 =	vld [tilespmem:s11+$0x70];
	v5 =	vmul.f32 v57, v62;
	[tilespmem:s11+$0xFFFFFFF0] =	vst v4;
	v3 =	vbroadcast v1, $0xB  }
0x9f: {  	v8 =	vmul.f32 v53, v58;
	[tilespmem:s11+$0x0] =	vst v2;
	v2 =	vbroadcast v1, $0xC  }
0xa0: {  	s26 =	sshll.u32 s12, $0xB;
	s12 =	sadd.s32 $0x1, s12;
	v63 =	vbroadcast v1, $0xE;
	[tilespmem:s11+$0x50] =	vst v5;
	v3 =	vmul.f32 v54, v3  }
0xa1: {  	p0 =	sne.s32 s12, $0x4;
	[tilespmem:s11+$0x20] =	vst v8;
	v1 =	vbroadcast v1, $0xF;
	v2 =	vmul.f32 v56, v2  }
.Ltmp3:
0xa2: {  	[tilespmem:s11+$0x30] =	vst v3;
	v3 =	vmul.f32 v60, v63;
	(pc) =	sbr.rel @p0 .LBB2_7-.Ltmp3, $4  }
0xa3: {  	v1 =	vmul.f32 v61, v1;
	[tilespmem:s11+$0x40] =	vst v2  }
0xa4: {  	s15 =	sadd.s32 $0xC400, s15;
	s26 =	sand.u32 $0x3FFFF800, s26;
	[tilespmem:s11+$0x60] =	vst v3  }
0xa5: {  	s8 =	sadd.s32 $0x80, s8;
	s18 =	sadd.s32 $0x800, s18;
	s28 =	sadd.s32 $0xC800, s26;
	[tilespmem:s11+$0x70] =	vst v1  }
0xa6: {  	[spmem:s2] =	stream.indirect.scatter.add.f32 [tilespmem:s28], [sflag:$0x5], $0x10, s15, s25, $0xb8;
	[tilespmem:$0x1DB00] =	vst v63  }
0xa7: {  	_ =	swait.ge [sflag:s10], $0x200  }
0xa8: {  	[sflag:s10] =	ssyncset.done $0x0  }
0xa9: {  	[sflag:s10] =	ssyncadd.s32 $0xFFFFFE00  }
0xaa: {  	_ =	swait.ge [sflag:s10], $0x200  }
0xab: {  	[sflag:s10] =	ssyncset.done $0x0  }
0xac: {  	[sflag:s10] =	ssyncadd.s32 $0xFFFFFE00  }
0xad: {  	_ =	swait.ge [sflag:s10], $0x200  }
0xae: {  	[sflag:s10] =	ssyncset.done $0x0  }
0xaf: {  	s8 =	simm.s32 $0xE800;
	[sflag:s10] =	ssyncadd.s32 $0xFFFFFE00  }
0xb0: {  	[tilespmem:s8], [sflag:$0x2] =	stream.indirect.gather [spmem:s1], $0x10, s22, s25, $0xb8;
	[tilespmem:$0x1DB00] =	vst v63  }
0xb1: {  	s15 =	simm.s32 $0x10A80;
	s11 =	simm.s32 $0xF000  }
0xb2: {  	[tilespmem:s11], [sflag:$0x2] =	stream.indirect.gather [spmem:s1], $0x10, s15, s25, $0xb8;
	[tilespmem:$0x1DB00] =	vst v63  }
0xb3: {  	s18 =	simm.s32 $0x10B00;
	s26 =	simm.s32 $0xF800  }
0xb4: {  	[tilespmem:s26], [sflag:$0x2] =	stream.indirect.gather [spmem:s1], $0x10, s18, s25, $0xb8;
	[tilespmem:$0x1DB00] =	vst v63  }
0xb5: {  	s28 =	simm.s32 $0x10B80  }
0xb6: {  	[tilespmem:s29], [sflag:$0x2] =	stream.indirect.gather [spmem:s1], $0x10, s28, s25, $0xb8;
	[tilespmem:$0x1DB00] =	vst v63  }
0xb7: {  	_ =	swait.ge [sflag:s30], $0x800  }
0xb8: {  	[sflag:s30] =	ssyncset.done $0x0  }
0xb9: {  	[sflag:s30] =	ssyncadd.s32 $0xFFFFF800  }
0xba: {  	_ =	swait.ge [sflag:s30], $0x800  }
0xbb: {  	[sflag:s30] =	ssyncset.done $0x0  }
0xbc: {  	[sflag:s30] =	ssyncadd.s32 $0xFFFFF800  }
0xbd: {  	_ =	swait.ge [sflag:s30], $0x800  }
0xbe: {  	[sflag:s30] =	ssyncset.done $0x0  }
0xbf: {  	p0 =	seq.s32 s3, $0x61;
	[sflag:s30] =	ssyncadd.s32 $0xFFFFF800  }
0xc0: {  	s8 =	sadd.s32 @!p0 s23, s14;
	_ =	swait.ge [sflag:s30], $0x800  }
0xc1: {  	s12 =	simm.s32 @!p0 $0x0;
	s8 =	sshll.u32 @!p0 s8, $0x4;
	[sflag:s30] =	ssyncset.done $0x0  }
0xc2: {  	s11 =	sadd.s32 @!p0 s5, s8;
	s15 =	simm.s32 @!p0 $0x10800;
	[sflag:s30] =	ssyncadd.s32 $0xFFFFF800  }
0xc3: {  	[tilespmem:s15], [sflag:$0x3] =	stream.linear.gather @!p0 [hbm4b:s11+s12], $0x200, $0x38;
	[tilespmem:$0x1DB00] =	vst v63  }
0xc4: {  	s11 =	sadd.s32 @!p0 s6, s8;
	s15 =	simm.s32 @!p0 $0xC400  }
0xc5: {  	[tilespmem:s15], [sflag:$0x3] =	stream.linear.gather @!p0 [hbm4b:s11+s12], $0x200, $0x38;
	[tilespmem:$0x1DB00] =	vst v63  }
0xc6: {  	s8 =	sadd.s32 @!p0 s7, s8;
	s11 =	simm.s32 @!p0 $0x11300  }
0xc7: {  	[tilespmem:s11], [sflag:$0x3] =	stream.linear.gather @!p0 [hbm4b:s8+s12], $0x200, $0x38;
	[tilespmem:$0x1DB00] =	vst v63  }
0xc8: {  	s8 =	simm.s32 $0x0;
	s11 =	simm.s32 $0x11500;
	s12 =	simm.s32 $0xE880  }
.LBB2_11:
0xc9: {  	v1 =	vmov s11;
	_ =	sdelay $0x1  }
0xca: {  	_ =	swait.ge [sflag:s31], $0x800  }
0xcb: {  	[sflag:s31] =	ssyncset.done $0x0  }
0xcc: {  	s15 =	simm.s32 $0x0;
	[sflag:s31] =	ssyncadd.s32 $0xFFFFF800  }
0xcd: {  	v2 =	vld.idx.msk [tilespmem:v1+s15+$0x0 ss:$0x1], $0xffff;
	_ =	sdelay $0x1  }
0xce: {  	v3 =	vld [tilespmem:s12+$0xFFFFFF80]  }
0xcf: {  	v4 =	vld [tilespmem:s12+$0xFFFFFF90]  }
0xd0: {  	v5 =	vld [tilespmem:s12+$0xFFFFFFA0]  }
0xd1: {  	v6 =	vld [tilespmem:s12+$0xFFFFFFB0];
	v7 =	vbroadcast v2, $0x0  }
0xd2: {  	v10 =	vld [tilespmem:s12+$0xFFFFFFD0];
	v8 =	vbroadcast v2, $0x1  }
0xd3: {  	v46 =	vld [tilespmem:s12+$0xFFFFFFE0];
	v11 =	vbroadcast v2, $0x2;
	v3 =	vmul.f32 v7, v3  }
0xd4: {  	v9 =	vld [tilespmem:s12+$0xFFFFFFC0];
	v45 =	vbroadcast v2, $0x3;
	v4 =	vmul.f32 v4, v8  }
0xd5: {  	v49 =	vld [tilespmem:s12+$0x10];
	v47 =	vbroadcast v2, $0x5;
	v5 =	vmul.f32 v5, v11;
	[tilespmem:s12+$0xFFFFFF80] =	vst v3  }
0xd6: {  	v59 =	vld [tilespmem:s12+$0x60];
	v13 =	vbroadcast v2, $0x6;
	v6 =	vmul.f32 v6, v45;
	[tilespmem:s12+$0xFFFFFF90] =	vst v4  }
0xd7: {  	v12 =	vld [tilespmem:s12+$0xFFFFFFF0];
	v7 =	vmul.f32 v10, v47;
	v3 =	vbroadcast v2, $0x4;
	[tilespmem:s12+$0xFFFFFFA0] =	vst v5  }
0xd8: {  	v48 =	vld [tilespmem:s12+$0x0];
	v53 =	vbroadcast v2, $0x9;
	v8 =	vmul.f32 v46, v13;
	[tilespmem:s12+$0xFFFFFFB0] =	vst v6  }
0xd9: {  	v52 =	vld [tilespmem:s12+$0x30];
	v62 =	vbroadcast v2, $0xE;
	[tilespmem:s12+$0xFFFFFFD0] =	vst v7;
	v3 =	vmul.f32 v9, v3  }
0xda: {  	v55 =	vld [tilespmem:s12+$0x50];
	v50 =	vbroadcast v2, $0x7;
	v58 =	vmul.f32 v49, v53;
	[tilespmem:s12+$0xFFFFFFE0] =	vst v8  }
0xdb: {  	v51 =	vld [tilespmem:s12+$0x20];
	v63 =	vmul.f32 v59, v62;
	[tilespmem:s12+$0xFFFFFFC0] =	vst v3;
	v3 =	vbroadcast v2, $0x8  }
0xdc: {  	v54 =	vld [tilespmem:s12+$0x40];
	v57 =	vbroadcast v2, $0xB;
	v5 =	vmul.f32 v12, v50;
	[tilespmem:s12+$0x10] =	vst v58  }
0xdd: {  	v60 =	vld [tilespmem:s12+$0x70];
	v61 =	vbroadcast v2, $0xD;
	[tilespmem:s12+$0x60] =	vst v63;
	v3 =	vmul.f32 v48, v3  }
0xde: {  	v56 =	vbroadcast v2, $0xA;
	v4 =	vmul.f32 v52, v57;
	[tilespmem:s12+$0xFFFFFFF0] =	vst v5  }
0xdf: {  	v6 =	vmul.f32 v55, v61;
	[tilespmem:s12+$0x0] =	vst v3;
	v3 =	vbroadcast v2, $0xC  }
0xe0: {  	v9 =	vmul.f32 v51, v56;
	[tilespmem:s12+$0x30] =	vst v4;
	v2 =	vbroadcast v2, $0xF  }
0xe1: {  	[tilespmem:s12+$0x50] =	vst v6;
	v3 =	vmul.f32 v54, v3  }
0xe2: {  	[tilespmem:s12+$0x20] =	vst v9;
	v2 =	vmul.f32 v60, v2  }
0xe3: {  	s26 =	simm.s32 $0x10;
	[tilespmem:s12+$0x40] =	vst v3  }
0xe4: {  	s23 =	simm.s32 $0x80;
	s18 =	smov.u32 s12;
	s15 =	sshll.u32 s8, $0x7;
	[tilespmem:s12+$0x70] =	vst v2  }
.LBB2_12:
0xe5: {  	p1 =	sne.s32 s23, $0x1C0;
	v2 =	vld.idx.msk [tilespmem:v1+s26+$0x0 ss:$0x1], $0xffff;
	s18 =	sadd.s32 $0x100, s18  }
0xe6: {  	v3 =	vld [tilespmem:s18+$0xFFFFFFB0]  }
0xe7: {  	v4 =	vld [tilespmem:s18+$0xFFFFFF90]  }
0xe8: {  	v5 =	vld [tilespmem:s18+$0xFFFFFF80]  }
0xe9: {  	v6 =	vld [tilespmem:s18+$0xFFFFFFA0]  }
0xea: {  	v7 =	vld [tilespmem:s18+$0xFFFFFFF0]  }
0xeb: {  	v8 =	vbroadcast v2, $0x0;
	v9 =	vbroadcast v2, $0x1;
	v10 =	vld [tilespmem:s18+$0xFFFFFFD0]  }
0xec: {  	v11 =	vbroadcast v2, $0x2;
	v12 =	vbroadcast v2, $0x3;
	v13 =	vld [tilespmem:s18+$0xFFFFFFC0]  }
0xed: {  	v4 =	vmul.f32 v4, v9;
	v5 =	vmul.f32 v8, v5;
	v8 =	vld [tilespmem:s18+$0xFFFFFFE0]  }
0xee: {  	v3 =	vmul.f32 v3, v12;
	v6 =	vmul.f32 v6, v11;
	v9 =	vld [tilespmem:s18+$0x30]  }
0xef: {  	v11 =	vbroadcast v2, $0x5;
	[tilespmem:s18+$0xFFFFFF80] =	vst v5;
	v5 =	vbroadcast v2, $0x4;
	v12 =	vld [tilespmem:s18+$0x10]  }
0xf0: {  	v14 =	vbroadcast v2, $0x7;
	[tilespmem:s18+$0xFFFFFF90] =	vst v4;
	v4 =	vbroadcast v2, $0x6;
	v15 =	vld [tilespmem:s18+$0x0]  }
0xf1: {  	[tilespmem:s18+$0xFFFFFFA0] =	vst v6;
	v5 =	vmul.f32 v13, v5;
	v6 =	vmul.f32 v10, v11;
	v10 =	vld [tilespmem:s18+$0x20]  }
0xf2: {  	[tilespmem:s18+$0xFFFFFFB0] =	vst v3;
	v3 =	vmul.f32 v8, v4;
	v4 =	vmul.f32 v7, v14;
	v7 =	vld [tilespmem:s18+$0x70]  }
0xf3: {  	v8 =	vbroadcast v2, $0x9;
	[tilespmem:s18+$0xFFFFFFC0] =	vst v5;
	v5 =	vbroadcast v2, $0x8;
	v11 =	vld [tilespmem:s18+$0x50]  }
0xf4: {  	v13 =	vbroadcast v2, $0xB;
	[tilespmem:s18+$0xFFFFFFD0] =	vst v6;
	v6 =	vbroadcast v2, $0xA;
	v14 =	vld [tilespmem:s18+$0x40]  }
0xf5: {  	[tilespmem:s18+$0xFFFFFFE0] =	vst v3;
	v3 =	vmul.f32 v15, v5;
	v5 =	vmul.f32 v12, v8;
	v8 =	vld [tilespmem:s18+$0x60]  }
0xf6: {  	[tilespmem:s18+$0xFFFFFFF0] =	vst v4;
	v4 =	vmul.f32 v10, v6;
	v6 =	vmul.f32 v9, v13  }
0xf7: {  	v9 =	vbroadcast v2, $0xD;
	[tilespmem:s18+$0x0] =	vst v3;
	v3 =	vbroadcast v2, $0xC  }
0xf8: {  	[tilespmem:s18+$0x10] =	vst v5;
	v5 =	vbroadcast v2, $0xE;
	v2 =	vbroadcast v2, $0xF  }
0xf9: {  	[tilespmem:s18+$0x20] =	vst v4;
	v3 =	vmul.f32 v14, v3;
	v4 =	vmul.f32 v11, v9  }
.Ltmp4:
0xfa: {  	[tilespmem:s18+$0x30] =	vst v6;
	v5 =	vmul.f32 v8, v5;
	v2 =	vmul.f32 v7, v2;
	(pc) =	sbr.rel @p1 .LBB2_12-.Ltmp4, $4  }
0xfb: {  	[tilespmem:s18+$0x40] =	vst v3  }
0xfc: {  	[tilespmem:s18+$0x50] =	vst v4  }
0xfd: {  	[tilespmem:s18+$0x60] =	vst v5  }
0xfe: {  	s26 =	sshra.s32 s23, $0x2;
	s23 =	sadd.s32 $0x40, s23;
	[tilespmem:s18+$0x70] =	vst v2  }
0xff: {  	_ =	sdelay $0x3  }
0x100: {  	v1 =	vld.idx.msk [tilespmem:v1+s26+$0x0 ss:$0x1], $0xffff  }
0x101: {  	s18 =	sadd.s32 $0x100, s18  }
0x102: {  	v2 =	vld [tilespmem:s18+$0xFFFFFF80]  }
0x103: {  	v3 =	vld [tilespmem:s18+$0xFFFFFF90]  }
0x104: {  	v4 =	vld [tilespmem:s18+$0xFFFFFFA0]  }
0x105: {  	v5 =	vld [tilespmem:s18+$0xFFFFFFB0];
	v6 =	vbroadcast v1, $0x0  }
0x106: {  	v9 =	vld [tilespmem:s18+$0xFFFFFFD0];
	v7 =	vbroadcast v1, $0x1  }
0x107: {  	v8 =	vld [tilespmem:s18+$0xFFFFFFC0];
	v10 =	vbroadcast v1, $0x2;
	v2 =	vmul.f32 v6, v2  }
0x108: {  	v49 =	vld [tilespmem:s18+$0xFFFFFFE0];
	v48 =	vbroadcast v1, $0x3;
	v3 =	vmul.f32 v3, v7  }
0x109: {  	v51 =	vld [tilespmem:s18+$0x10];
	v50 =	vbroadcast v1, $0x5;
	v4 =	vmul.f32 v4, v10;
	[tilespmem:s18+$0xFFFFFF80] =	vst v2  }
0x10a: {  	v11 =	vld [tilespmem:s18+$0xFFFFFFF0];
	v5 =	vmul.f32 v5, v48;
	v2 =	vbroadcast v1, $0x4;
	[tilespmem:s18+$0xFFFFFF90] =	vst v3  }
0x10b: {  	v12 =	vbroadcast v1, $0x6;
	v6 =	vmul.f32 v9, v50;
	v3 =	vld [tilespmem:s18+$0x0];
	[tilespmem:s18+$0xFFFFFFA0] =	vst v4  }
0x10c: {  	v57 =	vld [tilespmem:s18+$0x50];
	v55 =	vbroadcast v1, $0x9;
	[tilespmem:s18+$0xFFFFFFB0] =	vst v5;
	v2 =	vmul.f32 v8, v2  }
0x10d: {  	v53 =	vld [tilespmem:s18+$0x20];
	v52 =	vbroadcast v1, $0x7;
	v7 =	vmul.f32 v49, v12;
	[tilespmem:s18+$0xFFFFFFD0] =	vst v6  }
0x10e: {  	v54 =	vld [tilespmem:s18+$0x30];
	v59 =	vmul.f32 v51, v55;
	[tilespmem:s18+$0xFFFFFFC0] =	vst v2;
	v2 =	vbroadcast v1, $0x8  }
0x10f: {  	v56 =	vld [tilespmem:s18+$0x40];
	v62 =	vbroadcast v1, $0xD;
	v4 =	vmul.f32 v11, v52;
	[tilespmem:s18+$0xFFFFFFE0] =	vst v7  }
0x110: {  	v60 =	vld [tilespmem:s18+$0x60];
	v58 =	vbroadcast v1, $0xA;
	[tilespmem:s18+$0x10] =	vst v59;
	v2 =	vmul.f32 v3, v2  }
0x111: {  	v61 =	vld [tilespmem:s18+$0x70];
	v5 =	vmul.f32 v57, v62;
	[tilespmem:s18+$0xFFFFFFF0] =	vst v4;
	v3 =	vbroadcast v1, $0xB  }
0x112: {  	v8 =	vmul.f32 v53, v58;
	[tilespmem:s18+$0x0] =	vst v2;
	v2 =	vbroadcast v1, $0xC  }
0x113: {  	s23 =	sshll.u32 s8, $0xB;
	s8 =	sadd.s32 $0x1, s8;
	v63 =	vbroadcast v1, $0xE;
	[tilespmem:s18+$0x50] =	vst v5;
	v3 =	vmul.f32 v54, v3  }
0x114: {  	p1 =	sne.s32 s8, $0x4;
	[tilespmem:s18+$0x20] =	vst v8;
	v1 =	vbroadcast v1, $0xF;
	v2 =	vmul.f32 v56, v2  }
.Ltmp5:
0x115: {  	[tilespmem:s18+$0x30] =	vst v3;
	v3 =	vmul.f32 v60, v63;
	(pc) =	sbr.rel @p1 .LBB2_11-.Ltmp5, $4  }
0x116: {  	v1 =	vmul.f32 v61, v1;
	[tilespmem:s18+$0x40] =	vst v2  }
0x117: {  	s15 =	sadd.s32 $0xC600, s15;
	s23 =	sand.u32 $0x3FFFF800, s23;
	[tilespmem:s18+$0x60] =	vst v3  }
0x118: {  	s11 =	sadd.s32 $0x80, s11;
	s12 =	sadd.s32 $0x800, s12;
	s28 =	sadd.s32 $0xE800, s23;
	[tilespmem:s18+$0x70] =	vst v1  }
0x119: {  	[spmem:s2] =	stream.indirect.scatter.add.f32 [tilespmem:s28], [sflag:$0x6], $0x10, s15, s25, $0xb8;
	[tilespmem:$0x1DB00] =	vst v63  }
.Ltmp6:
0x11a: {  	(pc) =	sbr.rel @p0 .LBB2_16-.Ltmp6, $1  }
0x11b: {  	_ =	sdelay $0x3  }
0x11c: {  	_ =	swait.ge [sflag:s24], $0x200  }
0x11d: {  	[sflag:s24] =	ssyncset.done $0x0  }
0x11e: {  	[sflag:s24] =	ssyncadd.s32 $0xFFFFFE00  }
0x11f: {  	_ =	swait.ge [sflag:s24], $0x200  }
0x120: {  	[sflag:s24] =	ssyncset.done $0x0  }
0x121: {  	[sflag:s24] =	ssyncadd.s32 $0xFFFFFE00  }
0x122: {  	_ =	swait.ge [sflag:s24], $0x200  }
0x123: {  	[sflag:s24] =	ssyncset.done $0x0  }
0x124: {  	s8 =	simm.s32 $0xC800;
	[sflag:s24] =	ssyncadd.s32 $0xFFFFFE00  }
0x125: {  	[tilespmem:s8], [sflag:$0x1] =	stream.indirect.gather [spmem:s1], $0x10, s21, s25, $0xb8;
	[tilespmem:$0x1DB00] =	vst v63  }
0x126: {  	s15 =	simm.s32 $0x10880;
	s11 =	simm.s32 $0xD000  }
0x127: {  	[tilespmem:s11], [sflag:$0x1] =	stream.indirect.gather [spmem:s1], $0x10, s15, s25, $0xb8;
	[tilespmem:$0x1DB00] =	vst v63  }
.Ltmp7:
0x128: {  	_ = 	snop;
	(pc) =	sbr.rel .LBB2_6-.Ltmp7, $4  }
0x129: {  	s18 =	simm.s32 $0x10900;
	s23 =	simm.s32 $0xD800  }
0x12a: {  	[tilespmem:s23], [sflag:$0x1] =	stream.indirect.gather [spmem:s1], $0x10, s18, s25, $0xb8;
	[tilespmem:$0x1DB00] =	vst v63  }
0x12b: {  	s26 =	simm.s32 $0x10980;
	s28 =	simm.s32 $0xE000;
	s3 =	sadd.s32 $0x1, s3  }
0x12c: {  	[tilespmem:s28], [sflag:$0x1] =	stream.indirect.gather [spmem:s1], $0x10, s26, s25, $0xb8;
	[tilespmem:$0x1DB00] =	vst v63  }
.LBB2_16:
0x12d: {  	s0 =	simm.s32 $0x6  }
0x12e: {  	_ =	swait.ge [sflag:s0], $0x800  }
0x12f: {  	[sflag:s0] =	ssyncset.done $0x0  }
0x130: {  	[sflag:s0] =	ssyncadd.s32 $0xFFFFF800  }
0x131: {  	_ =	swait.ge [sflag:s0], $0x800  }
0x132: {  	[sflag:s0] =	ssyncset.done $0x0  }
0x133: {  	[sflag:s0] =	ssyncadd.s32 $0xFFFFF800  }
0x134: {  	_ =	swait.ge [sflag:s0], $0x800  }
0x135: {  	[sflag:s0] =	ssyncset.done $0x0  }
0x136: {  	[sflag:s0] =	ssyncadd.s32 $0xFFFFF800  }
0x137: {  	_ =	swait.ge [sflag:s0], $0x800  }
0x138: {  	[sflag:s0] =	ssyncset.done $0x0  }
0x139: {  	[sflag:s0] =	ssyncadd.s32 $0xFFFFF800  }
0x13a: {  	[bflag:$0x0] =	sbarrier.arrive $0xFFFF  }
0x13b: {  	[tilespmem:s20], [sflag:$0x7] =	stream.linear.gather [spmem:s16], $0x700, $0x38;
	[tilespmem:$0x1DB00] =	vst v63  }
0x13c: {  	_ =	swait.ge [sflag:s19], $0x700  }
0x13d: {  	[sflag:s19] =	ssyncset.done $0x0  }
0x13e: {  	s28 =	sadd.s32 $0x0, s17;
	[sflag:s19] =	ssyncadd.s32 $0xFFFFF900  }
0x13f: {  	[hbm4b:s28+s4] =	stream.linear.scatter [tilespmem:s20], [sflag:$0x7], $0x700, $0x38;
	[tilespmem:$0x1DB00] =	vst v63  }
0x140: {  	_ =	swait.ge [sflag:s19], $0x700  }
0x141: {  	s3 =	smov.u32 s16;
	s0 =	simm.s32 $0xE0;
	[sflag:s19] =	ssyncset.done $0x0  }
.LBB2_17:
0x142: {  	p0 =	sne.s32 s0, $0x17A0;
	[sflag:s19] =	ssyncadd.s32 $0xFFFFF900;
	s3 =	sadd.s32 $0x700, s3  }
0x143: {  	[tilespmem:s20], [sflag:$0x7] =	stream.linear.gather [spmem:s3], $0x700, $0x38;
	[tilespmem:$0x1DB00] =	vst v63  }
0x144: {  	s8 =	smov.u32 s0;
	s0 =	sadd.s32 $0xE0, s0;
	_ =	swait.ge [sflag:s19], $0x700  }
.Ltmp8:
0x145: {  	[sflag:s19] =	ssyncset.done $0x0;
	(pc) =	sbr.rel @p0 .LBB2_17-.Ltmp8, $4  }
0x146: {  	s8 =	sadd.s32 s8, s17;
	[sflag:s19] =	ssyncadd.s32 $0xFFFFF900  }
0x147: {  	[hbm4b:s8+s4] =	stream.linear.scatter [tilespmem:s20], [sflag:$0x7], $0x700, $0x38;
	[tilespmem:$0x1DB00] =	vst v63  }
0x148: {  	_ =	swait.ge [sflag:s19], $0x700  }
0x149: {  	[sflag:s19] =	ssyncset.done $0x0  }
0x14a: {  	s3 =	rddreg [dreg:$0xb]  }
0x14b: {  	s0 =	rddreg [dreg:$0x9];
	s3 =	sadd.s32 $0x1, s3  }
0x14c: {  	p0 =	sne.s32 s3, s0  }
.Ltmp9:
0x14d: {  	_ = 	snop;
	(pc) =	sbr.rel @p0 .LBB2_1-.Ltmp9, $2  }
0x14e: {  	_ =	sdelay $0x2  }
0x14f: {  	[sflag:s19] =	ssyncadd.s32 $0xFFFFF900  }
0x150: {  	_ =	sfence.sel $0x180000  }
0x151: {  	[bflag:$0x0] =	sbarrier.arrive $0xFFFF  }
0x152: {  	_ =	strace $0x90000047  }
0x153: {  	s0 =	stileid.u32;
	[bflag:$0x2] =	sbarrier.arrive $0xFFFF  }
0x154: {  	p0 =	sne.s32 s0, $0x0;
	s0 =	rddreg [dreg:$0x3]  }
0x155: {  	s0 =	sadd.s32 @!p0 $0x100000, s0  }
0x156: {  	[sflag:s0] =	ssyncadd.tile.s32 @!p0 $0x1;
	_ =	shalt  }
.Lfunc_end2:
_tile_overlayer_lowered:
.L_overlay_start_2:
0x157: {  	(tag) =	ssettag $0x2  }
0x158: {  	s0 =	rddreg [dreg:$0x0];
	s2 =	stileid.u32  }
0x159: {  	s1 =	rddreg [dreg:$0x1];
	p0 =	sne.s32 s2, $0x0  }
0x15a: {  	s3 =	rddreg [dreg:$0x2];
	[bflag:$0x3] =	sbarrier.arrive $0xFFFF;
	s2 =	simm.s32 @!p0 $0x1C07  }
0x15b: {  	[timem:s3], [sflag:s2] =	dma.local @!p0 [hbm:s0], s1  }
0x15c: {  	s0 =	simm.s32 @!p0 $0x7  }
0x15d: {  	_ =	swait.ge @!p0 [sflag:s0], s1  }
0x15e: {  	s1 =	ssub.s32 @!p0 $0x0, s1;
	[sflag:s0] =	ssyncset.done @!p0 $0x0  }
0x15f: {  	[sflag:s0] =	ssyncadd.s32 @!p0 s1  }
0x160: {  	[bflag:$0x3] =	sbarrier.arrive $0xFFFF  }
0x161: {  	_ =	shalt  }

// kernel: kernel.9.cloned.1.call-start
scs
__scs_entry_jumppad:
0x0: {  	(pc) =	sbr.rel $0x88, $3  }
0x1: {  	(tag) =	ssettag $0x0;
	lr =	simm.s32 $0x1  }
0x2: {  	[smem:$0x3F9D] =	sst lr;
	_ =	strace $0xD0000000  }
0x3: {  	_ = 	snop  }
0x4: {  	_ = 	snop  }
0x5: {  	_ = 	snop  }
0x6: {  	_ = 	snop  }
0x7: {  	_ = 	snop  }
__scs_overlays_trampoline_lowered:
0x8: {  	[smem:$0x3FAC] =	sst s0  }
0x9: {  	[smem:$0x3FAD] =	sst s1  }
0xa: {  	[smem:$0x3FAE] =	sst s2  }
0xb: {  	[smem:$0x3FAF] =	sst s3  }
0xc: {  	[smem:$0x3FB0] =	sst s4  }
0xd: {  	[smem:$0x3FB1] =	sst s5  }
0xe: {  	[smem:$0x3FB2] =	sst s6  }
0xf: {  	[smem:$0x3FB3] =	sst s7  }
0x10: {  	[smem:$0x3FB4] =	sst s8  }
0x11: {  	[smem:$0x3FB5] =	sst s9;
	s0 =	simm.s32 @!p0 $0x0  }
0x12: {  	s1 =	sld [smem:$0x3F9B];
	s0 =	simm.s32 @p0 $0x1  }
0x13: {  	[smem:$0x3FB6] =	sst s0;
	s0 =	simm.s32 @!p1 $0x0  }
0x14: {  	s2 =	sld [smem:$0x3F9A];
	s0 =	simm.s32 @p1 $0x1  }
0x15: {  	[smem:$0x3FB7] =	sst s0;
	s0 =	simm.s32 @!p2 $0x0  }
0x16: {  	s3 =	sld [smem:$0x3FDB];
	s0 =	simm.s32 @p2 $0x1  }
0x17: {  	s4 =	simm.s32 $0x1BF5;
	[smem:$0x3FB9] =	sst s0  }
0x18: {  	s0 =	sld [smem:$0x3F9C];
	_ =	swait.ge [sflag:s4], $0x0  }
0x19: {  	s7 =	sld [smem:$0x3F9D]  }
0x1a: {  	s8 =	sadd.s32 $0xFFFFE003, lr  }
0x1b: {  	s9 =	sadd.s32 $0xFFFFFEF7, lr;
	s5 =	simm.s32 $0xFFFFFFFF;
	p2 =	slt.u32 s8, $0xFFFFF086  }
0x1c: {  	p1 =	slt.u32 s9, $0xF7A;
	s5 =	simm.s32 @!p2 $0x0  }
0x1d: {  	s5 =	simm.s32 @p1 $0x1;
	p0 =	seq.s32 s7, s2  }
0x1e: {  	s7 =	smul.u32 @!p0 $0xF7A, s2;
	p2 =	seq.s32 @!p0 s5, $0x0  }
0x1f: {  	s9 =	smul.u32 $0xF7A, s1;
	s8 =	simm.s32 @!p0 $0x1BF5;
	p2 =	por !p2, p0  }
0x20: {  	[sflag:s8] =	ssyncset.s32 @!p0 $0xFFFFF086;
	s6 =	sadd.s32 @!p0 s3, s7;
	s7 =	simm.s32 @!p0 $0x108  }
0x21: {  	s3 =	sadd.s32 s3, s9;
	s6 =	sadd.s32 @!p0 $0x88, s6;
	s7 =	simm.s32 @p2 $0x1082  }
0x22: {  	[simem:s7], [sflag:s8] =	dma.local @!p0 [hbm:s6], $0xF7A  }
0x23: {  	s9 =	sor.u32 $0xD0000000, s2;
	s6 =	simm.s32 $0x108;
	_ =	swait.ge @!p0 [sflag:s8], $0x0  }
0x24: {  	s3 =	sadd.s32 $0x88, s3;
	s6 =	simm.s32 @!p1 $0x1082;
	[sflag:s4] =	ssyncset.s32 $0xFFFFF086  }
0x25: {  	[simem:s6], [sflag:s4] =	dma.local [hbm:s3], $0xF7A  }
0x26: {  	[smem:$0x3F9D] =	sst s1;
	(tag) =	ssettag s2;
	_ =	strace s9  }
0x27: {  	s1 =	sld [smem:$0x3FAD]  }
0x28: {  	s2 =	sld [smem:$0x3FAE]  }
0x29: {  	s4 =	sld [smem:$0x3FB0]  }
0x2a: {  	p0 =	seq.s32 s5, $0x0;
	s5 =	sld [smem:$0x3FB1]  }
0x2b: {  	s6 =	sld [smem:$0x3FB2]  }
0x2c: {  	s7 =	sld [smem:$0x3FB3]  }
0x2d: {  	s3 =	simm.s32 $0x108;
	s8 =	sld [smem:$0x3FB4]  }
0x2e: {  	s3 =	simm.s32 @!p0 $0x1082;
	s9 =	sld [smem:$0x3FB5]  }
0x2f: {  	lr =	sadd.s32 s0, s3;
	s0 =	sld [smem:$0x3FAC]  }
0x30: {  	s3 =	sld [smem:$0x3FAF]  }
0x31: {  	[smem:$0x3FB8] =	sst s10  }
0x32: {  	s10 =	sld [smem:$0x3FB6];
	_ =	sdelay $0x3  }
0x33: {  	p0 =	seq.s32 s10, $0x1;
	s10 =	sld [smem:$0x3FB8];
	_ =	sdelay $0x3  }
0x34: {  	[smem:$0x3FB8] =	sst s10  }
0x35: {  	s10 =	sld [smem:$0x3FB7];
	_ =	sdelay $0x3  }
0x36: {  	p1 =	seq.s32 s10, $0x1;
	s10 =	sld [smem:$0x3FB8];
	_ =	sdelay $0x3  }
0x37: {  	[smem:$0x3FB8] =	sst s10  }
0x38: {  	s10 =	sld [smem:$0x3FB9]  }
0x39: {  	_ = 	snop;
	(pc) =	sbr.ind lr, $3  }
0x3a: {  	_ = 	snop  }
0x3b: {  	_ = 	snop  }
0x3c: {  	p2 =	seq.s32 s10, $0x1;
	s10 =	sld [smem:$0x3FB8]  }
0x3d: {  	_ =	shalt  }
0x3e: {  	_ =	shalt  }
0x3f: {  	_ =	shalt  }
0x40: {  	_ =	shalt  }
0x41: {  	_ =	shalt  }
0x42: {  	_ =	shalt  }
0x43: {  	_ =	shalt  }
0x44: {  	_ =	shalt  }
0x45: {  	_ =	shalt  }
0x46: {  	_ =	shalt  }
0x47: {  	_ =	shalt  }
0x48: {  	_ =	shalt  }
0x49: {  	_ =	shalt  }
0x4a: {  	_ =	shalt  }
0x4b: {  	_ =	shalt  }
0x4c: {  	_ =	shalt  }
0x4d: {  	_ =	shalt  }
0x4e: {  	_ =	shalt  }
0x4f: {  	_ =	shalt  }
0x50: {  	_ =	shalt  }
0x51: {  	_ =	shalt  }
0x52: {  	_ =	shalt  }
0x53: {  	_ =	shalt  }
0x54: {  	_ =	shalt  }
0x55: {  	_ =	shalt  }
0x56: {  	_ =	shalt  }
0x57: {  	_ =	shalt  }
0x58: {  	_ =	shalt  }
0x59: {  	_ =	shalt  }
0x5a: {  	_ =	shalt  }
0x5b: {  	_ =	shalt  }
0x5c: {  	_ =	shalt  }
0x5d: {  	_ =	shalt  }
0x5e: {  	_ =	shalt  }
0x5f: {  	_ =	shalt  }
0x60: {  	_ =	shalt  }
0x61: {  	_ =	shalt  }
0x62: {  	_ =	shalt  }
0x63: {  	_ =	shalt  }
0x64: {  	_ =	shalt  }
0x65: {  	_ =	shalt  }
0x66: {  	_ =	shalt  }
0x67: {  	_ =	shalt  }
0x68: {  	_ =	shalt  }
0x69: {  	_ =	shalt  }
0x6a: {  	_ =	shalt  }
0x6b: {  	_ =	shalt  }
0x6c: {  	_ =	shalt  }
0x6d: {  	_ =	shalt  }
0x6e: {  	_ =	shalt  }
0x6f: {  	_ =	shalt  }
0x70: {  	_ =	shalt  }
0x71: {  	_ =	shalt  }
0x72: {  	_ =	shalt  }
0x73: {  	_ =	shalt  }
0x74: {  	_ =	shalt  }
0x75: {  	_ =	shalt  }
0x76: {  	_ =	shalt  }
0x77: {  	_ =	shalt  }
0x78: {  	_ =	shalt  }
0x79: {  	_ =	shalt  }
0x7a: {  	_ =	shalt  }
0x7b: {  	_ =	shalt  }
0x7c: {  	_ =	shalt  }
0x7d: {  	_ =	shalt  }
0x7e: {  	_ =	shalt  }
0x7f: {  	_ =	shalt  }
0x80: {  	_ =	shalt  }
0x81: {  	_ =	shalt  }
0x82: {  	_ =	shalt  }
0x83: {  	_ =	shalt  }
0x84: {  	_ =	shalt  }
0x85: {  	_ =	shalt  }
0x86: {  	_ =	shalt  }
0x87: {  	_ =	shalt  }
.Lfunc_end0:
.L_simem_size_0:
called_computation.1_lowered:
.L_overlay_start_0:
0x88: {  	s2 =	sld [smem:$0x3FD9]  }
0x89: {  	s3 =	sld [smem:$0x3FFE];
	_ =	sdelay $0x1  }
0x8a: {  	s1 =	srdreg.scid  }
0x8b: {  	s0 =	sand.u32 $0x1, s1  }
0x8c: {  	s16 =	sshll.u32 s0, $0xA;
	s2 =	sadd.s32 s3, s2  }
0x8d: {  	s2 =	sadd.s32 s2, s16  }
0x8e: {  	[smem:$0x3FC4] =	sst s2  }
0x8f: {  	_ = 	snop  }
0x90: {  	(tm) =	ssettm $0x1  }
0x91: {  	s17 =	sld [smem:$0x3FFB];
	_ =	sdelay $0x3  }
0x92: {  	_ =	strace s17  }
0x93: {  	s2 =	sld [smem:$0x3FFC];
	_ =	sdelay $0x3  }
0x94: {  	_ =	strace s2  }
0x95: {  	s2 =	sld [smem:$0x3FFD];
	_ =	sdelay $0x3  }
0x96: {  	_ =	strace s2  }
0x97: {  	_ =	strace $0x8FFFFFFF  }
0x98: {  	s18 =	sld [smem:$0x3FDB];
	_ =	sdelay $0x1  }
0x99: {  	s19 =	simm.s32 $_scs_section_size  }
0x9a: {  	s4 =	simm.s32 $_size__tile_overlayer_lowered;
	s5 =	simm.s32 $_tile_overlayer_lowered  }
0x9b: {  	s22 =	simm.s32 $0x1BFF;
	s21 =	sshll.u32 s5, $0x1;
	s2 =	sadd.s32 s19, s18  }
0x9c: {  	s6 =	simm.s32 $0x0;
	s20 =	sshll.u32 s4, $0x1;
	s4 =	sadd.s32 s21, s2  }
0x9d: {  	[timem:s6], [sflag:s22] =	dma.local [hbm:s4], s20  }
0x9e: {  	_ =	swait.ge [sflag:s22], s20  }
0x9f: {  	s3 =	ssub.s32 $0x0, s20;
	[sflag:s22] =	ssyncset.done $0x0  }
0xa0: {  	[sflag:s22] =	ssyncadd.s32 s3;
	_ =	sdelay $0x1  }
0xa1: {  	s23 =	simm.s32 $0x1B8B  }
0xa2: {  	_ =	swait.ge [sflag:s23], $0x1  }
0xa3: {  	[sflag:s23] =	ssyncset.done $0x0  }
0xa4: {  	s25 =	simm.s32 $0x1B8E;
	s24 =	sld [smem:$0x3FFE];
	[sflag:s23] =	ssyncadd.s32 $0xFFFFFFFF  }
0xa5: {  	s26 =	simm.s32 $execute0_lowered;
	[smem:$0x3FD2] =	sst s25  }
0xa6: {  	s4 =	sshll.u32 s26, $0x1;
	_ =	strace $0x80000049;
	[dreg:$0x1] =	wrdreg $0xFFFFFFFF  }
0xa7: {  	s28 =	simm.s32 $_size_execute0_lowered;
	s2 =	sadd.s32 s2, s4;
	[dreg:$0x0] =	wrdreg $0x0  }
0xa8: {  	s4 =	sshll.u32 s28, $0x1;
	[dreg:$0x2] =	wrdreg s2  }
0xa9: {  	[dreg:$0x3] =	wrdreg s4  }
0xaa: {  	[dreg:$0x4] =	wrdreg $0xC0  }
0xab: {  	_ =	task [dreg:s6], $0x5FFFF  }
0xac: {  	[dreg:$0x1] =	wrdreg $0xFFFFFFFF  }
0xad: {  	[dreg:$0x0] =	wrdreg $0x60  }
0xae: {  	[dreg:$0x2] =	wrdreg s24  }
0xaf: {  	[dreg:$0x3] =	wrdreg $0x117000  }
0xb0: {  	[dreg:$0x4] =	wrdreg $0x0  }
0xb1: {  	[dreg:$0x5] =	wrdreg $0x9  }
0xb2: {  	_ =	task.clear_ibuf [dreg:s6], $0x6FFFF;
	_ =	strace $0x90000049  }
0xb3: {  	s29 =	simm.s32 $0x9;
	_ =	strace $0x8000004B  }
0xb4: {  	_ =	swait.ge [sflag:s29], $0x1  }
0xb5: {  	[sflag:s29] =	ssyncadd.s32 $0xFFFFFFFF  }
0xb6: {  	_ =	strace $0x9000004B  }
0xb7: {  	_ =	sfence  }
0xb8: {  	s30 =	sld [smem:$0x0];
	_ =	sdelay $0x2  }
0xb9: {  	s31 =	sshll.u32 s1, $0xD;
	s1 =	sshrl.u32 s1, $0x2  }
0xba: {  	s3 =	sand.u32 $0x4000, s31;
	s1 =	sadd.s32 s1, s30  }
0xbb: {  	s0 =	sor.u32 s3, s0;
	s1 =	sshll.u32 s1, $0x11  }
0xbc: {  	s0 =	sor.u32 s1, s0  }
0xbd: {  	s0 =	sadd.s32 $0x8F2B, s0  }
0xbe: {  	[sflag:s0] =	ssyncadd.remote.s32 $0x1  }
0xbf: {  	_ =	sfence.sel $0xFFFF  }
0xc0: {  	[dreg:$0x0] =	wrdreg $0xFFFFFFFF;
	(pc) =	sbr.abs _section_cstart, $3  }
0xc1: {  	[dreg:$0x1] =	wrdreg $0xFFFFFFFF  }
0xc2: {  	_ =	task.clear_ibuf [dreg:s6], $0x2FFFF;
	_ =	strace $0x9FFFFFFF  }
0xc3: {  	(tm) =	ssettm $0x7FFFFFFF  }
tec
execute0_lowered:
.L_overlay_start_1:
0x0: {  	(tag) =	ssettag $0x1  }
0x1: {  	s0 =	rddreg [dreg:$0x0]  }
0x2: {  	s1 =	rddreg [dreg:$0x1]  }
0x3: {  	s2 =	rddreg [dreg:$0x2];
	s3 =	srdreg.scid;
	s4 =	simm.s32 $0x0  }
0x4: {  	s12 =	stileid.u32;
	s19 =	simm.s32 $0x7;
	s29 =	simm.s32 $0x10000  }
0x5: {  	s30 =	simm.s32 $0x5;
	s31 =	simm.s32 $0x2;
	s9 =	smul.u32 $0xC400, s12  }
0x6: {  	s3 =	sand.u32 $0x1, s3;
	[smem:$0x7FF] =	sst s4;
	s11 =	smul.u32 $0x310, s12  }
0x7: {  	s5 =	sadd.s32 $0x33600, s0;
	s6 =	sadd.s32 $0x2600, s0;
	s20 =	smul.u32 $0x3100, s12  }
0x8: {  	s7 =	sadd.s32 $0x64600, s0;
	s22 =	sshll.u32 s12, $0x6;
	s24 =	smul.u32 $0x31000, s12  }
0x9: {  	s8 =	smul.u32 $0xC4000, s3;
	_ =	strace $0x8000004A;
	s3 =	ssub.s32 $0x2, s3  }
0xa: {  	s10 =	sshrl.u32 s3, $0x1;
	s23 =	sadd.s32 s5, s20;
	s25 =	sadd.s32 s6, s20  }
0xb: {  	s13 =	sor.u32 $0x4, s11;
	s14 =	sor.u32 $0x8, s11;
	s26 =	sshrl.u32 s24, $0x2  }
0xc: {  	s24 =	simm.s32 $0x3;
	s8 =	sadd.s32 s9, s8;
	s3 =	ssub.s32 s3, s10  }
0xd: {  	s9 =	sadd.s32 s9, s1;
	s10 =	sor.u32 $0x1C07, s22;
	[dreg:$0x6] =	wrdreg s23  }
0xe: {  	[dreg:$0x7] =	wrdreg s25;
	s16 =	sadd.s32 s26, s2;
	s25 =	simm.s32 $0x80  }
0xf: {  	s22 =	simm.s32 $0x10A00;
	s8 =	sshrl.u32 s8, $0x3;
	[dreg:$0x5] =	wrdreg s10  }
0x10: {  	s3 =	smax.u32 s3, $0x1;
	s28 =	sshrl.u32 s9, $0x3;
	s9 =	simm.s32 $0x1  }
0x11: {  	s10 =	simm.s32 $0x4;
	s0 =	sadd.s32 s8, s0;
	[dreg:$0x9] =	wrdreg s3  }
0x12: {  	s8 =	sadd.s32 s7, s20;
	[dreg:$0xa] =	wrdreg s28;
	s20 =	simm.s32 $0x10C00  }
0x13: {  	s3 =	simm.s32 $0x0;
	s21 =	sadd.s32 $0x95600, s0;
	[dreg:$0x8] =	wrdreg s8  }
0x14: {  	v0 =	vimm.f32 $0.0e+00;
	s17 =	sadd.s32 $0xC6600, s0;
	[dreg:$0x4] =	wrdreg s21;
	s21 =	simm.s32 $0x10800  }
.LBB2_1:
0x15: {  	[dreg:$0xb] =	wrdreg s3  }
0x16: {  	s0 =	rddreg [dreg:$0x4]  }
0x17: {  	s28 =	rddreg [dreg:$0x5]  }
0x18: {  	s8 =	rddreg [dreg:$0xa]  }
0x19: {  	[spmem:s8], [sflag:s28] =	dma.local [hbm:s0], $0x1880  }
0x1a: {  	_ =	swait.ge [sflag:s19], $0x1880  }
0x1b: {  	[sflag:s19] =	ssyncset.done $0x0  }
0x1c: {  	s0 =	simm.s32 $0x0;
	[sflag:s19] =	ssyncadd.s32 $0xFFFFE780  }
.LBB2_2:
0x1d: {  	p0 =	sne.s32 s0, $0x1BC0  }
.Ltmp0:
0x1e: {  	_ = 	snop;
	(pc) =	sbr.rel @p0 .LBB2_2-.Ltmp0, $3  }
0x1f: {  	_ =	sdelay $0x1  }
0x20: {  	s3 =	sshra.s32 s0, $0x2  }
0x21: {  	s0 =	sadd.s32 $0x40, s0;
	[tilespmem:s3+$0x10C00] =	vst v0  }
0x22: {  	s0 =	sadd.s32 $0x0, s16  }
0x23: {  	[spmem:s0] =	stream.linear.scatter [tilespmem:s20], [sflag:$0x7], $0x700, $0x38;
	[tilespmem:$0x1DB00] =	vst v63  }
0x24: {  	s0 =	simm.s32 $0x1C00;
	_ =	swait.ge [sflag:s19], $0x700  }
.LBB2_4:
0x25: {  	s3 =	sshra.s32 s0, $0x2;
	[sflag:s19] =	ssyncset.done $0x0;
	p0 =	sne.s32 s0, $0x2F400  }
.Ltmp1:
0x26: {  	s3 =	sadd.s32 s3, s16;
	[sflag:s19] =	ssyncadd.s32 $0xFFFFF900;
	(pc) =	sbr.rel @p0 .LBB2_4-.Ltmp1, $3  }
0x27: {  	[spmem:s3] =	stream.linear.scatter [tilespmem:s20], [sflag:$0x7], $0x700, $0x38;
	[tilespmem:$0x1DB00] =	vst v63  }
0x28: {  	s0 =	sadd.s32 $0x1C00, s0;
	_ =	sdelay $0x1  }
0x29: {  	_ =	swait.ge [sflag:s19], $0x700  }
0x2a: {  	[sflag:s19] =	ssyncset.done $0x0  }
0x2b: {  	[sflag:s19] =	ssyncadd.s32 $0xFFFFF900  }
0x2c: {  	[bflag:$0x0] =	sbarrier.arrive $0xFFFF  }
0x2d: {  	s0 =	simm.s32 $0x0;
	s3 =	rddreg [dreg:$0x6]  }
0x2e: {  	[tilespmem:s21], [sflag:$0x3] =	stream.linear.gather [hbm4b:s3+s0], $0x200, $0x38;
	[tilespmem:$0x1DB00] =	vst v63  }
0x2f: {  	s8 =	simm.s32 $0xC400;
	s23 =	rddreg [dreg:$0x7]  }
0x30: {  	[tilespmem:s8], [sflag:$0x3] =	stream.linear.gather [hbm4b:s23+s0], $0x200, $0x38;
	[tilespmem:$0x1DB00] =	vst v63  }
0x31: {  	s28 =	simm.s32 $0x11300;
	s26 =	rddreg [dreg:$0x8]  }
0x32: {  	[tilespmem:s28], [sflag:$0x3] =	stream.linear.gather [hbm4b:s26+s0], $0x200, $0x38;
	[tilespmem:$0x1DB00] =	vst v63  }
0x33: {  	_ =	swait.ge [sflag:s24], $0x200  }
0x34: {  	[sflag:s24] =	ssyncset.done $0x0  }
0x35: {  	[sflag:s24] =	ssyncadd.s32 $0xFFFFFE00  }
0x36: {  	_ =	swait.ge [sflag:s24], $0x200  }
0x37: {  	[sflag:s24] =	ssyncset.done $0x0  }
0x38: {  	[sflag:s24] =	ssyncadd.s32 $0xFFFFFE00  }
0x39: {  	_ =	swait.ge [sflag:s24], $0x200  }
0x3a: {  	[sflag:s24] =	ssyncset.done $0x0  }
0x3b: {  	s11 =	simm.s32 $0xC800;
	[sflag:s24] =	ssyncadd.s32 $0xFFFFFE00  }
0x3c: {  	[tilespmem:s11], [sflag:$0x1] =	stream.indirect.gather [spmem:s1], $0x10, s21, s25, $0xb8;
	[tilespmem:$0x1DB00] =	vst v63  }
0x3d: {  	s12 =	simm.s32 $0x10880;
	s15 =	simm.s32 $0xD000  }
0x3e: {  	[tilespmem:s15], [sflag:$0x1] =	stream.indirect.gather [spmem:s1], $0x10, s12, s25, $0xb8;
	[tilespmem:$0x1DB00] =	vst v63  }
0x3f: {  	s18 =	simm.s32 $0x10900;
	s23 =	simm.s32 $0xD800  }
0x40: {  	[tilespmem:s23], [sflag:$0x1] =	stream.indirect.gather [spmem:s1], $0x10, s18, s25, $0xb8;
	[tilespmem:$0x1DB00] =	vst v63  }
0x41: {  	s3 =	simm.s32 $0x0;
	s26 =	simm.s32 $0x10980;
	s28 =	simm.s32 $0xE000  }
0x42: {  	[tilespmem:s28], [sflag:$0x1] =	stream.indirect.gather [spmem:s1], $0x10, s26, s25, $0xb8;
	[tilespmem:$0x1DB00] =	vst v63  }
.LBB2_6:
0x43: {  	p0 =	seq.s32 s3, $0x0  }
0x44: {  	s8 =	simm.s32 @!p0 $0x6  }
0x45: {  	_ =	swait.ge @!p0 [sflag:s8], $0x800  }
0x46: {  	[sflag:s8] =	ssyncset.done @!p0 $0x0  }
0x47: {  	[sflag:s8] =	ssyncadd.s32 @!p0 $0xFFFFF800  }
0x48: {  	_ =	swait.ge @!p0 [sflag:s8], $0x800  }
0x49: {  	[sflag:s8] =	ssyncset.done @!p0 $0x0  }
0x4a: {  	[sflag:s8] =	ssyncadd.s32 @!p0 $0xFFFFF800  }
0x4b: {  	_ =	swait.ge @!p0 [sflag:s8], $0x800  }
0x4c: {  	[sflag:s8] =	ssyncset.done @!p0 $0x0  }
0x4d: {  	s23 =	sshll.u32 s3, $0x3;
	[sflag:s8] =	ssyncadd.s32 @!p0 $0xFFFFF800  }
0x4e: {  	s11 =	sadd.s32 s23, s13;
	_ =	swait.ge @!p0 [sflag:s8], $0x800  }
0x4f: {  	s11 =	sshll.u32 s11, $0x4;
	[sflag:s8] =	ssyncset.done @!p0 $0x0  }
0x50: {  	s12 =	simm.s32 $0xC600;
	s15 =	sadd.s32 s5, s11;
	[sflag:s8] =	ssyncadd.s32 @!p0 $0xFFFFF800  }
0x51: {  	[tilespmem:s22], [sflag:$0x4] =	stream.linear.gather [hbm4b:s15+s0], $0x200, $0x38;
	[tilespmem:$0x1DB00] =	vst v63  }
0x52: {  	s28 =	simm.s32 $0x11500;
	s18 =	sadd.s32 s6, s11;
	s26 =	sadd.s32 s7, s11  }
0x53: {  	[tilespmem:s12], [sflag:$0x4] =	stream.linear.gather [hbm4b:s18+s0], $0x200, $0x38;
	[tilespmem:$0x1DB00] =	vst v63  }
0x54: {  	s8 =	simm.s32 $0x11300;
	s18 =	simm.s32 $0xC880;
	s12 =	simm.s32 $0x0  }
0x55: {  	[tilespmem:s28], [sflag:$0x4] =	stream.linear.gather [hbm4b:s26+s0], $0x200, $0x38;
	[tilespmem:$0x1DB00] =	vst v63  }
.LBB2_7:
0x56: {  	v1 =	vmov s8;
	_ =	sdelay $0x1  }
0x57: {  	_ =	swait.ge [sflag:s9], $0x800  }
0x58: {  	[sflag:s9] =	ssyncset.done $0x0  }
0x59: {  	s11 =	simm.s32 $0x0;
	[sflag:s9] =	ssyncadd.s32 $0xFFFFF800  }
0x5a: {  	v2 =	vld.idx.msk [tilespmem:v1+s11+$0x0 ss:$0x1], $0xffff;
	_ =	sdelay $0x1  }
0x5b: {  	v3 =	vld [tilespmem:s18+$0xFFFFFF80]  }
0x5c: {  	v4 =	vld [tilespmem:s18+$0xFFFFFF90]  }
0x5d: {  	v5 =	vld [tilespmem:s18+$0xFFFFFFA0]  }
0x5e: {  	v6 =	vld [tilespmem:s18+$0xFFFFFFB0];
	v7 =	vbroadcast v2, $0x0  }
0x5f: {  	v10 =	vld [tilespmem:s18+$0xFFFFFFD0];
	v8 =	vbroadcast v2, $0x1  }
0x60: {  	v46 =	vld [tilespmem:s18+$0xFFFFFFE0];
	v11 =	vbroadcast v2, $0x2;
	v3 =	vmul.f32 v7, v3  }
0x61: {  	v9 =	vld [tilespmem:s18+$0xFFFFFFC0];
	v45 =	vbroadcast v2, $0x3;
	v4 =	vmul.f32 v4, v8  }
0x62: {  	v49 =	vld [tilespmem:s18+$0x10];
	v47 =	vbroadcast v2, $0x5;
	v5 =	vmul.f32 v5, v11;
	[tilespmem:s18+$0xFFFFFF80] =	vst v3  }
0x63: {  	v59 =	vld [tilespmem:s18+$0x60];
	v13 =	vbroadcast v2, $0x6;
	v6 =	vmul.f32 v6, v45;
	[tilespmem:s18+$0xFFFFFF90] =	vst v4  }
0x64: {  	v12 =	vld [tilespmem:s18+$0xFFFFFFF0];
	v7 =	vmul.f32 v10, v47;
	v3 =	vbroadcast v2, $0x4;
	[tilespmem:s18+$0xFFFFFFA0] =	vst v5  }
0x65: {  	v48 =	vld [tilespmem:s18+$0x0];
	v53 =	vbroadcast v2, $0x9;
	v8 =	vmul.f32 v46, v13;
	[tilespmem:s18+$0xFFFFFFB0] =	vst v6  }
0x66: {  	v52 =	vld [tilespmem:s18+$0x30];
	v62 =	vbroadcast v2, $0xE;
	[tilespmem:s18+$0xFFFFFFD0] =	vst v7;
	v3 =	vmul.f32 v9, v3  }
0x67: {  	v55 =	vld [tilespmem:s18+$0x50];
	v50 =	vbroadcast v2, $0x7;
	v58 =	vmul.f32 v49, v53;
	[tilespmem:s18+$0xFFFFFFE0] =	vst v8  }
0x68: {  	v51 =	vld [tilespmem:s18+$0x20];
	v63 =	vmul.f32 v59, v62;
	[tilespmem:s18+$0xFFFFFFC0] =	vst v3;
	v3 =	vbroadcast v2, $0x8  }
0x69: {  	v54 =	vld [tilespmem:s18+$0x40];
	v57 =	vbroadcast v2, $0xB;
	v5 =	vmul.f32 v12, v50;
	[tilespmem:s18+$0x10] =	vst v58  }
0x6a: {  	v60 =	vld [tilespmem:s18+$0x70];
	v61 =	vbroadcast v2, $0xD;
	[tilespmem:s18+$0x60] =	vst v63;
	v3 =	vmul.f32 v48, v3  }
0x6b: {  	v56 =	vbroadcast v2, $0xA;
	v4 =	vmul.f32 v52, v57;
	[tilespmem:s18+$0xFFFFFFF0] =	vst v5  }
0x6c: {  	v6 =	vmul.f32 v55, v61;
	[tilespmem:s18+$0x0] =	vst v3;
	v3 =	vbroadcast v2, $0xC  }
0x6d: {  	v9 =	vmul.f32 v51, v56;
	[tilespmem:s18+$0x30] =	vst v4;
	v2 =	vbroadcast v2, $0xF  }
0x6e: {  	[tilespmem:s18+$0x50] =	vst v6;
	v3 =	vmul.f32 v54, v3  }
0x6f: {  	[tilespmem:s18+$0x20] =	vst v9;
	v2 =	vmul.f32 v60, v2  }
0x70: {  	s15 =	sshll.u32 s12, $0x7;
	[tilespmem:s18+$0x40] =	vst v3  }
0x71: {  	s28 =	simm.s32 $0x10;
	s26 =	simm.s32 $0x80;
	s11 =	smov.u32 s18;
	[tilespmem:s18+$0x70] =	vst v2  }
.LBB2_8:
0x72: {  	p0 =	sne.s32 s26, $0x1C0;
	v2 =	vld.idx.msk [tilespmem:v1+s28+$0x0 ss:$0x1], $0xffff;
	s11 =	sadd.s32 $0x100, s11  }
0x73: {  	v3 =	vld [tilespmem:s11+$0xFFFFFFB0]  }
0x74: {  	v4 =	vld [tilespmem:s11+$0xFFFFFF90]  }
0x75: {  	v5 =	vld [tilespmem:s11+$0xFFFFFF80]  }
0x76: {  	v6 =	vld [tilespmem:s11+$0xFFFFFFA0]  }
0x77: {  	v7 =	vld [tilespmem:s11+$0xFFFFFFF0]  }
0x78: {  	v8 =	vbroadcast v2, $0x0;
	v9 =	vbroadcast v2, $0x1;
	v10 =	vld [tilespmem:s11+$0xFFFFFFD0]  }
0x79: {  	v11 =	vbroadcast v2, $0x2;
	v12 =	vbroadcast v2, $0x3;
	v13 =	vld [tilespmem:s11+$0xFFFFFFC0]  }
0x7a: {  	v4 =	vmul.f32 v4, v9;
	v5 =	vmul.f32 v8, v5;
	v8 =	vld [tilespmem:s11+$0xFFFFFFE0]  }
0x7b: {  	v3 =	vmul.f32 v3, v12;
	v6 =	vmul.f32 v6, v11;
	v9 =	vld [tilespmem:s11+$0x30]  }
0x7c: {  	v11 =	vbroadcast v2, $0x5;
	[tilespmem:s11+$0xFFFFFF80] =	vst v5;
	v5 =	vbroadcast v2, $0x4;
	v12 =	vld [tilespmem:s11+$0x10]  }
0x7d: {  	v14 =	vbroadcast v2, $0x7;
	[tilespmem:s11+$0xFFFFFF90] =	vst v4;
	v4 =	vbroadcast v2, $0x6;
	v15 =	vld [tilespmem:s11+$0x0]  }
0x7e: {  	[tilespmem:s11+$0xFFFFFFA0] =	vst v6;
	v5 =	vmul.f32 v13, v5;
	v6 =	vmul.f32 v10, v11;
	v10 =	vld [tilespmem:s11+$0x20]  }
0x7f: {  	[tilespmem:s11+$0xFFFFFFB0] =	vst v3;
	v3 =	vmul.f32 v8, v4;
	v4 =	vmul.f32 v7, v14;
	v7 =	vld [tilespmem:s11+$0x70]  }
0x80: {  	v8 =	vbroadcast v2, $0x9;
	[tilespmem:s11+$0xFFFFFFC0] =	vst v5;
	v5 =	vbroadcast v2, $0x8;
	v11 =	vld [tilespmem:s11+$0x50]  }
0x81: {  	v13 =	vbroadcast v2, $0xB;
	[tilespmem:s11+$0xFFFFFFD0] =	vst v6;
	v6 =	vbroadcast v2, $0xA;
	v14 =	vld [tilespmem:s11+$0x40]  }
0x82: {  	[tilespmem:s11+$0xFFFFFFE0] =	vst v3;
	v3 =	vmul.f32 v15, v5;
	v5 =	vmul.f32 v12, v8;
	v8 =	vld [tilespmem:s11+$0x60]  }
0x83: {  	[tilespmem:s11+$0xFFFFFFF0] =	vst v4;
	v4 =	vmul.f32 v10, v6;
	v6 =	vmul.f32 v9, v13  }
0x84: {  	v9 =	vbroadcast v2, $0xD;
	[tilespmem:s11+$0x0] =	vst v3;
	v3 =	vbroadcast v2, $0xC  }
0x85: {  	[tilespmem:s11+$0x10] =	vst v5;
	v5 =	vbroadcast v2, $0xE;
	v2 =	vbroadcast v2, $0xF  }
0x86: {  	[tilespmem:s11+$0x20] =	vst v4;
	v3 =	vmul.f32 v14, v3;
	v4 =	vmul.f32 v11, v9  }
.Ltmp2:
0x87: {  	[tilespmem:s11+$0x30] =	vst v6;
	v5 =	vmul.f32 v8, v5;
	v2 =	vmul.f32 v7, v2;
	(pc) =	sbr.rel @p0 .LBB2_8-.Ltmp2, $4  }
0x88: {  	[tilespmem:s11+$0x40] =	vst v3  }
0x89: {  	[tilespmem:s11+$0x50] =	vst v4  }
0x8a: {  	[tilespmem:s11+$0x60] =	vst v5  }
0x8b: {  	s28 =	sshra.s32 s26, $0x2;
	s26 =	sadd.s32 $0x40, s26;
	[tilespmem:s11+$0x70] =	vst v2  }
0x8c: {  	_ =	sdelay $0x3  }
0x8d: {  	v1 =	vld.idx.msk [tilespmem:v1+s28+$0x0 ss:$0x1], $0xffff  }
0x8e: {  	s11 =	sadd.s32 $0x100, s11  }
0x8f: {  	v2 =	vld [tilespmem:s11+$0xFFFFFF80]  }
0x90: {  	v3 =	vld [tilespmem:s11+$0xFFFFFF90]  }
0x91: {  	v4 =	vld [tilespmem:s11+$0xFFFFFFA0]  }
0x92: {  	v5 =	vld [tilespmem:s11+$0xFFFFFFB0];
	v6 =	vbroadcast v1, $0x0  }
0x93: {  	v9 =	vld [tilespmem:s11+$0xFFFFFFD0];
	v7 =	vbroadcast v1, $0x1  }
0x94: {  	v8 =	vld [tilespmem:s11+$0xFFFFFFC0];
	v10 =	vbroadcast v1, $0x2;
	v2 =	vmul.f32 v6, v2  }
0x95: {  	v49 =	vld [tilespmem:s11+$0xFFFFFFE0];
	v48 =	vbroadcast v1, $0x3;
	v3 =	vmul.f32 v3, v7  }
0x96: {  	v51 =	vld [tilespmem:s11+$0x10];
	v50 =	vbroadcast v1, $0x5;
	v4 =	vmul.f32 v4, v10;
	[tilespmem:s11+$0xFFFFFF80] =	vst v2  }
0x97: {  	v11 =	vld [tilespmem:s11+$0xFFFFFFF0];
	v5 =	vmul.f32 v5, v48;
	v2 =	vbroadcast v1, $0x4;
	[tilespmem:s11+$0xFFFFFF90] =	vst v3  }
0x98: {  	v12 =	vbroadcast v1, $0x6;
	v6 =	vmul.f32 v9, v50;
	v3 =	vld [tilespmem:s11+$0x0];
	[tilespmem:s11+$0xFFFFFFA0] =	vst v4  }
0x99: {  	v57 =	vld [tilespmem:s11+$0x50];
	v55 =	vbroadcast v1, $0x9;
	[tilespmem:s11+$0xFFFFFFB0] =	vst v5;
	v2 =	vmul.f32 v8, v2  }
0x9a: {  	v53 =	vld [tilespmem:s11+$0x20];
	v52 =	vbroadcast v1, $0x7;
	v7 =	vmul.f32 v49, v12;
	[tilespmem:s11+$0xFFFFFFD0] =	vst v6  }
0x9b: {  	v54 =	vld [tilespmem:s11+$0x30];
	v59 =	vmul.f32 v51, v55;
	[tilespmem:s11+$0xFFFFFFC0] =	vst v2;
	v2 =	vbroadcast v1, $0x8  }
0x9c: {  	v56 =	vld [tilespmem:s11+$0x40];
	v62 =	vbroadcast v1, $0xD;
	v4 =	vmul.f32 v11, v52;
	[tilespmem:s11+$0xFFFFFFE0] =	vst v7  }
0x9d: {  	v60 =	vld [tilespmem:s11+$0x60];
	v58 =	vbroadcast v1, $0xA;
	[tilespmem:s11+$0x10] =	vst v59;
	v2 =	vmul.f32 v3, v2  }
0x9e: {  	v61 =	vld [tilespmem:s11+$0x70];
	v5 =	vmul.f32 v57, v62;
	[tilespmem:s11+$0xFFFFFFF0] =	vst v4;
	v3 =	vbroadcast v1, $0xB  }
0x9f: {  	v8 =	vmul.f32 v53, v58;
	[tilespmem:s11+$0x0] =	vst v2;
	v2 =	vbroadcast v1, $0xC  }
0xa0: {  	s26 =	sshll.u32 s12, $0xB;
	s12 =	sadd.s32 $0x1, s12;
	v63 =	vbroadcast v1, $0xE;
	[tilespmem:s11+$0x50] =	vst v5;
	v3 =	vmul.f32 v54, v3  }
0xa1: {  	p0 =	sne.s32 s12, $0x4;
	[tilespmem:s11+$0x20] =	vst v8;
	v1 =	vbroadcast v1, $0xF;
	v2 =	vmul.f32 v56, v2  }
.Ltmp3:
0xa2: {  	[tilespmem:s11+$0x30] =	vst v3;
	v3 =	vmul.f32 v60, v63;
	(pc) =	sbr.rel @p0 .LBB2_7-.Ltmp3, $4  }
0xa3: {  	v1 =	vmul.f32 v61, v1;
	[tilespmem:s11+$0x40] =	vst v2  }
0xa4: {  	s15 =	sadd.s32 $0xC400, s15;
	s26 =	sand.u32 $0x3FFFF800, s26;
	[tilespmem:s11+$0x60] =	vst v3  }
0xa5: {  	s8 =	sadd.s32 $0x80, s8;
	s18 =	sadd.s32 $0x800, s18;
	s28 =	sadd.s32 $0xC800, s26;
	[tilespmem:s11+$0x70] =	vst v1  }
0xa6: {  	[spmem:s2] =	stream.indirect.scatter.add.f32 [tilespmem:s28], [sflag:$0x5], $0x10, s15, s25, $0xb8;
	[tilespmem:$0x1DB00] =	vst v63  }
0xa7: {  	_ =	swait.ge [sflag:s10], $0x200  }
0xa8: {  	[sflag:s10] =	ssyncset.done $0x0  }
0xa9: {  	[sflag:s10] =	ssyncadd.s32 $0xFFFFFE00  }
0xaa: {  	_ =	swait.ge [sflag:s10], $0x200  }
0xab: {  	[sflag:s10] =	ssyncset.done $0x0  }
0xac: {  	[sflag:s10] =	ssyncadd.s32 $0xFFFFFE00  }
0xad: {  	_ =	swait.ge [sflag:s10], $0x200  }
0xae: {  	[sflag:s10] =	ssyncset.done $0x0  }
0xaf: {  	s8 =	simm.s32 $0xE800;
	[sflag:s10] =	ssyncadd.s32 $0xFFFFFE00  }
0xb0: {  	[tilespmem:s8], [sflag:$0x2] =	stream.indirect.gather [spmem:s1], $0x10, s22, s25, $0xb8;
	[tilespmem:$0x1DB00] =	vst v63  }
0xb1: {  	s15 =	simm.s32 $0x10A80;
	s11 =	simm.s32 $0xF000  }
0xb2: {  	[tilespmem:s11], [sflag:$0x2] =	stream.indirect.gather [spmem:s1], $0x10, s15, s25, $0xb8;
	[tilespmem:$0x1DB00] =	vst v63  }
0xb3: {  	s18 =	simm.s32 $0x10B00;
	s26 =	simm.s32 $0xF800  }
0xb4: {  	[tilespmem:s26], [sflag:$0x2] =	stream.indirect.gather [spmem:s1], $0x10, s18, s25, $0xb8;
	[tilespmem:$0x1DB00] =	vst v63  }
0xb5: {  	s28 =	simm.s32 $0x10B80  }
0xb6: {  	[tilespmem:s29], [sflag:$0x2] =	stream.indirect.gather [spmem:s1], $0x10, s28, s25, $0xb8;
	[tilespmem:$0x1DB00] =	vst v63  }
0xb7: {  	_ =	swait.ge [sflag:s30], $0x800  }
0xb8: {  	[sflag:s30] =	ssyncset.done $0x0  }
0xb9: {  	[sflag:s30] =	ssyncadd.s32 $0xFFFFF800  }
0xba: {  	_ =	swait.ge [sflag:s30], $0x800  }
0xbb: {  	[sflag:s30] =	ssyncset.done $0x0  }
0xbc: {  	[sflag:s30] =	ssyncadd.s32 $0xFFFFF800  }
0xbd: {  	_ =	swait.ge [sflag:s30], $0x800  }
0xbe: {  	[sflag:s30] =	ssyncset.done $0x0  }
0xbf: {  	p0 =	seq.s32 s3, $0x61;
	[sflag:s30] =	ssyncadd.s32 $0xFFFFF800  }
0xc0: {  	s8 =	sadd.s32 @!p0 s23, s14;
	_ =	swait.ge [sflag:s30], $0x800  }
0xc1: {  	s12 =	simm.s32 @!p0 $0x0;
	s8 =	sshll.u32 @!p0 s8, $0x4;
	[sflag:s30] =	ssyncset.done $0x0  }
0xc2: {  	s11 =	sadd.s32 @!p0 s5, s8;
	s15 =	simm.s32 @!p0 $0x10800;
	[sflag:s30] =	ssyncadd.s32 $0xFFFFF800  }
0xc3: {  	[tilespmem:s15], [sflag:$0x3] =	stream.linear.gather @!p0 [hbm4b:s11+s12], $0x200, $0x38;
	[tilespmem:$0x1DB00] =	vst v63  }
0xc4: {  	s11 =	sadd.s32 @!p0 s6, s8;
	s15 =	simm.s32 @!p0 $0xC400  }
0xc5: {  	[tilespmem:s15], [sflag:$0x3] =	stream.linear.gather @!p0 [hbm4b:s11+s12], $0x200, $0x38;
	[tilespmem:$0x1DB00] =	vst v63  }
0xc6: {  	s8 =	sadd.s32 @!p0 s7, s8;
	s11 =	simm.s32 @!p0 $0x11300  }
0xc7: {  	[tilespmem:s11], [sflag:$0x3] =	stream.linear.gather @!p0 [hbm4b:s8+s12], $0x200, $0x38;
	[tilespmem:$0x1DB00] =	vst v63  }
0xc8: {  	s8 =	simm.s32 $0x0;
	s11 =	simm.s32 $0x11500;
	s12 =	simm.s32 $0xE880  }
.LBB2_11:
0xc9: {  	v1 =	vmov s11;
	_ =	sdelay $0x1  }
0xca: {  	_ =	swait.ge [sflag:s31], $0x800  }
0xcb: {  	[sflag:s31] =	ssyncset.done $0x0  }
0xcc: {  	s15 =	simm.s32 $0x0;
	[sflag:s31] =	ssyncadd.s32 $0xFFFFF800  }
0xcd: {  	v2 =	vld.idx.msk [tilespmem:v1+s15+$0x0 ss:$0x1], $0xffff;
	_ =	sdelay $0x1  }
0xce: {  	v3 =	vld [tilespmem:s12+$0xFFFFFF80]  }
0xcf: {  	v4 =	vld [tilespmem:s12+$0xFFFFFF90]  }
0xd0: {  	v5 =	vld [tilespmem:s12+$0xFFFFFFA0]  }
0xd1: {  	v6 =	vld [tilespmem:s12+$0xFFFFFFB0];
	v7 =	vbroadcast v2, $0x0  }
0xd2: {  	v10 =	vld [tilespmem:s12+$0xFFFFFFD0];
	v8 =	vbroadcast v2, $0x1  }
0xd3: {  	v46 =	vld [tilespmem:s12+$0xFFFFFFE0];
	v11 =	vbroadcast v2, $0x2;
	v3 =	vmul.f32 v7, v3  }
0xd4: {  	v9 =	vld [tilespmem:s12+$0xFFFFFFC0];
	v45 =	vbroadcast v2, $0x3;
	v4 =	vmul.f32 v4, v8  }
0xd5: {  	v49 =	vld [tilespmem:s12+$0x10];
	v47 =	vbroadcast v2, $0x5;
	v5 =	vmul.f32 v5, v11;
	[tilespmem:s12+$0xFFFFFF80] =	vst v3  }
0xd6: {  	v59 =	vld [tilespmem:s12+$0x60];
	v13 =	vbroadcast v2, $0x6;
	v6 =	vmul.f32 v6, v45;
	[tilespmem:s12+$0xFFFFFF90] =	vst v4  }
0xd7: {  	v12 =	vld [tilespmem:s12+$0xFFFFFFF0];
	v7 =	vmul.f32 v10, v47;
	v3 =	vbroadcast v2, $0x4;
	[tilespmem:s12+$0xFFFFFFA0] =	vst v5  }
0xd8: {  	v48 =	vld [tilespmem:s12+$0x0];
	v53 =	vbroadcast v2, $0x9;
	v8 =	vmul.f32 v46, v13;
	[tilespmem:s12+$0xFFFFFFB0] =	vst v6  }
0xd9: {  	v52 =	vld [tilespmem:s12+$0x30];
	v62 =	vbroadcast v2, $0xE;
	[tilespmem:s12+$0xFFFFFFD0] =	vst v7;
	v3 =	vmul.f32 v9, v3  }
0xda: {  	v55 =	vld [tilespmem:s12+$0x50];
	v50 =	vbroadcast v2, $0x7;
	v58 =	vmul.f32 v49, v53;
	[tilespmem:s12+$0xFFFFFFE0] =	vst v8  }
0xdb: {  	v51 =	vld [tilespmem:s12+$0x20];
	v63 =	vmul.f32 v59, v62;
	[tilespmem:s12+$0xFFFFFFC0] =	vst v3;
	v3 =	vbroadcast v2, $0x8  }
0xdc: {  	v54 =	vld [tilespmem:s12+$0x40];
	v57 =	vbroadcast v2, $0xB;
	v5 =	vmul.f32 v12, v50;
	[tilespmem:s12+$0x10] =	vst v58  }
0xdd: {  	v60 =	vld [tilespmem:s12+$0x70];
	v61 =	vbroadcast v2, $0xD;
	[tilespmem:s12+$0x60] =	vst v63;
	v3 =	vmul.f32 v48, v3  }
0xde: {  	v56 =	vbroadcast v2, $0xA;
	v4 =	vmul.f32 v52, v57;
	[tilespmem:s12+$0xFFFFFFF0] =	vst v5  }
0xdf: {  	v6 =	vmul.f32 v55, v61;
	[tilespmem:s12+$0x0] =	vst v3;
	v3 =	vbroadcast v2, $0xC  }
0xe0: {  	v9 =	vmul.f32 v51, v56;
	[tilespmem:s12+$0x30] =	vst v4;
	v2 =	vbroadcast v2, $0xF  }
0xe1: {  	[tilespmem:s12+$0x50] =	vst v6;
	v3 =	vmul.f32 v54, v3  }
0xe2: {  	[tilespmem:s12+$0x20] =	vst v9;
	v2 =	vmul.f32 v60, v2  }
0xe3: {  	s26 =	simm.s32 $0x10;
	[tilespmem:s12+$0x40] =	vst v3  }
0xe4: {  	s23 =	simm.s32 $0x80;
	s18 =	smov.u32 s12;
	s15 =	sshll.u32 s8, $0x7;
	[tilespmem:s12+$0x70] =	vst v2  }
.LBB2_12:
0xe5: {  	p1 =	sne.s32 s23, $0x1C0;
	v2 =	vld.idx.msk [tilespmem:v1+s26+$0x0 ss:$0x1], $0xffff;
	s18 =	sadd.s32 $0x100, s18  }
0xe6: {  	v3 =	vld [tilespmem:s18+$0xFFFFFFB0]  }
0xe7: {  	v4 =	vld [tilespmem:s18+$0xFFFFFF90]  }
0xe8: {  	v5 =	vld [tilespmem:s18+$0xFFFFFF80]  }
0xe9: {  	v6 =	vld [tilespmem:s18+$0xFFFFFFA0]  }
0xea: {  	v7 =	vld [tilespmem:s18+$0xFFFFFFF0]  }
0xeb: {  	v8 =	vbroadcast v2, $0x0;
	v9 =	vbroadcast v2, $0x1;
	v10 =	vld [tilespmem:s18+$0xFFFFFFD0]  }
0xec: {  	v11 =	vbroadcast v2, $0x2;
	v12 =	vbroadcast v2, $0x3;
	v13 =	vld [tilespmem:s18+$0xFFFFFFC0]  }
0xed: {  	v4 =	vmul.f32 v4, v9;
	v5 =	vmul.f32 v8, v5;
	v8 =	vld [tilespmem:s18+$0xFFFFFFE0]  }
0xee: {  	v3 =	vmul.f32 v3, v12;
	v6 =	vmul.f32 v6, v11;
	v9 =	vld [tilespmem:s18+$0x30]  }
0xef: {  	v11 =	vbroadcast v2, $0x5;
	[tilespmem:s18+$0xFFFFFF80] =	vst v5;
	v5 =	vbroadcast v2, $0x4;
	v12 =	vld [tilespmem:s18+$0x10]  }
0xf0: {  	v14 =	vbroadcast v2, $0x7;
	[tilespmem:s18+$0xFFFFFF90] =	vst v4;
	v4 =	vbroadcast v2, $0x6;
	v15 =	vld [tilespmem:s18+$0x0]  }
0xf1: {  	[tilespmem:s18+$0xFFFFFFA0] =	vst v6;
	v5 =	vmul.f32 v13, v5;
	v6 =	vmul.f32 v10, v11;
	v10 =	vld [tilespmem:s18+$0x20]  }
0xf2: {  	[tilespmem:s18+$0xFFFFFFB0] =	vst v3;
	v3 =	vmul.f32 v8, v4;
	v4 =	vmul.f32 v7, v14;
	v7 =	vld [tilespmem:s18+$0x70]  }
0xf3: {  	v8 =	vbroadcast v2, $0x9;
	[tilespmem:s18+$0xFFFFFFC0] =	vst v5;
	v5 =	vbroadcast v2, $0x8;
	v11 =	vld [tilespmem:s18+$0x50]  }
0xf4: {  	v13 =	vbroadcast v2, $0xB;
	[tilespmem:s18+$0xFFFFFFD0] =	vst v6;
	v6 =	vbroadcast v2, $0xA;
	v14 =	vld [tilespmem:s18+$0x40]  }
0xf5: {  	[tilespmem:s18+$0xFFFFFFE0] =	vst v3;
	v3 =	vmul.f32 v15, v5;
	v5 =	vmul.f32 v12, v8;
	v8 =	vld [tilespmem:s18+$0x60]  }
0xf6: {  	[tilespmem:s18+$0xFFFFFFF0] =	vst v4;
	v4 =	vmul.f32 v10, v6;
	v6 =	vmul.f32 v9, v13  }
0xf7: {  	v9 =	vbroadcast v2, $0xD;
	[tilespmem:s18+$0x0] =	vst v3;
	v3 =	vbroadcast v2, $0xC  }
0xf8: {  	[tilespmem:s18+$0x10] =	vst v5;
	v5 =	vbroadcast v2, $0xE;
	v2 =	vbroadcast v2, $0xF  }
0xf9: {  	[tilespmem:s18+$0x20] =	vst v4;
	v3 =	vmul.f32 v14, v3;
	v4 =	vmul.f32 v11, v9  }
.Ltmp4:
0xfa: {  	[tilespmem:s18+$0x30] =	vst v6;
	v5 =	vmul.f32 v8, v5;
	v2 =	vmul.f32 v7, v2;
	(pc) =	sbr.rel @p1 .LBB2_12-.Ltmp4, $4  }
0xfb: {  	[tilespmem:s18+$0x40] =	vst v3  }
0xfc: {  	[tilespmem:s18+$0x50] =	vst v4  }
0xfd: {  	[tilespmem:s18+$0x60] =	vst v5  }
0xfe: {  	s26 =	sshra.s32 s23, $0x2;
	s23 =	sadd.s32 $0x40, s23;
	[tilespmem:s18+$0x70] =	vst v2  }
0xff: {  	_ =	sdelay $0x3  }
0x100: {  	v1 =	vld.idx.msk [tilespmem:v1+s26+$0x0 ss:$0x1], $0xffff  }
0x101: {  	s18 =	sadd.s32 $0x100, s18  }
0x102: {  	v2 =	vld [tilespmem:s18+$0xFFFFFF80]  }
0x103: {  	v3 =	vld [tilespmem:s18+$0xFFFFFF90]  }
0x104: {  	v4 =	vld [tilespmem:s18+$0xFFFFFFA0]  }
0x105: {  	v5 =	vld [tilespmem:s18+$0xFFFFFFB0];
	v6 =	vbroadcast v1, $0x0  }
0x106: {  	v9 =	vld [tilespmem:s18+$0xFFFFFFD0];
	v7 =	vbroadcast v1, $0x1  }
0x107: {  	v8 =	vld [tilespmem:s18+$0xFFFFFFC0];
	v10 =	vbroadcast v1, $0x2;
	v2 =	vmul.f32 v6, v2  }
0x108: {  	v49 =	vld [tilespmem:s18+$0xFFFFFFE0];
	v48 =	vbroadcast v1, $0x3;
	v3 =	vmul.f32 v3, v7  }
0x109: {  	v51 =	vld [tilespmem:s18+$0x10];
	v50 =	vbroadcast v1, $0x5;
	v4 =	vmul.f32 v4, v10;
	[tilespmem:s18+$0xFFFFFF80] =	vst v2  }
0x10a: {  	v11 =	vld [tilespmem:s18+$0xFFFFFFF0];
	v5 =	vmul.f32 v5, v48;
	v2 =	vbroadcast v1, $0x4;
	[tilespmem:s18+$0xFFFFFF90] =	vst v3  }
0x10b: {  	v12 =	vbroadcast v1, $0x6;
	v6 =	vmul.f32 v9, v50;
	v3 =	vld [tilespmem:s18+$0x0];
	[tilespmem:s18+$0xFFFFFFA0] =	vst v4  }
0x10c: {  	v57 =	vld [tilespmem:s18+$0x50];
	v55 =	vbroadcast v1, $0x9;
	[tilespmem:s18+$0xFFFFFFB0] =	vst v5;
	v2 =	vmul.f32 v8, v2  }
0x10d: {  	v53 =	vld [tilespmem:s18+$0x20];
	v52 =	vbroadcast v1, $0x7;
	v7 =	vmul.f32 v49, v12;
	[tilespmem:s18+$0xFFFFFFD0] =	vst v6  }
0x10e: {  	v54 =	vld [tilespmem:s18+$0x30];
	v59 =	vmul.f32 v51, v55;
	[tilespmem:s18+$0xFFFFFFC0] =	vst v2;
	v2 =	vbroadcast v1, $0x8  }
0x10f: {  	v56 =	vld [tilespmem:s18+$0x40];
	v62 =	vbroadcast v1, $0xD;
	v4 =	vmul.f32 v11, v52;
	[tilespmem:s18+$0xFFFFFFE0] =	vst v7  }
0x110: {  	v60 =	vld [tilespmem:s18+$0x60];
	v58 =	vbroadcast v1, $0xA;
	[tilespmem:s18+$0x10] =	vst v59;
	v2 =	vmul.f32 v3, v2  }
0x111: {  	v61 =	vld [tilespmem:s18+$0x70];
	v5 =	vmul.f32 v57, v62;
	[tilespmem:s18+$0xFFFFFFF0] =	vst v4;
	v3 =	vbroadcast v1, $0xB  }
0x112: {  	v8 =	vmul.f32 v53, v58;
	[tilespmem:s18+$0x0] =	vst v2;
	v2 =	vbroadcast v1, $0xC  }
0x113: {  	s23 =	sshll.u32 s8, $0xB;
	s8 =	sadd.s32 $0x1, s8;
	v63 =	vbroadcast v1, $0xE;
	[tilespmem:s18+$0x50] =	vst v5;
	v3 =	vmul.f32 v54, v3  }
0x114: {  	p1 =	sne.s32 s8, $0x4;
	[tilespmem:s18+$0x20] =	vst v8;
	v1 =	vbroadcast v1, $0xF;
	v2 =	vmul.f32 v56, v2  }
.Ltmp5:
0x115: {  	[tilespmem:s18+$0x30] =	vst v3;
	v3 =	vmul.f32 v60, v63;
	(pc) =	sbr.rel @p1 .LBB2_11-.Ltmp5, $4  }
0x116: {  	v1 =	vmul.f32 v61, v1;
	[tilespmem:s18+$0x40] =	vst v2  }
0x117: {  	s15 =	sadd.s32 $0xC600, s15;
	s23 =	sand.u32 $0x3FFFF800, s23;
	[tilespmem:s18+$0x60] =	vst v3  }
0x118: {  	s11 =	sadd.s32 $0x80, s11;
	s12 =	sadd.s32 $0x800, s12;
	s28 =	sadd.s32 $0xE800, s23;
	[tilespmem:s18+$0x70] =	vst v1  }
0x119: {  	[spmem:s2] =	stream.indirect.scatter.add.f32 [tilespmem:s28], [sflag:$0x6], $0x10, s15, s25, $0xb8;
	[tilespmem:$0x1DB00] =	vst v63  }
.Ltmp6:
0x11a: {  	(pc) =	sbr.rel @p0 .LBB2_16-.Ltmp6, $1  }
0x11b: {  	_ =	sdelay $0x3  }
0x11c: {  	_ =	swait.ge [sflag:s24], $0x200  }
0x11d: {  	[sflag:s24] =	ssyncset.done $0x0  }
0x11e: {  	[sflag:s24] =	ssyncadd.s32 $0xFFFFFE00  }
0x11f: {  	_ =	swait.ge [sflag:s24], $0x200  }
0x120: {  	[sflag:s24] =	ssyncset.done $0x0  }
0x121: {  	[sflag:s24] =	ssyncadd.s32 $0xFFFFFE00  }
0x122: {  	_ =	swait.ge [sflag:s24], $0x200  }
0x123: {  	[sflag:s24] =	ssyncset.done $0x0  }
0x124: {  	s8 =	simm.s32 $0xC800;
	[sflag:s24] =	ssyncadd.s32 $0xFFFFFE00  }
0x125: {  	[tilespmem:s8], [sflag:$0x1] =	stream.indirect.gather [spmem:s1], $0x10, s21, s25, $0xb8;
	[tilespmem:$0x1DB00] =	vst v63  }
0x126: {  	s15 =	simm.s32 $0x10880;
	s11 =	simm.s32 $0xD000  }
0x127: {  	[tilespmem:s11], [sflag:$0x1] =	stream.indirect.gather [spmem:s1], $0x10, s15, s25, $0xb8;
	[tilespmem:$0x1DB00] =	vst v63  }
.Ltmp7:
0x128: {  	_ = 	snop;
	(pc) =	sbr.rel .LBB2_6-.Ltmp7, $4  }
0x129: {  	s18 =	simm.s32 $0x10900;
	s23 =	simm.s32 $0xD800  }
0x12a: {  	[tilespmem:s23], [sflag:$0x1] =	stream.indirect.gather [spmem:s1], $0x10, s18, s25, $0xb8;
	[tilespmem:$0x1DB00] =	vst v63  }
0x12b: {  	s26 =	simm.s32 $0x10980;
	s28 =	simm.s32 $0xE000;
	s3 =	sadd.s32 $0x1, s3  }
0x12c: {  	[tilespmem:s28], [sflag:$0x1] =	stream.indirect.gather [spmem:s1], $0x10, s26, s25, $0xb8;
	[tilespmem:$0x1DB00] =	vst v63  }
.LBB2_16:
0x12d: {  	s0 =	simm.s32 $0x6  }
0x12e: {  	_ =	swait.ge [sflag:s0], $0x800  }
0x12f: {  	[sflag:s0] =	ssyncset.done $0x0  }
0x130: {  	[sflag:s0] =	ssyncadd.s32 $0xFFFFF800  }
0x131: {  	_ =	swait.ge [sflag:s0], $0x800  }
0x132: {  	[sflag:s0] =	ssyncset.done $0x0  }
0x133: {  	[sflag:s0] =	ssyncadd.s32 $0xFFFFF800  }
0x134: {  	_ =	swait.ge [sflag:s0], $0x800  }
0x135: {  	[sflag:s0] =	ssyncset.done $0x0  }
0x136: {  	[sflag:s0] =	ssyncadd.s32 $0xFFFFF800  }
0x137: {  	_ =	swait.ge [sflag:s0], $0x800  }
0x138: {  	[sflag:s0] =	ssyncset.done $0x0  }
0x139: {  	[sflag:s0] =	ssyncadd.s32 $0xFFFFF800  }
0x13a: {  	[bflag:$0x0] =	sbarrier.arrive $0xFFFF  }
0x13b: {  	[tilespmem:s20], [sflag:$0x7] =	stream.linear.gather [spmem:s16], $0x700, $0x38;
	[tilespmem:$0x1DB00] =	vst v63  }
0x13c: {  	_ =	swait.ge [sflag:s19], $0x700  }
0x13d: {  	[sflag:s19] =	ssyncset.done $0x0  }
0x13e: {  	s28 =	sadd.s32 $0x0, s17;
	[sflag:s19] =	ssyncadd.s32 $0xFFFFF900  }
0x13f: {  	[hbm4b:s28+s4] =	stream.linear.scatter [tilespmem:s20], [sflag:$0x7], $0x700, $0x38;
	[tilespmem:$0x1DB00] =	vst v63  }
0x140: {  	_ =	swait.ge [sflag:s19], $0x700  }
0x141: {  	s3 =	smov.u32 s16;
	s0 =	simm.s32 $0xE0;
	[sflag:s19] =	ssyncset.done $0x0  }
.LBB2_17:
0x142: {  	p0 =	sne.s32 s0, $0x17A0;
	[sflag:s19] =	ssyncadd.s32 $0xFFFFF900;
	s3 =	sadd.s32 $0x700, s3  }
0x143: {  	[tilespmem:s20], [sflag:$0x7] =	stream.linear.gather [spmem:s3], $0x700, $0x38;
	[tilespmem:$0x1DB00] =	vst v63  }
0x144: {  	s8 =	smov.u32 s0;
	s0 =	sadd.s32 $0xE0, s0;
	_ =	swait.ge [sflag:s19], $0x700  }
.Ltmp8:
0x145: {  	[sflag:s19] =	ssyncset.done $0x0;
	(pc) =	sbr.rel @p0 .LBB2_17-.Ltmp8, $4  }
0x146: {  	s8 =	sadd.s32 s8, s17;
	[sflag:s19] =	ssyncadd.s32 $0xFFFFF900  }
0x147: {  	[hbm4b:s8+s4] =	stream.linear.scatter [tilespmem:s20], [sflag:$0x7], $0x700, $0x38;
	[tilespmem:$0x1DB00] =	vst v63  }
0x148: {  	_ =	swait.ge [sflag:s19], $0x700  }
0x149: {  	[sflag:s19] =	ssyncset.done $0x0  }
0x14a: {  	s3 =	rddreg [dreg:$0xb]  }
0x14b: {  	s0 =	rddreg [dreg:$0x9];
	s3 =	sadd.s32 $0x1, s3  }
0x14c: {  	p0 =	sne.s32 s3, s0  }
.Ltmp9:
0x14d: {  	_ = 	snop;
	(pc) =	sbr.rel @p0 .LBB2_1-.Ltmp9, $2  }
0x14e: {  	_ =	sdelay $0x2  }
0x14f: {  	[sflag:s19] =	ssyncadd.s32 $0xFFFFF900  }
0x150: {  	_ =	sfence.sel $0x180000  }
0x151: {  	[bflag:$0x0] =	sbarrier.arrive $0xFFFF  }
0x152: {  	_ =	strace $0x9000004A  }
0x153: {  	s0 =	stileid.u32;
	[bflag:$0x2] =	sbarrier.arrive $0xFFFF  }
0x154: {  	p0 =	sne.s32 s0, $0x0;
	s0 =	rddreg [dreg:$0x3]  }
0x155: {  	s0 =	sadd.s32 @!p0 $0x100000, s0  }
0x156: {  	[sflag:s0] =	ssyncadd.tile.s32 @!p0 $0x1;
	_ =	shalt  }
.Lfunc_end2:
_tile_overlayer_lowered:
.L_overlay_start_2:
0x157: {  	(tag) =	ssettag $0x2  }
0x158: {  	s0 =	rddreg [dreg:$0x0];
	s2 =	stileid.u32  }
0x159: {  	s1 =	rddreg [dreg:$0x1];
	p0 =	sne.s32 s2, $0x0  }
0x15a: {  	s3 =	rddreg [dreg:$0x2];
	[bflag:$0x3] =	sbarrier.arrive $0xFFFF;
	s2 =	simm.s32 @!p0 $0x1C07  }
0x15b: {  	[timem:s3], [sflag:s2] =	dma.local @!p0 [hbm:s0], s1  }
0x15c: {  	s0 =	simm.s32 @!p0 $0x7  }
0x15d: {  	_ =	swait.ge @!p0 [sflag:s0], s1  }
0x15e: {  	s1 =	ssub.s32 @!p0 $0x0, s1;
	[sflag:s0] =	ssyncset.done @!p0 $0x0  }
0x15f: {  	[sflag:s0] =	ssyncadd.s32 @!p0 s1  }
0x160: {  	[bflag:$0x3] =	sbarrier.arrive $0xFFFF  }
0x161: {  	_ =	shalt  }

</sc_bundles>
